<compile_context>
chip_gen: v7x
topology: tpu7x:2x2x1
jax: 0.10.2.dev20260603
libtpu: 0.0.44.dev20260713+nightly
codegen_flags: <defaults>
</compile_context>

<pallas_src>
import functools

import jax
import jax.numpy as jnp
from jax import lax
from jax.experimental import pallas as pl
from jax.experimental.pallas import tpu as pltpu
from jax.experimental.pallas import tpu_sc as plsc

N_NODES = 10000
N_EDGES = 160000
D = 256
HD = 128

NC = 2
NS = 16
IDXW = 64
EPAD = 163840
NPH = 2
ROWS_PH = 80
ROWS_SUB = NPH * ROWS_PH
ACC_N = 10112
ZROWS = ACC_N // NS
DRAIN = 624
DTAIL = N_NODES - NS * DRAIN

BLK = 400
GRID = N_NODES // BLK



def _sc_mesh():
    return plsc.VectorSubcoreMesh(core_axis_name="c", subcore_axis_name="s")


def _deg_body(cidx_hbm, ones_hbm, zeros_hbm, deg_hbm, acc, ci_v, ones_v, sem):
    c = lax.axis_index("c")
    s = lax.axis_index("s")
    pltpu.sync_copy(zeros_hbm, acc.at[pl.ds(s * ZROWS, ZROWS)])
    plsc.subcore_barrier()
    pltpu.sync_copy(ones_hbm, ones_v)
    pltpu.sync_copy(cidx_hbm.at[s, c], ci_v)

    @pl.loop(0, ROWS_PH)
    def _(j):
        pltpu.sync_copy(ones_v, acc.at[ci_v.at[j]], add=True)

    plsc.subcore_barrier()
    pltpu.sync_copy(acc.at[pl.ds(s * DRAIN, DRAIN)],
                    deg_hbm.at[c, pl.ds(s * DRAIN, DRAIN)])

    @pl.when(s == 0)
    def _():
        pltpu.sync_copy(acc.at[pl.ds(NS * DRAIN, DTAIL)],
                        deg_hbm.at[c, pl.ds(NS * DRAIN, DTAIL)])


def _sc_degree(cidx, ones64, zeros128):
    kern = pl.kernel(
        _deg_body,
        out_type=jax.ShapeDtypeStruct((NC, N_NODES, HD), jnp.float32),
        mesh=_sc_mesh(),
        scratch_types=[
            pltpu.VMEM_SHARED((ACC_N, HD), jnp.float32),
            pltpu.VMEM((ROWS_PH, IDXW), jnp.int32),
            pltpu.VMEM((IDXW, HD), jnp.float32),
            pltpu.SemaphoreType.DMA,
        ],
    )
    return kern(cidx, ones64, zeros128)


def _hop_body(u_hbm, gidx_hbm, cidx_hbm, zeros_hbm, v_hbm,
              acc, gi_v, ci_v, rows0, rows1, sem0, sem1):
    c = lax.axis_index("c")
    s = lax.axis_index("s")
    pltpu.sync_copy(zeros_hbm, acc.at[pl.ds(s * ZROWS, ZROWS)])
    plsc.subcore_barrier()
    for p in range(NPH):
        pltpu.sync_copy(gidx_hbm.at[c, s, p], gi_v)
        pltpu.sync_copy(cidx_hbm.at[s, p], ci_v)

        pltpu.async_copy(u_hbm.at[gi_v.at[0]], rows0, sem0)

        @pl.loop(0, ROWS_PH // 2)
        def _(jj):
            j = jj * 2
            pltpu.async_copy(u_hbm.at[gi_v.at[j + 1]], rows1, sem1)
            pltpu.make_async_copy(u_hbm.at[gi_v.at[j]], rows0, sem0).wait()
            pltpu.sync_copy(rows0, acc.at[ci_v.at[j]], add=True)

            @pl.when(jj < ROWS_PH // 2 - 1)
            def _():
                pltpu.async_copy(u_hbm.at[gi_v.at[j + 2]], rows0, sem0)

            pltpu.make_async_copy(u_hbm.at[gi_v.at[j + 1]], rows1, sem1).wait()
            pltpu.sync_copy(rows1, acc.at[ci_v.at[j + 1]], add=True)

    plsc.subcore_barrier()
    pltpu.sync_copy(acc.at[pl.ds(s * DRAIN, DRAIN)],
                    v_hbm.at[c, pl.ds(s * DRAIN, DRAIN)])

    @pl.when(s == 0)
    def _():
        pltpu.sync_copy(acc.at[pl.ds(NS * DRAIN, DTAIL)],
                        v_hbm.at[c, pl.ds(NS * DRAIN, DTAIL)])


def _sc_hop(u_flat, gidx, cidx, zeros128):
    kern = pl.kernel(
        _hop_body,
        out_type=jax.ShapeDtypeStruct((NC, N_NODES, HD), jnp.float32),
        mesh=_sc_mesh(),
        scratch_types=[
            pltpu.VMEM_SHARED((ACC_N, HD), jnp.float32),
            pltpu.VMEM((ROWS_PH, IDXW), jnp.int32),
            pltpu.VMEM((ROWS_PH, IDXW), jnp.int32),
            pltpu.VMEM((IDXW, HD), jnp.float32),
            pltpu.VMEM((IDXW, HD), jnp.float32),
            pltpu.SemaphoreType.DMA,
            pltpu.SemaphoreType.DMA,
        ],
    )
    return kern(u_flat, gidx, cidx, zeros128)



def _prep_body(degp_ref, x_ref, u0_ref, dd_ref, rinv_ref):
    deg = degp_ref[0, :, 0:1] + degp_ref[1, :, 0:1] + 1.0
    dinv = lax.rsqrt(deg)
    dd_ref[...] = jnp.broadcast_to(1.0 / deg, dd_ref.shape)
    rinv_ref[...] = jnp.broadcast_to(jnp.sqrt(deg), rinv_ref.shape)
    x = x_ref[...]
    u0_ref[0] = x[:, :HD] * dinv
    u0_ref[1] = x[:, HD:] * dinv


def _tc_prep(deg2, x):
    return pl.pallas_call(
        _prep_body,
        grid=(GRID,),
        in_specs=[
            pl.BlockSpec((NC, BLK, HD), lambda i: (0, i, 0)),
            pl.BlockSpec((BLK, D), lambda i: (i, 0)),
        ],
        out_specs=[
            pl.BlockSpec((NC, BLK, HD), lambda i: (0, i, 0)),
            pl.BlockSpec((BLK, 8), lambda i: (i, 0)),
            pl.BlockSpec((BLK, 8), lambda i: (i, 0)),
        ],
        out_shape=[
            jax.ShapeDtypeStruct((NC, N_NODES, HD), jnp.float32),
            jax.ShapeDtypeStruct((N_NODES, 8), jnp.float32),
            jax.ShapeDtypeStruct((N_NODES, 8), jnp.float32),
        ],
    )(deg2, x)


def _glue_body(v_ref, u_ref, dd_ref, un_ref):
    dd = dd_ref[:, 0:1][None]
    un_ref[...] = dd * (v_ref[...] + u_ref[...])


def _tc_glue(v, u, dd):
    return pl.pallas_call(
        _glue_body,
        grid=(GRID,),
        in_specs=[
            pl.BlockSpec((NC, BLK, HD), lambda i: (0, i, 0)),
            pl.BlockSpec((NC, BLK, HD), lambda i: (0, i, 0)),
            pl.BlockSpec((BLK, 8), lambda i: (i, 0)),
        ],
        out_specs=pl.BlockSpec((NC, BLK, HD), lambda i: (0, i, 0)),
        out_shape=jax.ShapeDtypeStruct((NC, N_NODES, HD), jnp.float32),
    )(v, u, dd)


def _elu(z):
    return jnp.where(z > 0, z, jnp.exp(jnp.minimum(z, 0.0)) - 1.0)


def _dot(a, b):
    return jnp.dot(a, b, preferred_element_type=jnp.float32)


def _dense_body(u0_ref, u1_ref, u2_ref, u4_ref, rinv_ref,
                W_ref, b_ref, apl_ref, apb_ref, acl_ref, acb_ref,
                Wm_ref, bm_ref, out_ref):
    rinv = rinv_ref[:, 0:1]

    def xk(u_ref):
        return jnp.concatenate([u_ref[0], u_ref[1]], axis=-1) * rinv

    x0 = xk(u0_ref)
    x1 = xk(u1_ref)
    x2 = xk(u2_ref)
    x4 = xk(u4_ref)
    chans = (x0, x1, x2, x4, x0 - x1, x1 - x2, x2 - x4)
    feats = [_elu(_dot(chans[i], W_ref[i]) + b_ref[i]) for i in range(7)]

    def att(pre_feat, stack_feats, a_pre_ref, a_chan_ref):
        e_pre = _dot(pre_feat, a_pre_ref[...])
        es = [_dot(f, a_chan_ref[...]) + e_pre for f in stack_feats]
        m = jnp.maximum(jnp.maximum(es[0], es[1]), es[2])
        ws = [jnp.exp(e - m) for e in es]
        tot = ws[0] + ws[1] + ws[2]
        acc = ws[0] * stack_feats[0]
        acc += ws[1] * stack_feats[1]
        acc += ws[2] * stack_feats[2]
        return acc / tot

    x_low = att(feats[0], feats[1:4], apl_ref, acl_ref)
    x_band = att(feats[4], feats[4:7], apb_ref, acb_ref)
    out_ref[...] = (_dot(x_low, Wm_ref[0]) + _dot(x_band, Wm_ref[1])
                    + bm_ref[...])


def _tc_dense(u0, u1, u2, u4, rinv, W, b, apl, apb, acl, acb, Wm, bm):
    uspec = pl.BlockSpec((NC, BLK, HD), lambda i: (0, i, 0))
    full = lambda *shape: pl.BlockSpec(shape, lambda i: (0,) * len(shape))
    return pl.pallas_call(
        _dense_body,
        grid=(GRID,),
        in_specs=[
            uspec, uspec, uspec, uspec,
            pl.BlockSpec((BLK, 8), lambda i: (i, 0)),
            full(7, D, D),
            full(7, 1, D),
            full(D, D),
            full(D, D),
            full(D, D),
            full(D, D),
            full(2, D, D),
            full(1, D),
        ],
        out_specs=pl.BlockSpec((BLK, D), lambda i: (i, 0)),
        out_shape=jax.ShapeDtypeStruct((N_NODES, D), jnp.float32),
    )(u0, u1, u2, u4, rinv, W, b, apl, apb, acl, acb, Wm, bm)



def kernel(x, edge_index, W, b, att_pre_low, att_pre_band,
           att_channel_low, att_channel_band, W_mlp, b_mlp):
    row = edge_index[0].astype(jnp.int32)
    col = edge_index[1].astype(jnp.int32)

    npad = EPAD - N_EDGES
    pad_ids = jnp.arange(npad, dtype=jnp.int32)
    rowp = jnp.concatenate([row, (pad_ids * 13) % N_NODES])
    colp = jnp.concatenate([col, N_NODES + (pad_ids % 64)])

    gidx = jnp.stack([rowp, rowp + N_NODES]).reshape(NC, NS, NPH, ROWS_PH,
                                                     IDXW)
    cidx = colp.reshape(NS, NPH, ROWS_PH, IDXW)

    zeros128 = jnp.zeros((ZROWS, HD), jnp.float32)
    ones64 = jnp.ones((IDXW, HD), jnp.float32)

    deg2 = _sc_degree(cidx, ones64, zeros128)
    u0, dd, rinv = _tc_prep(deg2, x)

    us = [u0]
    u = u0
    for _ in range(4):
        v = _sc_hop(u.reshape(NC * N_NODES, HD), gidx, cidx, zeros128)
        u = _tc_glue(v, u, dd)
        us.append(u)

    Wr = W.reshape(7, D, D)
    br = b.reshape(7, 1, D)
    return _tc_dense(
        us[0], us[1], us[2], us[4], rinv,
        Wr, br,
        att_pre_low.reshape(D, D), att_pre_band.reshape(D, D),
        att_channel_low.reshape(D, D), att_channel_band.reshape(D, D),
        W_mlp.reshape(2, D, D), b_mlp.reshape(1, D),
    )

# --- scband reference (transcript-rebuilt; emitter-appended) ---
"""Pipeline reference for scband-hybrid-conv-layer-86346022519491 (READ-ONLY COPY).

The authoritative reference and input builder live on the scoring server;
editing this copy changes nothing except your own understanding.
"""

import jax, jax.numpy as jnp
import numpy as np

N_NODES = 10000
N_EDGES = 160000
D_IN = 256
D_OUT = 256
H = 1


def _glorot(key, shape):
    fan = shape[-2] + shape[-1]
    a = jnp.sqrt(6.0 / fan)
    return jax.random.uniform(key, shape, jnp.float32, -a, a)


def setup_inputs(seed: int = 0) -> dict:
    key = jax.random.key(seed)
    ks = jax.random.split(key, 10)
    x = jax.random.normal(ks[0], (N_NODES, D_IN), dtype=jnp.float32)
    edge_index = jax.random.randint(ks[1], (2, N_EDGES), 0, N_NODES, dtype=jnp.int32)
    W = _glorot(ks[2], (7, H, D_IN, D_OUT))
    b = jnp.zeros((7, H, D_OUT), jnp.float32)
    att_pre_low = _glorot(ks[3], (H, D_OUT, D_OUT))
    att_pre_band = _glorot(ks[4], (H, D_OUT, D_OUT))
    att_channel_low = _glorot(ks[5], (H, D_OUT, D_OUT))
    att_channel_band = _glorot(ks[6], (H, D_OUT, D_OUT))
    W_mlp = _glorot(ks[7], (2 * D_OUT, D_OUT))
    b_mlp = jnp.zeros((D_OUT,), jnp.float32)
    return {
        "x": x,
        "edge_index": edge_index,
        "W": W,
        "b": b,
        "att_pre_low": att_pre_low,
        "att_pre_band": att_pre_band,
        "att_channel_low": att_channel_low,
        "att_channel_band": att_channel_band,
        "W_mlp": W_mlp,
        "b_mlp": b_mlp,
    }


def _gcn_norm(edge_index, n):
    row = edge_index[0]
    col = edge_index[1]
    loop = jnp.arange(n, dtype=row.dtype)
    row = jnp.concatenate([row, loop])
    col = jnp.concatenate([col, loop])
    ew = jnp.ones(row.shape[0], jnp.float32)
    deg = jax.ops.segment_sum(ew, col, num_segments=n)
    dinv = jnp.where(deg > 0, jax.lax.rsqrt(jnp.maximum(deg, 1e-12)), 0.0)
    ew = dinv[row] * ew * dinv[col]
    return row, col, ew


def _prop(x, row, col, ew, n):
    # message: edge_weight * x_j ; aggregate: scatter-add at dst
    return jax.ops.segment_sum(ew[:, None] * x[row], col, num_segments=n)


def _heads(h, Wc, bc):
    # per-head linear + elu attention pre-activation; Wc:[H,in,out], bc:[H,out]
    return jax.nn.elu(jnp.einsum("ni,hio->hno", h, Wc) + bc[:, None, :])


def reference(x, edge_index, W, b, att_pre_low, att_pre_band, att_channel_low, att_channel_band, W_mlp, b_mlp):
    n = x.shape[0]
    row, col, ew = _gcn_norm(edge_index, n)
    x0 = x
    x1 = _prop(x0, row, col, ew, n)
    x2 = _prop(x1, row, col, ew, n)
    x3 = _prop(x2, row, col, ew, n)
    x4 = _prop(x3, row, col, ew, n)
    # channel_list order: [0],[1],[2],[4],[0,1],[1,2],[2,4]
    chans = [x0, x1, x2, x4, x0 - x1, x1 - x2, x2 - x4]
    feats = [_heads(chans[i], W[i], b[i]) for i in range(7)]
    low = feats[:4]
    band = feats[4:]
    # activation_att2 is None -> identity
    e_pre_low = jnp.matmul(low[0], att_pre_low)
    e_low = jnp.stack([jnp.matmul(c, att_channel_low) for c in low[1:]], axis=0) + e_pre_low
    w_low = jax.nn.softmax(e_low, axis=0)
    x_low = (w_low * jnp.stack(low[1:], axis=0)).sum(axis=0).mean(axis=0)
    e_pre_band = jnp.matmul(band[0], att_pre_band)
    e_band = jnp.stack([jnp.matmul(c, att_channel_band) for c in band], axis=0) + e_pre_band
    w_band = jax.nn.softmax(e_band, axis=0)
    x_band = (w_band * jnp.stack(band, axis=0)).sum(axis=0).mean(axis=0)
    xc = jnp.concatenate([x_low, x_band], axis=-1)
    # mlp_out with depth_mlp=1: single Linear(2*out -> out), no trailing activation
    return jnp.matmul(xc, W_mlp) + b_mlp

if __name__ == "__main__":
    import jax
    _d = setup_inputs()
    print(jax.jit(kernel)(*tuple(_d.values())))

</pallas_src>

<mosaic_0001>
#map = affine_map<(d0, d1) -> (0, 0, 0, 0)>
#map1 = affine_map<(d0, d1) -> (0, 0)>
#map2 = affine_map<(d0, d1) -> (0, 0, 0)>
module attributes {stable_mosaic.version = 14 : i64} {
  func.func @_deg_body(%arg0: i32, %arg1: i32, %arg2: memref<16x2x80x64xi32, #tpu.memory_space<hbm>>, %arg3: memref<64x128xf32, #tpu.memory_space<hbm>>, %arg4: memref<632x128xf32, #tpu.memory_space<hbm>>, %arg5: memref<2x10000x128xf32, #tpu.memory_space<hbm>>, %arg6: memref<10112x128xf32, #tpu.memory_space<vmem_shared>>, %arg7: memref<80x64xi32, #tpu.memory_space<vmem>>, %arg8: memref<64x128xf32, #tpu.memory_space<vmem>>, %arg9: memref<!tpu.dma_semaphore, #tpu.memory_space<semaphore_mem>>) attributes {dimension_semantics = [#tpu.dimension_semantics<core_parallel>, #tpu.dimension_semantics<subcore_parallel>], iteration_bounds = array<i64: 2, 16>, scalar_prefetch = 0 : i64, scratch_operands = 4 : i64, tpu.core_type = #tpu.core_type<sc_vector_subcore>, window_params = [{transform_indices = #map}, {transform_indices = #map1}, {transform_indices = #map1}, {transform_indices = #map2}]} {
    %mul3A = arith.constant 632 : i32
    %mul3A_0 = arith.muli %arg1, %mul3A : i32
    "tpu.region"() ({
      %run_scoped3A = tpu.sem_alloc : memref<!tpu.dma_semaphore, #tpu.memory_space<semaphore_mem>>
      %dma_start3A = arith.constant 0 : i32
      %dma_start3A_12 = tpu.memref_slice %arg6[%mul3A_0, %dma_start3A] : memref<10112x128xf32, #tpu.memory_space<vmem_shared>> -> memref<632x128xf32, #tpu.memory_space<vmem_shared>>
      tpu.enqueue_dma source(%arg4 : memref<632x128xf32, #tpu.memory_space<hbm>>) target(%dma_start3A_12 : memref<632x128xf32, #tpu.memory_space<vmem_shared>>) target_semaphore(%run_scoped3A : memref<!tpu.dma_semaphore, #tpu.memory_space<semaphore_mem>>)
      %dma_wait3A = arith.constant 0 : i32
      %dma_wait3A_13 = tpu.memref_slice %arg6[%mul3A_0, %dma_wait3A] : memref<10112x128xf32, #tpu.memory_space<vmem_shared>> -> memref<632x128xf32, #tpu.memory_space<vmem_shared>>
      tpu.wait_dma2 semaphore(%run_scoped3A : memref<!tpu.dma_semaphore, #tpu.memory_space<semaphore_mem>>) src(%arg4 : memref<632x128xf32, #tpu.memory_space<hbm>>) dst(%dma_wait3A_13 : memref<632x128xf32, #tpu.memory_space<vmem_shared>>)
      tpu.yield
    }) : () -> ()
    %barrier3A = arith.constant 0 : index
    tpu.barrier barrier_id(%barrier3A)
    "tpu.region"() ({
      %run_scoped3A = tpu.sem_alloc : memref<!tpu.dma_semaphore, #tpu.memory_space<semaphore_mem>>
      tpu.enqueue_dma source(%arg3 : memref<64x128xf32, #tpu.memory_space<hbm>>) target(%arg8 : memref<64x128xf32, #tpu.memory_space<vmem>>) target_semaphore(%run_scoped3A : memref<!tpu.dma_semaphore, #tpu.memory_space<semaphore_mem>>)
      tpu.wait_dma2 semaphore(%run_scoped3A : memref<!tpu.dma_semaphore, #tpu.memory_space<semaphore_mem>>) src(%arg3 : memref<64x128xf32, #tpu.memory_space<hbm>>) dst(%arg8 : memref<64x128xf32, #tpu.memory_space<vmem>>)
      tpu.yield
    }) : () -> ()
    "tpu.region"() ({
      %run_scoped3A = tpu.sem_alloc : memref<!tpu.dma_semaphore, #tpu.memory_space<semaphore_mem>>
      %dma_start3A = arith.constant 0 : i32
      %dma_start3A_12 = arith.constant 0 : i32
      %dma_start3A_13 = tpu.memref_slice %arg2[%arg1, %arg0, %dma_start3A, %dma_start3A_12] : memref<16x2x80x64xi32, #tpu.memory_space<hbm>> -> memref<1x1x80x64xi32, #tpu.memory_space<hbm>>
      %dma_start3A_14 = tpu.memref_squeeze %dma_start3A_13 : memref<1x1x80x64xi32, #tpu.memory_space<hbm>> -> memref<80x64xi32, #tpu.memory_space<hbm>>
      %dma_start3A_15 = arith.constant 0 : i32
      %dma_start3A_16 = arith.constant 0 : i32
      %dma_start3A_17 = tpu.memref_slice %arg2[%arg1, %arg0, %dma_start3A_15, %dma_start3A_16] : memref<16x2x80x64xi32, #tpu.memory_space<hbm>> -> memref<1x1x80x64xi32, #tpu.memory_space<hbm>>
      %dma_start3A_18 = tpu.memref_squeeze %dma_start3A_17 : memref<1x1x80x64xi32, #tpu.memory_space<hbm>> -> memref<80x64xi32, #tpu.memory_space<hbm>>
      tpu.enqueue_dma source(%dma_start3A_18 : memref<80x64xi32, #tpu.memory_space<hbm>>) target(%arg7 : memref<80x64xi32, #tpu.memory_space<vmem>>) target_semaphore(%run_scoped3A : memref<!tpu.dma_semaphore, #tpu.memory_space<semaphore_mem>>)
      %dma_wait3A = arith.constant 0 : i32
      %dma_wait3A_19 = arith.constant 0 : i32
      %dma_wait3A_20 = tpu.memref_slice %arg2[%arg1, %arg0, %dma_wait3A, %dma_wait3A_19] : memref<16x2x80x64xi32, #tpu.memory_space<hbm>> -> memref<1x1x80x64xi32, #tpu.memory_space<hbm>>
      %dma_wait3A_21 = tpu.memref_squeeze %dma_wait3A_20 : memref<1x1x80x64xi32, #tpu.memory_space<hbm>> -> memref<80x64xi32, #tpu.memory_space<hbm>>
      %dma_wait3A_22 = arith.constant 0 : i32
      %dma_wait3A_23 = arith.constant 0 : i32
      %dma_wait3A_24 = tpu.memref_slice %arg2[%arg1, %arg0, %dma_wait3A_22, %dma_wait3A_23] : memref<16x2x80x64xi32, #tpu.memory_space<hbm>> -> memref<1x1x80x64xi32, #tpu.memory_space<hbm>>
      %dma_wait3A_25 = tpu.memref_squeeze %dma_wait3A_24 : memref<1x1x80x64xi32, #tpu.memory_space<hbm>> -> memref<80x64xi32, #tpu.memory_space<hbm>>
      tpu.wait_dma2 semaphore(%run_scoped3A : memref<!tpu.dma_semaphore, #tpu.memory_space<semaphore_mem>>) src(%dma_wait3A_25 : memref<80x64xi32, #tpu.memory_space<hbm>>) dst(%arg7 : memref<80x64xi32, #tpu.memory_space<vmem>>)
      tpu.yield
    }) : () -> ()
    %scan3A = arith.constant 0 : i32
    %scan3A_1 = arith.constant 80 : i32
    %scan3A_2 = arith.addi %scan3A, %scan3A_1 : i32
    %scan3A_3 = arith.constant 1 : i32
    scf.for %scan3A_12 = %scan3A to %scan3A_2 step %scan3A_3  : i32 {
      %mul3A_13 = arith.constant 1 : i32
      %mul3A_14 = arith.muli %scan3A_12, %mul3A_13 : i32
      %add3A = arith.constant 0 : i32
      %add3A_15 = arith.addi %add3A, %mul3A_14 : i32
      "tpu.region"() ({
        %run_scoped3A = tpu.sem_alloc : memref<!tpu.dma_semaphore, #tpu.memory_space<semaphore_mem>>
        %dma_start3A = arith.constant 0 : i32
        %dma_start3A_16 = tpu.memref_slice %arg7[%add3A_15, %dma_start3A] : memref<80x64xi32, #tpu.memory_space<vmem>> -> memref<1x64xi32, #tpu.memory_space<vmem>>
        %dma_start3A_17 = tpu.memref_squeeze %dma_start3A_16 : memref<1x64xi32, #tpu.memory_space<vmem>> -> memref<64xi32, #tpu.memory_space<vmem>>
        %dma_start3A_18 = arith.constant 0 : i32
        %dma_start3A_19 = arith.constant 0 : i32
        %dma_start3A_20 = tpu.memref_slice %arg6[%dma_start3A_18, %dma_start3A_19] : memref<10112x128xf32, #tpu.memory_space<vmem_shared>> -> memref<10112x128xf32, #tpu.memory_space<vmem_shared>>
        tpu.enqueue_indirect_dma source(%arg8 : memref<64x128xf32, #tpu.memory_space<vmem>>) target(%dma_start3A_20 : memref<10112x128xf32, #tpu.memory_space<vmem_shared>>) offsets(%dma_start3A_17 : memref<64xi32, #tpu.memory_space<vmem>>) semaphore(%run_scoped3A : memref<!tpu.dma_semaphore, #tpu.memory_space<semaphore_mem>>) {add = true}
        %dma_wait3A = arith.constant 0 : i32
        %dma_wait3A_21 = tpu.memref_slice %arg7[%add3A_15, %dma_wait3A] : memref<80x64xi32, #tpu.memory_space<vmem>> -> memref<1x64xi32, #tpu.memory_space<vmem>>
        %dma_wait3A_22 = tpu.memref_squeeze %dma_wait3A_21 : memref<1x64xi32, #tpu.memory_space<vmem>> -> memref<64xi32, #tpu.memory_space<vmem>>
        %dma_wait3A_23 = arith.constant 0 : i32
        %dma_wait3A_24 = arith.constant 0 : i32
        %dma_wait3A_25 = tpu.memref_slice %arg6[%dma_wait3A_23, %dma_wait3A_24] : memref<10112x128xf32, #tpu.memory_space<vmem_shared>> -> memref<10112x128xf32, #tpu.memory_space<vmem_shared>>
        tpu.wait_indirect_dma semaphore(%run_scoped3A : memref<!tpu.dma_semaphore, #tpu.memory_space<semaphore_mem>>) src(%arg8 : memref<64x128xf32, #tpu.memory_space<vmem>>) dst(%dma_wait3A_25 : memref<10112x128xf32, #tpu.memory_space<vmem_shared>>)
        tpu.yield
      }) : () -> ()
    }
    %scan3A_4 = arith.constant 80 : i32
    %barrier3A_5 = arith.constant 0 : index
    tpu.barrier barrier_id(%barrier3A_5)
    %mul3A_6 = arith.constant 624 : i32
    %mul3A_7 = arith.muli %arg1, %mul3A_6 : i32
    %mul3A_8 = arith.constant 624 : i32
    %mul3A_9 = arith.muli %arg1, %mul3A_8 : i32
    "tpu.region"() ({
      %run_scoped3A = tpu.sem_alloc : memref<!tpu.dma_semaphore, #tpu.memory_space<semaphore_mem>>
      %dma_start3A = arith.constant 0 : i32
      %dma_start3A_12 = tpu.memref_slice %arg5[%arg0, %mul3A_9, %dma_start3A] : memref<2x10000x128xf32, #tpu.memory_space<hbm>> -> memref<1x624x128xf32, #tpu.memory_space<hbm>>
      %dma_start3A_13 = tpu.memref_squeeze %dma_start3A_12 : memref<1x624x128xf32, #tpu.memory_space<hbm>> -> memref<624x128xf32, #tpu.memory_space<hbm>>
      %dma_start3A_14 = arith.constant 0 : i32
      %dma_start3A_15 = tpu.memref_slice %arg6[%mul3A_7, %dma_start3A_14] : memref<10112x128xf32, #tpu.memory_space<vmem_shared>> -> memref<624x128xf32, #tpu.memory_space<vmem_shared>>
      tpu.enqueue_dma source(%dma_start3A_15 : memref<624x128xf32, #tpu.memory_space<vmem_shared>>) target(%dma_start3A_13 : memref<624x128xf32, #tpu.memory_space<hbm>>) target_semaphore(%run_scoped3A : memref<!tpu.dma_semaphore, #tpu.memory_space<semaphore_mem>>)
      %dma_wait3A = arith.constant 0 : i32
      %dma_wait3A_16 = tpu.memref_slice %arg5[%arg0, %mul3A_9, %dma_wait3A] : memref<2x10000x128xf32, #tpu.memory_space<hbm>> -> memref<1x624x128xf32, #tpu.memory_space<hbm>>
      %dma_wait3A_17 = tpu.memref_squeeze %dma_wait3A_16 : memref<1x624x128xf32, #tpu.memory_space<hbm>> -> memref<624x128xf32, #tpu.memory_space<hbm>>
      %dma_wait3A_18 = arith.constant 0 : i32
      %dma_wait3A_19 = tpu.memref_slice %arg6[%mul3A_7, %dma_wait3A_18] : memref<10112x128xf32, #tpu.memory_space<vmem_shared>> -> memref<624x128xf32, #tpu.memory_space<vmem_shared>>
      tpu.wait_dma2 semaphore(%run_scoped3A : memref<!tpu.dma_semaphore, #tpu.memory_space<semaphore_mem>>) src(%dma_wait3A_19 : memref<624x128xf32, #tpu.memory_space<vmem_shared>>) dst(%dma_wait3A_17 : memref<624x128xf32, #tpu.memory_space<hbm>>)
      tpu.yield
    }) : () -> ()
    %eq3A = arith.constant 0 : i32
    %eq3A_10 = arith.cmpi eq, %arg1, %eq3A : i32
    %convert_element_type3A = arith.extui %eq3A_10 : i1 to i32
    %cond3A = arith.constant 0 : i32
    %cond3A_11 = arith.cmpi ne, %convert_element_type3A, %cond3A : i32
    scf.if %cond3A_11 {
      "tpu.region"() ({
        %run_scoped3A = tpu.sem_alloc : memref<!tpu.dma_semaphore, #tpu.memory_space<semaphore_mem>>
        %dma_start3A = arith.constant 9984 : i32
        %dma_start3A_12 = arith.constant 0 : i32
        %dma_start3A_13 = tpu.memref_slice %arg5[%arg0, %dma_start3A, %dma_start3A_12] : memref<2x10000x128xf32, #tpu.memory_space<hbm>> -> memref<1x16x128xf32, #tpu.memory_space<hbm>>
        %dma_start3A_14 = tpu.memref_squeeze %dma_start3A_13 : memref<1x16x128xf32, #tpu.memory_space<hbm>> -> memref<16x128xf32, #tpu.memory_space<hbm>>
        %dma_start3A_15 = arith.constant 9984 : i32
        %dma_start3A_16 = arith.constant 0 : i32
        %dma_start3A_17 = tpu.memref_slice %arg6[%dma_start3A_15, %dma_start3A_16] : memref<10112x128xf32, #tpu.memory_space<vmem_shared>> -> memref<16x128xf32, #tpu.memory_space<vmem_shared>>
        tpu.enqueue_dma source(%dma_start3A_17 : memref<16x128xf32, #tpu.memory_space<vmem_shared>>) target(%dma_start3A_14 : memref<16x128xf32, #tpu.memory_space<hbm>>) target_semaphore(%run_scoped3A : memref<!tpu.dma_semaphore, #tpu.memory_space<semaphore_mem>>)
        %dma_wait3A = arith.constant 9984 : i32
        %dma_wait3A_18 = arith.constant 0 : i32
        %dma_wait3A_19 = tpu.memref_slice %arg5[%arg0, %dma_wait3A, %dma_wait3A_18] : memref<2x10000x128xf32, #tpu.memory_space<hbm>> -> memref<1x16x128xf32, #tpu.memory_space<hbm>>
        %dma_wait3A_20 = tpu.memref_squeeze %dma_wait3A_19 : memref<1x16x128xf32, #tpu.memory_space<hbm>> -> memref<16x128xf32, #tpu.memory_space<hbm>>
        %dma_wait3A_21 = arith.constant 9984 : i32
        %dma_wait3A_22 = arith.constant 0 : i32
        %dma_wait3A_23 = tpu.memref_slice %arg6[%dma_wait3A_21, %dma_wait3A_22] : memref<10112x128xf32, #tpu.memory_space<vmem_shared>> -> memref<16x128xf32, #tpu.memory_space<vmem_shared>>
        tpu.wait_dma2 semaphore(%run_scoped3A : memref<!tpu.dma_semaphore, #tpu.memory_space<semaphore_mem>>) src(%dma_wait3A_23 : memref<16x128xf32, #tpu.memory_space<vmem_shared>>) dst(%dma_wait3A_20 : memref<16x128xf32, #tpu.memory_space<hbm>>)
        tpu.yield
      }) : () -> ()
    } else {
    }
    return
  }
}

#map = affine_map<(d0, d1) -> (0, 0)>
#map1 = affine_map<(d0, d1) -> (0, 0, 0, 0, 0)>
#map2 = affine_map<(d0, d1) -> (0, 0, 0, 0)>
#map3 = affine_map<(d0, d1) -> (0, 0, 0)>
module attributes {stable_mosaic.version = 14 : i64} {
  func.func @_hop_body(%arg0: i32, %arg1: i32, %arg2: memref<20000x128xf32, #tpu.memory_space<hbm>>, %arg3: memref<2x16x2x80x64xi32, #tpu.memory_space<hbm>>, %arg4: memref<16x2x80x64xi32, #tpu.memory_space<hbm>>, %arg5: memref<632x128xf32, #tpu.memory_space<hbm>>, %arg6: memref<2x10000x128xf32, #tpu.memory_space<hbm>>, %arg7: memref<10112x128xf32, #tpu.memory_space<vmem_shared>>, %arg8: memref<80x64xi32, #tpu.memory_space<vmem>>, %arg9: memref<80x64xi32, #tpu.memory_space<vmem>>, %arg10: memref<64x128xf32, #tpu.memory_space<vmem>>, %arg11: memref<64x128xf32, #tpu.memory_space<vmem>>, %arg12: memref<!tpu.dma_semaphore, #tpu.memory_space<semaphore_mem>>, %arg13: memref<!tpu.dma_semaphore, #tpu.memory_space<semaphore_mem>>) attributes {dimension_semantics = [#tpu.dimension_semantics<core_parallel>, #tpu.dimension_semantics<subcore_parallel>], iteration_bounds = array<i64: 2, 16>, scalar_prefetch = 0 : i64, scratch_operands = 7 : i64, tpu.core_type = #tpu.core_type<sc_vector_subcore>, window_params = [{transform_indices = #map}, {transform_indices = #map1}, {transform_indices = #map2}, {transform_indices = #map}, {transform_indices = #map3}]} {
    %mul3A = arith.constant 632 : i32
    %mul3A_0 = arith.muli %arg1, %mul3A : i32
    "tpu.region"() ({
      %run_scoped3A_33 = tpu.sem_alloc : memref<!tpu.dma_semaphore, #tpu.memory_space<semaphore_mem>>
      %dma_start3A_34 = arith.constant 0 : i32
      %dma_start3A_35 = tpu.memref_slice %arg7[%mul3A_0, %dma_start3A_34] : memref<10112x128xf32, #tpu.memory_space<vmem_shared>> -> memref<632x128xf32, #tpu.memory_space<vmem_shared>>
      tpu.enqueue_dma source(%arg5 : memref<632x128xf32, #tpu.memory_space<hbm>>) target(%dma_start3A_35 : memref<632x128xf32, #tpu.memory_space<vmem_shared>>) target_semaphore(%run_scoped3A_33 : memref<!tpu.dma_semaphore, #tpu.memory_space<semaphore_mem>>)
      %dma_wait3A = arith.constant 0 : i32
      %dma_wait3A_36 = tpu.memref_slice %arg7[%mul3A_0, %dma_wait3A] : memref<10112x128xf32, #tpu.memory_space<vmem_shared>> -> memref<632x128xf32, #tpu.memory_space<vmem_shared>>
      tpu.wait_dma2 semaphore(%run_scoped3A_33 : memref<!tpu.dma_semaphore, #tpu.memory_space<semaphore_mem>>) src(%arg5 : memref<632x128xf32, #tpu.memory_space<hbm>>) dst(%dma_wait3A_36 : memref<632x128xf32, #tpu.memory_space<vmem_shared>>)
      tpu.yield
    }) : () -> ()
    %barrier3A = arith.constant 0 : index
    tpu.barrier barrier_id(%barrier3A)
    %run_scoped3A = arith.constant 0 : i32
    "tpu.region"() ({
      %run_scoped3A_33 = tpu.sem_alloc : memref<!tpu.dma_semaphore, #tpu.memory_space<semaphore_mem>>
      %dma_start3A_34 = arith.constant 0 : i32
      %dma_start3A_35 = arith.constant 0 : i32
      %dma_start3A_36 = tpu.memref_slice %arg3[%arg0, %arg1, %run_scoped3A, %dma_start3A_34, %dma_start3A_35] : memref<2x16x2x80x64xi32, #tpu.memory_space<hbm>> -> memref<1x1x1x80x64xi32, #tpu.memory_space<hbm>>
      %dma_start3A_37 = tpu.memref_squeeze %dma_start3A_36 : memref<1x1x1x80x64xi32, #tpu.memory_space<hbm>> -> memref<80x64xi32, #tpu.memory_space<hbm>>
      %dma_start3A_38 = arith.constant 0 : i32
      %dma_start3A_39 = arith.constant 0 : i32
      %dma_start3A_40 = tpu.memref_slice %arg3[%arg0, %arg1, %run_scoped3A, %dma_start3A_38, %dma_start3A_39] : memref<2x16x2x80x64xi32, #tpu.memory_space<hbm>> -> memref<1x1x1x80x64xi32, #tpu.memory_space<hbm>>
      %dma_start3A_41 = tpu.memref_squeeze %dma_start3A_40 : memref<1x1x1x80x64xi32, #tpu.memory_space<hbm>> -> memref<80x64xi32, #tpu.memory_space<hbm>>
      tpu.enqueue_dma source(%dma_start3A_41 : memref<80x64xi32, #tpu.memory_space<hbm>>) target(%arg8 : memref<80x64xi32, #tpu.memory_space<vmem>>) target_semaphore(%run_scoped3A_33 : memref<!tpu.dma_semaphore, #tpu.memory_space<semaphore_mem>>)
      %dma_wait3A = arith.constant 0 : i32
      %dma_wait3A_42 = arith.constant 0 : i32
      %dma_wait3A_43 = tpu.memref_slice %arg3[%arg0, %arg1, %run_scoped3A, %dma_wait3A, %dma_wait3A_42] : memref<2x16x2x80x64xi32, #tpu.memory_space<hbm>> -> memref<1x1x1x80x64xi32, #tpu.memory_space<hbm>>
      %dma_wait3A_44 = tpu.memref_squeeze %dma_wait3A_43 : memref<1x1x1x80x64xi32, #tpu.memory_space<hbm>> -> memref<80x64xi32, #tpu.memory_space<hbm>>
      %dma_wait3A_45 = arith.constant 0 : i32
      %dma_wait3A_46 = arith.constant 0 : i32
      %dma_wait3A_47 = tpu.memref_slice %arg3[%arg0, %arg1, %run_scoped3A, %dma_wait3A_45, %dma_wait3A_46] : memref<2x16x2x80x64xi32, #tpu.memory_space<hbm>> -> memref<1x1x1x80x64xi32, #tpu.memory_space<hbm>>
      %dma_wait3A_48 = tpu.memref_squeeze %dma_wait3A_47 : memref<1x1x1x80x64xi32, #tpu.memory_space<hbm>> -> memref<80x64xi32, #tpu.memory_space<hbm>>
      tpu.wait_dma2 semaphore(%run_scoped3A_33 : memref<!tpu.dma_semaphore, #tpu.memory_space<semaphore_mem>>) src(%dma_wait3A_48 : memref<80x64xi32, #tpu.memory_space<hbm>>) dst(%arg8 : memref<80x64xi32, #tpu.memory_space<vmem>>)
      tpu.yield
    }) : () -> ()
    %run_scoped3A_1 = arith.constant 0 : i32
    "tpu.region"() ({
      %run_scoped3A_33 = tpu.sem_alloc : memref<!tpu.dma_semaphore, #tpu.memory_space<semaphore_mem>>
      %dma_start3A_34 = arith.constant 0 : i32
      %dma_start3A_35 = arith.constant 0 : i32
      %dma_start3A_36 = tpu.memref_slice %arg4[%arg1, %run_scoped3A_1, %dma_start3A_34, %dma_start3A_35] : memref<16x2x80x64xi32, #tpu.memory_space<hbm>> -> memref<1x1x80x64xi32, #tpu.memory_space<hbm>>
      %dma_start3A_37 = tpu.memref_squeeze %dma_start3A_36 : memref<1x1x80x64xi32, #tpu.memory_space<hbm>> -> memref<80x64xi32, #tpu.memory_space<hbm>>
      %dma_start3A_38 = arith.constant 0 : i32
      %dma_start3A_39 = arith.constant 0 : i32
      %dma_start3A_40 = tpu.memref_slice %arg4[%arg1, %run_scoped3A_1, %dma_start3A_38, %dma_start3A_39] : memref<16x2x80x64xi32, #tpu.memory_space<hbm>> -> memref<1x1x80x64xi32, #tpu.memory_space<hbm>>
      %dma_start3A_41 = tpu.memref_squeeze %dma_start3A_40 : memref<1x1x80x64xi32, #tpu.memory_space<hbm>> -> memref<80x64xi32, #tpu.memory_space<hbm>>
      tpu.enqueue_dma source(%dma_start3A_41 : memref<80x64xi32, #tpu.memory_space<hbm>>) target(%arg9 : memref<80x64xi32, #tpu.memory_space<vmem>>) target_semaphore(%run_scoped3A_33 : memref<!tpu.dma_semaphore, #tpu.memory_space<semaphore_mem>>)
      %dma_wait3A = arith.constant 0 : i32
      %dma_wait3A_42 = arith.constant 0 : i32
      %dma_wait3A_43 = tpu.memref_slice %arg4[%arg1, %run_scoped3A_1, %dma_wait3A, %dma_wait3A_42] : memref<16x2x80x64xi32, #tpu.memory_space<hbm>> -> memref<1x1x80x64xi32, #tpu.memory_space<hbm>>
      %dma_wait3A_44 = tpu.memref_squeeze %dma_wait3A_43 : memref<1x1x80x64xi32, #tpu.memory_space<hbm>> -> memref<80x64xi32, #tpu.memory_space<hbm>>
      %dma_wait3A_45 = arith.constant 0 : i32
      %dma_wait3A_46 = arith.constant 0 : i32
      %dma_wait3A_47 = tpu.memref_slice %arg4[%arg1, %run_scoped3A_1, %dma_wait3A_45, %dma_wait3A_46] : memref<16x2x80x64xi32, #tpu.memory_space<hbm>> -> memref<1x1x80x64xi32, #tpu.memory_space<hbm>>
      %dma_wait3A_48 = tpu.memref_squeeze %dma_wait3A_47 : memref<1x1x80x64xi32, #tpu.memory_space<hbm>> -> memref<80x64xi32, #tpu.memory_space<hbm>>
      tpu.wait_dma2 semaphore(%run_scoped3A_33 : memref<!tpu.dma_semaphore, #tpu.memory_space<semaphore_mem>>) src(%dma_wait3A_48 : memref<80x64xi32, #tpu.memory_space<hbm>>) dst(%arg9 : memref<80x64xi32, #tpu.memory_space<vmem>>)
      tpu.yield
    }) : () -> ()
    %dma_start3A = arith.constant 0 : i32
    %dma_start3A_2 = arith.constant 0 : i32
    %dma_start3A_3 = tpu.memref_slice %arg8[%dma_start3A, %dma_start3A_2] : memref<80x64xi32, #tpu.memory_space<vmem>> -> memref<1x64xi32, #tpu.memory_space<vmem>>
    %dma_start3A_4 = tpu.memref_squeeze %dma_start3A_3 : memref<1x64xi32, #tpu.memory_space<vmem>> -> memref<64xi32, #tpu.memory_space<vmem>>
    %dma_start3A_5 = arith.constant 0 : i32
    %dma_start3A_6 = arith.constant 0 : i32
    %dma_start3A_7 = tpu.memref_slice %arg2[%dma_start3A_5, %dma_start3A_6] : memref<20000x128xf32, #tpu.memory_space<hbm>> -> memref<20000x128xf32, #tpu.memory_space<hbm>>
    tpu.enqueue_indirect_dma source(%dma_start3A_7 : memref<20000x128xf32, #tpu.memory_space<hbm>>) target(%arg10 : memref<64x128xf32, #tpu.memory_space<vmem>>) offsets(%dma_start3A_4 : memref<64xi32, #tpu.memory_space<vmem>>) semaphore(%arg12 : memref<!tpu.dma_semaphore, #tpu.memory_space<semaphore_mem>>)
    %scan3A = arith.constant 0 : i32
    %scan3A_8 = arith.constant 40 : i32
    %scan3A_9 = arith.addi %scan3A, %scan3A_8 : i32
    %scan3A_10 = arith.constant 1 : i32
    scf.for %scan3A_33 = %scan3A to %scan3A_9 step %scan3A_10  : i32 {
      %mul3A_34 = arith.constant 1 : i32
      %mul3A_35 = arith.muli %scan3A_33, %mul3A_34 : i32
      %add3A = arith.constant 0 : i32
      %add3A_36 = arith.addi %add3A, %mul3A_35 : i32
      %mul3A_37 = arith.constant 2 : i32
      %mul3A_38 = arith.muli %add3A_36, %mul3A_37 : i32
      %add3A_39 = arith.constant 1 : i32
      %add3A_40 = arith.addi %mul3A_38, %add3A_39 : i32
      %dma_start3A_41 = arith.constant 0 : i32
      %dma_start3A_42 = tpu.memref_slice %arg8[%add3A_40, %dma_start3A_41] : memref<80x64xi32, #tpu.memory_space<vmem>> -> memref<1x64xi32, #tpu.memory_space<vmem>>
      %dma_start3A_43 = tpu.memref_squeeze %dma_start3A_42 : memref<1x64xi32, #tpu.memory_space<vmem>> -> memref<64xi32, #tpu.memory_space<vmem>>
      %dma_start3A_44 = arith.constant 0 : i32
      %dma_start3A_45 = arith.constant 0 : i32
      %dma_start3A_46 = tpu.memref_slice %arg2[%dma_start3A_44, %dma_start3A_45] : memref<20000x128xf32, #tpu.memory_space<hbm>> -> memref<20000x128xf32, #tpu.memory_space<hbm>>
      tpu.enqueue_indirect_dma source(%dma_start3A_46 : memref<20000x128xf32, #tpu.memory_space<hbm>>) target(%arg11 : memref<64x128xf32, #tpu.memory_space<vmem>>) offsets(%dma_start3A_43 : memref<64xi32, #tpu.memory_space<vmem>>) semaphore(%arg13 : memref<!tpu.dma_semaphore, #tpu.memory_space<semaphore_mem>>)
      %dma_wait3A = arith.constant 0 : i32
      %dma_wait3A_47 = tpu.memref_slice %arg8[%mul3A_38, %dma_wait3A] : memref<80x64xi32, #tpu.memory_space<vmem>> -> memref<1x64xi32, #tpu.memory_space<vmem>>
      %dma_wait3A_48 = tpu.memref_squeeze %dma_wait3A_47 : memref<1x64xi32, #tpu.memory_space<vmem>> -> memref<64xi32, #tpu.memory_space<vmem>>
      %dma_wait3A_49 = arith.constant 0 : i32
      %dma_wait3A_50 = arith.constant 0 : i32
      %dma_wait3A_51 = tpu.memref_slice %arg2[%dma_wait3A_49, %dma_wait3A_50] : memref<20000x128xf32, #tpu.memory_space<hbm>> -> memref<20000x128xf32, #tpu.memory_space<hbm>>
      tpu.wait_indirect_dma semaphore(%arg12 : memref<!tpu.dma_semaphore, #tpu.memory_space<semaphore_mem>>) src(%dma_wait3A_51 : memref<20000x128xf32, #tpu.memory_space<hbm>>) dst(%arg10 : memref<64x128xf32, #tpu.memory_space<vmem>>)
      "tpu.region"() ({
        %run_scoped3A_66 = tpu.sem_alloc : memref<!tpu.dma_semaphore, #tpu.memory_space<semaphore_mem>>
        %dma_start3A_67 = arith.constant 0 : i32
        %dma_start3A_68 = tpu.memref_slice %arg9[%mul3A_38, %dma_start3A_67] : memref<80x64xi32, #tpu.memory_space<vmem>> -> memref<1x64xi32, #tpu.memory_space<vmem>>
        %dma_start3A_69 = tpu.memref_squeeze %dma_start3A_68 : memref<1x64xi32, #tpu.memory_space<vmem>> -> memref<64xi32, #tpu.memory_space<vmem>>
        %dma_start3A_70 = arith.constant 0 : i32
        %dma_start3A_71 = arith.constant 0 : i32
        %dma_start3A_72 = tpu.memref_slice %arg7[%dma_start3A_70, %dma_start3A_71] : memref<10112x128xf32, #tpu.memory_space<vmem_shared>> -> memref<10112x128xf32, #tpu.memory_space<vmem_shared>>
        tpu.enqueue_indirect_dma source(%arg10 : memref<64x128xf32, #tpu.memory_space<vmem>>) target(%dma_start3A_72 : memref<10112x128xf32, #tpu.memory_space<vmem_shared>>) offsets(%dma_start3A_69 : memref<64xi32, #tpu.memory_space<vmem>>) semaphore(%run_scoped3A_66 : memref<!tpu.dma_semaphore, #tpu.memory_space<semaphore_mem>>) {add = true}
        %dma_wait3A_73 = arith.constant 0 : i32
        %dma_wait3A_74 = tpu.memref_slice %arg9[%mul3A_38, %dma_wait3A_73] : memref<80x64xi32, #tpu.memory_space<vmem>> -> memref<1x64xi32, #tpu.memory_space<vmem>>
        %dma_wait3A_75 = tpu.memref_squeeze %dma_wait3A_74 : memref<1x64xi32, #tpu.memory_space<vmem>> -> memref<64xi32, #tpu.memory_space<vmem>>
        %dma_wait3A_76 = arith.constant 0 : i32
        %dma_wait3A_77 = arith.constant 0 : i32
        %dma_wait3A_78 = tpu.memref_slice %arg7[%dma_wait3A_76, %dma_wait3A_77] : memref<10112x128xf32, #tpu.memory_space<vmem_shared>> -> memref<10112x128xf32, #tpu.memory_space<vmem_shared>>
        tpu.wait_indirect_dma semaphore(%run_scoped3A_66 : memref<!tpu.dma_semaphore, #tpu.memory_space<semaphore_mem>>) src(%arg10 : memref<64x128xf32, #tpu.memory_space<vmem>>) dst(%dma_wait3A_78 : memref<10112x128xf32, #tpu.memory_space<vmem_shared>>)
        tpu.yield
      }) : () -> ()
      %lt3A = arith.constant 39 : i32
      %lt3A_52 = arith.cmpi slt, %add3A_36, %lt3A : i32
      %convert_element_type3A_53 = arith.extui %lt3A_52 : i1 to i32
      %cond3A_54 = arith.constant 0 : i32
      %cond3A_55 = arith.cmpi ne, %convert_element_type3A_53, %cond3A_54 : i32
      scf.if %cond3A_55 {
        %add3A_66 = arith.constant 2 : i32
        %add3A_67 = arith.addi %mul3A_38, %add3A_66 : i32
        %dma_start3A_68 = arith.constant 0 : i32
        %dma_start3A_69 = tpu.memref_slice %arg8[%add3A_67, %dma_start3A_68] : memref<80x64xi32, #tpu.memory_space<vmem>> -> memref<1x64xi32, #tpu.memory_space<vmem>>
        %dma_start3A_70 = tpu.memref_squeeze %dma_start3A_69 : memref<1x64xi32, #tpu.memory_space<vmem>> -> memref<64xi32, #tpu.memory_space<vmem>>
        %dma_start3A_71 = arith.constant 0 : i32
        %dma_start3A_72 = arith.constant 0 : i32
        %dma_start3A_73 = tpu.memref_slice %arg2[%dma_start3A_71, %dma_start3A_72] : memref<20000x128xf32, #tpu.memory_space<hbm>> -> memref<20000x128xf32, #tpu.memory_space<hbm>>
        tpu.enqueue_indirect_dma source(%dma_start3A_73 : memref<20000x128xf32, #tpu.memory_space<hbm>>) target(%arg10 : memref<64x128xf32, #tpu.memory_space<vmem>>) offsets(%dma_start3A_70 : memref<64xi32, #tpu.memory_space<vmem>>) semaphore(%arg12 : memref<!tpu.dma_semaphore, #tpu.memory_space<semaphore_mem>>)
      } else {
      }
      %add3A_56 = arith.constant 1 : i32
      %add3A_57 = arith.addi %mul3A_38, %add3A_56 : i32
      %dma_wait3A_58 = arith.constant 0 : i32
      %dma_wait3A_59 = tpu.memref_slice %arg8[%add3A_57, %dma_wait3A_58] : memref<80x64xi32, #tpu.memory_space<vmem>> -> memref<1x64xi32, #tpu.memory_space<vmem>>
      %dma_wait3A_60 = tpu.memref_squeeze %dma_wait3A_59 : memref<1x64xi32, #tpu.memory_space<vmem>> -> memref<64xi32, #tpu.memory_space<vmem>>
      %dma_wait3A_61 = arith.constant 0 : i32
      %dma_wait3A_62 = arith.constant 0 : i32
      %dma_wait3A_63 = tpu.memref_slice %arg2[%dma_wait3A_61, %dma_wait3A_62] : memref<20000x128xf32, #tpu.memory_space<hbm>> -> memref<20000x128xf32, #tpu.memory_space<hbm>>
      tpu.wait_indirect_dma semaphore(%arg13 : memref<!tpu.dma_semaphore, #tpu.memory_space<semaphore_mem>>) src(%dma_wait3A_63 : memref<20000x128xf32, #tpu.memory_space<hbm>>) dst(%arg11 : memref<64x128xf32, #tpu.memory_space<vmem>>)
      %add3A_64 = arith.constant 1 : i32
      %add3A_65 = arith.addi %mul3A_38, %add3A_64 : i32
      "tpu.region"() ({
        %run_scoped3A_66 = tpu.sem_alloc : memref<!tpu.dma_semaphore, #tpu.memory_space<semaphore_mem>>
        %dma_start3A_67 = arith.constant 0 : i32
        %dma_start3A_68 = tpu.memref_slice %arg9[%add3A_65, %dma_start3A_67] : memref<80x64xi32, #tpu.memory_space<vmem>> -> memref<1x64xi32, #tpu.memory_space<vmem>>
        %dma_start3A_69 = tpu.memref_squeeze %dma_start3A_68 : memref<1x64xi32, #tpu.memory_space<vmem>> -> memref<64xi32, #tpu.memory_space<vmem>>
        %dma_start3A_70 = arith.constant 0 : i32
        %dma_start3A_71 = arith.constant 0 : i32
        %dma_start3A_72 = tpu.memref_slice %arg7[%dma_start3A_70, %dma_start3A_71] : memref<10112x128xf32, #tpu.memory_space<vmem_shared>> -> memref<10112x128xf32, #tpu.memory_space<vmem_shared>>
        tpu.enqueue_indirect_dma source(%arg11 : memref<64x128xf32, #tpu.memory_space<vmem>>) target(%dma_start3A_72 : memref<10112x128xf32, #tpu.memory_space<vmem_shared>>) offsets(%dma_start3A_69 : memref<64xi32, #tpu.memory_space<vmem>>) semaphore(%run_scoped3A_66 : memref<!tpu.dma_semaphore, #tpu.memory_space<semaphore_mem>>) {add = true}
        %dma_wait3A_73 = arith.constant 0 : i32
        %dma_wait3A_74 = tpu.memref_slice %arg9[%add3A_65, %dma_wait3A_73] : memref<80x64xi32, #tpu.memory_space<vmem>> -> memref<1x64xi32, #tpu.memory_space<vmem>>
        %dma_wait3A_75 = tpu.memref_squeeze %dma_wait3A_74 : memref<1x64xi32, #tpu.memory_space<vmem>> -> memref<64xi32, #tpu.memory_space<vmem>>
        %dma_wait3A_76 = arith.constant 0 : i32
        %dma_wait3A_77 = arith.constant 0 : i32
        %dma_wait3A_78 = tpu.memref_slice %arg7[%dma_wait3A_76, %dma_wait3A_77] : memref<10112x128xf32, #tpu.memory_space<vmem_shared>> -> memref<10112x128xf32, #tpu.memory_space<vmem_shared>>
        tpu.wait_indirect_dma semaphore(%run_scoped3A_66 : memref<!tpu.dma_semaphore, #tpu.memory_space<semaphore_mem>>) src(%arg11 : memref<64x128xf32, #tpu.memory_space<vmem>>) dst(%dma_wait3A_78 : memref<10112x128xf32, #tpu.memory_space<vmem_shared>>)
        tpu.yield
      }) : () -> ()
    }
    %scan3A_11 = arith.constant 40 : i32
    %run_scoped3A_12 = arith.constant 1 : i32
    "tpu.region"() ({
      %run_scoped3A_33 = tpu.sem_alloc : memref<!tpu.dma_semaphore, #tpu.memory_space<semaphore_mem>>
      %dma_start3A_34 = arith.constant 0 : i32
      %dma_start3A_35 = arith.constant 0 : i32
      %dma_start3A_36 = tpu.memref_slice %arg3[%arg0, %arg1, %run_scoped3A_12, %dma_start3A_34, %dma_start3A_35] : memref<2x16x2x80x64xi32, #tpu.memory_space<hbm>> -> memref<1x1x1x80x64xi32, #tpu.memory_space<hbm>>
      %dma_start3A_37 = tpu.memref_squeeze %dma_start3A_36 : memref<1x1x1x80x64xi32, #tpu.memory_space<hbm>> -> memref<80x64xi32, #tpu.memory_space<hbm>>
      %dma_start3A_38 = arith.constant 0 : i32
      %dma_start3A_39 = arith.constant 0 : i32
      %dma_start3A_40 = tpu.memref_slice %arg3[%arg0, %arg1, %run_scoped3A_12, %dma_start3A_38, %dma_start3A_39] : memref<2x16x2x80x64xi32, #tpu.memory_space<hbm>> -> memref<1x1x1x80x64xi32, #tpu.memory_space<hbm>>
      %dma_start3A_41 = tpu.memref_squeeze %dma_start3A_40 : memref<1x1x1x80x64xi32, #tpu.memory_space<hbm>> -> memref<80x64xi32, #tpu.memory_space<hbm>>
      tpu.enqueue_dma source(%dma_start3A_41 : memref<80x64xi32, #tpu.memory_space<hbm>>) target(%arg8 : memref<80x64xi32, #tpu.memory_space<vmem>>) target_semaphore(%run_scoped3A_33 : memref<!tpu.dma_semaphore, #tpu.memory_space<semaphore_mem>>)
      %dma_wait3A = arith.constant 0 : i32
      %dma_wait3A_42 = arith.constant 0 : i32
      %dma_wait3A_43 = tpu.memref_slice %arg3[%arg0, %arg1, %run_scoped3A_12, %dma_wait3A, %dma_wait3A_42] : memref<2x16x2x80x64xi32, #tpu.memory_space<hbm>> -> memref<1x1x1x80x64xi32, #tpu.memory_space<hbm>>
      %dma_wait3A_44 = tpu.memref_squeeze %dma_wait3A_43 : memref<1x1x1x80x64xi32, #tpu.memory_space<hbm>> -> memref<80x64xi32, #tpu.memory_space<hbm>>
      %dma_wait3A_45 = arith.constant 0 : i32
      %dma_wait3A_46 = arith.constant 0 : i32
      %dma_wait3A_47 = tpu.memref_slice %arg3[%arg0, %arg1, %run_scoped3A_12, %dma_wait3A_45, %dma_wait3A_46] : memref<2x16x2x80x64xi32, #tpu.memory_space<hbm>> -> memref<1x1x1x80x64xi32, #tpu.memory_space<hbm>>
      %dma_wait3A_48 = tpu.memref_squeeze %dma_wait3A_47 : memref<1x1x1x80x64xi32, #tpu.memory_space<hbm>> -> memref<80x64xi32, #tpu.memory_space<hbm>>
      tpu.wait_dma2 semaphore(%run_scoped3A_33 : memref<!tpu.dma_semaphore, #tpu.memory_space<semaphore_mem>>) src(%dma_wait3A_48 : memref<80x64xi32, #tpu.memory_space<hbm>>) dst(%arg8 : memref<80x64xi32, #tpu.memory_space<vmem>>)
      tpu.yield
    }) : () -> ()
    %run_scoped3A_13 = arith.constant 1 : i32
    "tpu.region"() ({
      %run_scoped3A_33 = tpu.sem_alloc : memref<!tpu.dma_semaphore, #tpu.memory_space<semaphore_mem>>
      %dma_start3A_34 = arith.constant 0 : i32
      %dma_start3A_35 = arith.constant 0 : i32
      %dma_start3A_36 = tpu.memref_slice %arg4[%arg1, %run_scoped3A_13, %dma_start3A_34, %dma_start3A_35] : memref<16x2x80x64xi32, #tpu.memory_space<hbm>> -> memref<1x1x80x64xi32, #tpu.memory_space<hbm>>
      %dma_start3A_37 = tpu.memref_squeeze %dma_start3A_36 : memref<1x1x80x64xi32, #tpu.memory_space<hbm>> -> memref<80x64xi32, #tpu.memory_space<hbm>>
      %dma_start3A_38 = arith.constant 0 : i32
      %dma_start3A_39 = arith.constant 0 : i32
      %dma_start3A_40 = tpu.memref_slice %arg4[%arg1, %run_scoped3A_13, %dma_start3A_38, %dma_start3A_39] : memref<16x2x80x64xi32, #tpu.memory_space<hbm>> -> memref<1x1x80x64xi32, #tpu.memory_space<hbm>>
      %dma_start3A_41 = tpu.memref_squeeze %dma_start3A_40 : memref<1x1x80x64xi32, #tpu.memory_space<hbm>> -> memref<80x64xi32, #tpu.memory_space<hbm>>
      tpu.enqueue_dma source(%dma_start3A_41 : memref<80x64xi32, #tpu.memory_space<hbm>>) target(%arg9 : memref<80x64xi32, #tpu.memory_space<vmem>>) target_semaphore(%run_scoped3A_33 : memref<!tpu.dma_semaphore, #tpu.memory_space<semaphore_mem>>)
      %dma_wait3A = arith.constant 0 : i32
      %dma_wait3A_42 = arith.constant 0 : i32
      %dma_wait3A_43 = tpu.memref_slice %arg4[%arg1, %run_scoped3A_13, %dma_wait3A, %dma_wait3A_42] : memref<16x2x80x64xi32, #tpu.memory_space<hbm>> -> memref<1x1x80x64xi32, #tpu.memory_space<hbm>>
      %dma_wait3A_44 = tpu.memref_squeeze %dma_wait3A_43 : memref<1x1x80x64xi32, #tpu.memory_space<hbm>> -> memref<80x64xi32, #tpu.memory_space<hbm>>
      %dma_wait3A_45 = arith.constant 0 : i32
      %dma_wait3A_46 = arith.constant 0 : i32
      %dma_wait3A_47 = tpu.memref_slice %arg4[%arg1, %run_scoped3A_13, %dma_wait3A_45, %dma_wait3A_46] : memref<16x2x80x64xi32, #tpu.memory_space<hbm>> -> memref<1x1x80x64xi32, #tpu.memory_space<hbm>>
      %dma_wait3A_48 = tpu.memref_squeeze %dma_wait3A_47 : memref<1x1x80x64xi32, #tpu.memory_space<hbm>> -> memref<80x64xi32, #tpu.memory_space<hbm>>
      tpu.wait_dma2 semaphore(%run_scoped3A_33 : memref<!tpu.dma_semaphore, #tpu.memory_space<semaphore_mem>>) src(%dma_wait3A_48 : memref<80x64xi32, #tpu.memory_space<hbm>>) dst(%arg9 : memref<80x64xi32, #tpu.memory_space<vmem>>)
      tpu.yield
    }) : () -> ()
    %dma_start3A_14 = arith.constant 0 : i32
    %dma_start3A_15 = arith.constant 0 : i32
    %dma_start3A_16 = tpu.memref_slice %arg8[%dma_start3A_14, %dma_start3A_15] : memref<80x64xi32, #tpu.memory_space<vmem>> -> memref<1x64xi32, #tpu.memory_space<vmem>>
    %dma_start3A_17 = tpu.memref_squeeze %dma_start3A_16 : memref<1x64xi32, #tpu.memory_space<vmem>> -> memref<64xi32, #tpu.memory_space<vmem>>
    %dma_start3A_18 = arith.constant 0 : i32
    %dma_start3A_19 = arith.constant 0 : i32
    %dma_start3A_20 = tpu.memref_slice %arg2[%dma_start3A_18, %dma_start3A_19] : memref<20000x128xf32, #tpu.memory_space<hbm>> -> memref<20000x128xf32, #tpu.memory_space<hbm>>
    tpu.enqueue_indirect_dma source(%dma_start3A_20 : memref<20000x128xf32, #tpu.memory_space<hbm>>) target(%arg10 : memref<64x128xf32, #tpu.memory_space<vmem>>) offsets(%dma_start3A_17 : memref<64xi32, #tpu.memory_space<vmem>>) semaphore(%arg12 : memref<!tpu.dma_semaphore, #tpu.memory_space<semaphore_mem>>)
    %scan3A_21 = arith.constant 0 : i32
    %scan3A_22 = arith.constant 40 : i32
    %scan3A_23 = arith.addi %scan3A_21, %scan3A_22 : i32
    %scan3A_24 = arith.constant 1 : i32
    scf.for %scan3A_33 = %scan3A_21 to %scan3A_23 step %scan3A_24  : i32 {
      %mul3A_34 = arith.constant 1 : i32
      %mul3A_35 = arith.muli %scan3A_33, %mul3A_34 : i32
      %add3A = arith.constant 0 : i32
      %add3A_36 = arith.addi %add3A, %mul3A_35 : i32
      %mul3A_37 = arith.constant 2 : i32
      %mul3A_38 = arith.muli %add3A_36, %mul3A_37 : i32
      %add3A_39 = arith.constant 1 : i32
      %add3A_40 = arith.addi %mul3A_38, %add3A_39 : i32
      %dma_start3A_41 = arith.constant 0 : i32
      %dma_start3A_42 = tpu.memref_slice %arg8[%add3A_40, %dma_start3A_41] : memref<80x64xi32, #tpu.memory_space<vmem>> -> memref<1x64xi32, #tpu.memory_space<vmem>>
      %dma_start3A_43 = tpu.memref_squeeze %dma_start3A_42 : memref<1x64xi32, #tpu.memory_space<vmem>> -> memref<64xi32, #tpu.memory_space<vmem>>
      %dma_start3A_44 = arith.constant 0 : i32
      %dma_start3A_45 = arith.constant 0 : i32
      %dma_start3A_46 = tpu.memref_slice %arg2[%dma_start3A_44, %dma_start3A_45] : memref<20000x128xf32, #tpu.memory_space<hbm>> -> memref<20000x128xf32, #tpu.memory_space<hbm>>
      tpu.enqueue_indirect_dma source(%dma_start3A_46 : memref<20000x128xf32, #tpu.memory_space<hbm>>) target(%arg11 : memref<64x128xf32, #tpu.memory_space<vmem>>) offsets(%dma_start3A_43 : memref<64xi32, #tpu.memory_space<vmem>>) semaphore(%arg13 : memref<!tpu.dma_semaphore, #tpu.memory_space<semaphore_mem>>)
      %dma_wait3A = arith.constant 0 : i32
      %dma_wait3A_47 = tpu.memref_slice %arg8[%mul3A_38, %dma_wait3A] : memref<80x64xi32, #tpu.memory_space<vmem>> -> memref<1x64xi32, #tpu.memory_space<vmem>>
      %dma_wait3A_48 = tpu.memref_squeeze %dma_wait3A_47 : memref<1x64xi32, #tpu.memory_space<vmem>> -> memref<64xi32, #tpu.memory_space<vmem>>
      %dma_wait3A_49 = arith.constant 0 : i32
      %dma_wait3A_50 = arith.constant 0 : i32
      %dma_wait3A_51 = tpu.memref_slice %arg2[%dma_wait3A_49, %dma_wait3A_50] : memref<20000x128xf32, #tpu.memory_space<hbm>> -> memref<20000x128xf32, #tpu.memory_space<hbm>>
      tpu.wait_indirect_dma semaphore(%arg12 : memref<!tpu.dma_semaphore, #tpu.memory_space<semaphore_mem>>) src(%dma_wait3A_51 : memref<20000x128xf32, #tpu.memory_space<hbm>>) dst(%arg10 : memref<64x128xf32, #tpu.memory_space<vmem>>)
      "tpu.region"() ({
        %run_scoped3A_66 = tpu.sem_alloc : memref<!tpu.dma_semaphore, #tpu.memory_space<semaphore_mem>>
        %dma_start3A_67 = arith.constant 0 : i32
        %dma_start3A_68 = tpu.memref_slice %arg9[%mul3A_38, %dma_start3A_67] : memref<80x64xi32, #tpu.memory_space<vmem>> -> memref<1x64xi32, #tpu.memory_space<vmem>>
        %dma_start3A_69 = tpu.memref_squeeze %dma_start3A_68 : memref<1x64xi32, #tpu.memory_space<vmem>> -> memref<64xi32, #tpu.memory_space<vmem>>
        %dma_start3A_70 = arith.constant 0 : i32
        %dma_start3A_71 = arith.constant 0 : i32
        %dma_start3A_72 = tpu.memref_slice %arg7[%dma_start3A_70, %dma_start3A_71] : memref<10112x128xf32, #tpu.memory_space<vmem_shared>> -> memref<10112x128xf32, #tpu.memory_space<vmem_shared>>
        tpu.enqueue_indirect_dma source(%arg10 : memref<64x128xf32, #tpu.memory_space<vmem>>) target(%dma_start3A_72 : memref<10112x128xf32, #tpu.memory_space<vmem_shared>>) offsets(%dma_start3A_69 : memref<64xi32, #tpu.memory_space<vmem>>) semaphore(%run_scoped3A_66 : memref<!tpu.dma_semaphore, #tpu.memory_space<semaphore_mem>>) {add = true}
        %dma_wait3A_73 = arith.constant 0 : i32
        %dma_wait3A_74 = tpu.memref_slice %arg9[%mul3A_38, %dma_wait3A_73] : memref<80x64xi32, #tpu.memory_space<vmem>> -> memref<1x64xi32, #tpu.memory_space<vmem>>
        %dma_wait3A_75 = tpu.memref_squeeze %dma_wait3A_74 : memref<1x64xi32, #tpu.memory_space<vmem>> -> memref<64xi32, #tpu.memory_space<vmem>>
        %dma_wait3A_76 = arith.constant 0 : i32
        %dma_wait3A_77 = arith.constant 0 : i32
        %dma_wait3A_78 = tpu.memref_slice %arg7[%dma_wait3A_76, %dma_wait3A_77] : memref<10112x128xf32, #tpu.memory_space<vmem_shared>> -> memref<10112x128xf32, #tpu.memory_space<vmem_shared>>
        tpu.wait_indirect_dma semaphore(%run_scoped3A_66 : memref<!tpu.dma_semaphore, #tpu.memory_space<semaphore_mem>>) src(%arg10 : memref<64x128xf32, #tpu.memory_space<vmem>>) dst(%dma_wait3A_78 : memref<10112x128xf32, #tpu.memory_space<vmem_shared>>)
        tpu.yield
      }) : () -> ()
      %lt3A = arith.constant 39 : i32
      %lt3A_52 = arith.cmpi slt, %add3A_36, %lt3A : i32
      %convert_element_type3A_53 = arith.extui %lt3A_52 : i1 to i32
      %cond3A_54 = arith.constant 0 : i32
      %cond3A_55 = arith.cmpi ne, %convert_element_type3A_53, %cond3A_54 : i32
      scf.if %cond3A_55 {
        %add3A_66 = arith.constant 2 : i32
        %add3A_67 = arith.addi %mul3A_38, %add3A_66 : i32
        %dma_start3A_68 = arith.constant 0 : i32
        %dma_start3A_69 = tpu.memref_slice %arg8[%add3A_67, %dma_start3A_68] : memref<80x64xi32, #tpu.memory_space<vmem>> -> memref<1x64xi32, #tpu.memory_space<vmem>>
        %dma_start3A_70 = tpu.memref_squeeze %dma_start3A_69 : memref<1x64xi32, #tpu.memory_space<vmem>> -> memref<64xi32, #tpu.memory_space<vmem>>
        %dma_start3A_71 = arith.constant 0 : i32
        %dma_start3A_72 = arith.constant 0 : i32
        %dma_start3A_73 = tpu.memref_slice %arg2[%dma_start3A_71, %dma_start3A_72] : memref<20000x128xf32, #tpu.memory_space<hbm>> -> memref<20000x128xf32, #tpu.memory_space<hbm>>
        tpu.enqueue_indirect_dma source(%dma_start3A_73 : memref<20000x128xf32, #tpu.memory_space<hbm>>) target(%arg10 : memref<64x128xf32, #tpu.memory_space<vmem>>) offsets(%dma_start3A_70 : memref<64xi32, #tpu.memory_space<vmem>>) semaphore(%arg12 : memref<!tpu.dma_semaphore, #tpu.memory_space<semaphore_mem>>)
      } else {
      }
      %add3A_56 = arith.constant 1 : i32
      %add3A_57 = arith.addi %mul3A_38, %add3A_56 : i32
      %dma_wait3A_58 = arith.constant 0 : i32
      %dma_wait3A_59 = tpu.memref_slice %arg8[%add3A_57, %dma_wait3A_58] : memref<80x64xi32, #tpu.memory_space<vmem>> -> memref<1x64xi32, #tpu.memory_space<vmem>>
      %dma_wait3A_60 = tpu.memref_squeeze %dma_wait3A_59 : memref<1x64xi32, #tpu.memory_space<vmem>> -> memref<64xi32, #tpu.memory_space<vmem>>
      %dma_wait3A_61 = arith.constant 0 : i32
      %dma_wait3A_62 = arith.constant 0 : i32
      %dma_wait3A_63 = tpu.memref_slice %arg2[%dma_wait3A_61, %dma_wait3A_62] : memref<20000x128xf32, #tpu.memory_space<hbm>> -> memref<20000x128xf32, #tpu.memory_space<hbm>>
      tpu.wait_indirect_dma semaphore(%arg13 : memref<!tpu.dma_semaphore, #tpu.memory_space<semaphore_mem>>) src(%dma_wait3A_63 : memref<20000x128xf32, #tpu.memory_space<hbm>>) dst(%arg11 : memref<64x128xf32, #tpu.memory_space<vmem>>)
      %add3A_64 = arith.constant 1 : i32
      %add3A_65 = arith.addi %mul3A_38, %add3A_64 : i32
      "tpu.region"() ({
        %run_scoped3A_66 = tpu.sem_alloc : memref<!tpu.dma_semaphore, #tpu.memory_space<semaphore_mem>>
        %dma_start3A_67 = arith.constant 0 : i32
        %dma_start3A_68 = tpu.memref_slice %arg9[%add3A_65, %dma_start3A_67] : memref<80x64xi32, #tpu.memory_space<vmem>> -> memref<1x64xi32, #tpu.memory_space<vmem>>
        %dma_start3A_69 = tpu.memref_squeeze %dma_start3A_68 : memref<1x64xi32, #tpu.memory_space<vmem>> -> memref<64xi32, #tpu.memory_space<vmem>>
        %dma_start3A_70 = arith.constant 0 : i32
        %dma_start3A_71 = arith.constant 0 : i32
        %dma_start3A_72 = tpu.memref_slice %arg7[%dma_start3A_70, %dma_start3A_71] : memref<10112x128xf32, #tpu.memory_space<vmem_shared>> -> memref<10112x128xf32, #tpu.memory_space<vmem_shared>>
        tpu.enqueue_indirect_dma source(%arg11 : memref<64x128xf32, #tpu.memory_space<vmem>>) target(%dma_start3A_72 : memref<10112x128xf32, #tpu.memory_space<vmem_shared>>) offsets(%dma_start3A_69 : memref<64xi32, #tpu.memory_space<vmem>>) semaphore(%run_scoped3A_66 : memref<!tpu.dma_semaphore, #tpu.memory_space<semaphore_mem>>) {add = true}
        %dma_wait3A_73 = arith.constant 0 : i32
        %dma_wait3A_74 = tpu.memref_slice %arg9[%add3A_65, %dma_wait3A_73] : memref<80x64xi32, #tpu.memory_space<vmem>> -> memref<1x64xi32, #tpu.memory_space<vmem>>
        %dma_wait3A_75 = tpu.memref_squeeze %dma_wait3A_74 : memref<1x64xi32, #tpu.memory_space<vmem>> -> memref<64xi32, #tpu.memory_space<vmem>>
        %dma_wait3A_76 = arith.constant 0 : i32
        %dma_wait3A_77 = arith.constant 0 : i32
        %dma_wait3A_78 = tpu.memref_slice %arg7[%dma_wait3A_76, %dma_wait3A_77] : memref<10112x128xf32, #tpu.memory_space<vmem_shared>> -> memref<10112x128xf32, #tpu.memory_space<vmem_shared>>
        tpu.wait_indirect_dma semaphore(%run_scoped3A_66 : memref<!tpu.dma_semaphore, #tpu.memory_space<semaphore_mem>>) src(%arg11 : memref<64x128xf32, #tpu.memory_space<vmem>>) dst(%dma_wait3A_78 : memref<10112x128xf32, #tpu.memory_space<vmem_shared>>)
        tpu.yield
      }) : () -> ()
    }
    %scan3A_25 = arith.constant 40 : i32
    %barrier3A_26 = arith.constant 0 : index
    tpu.barrier barrier_id(%barrier3A_26)
    %mul3A_27 = arith.constant 624 : i32
    %mul3A_28 = arith.muli %arg1, %mul3A_27 : i32
    %mul3A_29 = arith.constant 624 : i32
    %mul3A_30 = arith.muli %arg1, %mul3A_29 : i32
    "tpu.region"() ({
      %run_scoped3A_33 = tpu.sem_alloc : memref<!tpu.dma_semaphore, #tpu.memory_space<semaphore_mem>>
      %dma_start3A_34 = arith.constant 0 : i32
      %dma_start3A_35 = tpu.memref_slice %arg6[%arg0, %mul3A_30, %dma_start3A_34] : memref<2x10000x128xf32, #tpu.memory_space<hbm>> -> memref<1x624x128xf32, #tpu.memory_space<hbm>>
      %dma_start3A_36 = tpu.memref_squeeze %dma_start3A_35 : memref<1x624x128xf32, #tpu.memory_space<hbm>> -> memref<624x128xf32, #tpu.memory_space<hbm>>
      %dma_start3A_37 = arith.constant 0 : i32
      %dma_start3A_38 = tpu.memref_slice %arg7[%mul3A_28, %dma_start3A_37] : memref<10112x128xf32, #tpu.memory_space<vmem_shared>> -> memref<624x128xf32, #tpu.memory_space<vmem_shared>>
      tpu.enqueue_dma source(%dma_start3A_38 : memref<624x128xf32, #tpu.memory_space<vmem_shared>>) target(%dma_start3A_36 : memref<624x128xf32, #tpu.memory_space<hbm>>) target_semaphore(%run_scoped3A_33 : memref<!tpu.dma_semaphore, #tpu.memory_space<semaphore_mem>>)
      %dma_wait3A = arith.constant 0 : i32
      %dma_wait3A_39 = tpu.memref_slice %arg6[%arg0, %mul3A_30, %dma_wait3A] : memref<2x10000x128xf32, #tpu.memory_space<hbm>> -> memref<1x624x128xf32, #tpu.memory_space<hbm>>
      %dma_wait3A_40 = tpu.memref_squeeze %dma_wait3A_39 : memref<1x624x128xf32, #tpu.memory_space<hbm>> -> memref<624x128xf32, #tpu.memory_space<hbm>>
      %dma_wait3A_41 = arith.constant 0 : i32
      %dma_wait3A_42 = tpu.memref_slice %arg7[%mul3A_28, %dma_wait3A_41] : memref<10112x128xf32, #tpu.memory_space<vmem_shared>> -> memref<624x128xf32, #tpu.memory_space<vmem_shared>>
      tpu.wait_dma2 semaphore(%run_scoped3A_33 : memref<!tpu.dma_semaphore, #tpu.memory_space<semaphore_mem>>) src(%dma_wait3A_42 : memref<624x128xf32, #tpu.memory_space<vmem_shared>>) dst(%dma_wait3A_40 : memref<624x128xf32, #tpu.memory_space<hbm>>)
      tpu.yield
    }) : () -> ()
    %eq3A = arith.constant 0 : i32
    %eq3A_31 = arith.cmpi eq, %arg1, %eq3A : i32
    %convert_element_type3A = arith.extui %eq3A_31 : i1 to i32
    %cond3A = arith.constant 0 : i32
    %cond3A_32 = arith.cmpi ne, %convert_element_type3A, %cond3A : i32
    scf.if %cond3A_32 {
      "tpu.region"() ({
        %run_scoped3A_33 = tpu.sem_alloc : memref<!tpu.dma_semaphore, #tpu.memory_space<semaphore_mem>>
        %dma_start3A_34 = arith.constant 9984 : i32
        %dma_start3A_35 = arith.constant 0 : i32
        %dma_start3A_36 = tpu.memref_slice %arg6[%arg0, %dma_start3A_34, %dma_start3A_35] : memref<2x10000x128xf32, #tpu.memory_space<hbm>> -> memref<1x16x128xf32, #tpu.memory_space<hbm>>
        %dma_start3A_37 = tpu.memref_squeeze %dma_start3A_36 : memref<1x16x128xf32, #tpu.memory_space<hbm>> -> memref<16x128xf32, #tpu.memory_space<hbm>>
        %dma_start3A_38 = arith.constant 9984 : i32
        %dma_start3A_39 = arith.constant 0 : i32
        %dma_start3A_40 = tpu.memref_slice %arg7[%dma_start3A_38, %dma_start3A_39] : memref<10112x128xf32, #tpu.memory_space<vmem_shared>> -> memref<16x128xf32, #tpu.memory_space<vmem_shared>>
        tpu.enqueue_dma source(%dma_start3A_40 : memref<16x128xf32, #tpu.memory_space<vmem_shared>>) target(%dma_start3A_37 : memref<16x128xf32, #tpu.memory_space<hbm>>) target_semaphore(%run_scoped3A_33 : memref<!tpu.dma_semaphore, #tpu.memory_space<semaphore_mem>>)
        %dma_wait3A = arith.constant 9984 : i32
        %dma_wait3A_41 = arith.constant 0 : i32
        %dma_wait3A_42 = tpu.memref_slice %arg6[%arg0, %dma_wait3A, %dma_wait3A_41] : memref<2x10000x128xf32, #tpu.memory_space<hbm>> -> memref<1x16x128xf32, #tpu.memory_space<hbm>>
        %dma_wait3A_43 = tpu.memref_squeeze %dma_wait3A_42 : memref<1x16x128xf32, #tpu.memory_space<hbm>> -> memref<16x128xf32, #tpu.memory_space<hbm>>
        %dma_wait3A_44 = arith.constant 9984 : i32
        %dma_wait3A_45 = arith.constant 0 : i32
        %dma_wait3A_46 = tpu.memref_slice %arg7[%dma_wait3A_44, %dma_wait3A_45] : memref<10112x128xf32, #tpu.memory_space<vmem_shared>> -> memref<16x128xf32, #tpu.memory_space<vmem_shared>>
        tpu.wait_dma2 semaphore(%run_scoped3A_33 : memref<!tpu.dma_semaphore, #tpu.memory_space<semaphore_mem>>) src(%dma_wait3A_46 : memref<16x128xf32, #tpu.memory_space<vmem_shared>>) dst(%dma_wait3A_43 : memref<16x128xf32, #tpu.memory_space<hbm>>)
        tpu.yield
      }) : () -> ()
    } else {
    }
    return
  }
}

#map = affine_map<(d0, d1) -> (0, 0)>
#map1 = affine_map<(d0, d1) -> (0, 0, 0, 0, 0)>
#map2 = affine_map<(d0, d1) -> (0, 0, 0, 0)>
#map3 = affine_map<(d0, d1) -> (0, 0, 0)>
module attributes {stable_mosaic.version = 14 : i64} {
  func.func @_hop_body(%arg0: i32, %arg1: i32, %arg2: memref<20000x128xf32, #tpu.memory_space<hbm>>, %arg3: memref<2x16x2x80x64xi32, #tpu.memory_space<hbm>>, %arg4: memref<16x2x80x64xi32, #tpu.memory_space<hbm>>, %arg5: memref<632x128xf32, #tpu.memory_space<hbm>>, %arg6: memref<2x10000x128xf32, #tpu.memory_space<hbm>>, %arg7: memref<10112x128xf32, #tpu.memory_space<vmem_shared>>, %arg8: memref<80x64xi32, #tpu.memory_space<vmem>>, %arg9: memref<80x64xi32, #tpu.memory_space<vmem>>, %arg10: memref<64x128xf32, #tpu.memory_space<vmem>>, %arg11: memref<64x128xf32, #tpu.memory_space<vmem>>, %arg12: memref<!tpu.dma_semaphore, #tpu.memory_space<semaphore_mem>>, %arg13: memref<!tpu.dma_semaphore, #tpu.memory_space<semaphore_mem>>) attributes {dimension_semantics = [#tpu.dimension_semantics<core_parallel>, #tpu.dimension_semantics<subcore_parallel>], iteration_bounds = array<i64: 2, 16>, scalar_prefetch = 0 : i64, scratch_operands = 7 : i64, tpu.core_type = #tpu.core_type<sc_vector_subcore>, window_params = [{transform_indices = #map}, {transform_indices = #map1}, {transform_indices = #map2}, {transform_indices = #map}, {transform_indices = #map3}]} {
    %mul3A = arith.constant 632 : i32
    %mul3A_0 = arith.muli %arg1, %mul3A : i32
    "tpu.region"() ({
      %run_scoped3A_33 = tpu.sem_alloc : memref<!tpu.dma_semaphore, #tpu.memory_space<semaphore_mem>>
      %dma_start3A_34 = arith.constant 0 : i32
      %dma_start3A_35 = tpu.memref_slice %arg7[%mul3A_0, %dma_start3A_34] : memref<10112x128xf32, #tpu.memory_space<vmem_shared>> -> memref<632x128xf32, #tpu.memory_space<vmem_shared>>
      tpu.enqueue_dma source(%arg5 : memref<632x128xf32, #tpu.memory_space<hbm>>) target(%dma_start3A_35 : memref<632x128xf32, #tpu.memory_space<vmem_shared>>) target_semaphore(%run_scoped3A_33 : memref<!tpu.dma_semaphore, #tpu.memory_space<semaphore_mem>>)
      %dma_wait3A = arith.constant 0 : i32
      %dma_wait3A_36 = tpu.memref_slice %arg7[%mul3A_0, %dma_wait3A] : memref<10112x128xf32, #tpu.memory_space<vmem_shared>> -> memref<632x128xf32, #tpu.memory_space<vmem_shared>>
      tpu.wait_dma2 semaphore(%run_scoped3A_33 : memref<!tpu.dma_semaphore, #tpu.memory_space<semaphore_mem>>) src(%arg5 : memref<632x128xf32, #tpu.memory_space<hbm>>) dst(%dma_wait3A_36 : memref<632x128xf32, #tpu.memory_space<vmem_shared>>)
      tpu.yield
    }) : () -> ()
    %barrier3A = arith.constant 0 : index
    tpu.barrier barrier_id(%barrier3A)
    %run_scoped3A = arith.constant 0 : i32
    "tpu.region"() ({
      %run_scoped3A_33 = tpu.sem_alloc : memref<!tpu.dma_semaphore, #tpu.memory_space<semaphore_mem>>
      %dma_start3A_34 = arith.constant 0 : i32
      %dma_start3A_35 = arith.constant 0 : i32
      %dma_start3A_36 = tpu.memref_slice %arg3[%arg0, %arg1, %run_scoped3A, %dma_start3A_34, %dma_start3A_35] : memref<2x16x2x80x64xi32, #tpu.memory_space<hbm>> -> memref<1x1x1x80x64xi32, #tpu.memory_space<hbm>>
      %dma_start3A_37 = tpu.memref_squeeze %dma_start3A_36 : memref<1x1x1x80x64xi32, #tpu.memory_space<hbm>> -> memref<80x64xi32, #tpu.memory_space<hbm>>
      %dma_start3A_38 = arith.constant 0 : i32
      %dma_start3A_39 = arith.constant 0 : i32
      %dma_start3A_40 = tpu.memref_slice %arg3[%arg0, %arg1, %run_scoped3A, %dma_start3A_38, %dma_start3A_39] : memref<2x16x2x80x64xi32, #tpu.memory_space<hbm>> -> memref<1x1x1x80x64xi32, #tpu.memory_space<hbm>>
      %dma_start3A_41 = tpu.memref_squeeze %dma_start3A_40 : memref<1x1x1x80x64xi32, #tpu.memory_space<hbm>> -> memref<80x64xi32, #tpu.memory_space<hbm>>
      tpu.enqueue_dma source(%dma_start3A_41 : memref<80x64xi32, #tpu.memory_space<hbm>>) target(%arg8 : memref<80x64xi32, #tpu.memory_space<vmem>>) target_semaphore(%run_scoped3A_33 : memref<!tpu.dma_semaphore, #tpu.memory_space<semaphore_mem>>)
      %dma_wait3A = arith.constant 0 : i32
      %dma_wait3A_42 = arith.constant 0 : i32
      %dma_wait3A_43 = tpu.memref_slice %arg3[%arg0, %arg1, %run_scoped3A, %dma_wait3A, %dma_wait3A_42] : memref<2x16x2x80x64xi32, #tpu.memory_space<hbm>> -> memref<1x1x1x80x64xi32, #tpu.memory_space<hbm>>
      %dma_wait3A_44 = tpu.memref_squeeze %dma_wait3A_43 : memref<1x1x1x80x64xi32, #tpu.memory_space<hbm>> -> memref<80x64xi32, #tpu.memory_space<hbm>>
      %dma_wait3A_45 = arith.constant 0 : i32
      %dma_wait3A_46 = arith.constant 0 : i32
      %dma_wait3A_47 = tpu.memref_slice %arg3[%arg0, %arg1, %run_scoped3A, %dma_wait3A_45, %dma_wait3A_46] : memref<2x16x2x80x64xi32, #tpu.memory_space<hbm>> -> memref<1x1x1x80x64xi32, #tpu.memory_space<hbm>>
      %dma_wait3A_48 = tpu.memref_squeeze %dma_wait3A_47 : memref<1x1x1x80x64xi32, #tpu.memory_space<hbm>> -> memref<80x64xi32, #tpu.memory_space<hbm>>
      tpu.wait_dma2 semaphore(%run_scoped3A_33 : memref<!tpu.dma_semaphore, #tpu.memory_space<semaphore_mem>>) src(%dma_wait3A_48 : memref<80x64xi32, #tpu.memory_space<hbm>>) dst(%arg8 : memref<80x64xi32, #tpu.memory_space<vmem>>)
      tpu.yield
    }) : () -> ()
    %run_scoped3A_1 = arith.constant 0 : i32
    "tpu.region"() ({
      %run_scoped3A_33 = tpu.sem_alloc : memref<!tpu.dma_semaphore, #tpu.memory_space<semaphore_mem>>
      %dma_start3A_34 = arith.constant 0 : i32
      %dma_start3A_35 = arith.constant 0 : i32
      %dma_start3A_36 = tpu.memref_slice %arg4[%arg1, %run_scoped3A_1, %dma_start3A_34, %dma_start3A_35] : memref<16x2x80x64xi32, #tpu.memory_space<hbm>> -> memref<1x1x80x64xi32, #tpu.memory_space<hbm>>
      %dma_start3A_37 = tpu.memref_squeeze %dma_start3A_36 : memref<1x1x80x64xi32, #tpu.memory_space<hbm>> -> memref<80x64xi32, #tpu.memory_space<hbm>>
      %dma_start3A_38 = arith.constant 0 : i32
      %dma_start3A_39 = arith.constant 0 : i32
      %dma_start3A_40 = tpu.memref_slice %arg4[%arg1, %run_scoped3A_1, %dma_start3A_38, %dma_start3A_39] : memref<16x2x80x64xi32, #tpu.memory_space<hbm>> -> memref<1x1x80x64xi32, #tpu.memory_space<hbm>>
      %dma_start3A_41 = tpu.memref_squeeze %dma_start3A_40 : memref<1x1x80x64xi32, #tpu.memory_space<hbm>> -> memref<80x64xi32, #tpu.memory_space<hbm>>
      tpu.enqueue_dma source(%dma_start3A_41 : memref<80x64xi32, #tpu.memory_space<hbm>>) target(%arg9 : memref<80x64xi32, #tpu.memory_space<vmem>>) target_semaphore(%run_scoped3A_33 : memref<!tpu.dma_semaphore, #tpu.memory_space<semaphore_mem>>)
      %dma_wait3A = arith.constant 0 : i32
      %dma_wait3A_42 = arith.constant 0 : i32
      %dma_wait3A_43 = tpu.memref_slice %arg4[%arg1, %run_scoped3A_1, %dma_wait3A, %dma_wait3A_42] : memref<16x2x80x64xi32, #tpu.memory_space<hbm>> -> memref<1x1x80x64xi32, #tpu.memory_space<hbm>>
      %dma_wait3A_44 = tpu.memref_squeeze %dma_wait3A_43 : memref<1x1x80x64xi32, #tpu.memory_space<hbm>> -> memref<80x64xi32, #tpu.memory_space<hbm>>
      %dma_wait3A_45 = arith.constant 0 : i32
      %dma_wait3A_46 = arith.constant 0 : i32
      %dma_wait3A_47 = tpu.memref_slice %arg4[%arg1, %run_scoped3A_1, %dma_wait3A_45, %dma_wait3A_46] : memref<16x2x80x64xi32, #tpu.memory_space<hbm>> -> memref<1x1x80x64xi32, #tpu.memory_space<hbm>>
      %dma_wait3A_48 = tpu.memref_squeeze %dma_wait3A_47 : memref<1x1x80x64xi32, #tpu.memory_space<hbm>> -> memref<80x64xi32, #tpu.memory_space<hbm>>
      tpu.wait_dma2 semaphore(%run_scoped3A_33 : memref<!tpu.dma_semaphore, #tpu.memory_space<semaphore_mem>>) src(%dma_wait3A_48 : memref<80x64xi32, #tpu.memory_space<hbm>>) dst(%arg9 : memref<80x64xi32, #tpu.memory_space<vmem>>)
      tpu.yield
    }) : () -> ()
    %dma_start3A = arith.constant 0 : i32
    %dma_start3A_2 = arith.constant 0 : i32
    %dma_start3A_3 = tpu.memref_slice %arg8[%dma_start3A, %dma_start3A_2] : memref<80x64xi32, #tpu.memory_space<vmem>> -> memref<1x64xi32, #tpu.memory_space<vmem>>
    %dma_start3A_4 = tpu.memref_squeeze %dma_start3A_3 : memref<1x64xi32, #tpu.memory_space<vmem>> -> memref<64xi32, #tpu.memory_space<vmem>>
    %dma_start3A_5 = arith.constant 0 : i32
    %dma_start3A_6 = arith.constant 0 : i32
    %dma_start3A_7 = tpu.memref_slice %arg2[%dma_start3A_5, %dma_start3A_6] : memref<20000x128xf32, #tpu.memory_space<hbm>> -> memref<20000x128xf32, #tpu.memory_space<hbm>>
    tpu.enqueue_indirect_dma source(%dma_start3A_7 : memref<20000x128xf32, #tpu.memory_space<hbm>>) target(%arg10 : memref<64x128xf32, #tpu.memory_space<vmem>>) offsets(%dma_start3A_4 : memref<64xi32, #tpu.memory_space<vmem>>) semaphore(%arg12 : memref<!tpu.dma_semaphore, #tpu.memory_space<semaphore_mem>>)
    %scan3A = arith.constant 0 : i32
    %scan3A_8 = arith.constant 40 : i32
    %scan3A_9 = arith.addi %scan3A, %scan3A_8 : i32
    %scan3A_10 = arith.constant 1 : i32
    scf.for %scan3A_33 = %scan3A to %scan3A_9 step %scan3A_10  : i32 {
      %mul3A_34 = arith.constant 1 : i32
      %mul3A_35 = arith.muli %scan3A_33, %mul3A_34 : i32
      %add3A = arith.constant 0 : i32
      %add3A_36 = arith.addi %add3A, %mul3A_35 : i32
      %mul3A_37 = arith.constant 2 : i32
      %mul3A_38 = arith.muli %add3A_36, %mul3A_37 : i32
      %add3A_39 = arith.constant 1 : i32
      %add3A_40 = arith.addi %mul3A_38, %add3A_39 : i32
      %dma_start3A_41 = arith.constant 0 : i32
      %dma_start3A_42 = tpu.memref_slice %arg8[%add3A_40, %dma_start3A_41] : memref<80x64xi32, #tpu.memory_space<vmem>> -> memref<1x64xi32, #tpu.memory_space<vmem>>
      %dma_start3A_43 = tpu.memref_squeeze %dma_start3A_42 : memref<1x64xi32, #tpu.memory_space<vmem>> -> memref<64xi32, #tpu.memory_space<vmem>>
      %dma_start3A_44 = arith.constant 0 : i32
      %dma_start3A_45 = arith.constant 0 : i32
      %dma_start3A_46 = tpu.memref_slice %arg2[%dma_start3A_44, %dma_start3A_45] : memref<20000x128xf32, #tpu.memory_space<hbm>> -> memref<20000x128xf32, #tpu.memory_space<hbm>>
      tpu.enqueue_indirect_dma source(%dma_start3A_46 : memref<20000x128xf32, #tpu.memory_space<hbm>>) target(%arg11 : memref<64x128xf32, #tpu.memory_space<vmem>>) offsets(%dma_start3A_43 : memref<64xi32, #tpu.memory_space<vmem>>) semaphore(%arg13 : memref<!tpu.dma_semaphore, #tpu.memory_space<semaphore_mem>>)
      %dma_wait3A = arith.constant 0 : i32
      %dma_wait3A_47 = tpu.memref_slice %arg8[%mul3A_38, %dma_wait3A] : memref<80x64xi32, #tpu.memory_space<vmem>> -> memref<1x64xi32, #tpu.memory_space<vmem>>
      %dma_wait3A_48 = tpu.memref_squeeze %dma_wait3A_47 : memref<1x64xi32, #tpu.memory_space<vmem>> -> memref<64xi32, #tpu.memory_space<vmem>>
      %dma_wait3A_49 = arith.constant 0 : i32
      %dma_wait3A_50 = arith.constant 0 : i32
      %dma_wait3A_51 = tpu.memref_slice %arg2[%dma_wait3A_49, %dma_wait3A_50] : memref<20000x128xf32, #tpu.memory_space<hbm>> -> memref<20000x128xf32, #tpu.memory_space<hbm>>
      tpu.wait_indirect_dma semaphore(%arg12 : memref<!tpu.dma_semaphore, #tpu.memory_space<semaphore_mem>>) src(%dma_wait3A_51 : memref<20000x128xf32, #tpu.memory_space<hbm>>) dst(%arg10 : memref<64x128xf32, #tpu.memory_space<vmem>>)
      "tpu.region"() ({
        %run_scoped3A_66 = tpu.sem_alloc : memref<!tpu.dma_semaphore, #tpu.memory_space<semaphore_mem>>
        %dma_start3A_67 = arith.constant 0 : i32
        %dma_start3A_68 = tpu.memref_slice %arg9[%mul3A_38, %dma_start3A_67] : memref<80x64xi32, #tpu.memory_space<vmem>> -> memref<1x64xi32, #tpu.memory_space<vmem>>
        %dma_start3A_69 = tpu.memref_squeeze %dma_start3A_68 : memref<1x64xi32, #tpu.memory_space<vmem>> -> memref<64xi32, #tpu.memory_space<vmem>>
        %dma_start3A_70 = arith.constant 0 : i32
        %dma_start3A_71 = arith.constant 0 : i32
        %dma_start3A_72 = tpu.memref_slice %arg7[%dma_start3A_70, %dma_start3A_71] : memref<10112x128xf32, #tpu.memory_space<vmem_shared>> -> memref<10112x128xf32, #tpu.memory_space<vmem_shared>>
        tpu.enqueue_indirect_dma source(%arg10 : memref<64x128xf32, #tpu.memory_space<vmem>>) target(%dma_start3A_72 : memref<10112x128xf32, #tpu.memory_space<vmem_shared>>) offsets(%dma_start3A_69 : memref<64xi32, #tpu.memory_space<vmem>>) semaphore(%run_scoped3A_66 : memref<!tpu.dma_semaphore, #tpu.memory_space<semaphore_mem>>) {add = true}
        %dma_wait3A_73 = arith.constant 0 : i32
        %dma_wait3A_74 = tpu.memref_slice %arg9[%mul3A_38, %dma_wait3A_73] : memref<80x64xi32, #tpu.memory_space<vmem>> -> memref<1x64xi32, #tpu.memory_space<vmem>>
        %dma_wait3A_75 = tpu.memref_squeeze %dma_wait3A_74 : memref<1x64xi32, #tpu.memory_space<vmem>> -> memref<64xi32, #tpu.memory_space<vmem>>
        %dma_wait3A_76 = arith.constant 0 : i32
        %dma_wait3A_77 = arith.constant 0 : i32
        %dma_wait3A_78 = tpu.memref_slice %arg7[%dma_wait3A_76, %dma_wait3A_77] : memref<10112x128xf32, #tpu.memory_space<vmem_shared>> -> memref<10112x128xf32, #tpu.memory_space<vmem_shared>>
        tpu.wait_indirect_dma semaphore(%run_scoped3A_66 : memref<!tpu.dma_semaphore, #tpu.memory_space<semaphore_mem>>) src(%arg10 : memref<64x128xf32, #tpu.memory_space<vmem>>) dst(%dma_wait3A_78 : memref<10112x128xf32, #tpu.memory_space<vmem_shared>>)
        tpu.yield
      }) : () -> ()
      %lt3A = arith.constant 39 : i32
      %lt3A_52 = arith.cmpi slt, %add3A_36, %lt3A : i32
      %convert_element_type3A_53 = arith.extui %lt3A_52 : i1 to i32
      %cond3A_54 = arith.constant 0 : i32
      %cond3A_55 = arith.cmpi ne, %convert_element_type3A_53, %cond3A_54 : i32
      scf.if %cond3A_55 {
        %add3A_66 = arith.constant 2 : i32
        %add3A_67 = arith.addi %mul3A_38, %add3A_66 : i32
        %dma_start3A_68 = arith.constant 0 : i32
        %dma_start3A_69 = tpu.memref_slice %arg8[%add3A_67, %dma_start3A_68] : memref<80x64xi32, #tpu.memory_space<vmem>> -> memref<1x64xi32, #tpu.memory_space<vmem>>
        %dma_start3A_70 = tpu.memref_squeeze %dma_start3A_69 : memref<1x64xi32, #tpu.memory_space<vmem>> -> memref<64xi32, #tpu.memory_space<vmem>>
        %dma_start3A_71 = arith.constant 0 : i32
        %dma_start3A_72 = arith.constant 0 : i32
        %dma_start3A_73 = tpu.memref_slice %arg2[%dma_start3A_71, %dma_start3A_72] : memref<20000x128xf32, #tpu.memory_space<hbm>> -> memref<20000x128xf32, #tpu.memory_space<hbm>>
        tpu.enqueue_indirect_dma source(%dma_start3A_73 : memref<20000x128xf32, #tpu.memory_space<hbm>>) target(%arg10 : memref<64x128xf32, #tpu.memory_space<vmem>>) offsets(%dma_start3A_70 : memref<64xi32, #tpu.memory_space<vmem>>) semaphore(%arg12 : memref<!tpu.dma_semaphore, #tpu.memory_space<semaphore_mem>>)
      } else {
      }
      %add3A_56 = arith.constant 1 : i32
      %add3A_57 = arith.addi %mul3A_38, %add3A_56 : i32
      %dma_wait3A_58 = arith.constant 0 : i32
      %dma_wait3A_59 = tpu.memref_slice %arg8[%add3A_57, %dma_wait3A_58] : memref<80x64xi32, #tpu.memory_space<vmem>> -> memref<1x64xi32, #tpu.memory_space<vmem>>
      %dma_wait3A_60 = tpu.memref_squeeze %dma_wait3A_59 : memref<1x64xi32, #tpu.memory_space<vmem>> -> memref<64xi32, #tpu.memory_space<vmem>>
      %dma_wait3A_61 = arith.constant 0 : i32
      %dma_wait3A_62 = arith.constant 0 : i32
      %dma_wait3A_63 = tpu.memref_slice %arg2[%dma_wait3A_61, %dma_wait3A_62] : memref<20000x128xf32, #tpu.memory_space<hbm>> -> memref<20000x128xf32, #tpu.memory_space<hbm>>
      tpu.wait_indirect_dma semaphore(%arg13 : memref<!tpu.dma_semaphore, #tpu.memory_space<semaphore_mem>>) src(%dma_wait3A_63 : memref<20000x128xf32, #tpu.memory_space<hbm>>) dst(%arg11 : memref<64x128xf32, #tpu.memory_space<vmem>>)
      %add3A_64 = arith.constant 1 : i32
      %add3A_65 = arith.addi %mul3A_38, %add3A_64 : i32
      "tpu.region"() ({
        %run_scoped3A_66 = tpu.sem_alloc : memref<!tpu.dma_semaphore, #tpu.memory_space<semaphore_mem>>
        %dma_start3A_67 = arith.constant 0 : i32
        %dma_start3A_68 = tpu.memref_slice %arg9[%add3A_65, %dma_start3A_67] : memref<80x64xi32, #tpu.memory_space<vmem>> -> memref<1x64xi32, #tpu.memory_space<vmem>>
        %dma_start3A_69 = tpu.memref_squeeze %dma_start3A_68 : memref<1x64xi32, #tpu.memory_space<vmem>> -> memref<64xi32, #tpu.memory_space<vmem>>
        %dma_start3A_70 = arith.constant 0 : i32
        %dma_start3A_71 = arith.constant 0 : i32
        %dma_start3A_72 = tpu.memref_slice %arg7[%dma_start3A_70, %dma_start3A_71] : memref<10112x128xf32, #tpu.memory_space<vmem_shared>> -> memref<10112x128xf32, #tpu.memory_space<vmem_shared>>
        tpu.enqueue_indirect_dma source(%arg11 : memref<64x128xf32, #tpu.memory_space<vmem>>) target(%dma_start3A_72 : memref<10112x128xf32, #tpu.memory_space<vmem_shared>>) offsets(%dma_start3A_69 : memref<64xi32, #tpu.memory_space<vmem>>) semaphore(%run_scoped3A_66 : memref<!tpu.dma_semaphore, #tpu.memory_space<semaphore_mem>>) {add = true}
        %dma_wait3A_73 = arith.constant 0 : i32
        %dma_wait3A_74 = tpu.memref_slice %arg9[%add3A_65, %dma_wait3A_73] : memref<80x64xi32, #tpu.memory_space<vmem>> -> memref<1x64xi32, #tpu.memory_space<vmem>>
        %dma_wait3A_75 = tpu.memref_squeeze %dma_wait3A_74 : memref<1x64xi32, #tpu.memory_space<vmem>> -> memref<64xi32, #tpu.memory_space<vmem>>
        %dma_wait3A_76 = arith.constant 0 : i32
        %dma_wait3A_77 = arith.constant 0 : i32
        %dma_wait3A_78 = tpu.memref_slice %arg7[%dma_wait3A_76, %dma_wait3A_77] : memref<10112x128xf32, #tpu.memory_space<vmem_shared>> -> memref<10112x128xf32, #tpu.memory_space<vmem_shared>>
        tpu.wait_indirect_dma semaphore(%run_scoped3A_66 : memref<!tpu.dma_semaphore, #tpu.memory_space<semaphore_mem>>) src(%arg11 : memref<64x128xf32, #tpu.memory_space<vmem>>) dst(%dma_wait3A_78 : memref<10112x128xf32, #tpu.memory_space<vmem_shared>>)
        tpu.yield
      }) : () -> ()
    }
    %scan3A_11 = arith.constant 40 : i32
    %run_scoped3A_12 = arith.constant 1 : i32
    "tpu.region"() ({
      %run_scoped3A_33 = tpu.sem_alloc : memref<!tpu.dma_semaphore, #tpu.memory_space<semaphore_mem>>
      %dma_start3A_34 = arith.constant 0 : i32
      %dma_start3A_35 = arith.constant 0 : i32
      %dma_start3A_36 = tpu.memref_slice %arg3[%arg0, %arg1, %run_scoped3A_12, %dma_start3A_34, %dma_start3A_35] : memref<2x16x2x80x64xi32, #tpu.memory_space<hbm>> -> memref<1x1x1x80x64xi32, #tpu.memory_space<hbm>>
      %dma_start3A_37 = tpu.memref_squeeze %dma_start3A_36 : memref<1x1x1x80x64xi32, #tpu.memory_space<hbm>> -> memref<80x64xi32, #tpu.memory_space<hbm>>
      %dma_start3A_38 = arith.constant 0 : i32
      %dma_start3A_39 = arith.constant 0 : i32
      %dma_start3A_40 = tpu.memref_slice %arg3[%arg0, %arg1, %run_scoped3A_12, %dma_start3A_38, %dma_start3A_39] : memref<2x16x2x80x64xi32, #tpu.memory_space<hbm>> -> memref<1x1x1x80x64xi32, #tpu.memory_space<hbm>>
      %dma_start3A_41 = tpu.memref_squeeze %dma_start3A_40 : memref<1x1x1x80x64xi32, #tpu.memory_space<hbm>> -> memref<80x64xi32, #tpu.memory_space<hbm>>
      tpu.enqueue_dma source(%dma_start3A_41 : memref<80x64xi32, #tpu.memory_space<hbm>>) target(%arg8 : memref<80x64xi32, #tpu.memory_space<vmem>>) target_semaphore(%run_scoped3A_33 : memref<!tpu.dma_semaphore, #tpu.memory_space<semaphore_mem>>)
      %dma_wait3A = arith.constant 0 : i32
      %dma_wait3A_42 = arith.constant 0 : i32
      %dma_wait3A_43 = tpu.memref_slice %arg3[%arg0, %arg1, %run_scoped3A_12, %dma_wait3A, %dma_wait3A_42] : memref<2x16x2x80x64xi32, #tpu.memory_space<hbm>> -> memref<1x1x1x80x64xi32, #tpu.memory_space<hbm>>
      %dma_wait3A_44 = tpu.memref_squeeze %dma_wait3A_43 : memref<1x1x1x80x64xi32, #tpu.memory_space<hbm>> -> memref<80x64xi32, #tpu.memory_space<hbm>>
      %dma_wait3A_45 = arith.constant 0 : i32
      %dma_wait3A_46 = arith.constant 0 : i32
      %dma_wait3A_47 = tpu.memref_slice %arg3[%arg0, %arg1, %run_scoped3A_12, %dma_wait3A_45, %dma_wait3A_46] : memref<2x16x2x80x64xi32, #tpu.memory_space<hbm>> -> memref<1x1x1x80x64xi32, #tpu.memory_space<hbm>>
      %dma_wait3A_48 = tpu.memref_squeeze %dma_wait3A_47 : memref<1x1x1x80x64xi32, #tpu.memory_space<hbm>> -> memref<80x64xi32, #tpu.memory_space<hbm>>
      tpu.wait_dma2 semaphore(%run_scoped3A_33 : memref<!tpu.dma_semaphore, #tpu.memory_space<semaphore_mem>>) src(%dma_wait3A_48 : memref<80x64xi32, #tpu.memory_space<hbm>>) dst(%arg8 : memref<80x64xi32, #tpu.memory_space<vmem>>)
      tpu.yield
    }) : () -> ()
    %run_scoped3A_13 = arith.constant 1 : i32
    "tpu.region"() ({
      %run_scoped3A_33 = tpu.sem_alloc : memref<!tpu.dma_semaphore, #tpu.memory_space<semaphore_mem>>
      %dma_start3A_34 = arith.constant 0 : i32
      %dma_start3A_35 = arith.constant 0 : i32
      %dma_start3A_36 = tpu.memref_slice %arg4[%arg1, %run_scoped3A_13, %dma_start3A_34, %dma_start3A_35] : memref<16x2x80x64xi32, #tpu.memory_space<hbm>> -> memref<1x1x80x64xi32, #tpu.memory_space<hbm>>
      %dma_start3A_37 = tpu.memref_squeeze %dma_start3A_36 : memref<1x1x80x64xi32, #tpu.memory_space<hbm>> -> memref<80x64xi32, #tpu.memory_space<hbm>>
      %dma_start3A_38 = arith.constant 0 : i32
      %dma_start3A_39 = arith.constant 0 : i32
      %dma_start3A_40 = tpu.memref_slice %arg4[%arg1, %run_scoped3A_13, %dma_start3A_38, %dma_start3A_39] : memref<16x2x80x64xi32, #tpu.memory_space<hbm>> -> memref<1x1x80x64xi32, #tpu.memory_space<hbm>>
      %dma_start3A_41 = tpu.memref_squeeze %dma_start3A_40 : memref<1x1x80x64xi32, #tpu.memory_space<hbm>> -> memref<80x64xi32, #tpu.memory_space<hbm>>
      tpu.enqueue_dma source(%dma_start3A_41 : memref<80x64xi32, #tpu.memory_space<hbm>>) target(%arg9 : memref<80x64xi32, #tpu.memory_space<vmem>>) target_semaphore(%run_scoped3A_33 : memref<!tpu.dma_semaphore, #tpu.memory_space<semaphore_mem>>)
      %dma_wait3A = arith.constant 0 : i32
      %dma_wait3A_42 = arith.constant 0 : i32
      %dma_wait3A_43 = tpu.memref_slice %arg4[%arg1, %run_scoped3A_13, %dma_wait3A, %dma_wait3A_42] : memref<16x2x80x64xi32, #tpu.memory_space<hbm>> -> memref<1x1x80x64xi32, #tpu.memory_space<hbm>>
      %dma_wait3A_44 = tpu.memref_squeeze %dma_wait3A_43 : memref<1x1x80x64xi32, #tpu.memory_space<hbm>> -> memref<80x64xi32, #tpu.memory_space<hbm>>
      %dma_wait3A_45 = arith.constant 0 : i32
      %dma_wait3A_46 = arith.constant 0 : i32
      %dma_wait3A_47 = tpu.memref_slice %arg4[%arg1, %run_scoped3A_13, %dma_wait3A_45, %dma_wait3A_46] : memref<16x2x80x64xi32, #tpu.memory_space<hbm>> -> memref<1x1x80x64xi32, #tpu.memory_space<hbm>>
      %dma_wait3A_48 = tpu.memref_squeeze %dma_wait3A_47 : memref<1x1x80x64xi32, #tpu.memory_space<hbm>> -> memref<80x64xi32, #tpu.memory_space<hbm>>
      tpu.wait_dma2 semaphore(%run_scoped3A_33 : memref<!tpu.dma_semaphore, #tpu.memory_space<semaphore_mem>>) src(%dma_wait3A_48 : memref<80x64xi32, #tpu.memory_space<hbm>>) dst(%arg9 : memref<80x64xi32, #tpu.memory_space<vmem>>)
      tpu.yield
    }) : () -> ()
    %dma_start3A_14 = arith.constant 0 : i32
    %dma_start3A_15 = arith.constant 0 : i32
    %dma_start3A_16 = tpu.memref_slice %arg8[%dma_start3A_14, %dma_start3A_15] : memref<80x64xi32, #tpu.memory_space<vmem>> -> memref<1x64xi32, #tpu.memory_space<vmem>>
    %dma_start3A_17 = tpu.memref_squeeze %dma_start3A_16 : memref<1x64xi32, #tpu.memory_space<vmem>> -> memref<64xi32, #tpu.memory_space<vmem>>
    %dma_start3A_18 = arith.constant 0 : i32
    %dma_start3A_19 = arith.constant 0 : i32
    %dma_start3A_20 = tpu.memref_slice %arg2[%dma_start3A_18, %dma_start3A_19] : memref<20000x128xf32, #tpu.memory_space<hbm>> -> memref<20000x128xf32, #tpu.memory_space<hbm>>
    tpu.enqueue_indirect_dma source(%dma_start3A_20 : memref<20000x128xf32, #tpu.memory_space<hbm>>) target(%arg10 : memref<64x128xf32, #tpu.memory_space<vmem>>) offsets(%dma_start3A_17 : memref<64xi32, #tpu.memory_space<vmem>>) semaphore(%arg12 : memref<!tpu.dma_semaphore, #tpu.memory_space<semaphore_mem>>)
    %scan3A_21 = arith.constant 0 : i32
    %scan3A_22 = arith.constant 40 : i32
    %scan3A_23 = arith.addi %scan3A_21, %scan3A_22 : i32
    %scan3A_24 = arith.constant 1 : i32
    scf.for %scan3A_33 = %scan3A_21 to %scan3A_23 step %scan3A_24  : i32 {
      %mul3A_34 = arith.constant 1 : i32
      %mul3A_35 = arith.muli %scan3A_33, %mul3A_34 : i32
      %add3A = arith.constant 0 : i32
      %add3A_36 = arith.addi %add3A, %mul3A_35 : i32
      %mul3A_37 = arith.constant 2 : i32
      %mul3A_38 = arith.muli %add3A_36, %mul3A_37 : i32
      %add3A_39 = arith.constant 1 : i32
      %add3A_40 = arith.addi %mul3A_38, %add3A_39 : i32
      %dma_start3A_41 = arith.constant 0 : i32
      %dma_start3A_42 = tpu.memref_slice %arg8[%add3A_40, %dma_start3A_41] : memref<80x64xi32, #tpu.memory_space<vmem>> -> memref<1x64xi32, #tpu.memory_space<vmem>>
      %dma_start3A_43 = tpu.memref_squeeze %dma_start3A_42 : memref<1x64xi32, #tpu.memory_space<vmem>> -> memref<64xi32, #tpu.memory_space<vmem>>
      %dma_start3A_44 = arith.constant 0 : i32
      %dma_start3A_45 = arith.constant 0 : i32
      %dma_start3A_46 = tpu.memref_slice %arg2[%dma_start3A_44, %dma_start3A_45] : memref<20000x128xf32, #tpu.memory_space<hbm>> -> memref<20000x128xf32, #tpu.memory_space<hbm>>
      tpu.enqueue_indirect_dma source(%dma_start3A_46 : memref<20000x128xf32, #tpu.memory_space<hbm>>) target(%arg11 : memref<64x128xf32, #tpu.memory_space<vmem>>) offsets(%dma_start3A_43 : memref<64xi32, #tpu.memory_space<vmem>>) semaphore(%arg13 : memref<!tpu.dma_semaphore, #tpu.memory_space<semaphore_mem>>)
      %dma_wait3A = arith.constant 0 : i32
      %dma_wait3A_47 = tpu.memref_slice %arg8[%mul3A_38, %dma_wait3A] : memref<80x64xi32, #tpu.memory_space<vmem>> -> memref<1x64xi32, #tpu.memory_space<vmem>>
      %dma_wait3A_48 = tpu.memref_squeeze %dma_wait3A_47 : memref<1x64xi32, #tpu.memory_space<vmem>> -> memref<64xi32, #tpu.memory_space<vmem>>
      %dma_wait3A_49 = arith.constant 0 : i32
      %dma_wait3A_50 = arith.constant 0 : i32
      %dma_wait3A_51 = tpu.memref_slice %arg2[%dma_wait3A_49, %dma_wait3A_50] : memref<20000x128xf32, #tpu.memory_space<hbm>> -> memref<20000x128xf32, #tpu.memory_space<hbm>>
      tpu.wait_indirect_dma semaphore(%arg12 : memref<!tpu.dma_semaphore, #tpu.memory_space<semaphore_mem>>) src(%dma_wait3A_51 : memref<20000x128xf32, #tpu.memory_space<hbm>>) dst(%arg10 : memref<64x128xf32, #tpu.memory_space<vmem>>)
      "tpu.region"() ({
        %run_scoped3A_66 = tpu.sem_alloc : memref<!tpu.dma_semaphore, #tpu.memory_space<semaphore_mem>>
        %dma_start3A_67 = arith.constant 0 : i32
        %dma_start3A_68 = tpu.memref_slice %arg9[%mul3A_38, %dma_start3A_67] : memref<80x64xi32, #tpu.memory_space<vmem>> -> memref<1x64xi32, #tpu.memory_space<vmem>>
        %dma_start3A_69 = tpu.memref_squeeze %dma_start3A_68 : memref<1x64xi32, #tpu.memory_space<vmem>> -> memref<64xi32, #tpu.memory_space<vmem>>
        %dma_start3A_70 = arith.constant 0 : i32
        %dma_start3A_71 = arith.constant 0 : i32
        %dma_start3A_72 = tpu.memref_slice %arg7[%dma_start3A_70, %dma_start3A_71] : memref<10112x128xf32, #tpu.memory_space<vmem_shared>> -> memref<10112x128xf32, #tpu.memory_space<vmem_shared>>
        tpu.enqueue_indirect_dma source(%arg10 : memref<64x128xf32, #tpu.memory_space<vmem>>) target(%dma_start3A_72 : memref<10112x128xf32, #tpu.memory_space<vmem_shared>>) offsets(%dma_start3A_69 : memref<64xi32, #tpu.memory_space<vmem>>) semaphore(%run_scoped3A_66 : memref<!tpu.dma_semaphore, #tpu.memory_space<semaphore_mem>>) {add = true}
        %dma_wait3A_73 = arith.constant 0 : i32
        %dma_wait3A_74 = tpu.memref_slice %arg9[%mul3A_38, %dma_wait3A_73] : memref<80x64xi32, #tpu.memory_space<vmem>> -> memref<1x64xi32, #tpu.memory_space<vmem>>
        %dma_wait3A_75 = tpu.memref_squeeze %dma_wait3A_74 : memref<1x64xi32, #tpu.memory_space<vmem>> -> memref<64xi32, #tpu.memory_space<vmem>>
        %dma_wait3A_76 = arith.constant 0 : i32
        %dma_wait3A_77 = arith.constant 0 : i32
        %dma_wait3A_78 = tpu.memref_slice %arg7[%dma_wait3A_76, %dma_wait3A_77] : memref<10112x128xf32, #tpu.memory_space<vmem_shared>> -> memref<10112x128xf32, #tpu.memory_space<vmem_shared>>
        tpu.wait_indirect_dma semaphore(%run_scoped3A_66 : memref<!tpu.dma_semaphore, #tpu.memory_space<semaphore_mem>>) src(%arg10 : memref<64x128xf32, #tpu.memory_space<vmem>>) dst(%dma_wait3A_78 : memref<10112x128xf32, #tpu.memory_space<vmem_shared>>)
        tpu.yield
      }) : () -> ()
      %lt3A = arith.constant 39 : i32
      %lt3A_52 = arith.cmpi slt, %add3A_36, %lt3A : i32
      %convert_element_type3A_53 = arith.extui %lt3A_52 : i1 to i32
      %cond3A_54 = arith.constant 0 : i32
      %cond3A_55 = arith.cmpi ne, %convert_element_type3A_53, %cond3A_54 : i32
      scf.if %cond3A_55 {
        %add3A_66 = arith.constant 2 : i32
        %add3A_67 = arith.addi %mul3A_38, %add3A_66 : i32
        %dma_start3A_68 = arith.constant 0 : i32
        %dma_start3A_69 = tpu.memref_slice %arg8[%add3A_67, %dma_start3A_68] : memref<80x64xi32, #tpu.memory_space<vmem>> -> memref<1x64xi32, #tpu.memory_space<vmem>>
        %dma_start3A_70 = tpu.memref_squeeze %dma_start3A_69 : memref<1x64xi32, #tpu.memory_space<vmem>> -> memref<64xi32, #tpu.memory_space<vmem>>
        %dma_start3A_71 = arith.constant 0 : i32
        %dma_start3A_72 = arith.constant 0 : i32
        %dma_start3A_73 = tpu.memref_slice %arg2[%dma_start3A_71, %dma_start3A_72] : memref<20000x128xf32, #tpu.memory_space<hbm>> -> memref<20000x128xf32, #tpu.memory_space<hbm>>
        tpu.enqueue_indirect_dma source(%dma_start3A_73 : memref<20000x128xf32, #tpu.memory_space<hbm>>) target(%arg10 : memref<64x128xf32, #tpu.memory_space<vmem>>) offsets(%dma_start3A_70 : memref<64xi32, #tpu.memory_space<vmem>>) semaphore(%arg12 : memref<!tpu.dma_semaphore, #tpu.memory_space<semaphore_mem>>)
      } else {
      }
      %add3A_56 = arith.constant 1 : i32
      %add3A_57 = arith.addi %mul3A_38, %add3A_56 : i32
      %dma_wait3A_58 = arith.constant 0 : i32
      %dma_wait3A_59 = tpu.memref_slice %arg8[%add3A_57, %dma_wait3A_58] : memref<80x64xi32, #tpu.memory_space<vmem>> -> memref<1x64xi32, #tpu.memory_space<vmem>>
      %dma_wait3A_60 = tpu.memref_squeeze %dma_wait3A_59 : memref<1x64xi32, #tpu.memory_space<vmem>> -> memref<64xi32, #tpu.memory_space<vmem>>
      %dma_wait3A_61 = arith.constant 0 : i32
      %dma_wait3A_62 = arith.constant 0 : i32
      %dma_wait3A_63 = tpu.memref_slice %arg2[%dma_wait3A_61, %dma_wait3A_62] : memref<20000x128xf32, #tpu.memory_space<hbm>> -> memref<20000x128xf32, #tpu.memory_space<hbm>>
      tpu.wait_indirect_dma semaphore(%arg13 : memref<!tpu.dma_semaphore, #tpu.memory_space<semaphore_mem>>) src(%dma_wait3A_63 : memref<20000x128xf32, #tpu.memory_space<hbm>>) dst(%arg11 : memref<64x128xf32, #tpu.memory_space<vmem>>)
      %add3A_64 = arith.constant 1 : i32
      %add3A_65 = arith.addi %mul3A_38, %add3A_64 : i32
      "tpu.region"() ({
        %run_scoped3A_66 = tpu.sem_alloc : memref<!tpu.dma_semaphore, #tpu.memory_space<semaphore_mem>>
        %dma_start3A_67 = arith.constant 0 : i32
        %dma_start3A_68 = tpu.memref_slice %arg9[%add3A_65, %dma_start3A_67] : memref<80x64xi32, #tpu.memory_space<vmem>> -> memref<1x64xi32, #tpu.memory_space<vmem>>
        %dma_start3A_69 = tpu.memref_squeeze %dma_start3A_68 : memref<1x64xi32, #tpu.memory_space<vmem>> -> memref<64xi32, #tpu.memory_space<vmem>>
        %dma_start3A_70 = arith.constant 0 : i32
        %dma_start3A_71 = arith.constant 0 : i32
        %dma_start3A_72 = tpu.memref_slice %arg7[%dma_start3A_70, %dma_start3A_71] : memref<10112x128xf32, #tpu.memory_space<vmem_shared>> -> memref<10112x128xf32, #tpu.memory_space<vmem_shared>>
        tpu.enqueue_indirect_dma source(%arg11 : memref<64x128xf32, #tpu.memory_space<vmem>>) target(%dma_start3A_72 : memref<10112x128xf32, #tpu.memory_space<vmem_shared>>) offsets(%dma_start3A_69 : memref<64xi32, #tpu.memory_space<vmem>>) semaphore(%run_scoped3A_66 : memref<!tpu.dma_semaphore, #tpu.memory_space<semaphore_mem>>) {add = true}
        %dma_wait3A_73 = arith.constant 0 : i32
        %dma_wait3A_74 = tpu.memref_slice %arg9[%add3A_65, %dma_wait3A_73] : memref<80x64xi32, #tpu.memory_space<vmem>> -> memref<1x64xi32, #tpu.memory_space<vmem>>
        %dma_wait3A_75 = tpu.memref_squeeze %dma_wait3A_74 : memref<1x64xi32, #tpu.memory_space<vmem>> -> memref<64xi32, #tpu.memory_space<vmem>>
        %dma_wait3A_76 = arith.constant 0 : i32
        %dma_wait3A_77 = arith.constant 0 : i32
        %dma_wait3A_78 = tpu.memref_slice %arg7[%dma_wait3A_76, %dma_wait3A_77] : memref<10112x128xf32, #tpu.memory_space<vmem_shared>> -> memref<10112x128xf32, #tpu.memory_space<vmem_shared>>
        tpu.wait_indirect_dma semaphore(%run_scoped3A_66 : memref<!tpu.dma_semaphore, #tpu.memory_space<semaphore_mem>>) src(%arg11 : memref<64x128xf32, #tpu.memory_space<vmem>>) dst(%dma_wait3A_78 : memref<10112x128xf32, #tpu.memory_space<vmem_shared>>)
        tpu.yield
      }) : () -> ()
    }
    %scan3A_25 = arith.constant 40 : i32
    %barrier3A_26 = arith.constant 0 : index
    tpu.barrier barrier_id(%barrier3A_26)
    %mul3A_27 = arith.constant 624 : i32
    %mul3A_28 = arith.muli %arg1, %mul3A_27 : i32
    %mul3A_29 = arith.constant 624 : i32
    %mul3A_30 = arith.muli %arg1, %mul3A_29 : i32
    "tpu.region"() ({
      %run_scoped3A_33 = tpu.sem_alloc : memref<!tpu.dma_semaphore, #tpu.memory_space<semaphore_mem>>
      %dma_start3A_34 = arith.constant 0 : i32
      %dma_start3A_35 = tpu.memref_slice %arg6[%arg0, %mul3A_30, %dma_start3A_34] : memref<2x10000x128xf32, #tpu.memory_space<hbm>> -> memref<1x624x128xf32, #tpu.memory_space<hbm>>
      %dma_start3A_36 = tpu.memref_squeeze %dma_start3A_35 : memref<1x624x128xf32, #tpu.memory_space<hbm>> -> memref<624x128xf32, #tpu.memory_space<hbm>>
      %dma_start3A_37 = arith.constant 0 : i32
      %dma_start3A_38 = tpu.memref_slice %arg7[%mul3A_28, %dma_start3A_37] : memref<10112x128xf32, #tpu.memory_space<vmem_shared>> -> memref<624x128xf32, #tpu.memory_space<vmem_shared>>
      tpu.enqueue_dma source(%dma_start3A_38 : memref<624x128xf32, #tpu.memory_space<vmem_shared>>) target(%dma_start3A_36 : memref<624x128xf32, #tpu.memory_space<hbm>>) target_semaphore(%run_scoped3A_33 : memref<!tpu.dma_semaphore, #tpu.memory_space<semaphore_mem>>)
      %dma_wait3A = arith.constant 0 : i32
      %dma_wait3A_39 = tpu.memref_slice %arg6[%arg0, %mul3A_30, %dma_wait3A] : memref<2x10000x128xf32, #tpu.memory_space<hbm>> -> memref<1x624x128xf32, #tpu.memory_space<hbm>>
      %dma_wait3A_40 = tpu.memref_squeeze %dma_wait3A_39 : memref<1x624x128xf32, #tpu.memory_space<hbm>> -> memref<624x128xf32, #tpu.memory_space<hbm>>
      %dma_wait3A_41 = arith.constant 0 : i32
      %dma_wait3A_42 = tpu.memref_slice %arg7[%mul3A_28, %dma_wait3A_41] : memref<10112x128xf32, #tpu.memory_space<vmem_shared>> -> memref<624x128xf32, #tpu.memory_space<vmem_shared>>
      tpu.wait_dma2 semaphore(%run_scoped3A_33 : memref<!tpu.dma_semaphore, #tpu.memory_space<semaphore_mem>>) src(%dma_wait3A_42 : memref<624x128xf32, #tpu.memory_space<vmem_shared>>) dst(%dma_wait3A_40 : memref<624x128xf32, #tpu.memory_space<hbm>>)
      tpu.yield
    }) : () -> ()
    %eq3A = arith.constant 0 : i32
    %eq3A_31 = arith.cmpi eq, %arg1, %eq3A : i32
    %convert_element_type3A = arith.extui %eq3A_31 : i1 to i32
    %cond3A = arith.constant 0 : i32
    %cond3A_32 = arith.cmpi ne, %convert_element_type3A, %cond3A : i32
    scf.if %cond3A_32 {
      "tpu.region"() ({
        %run_scoped3A_33 = tpu.sem_alloc : memref<!tpu.dma_semaphore, #tpu.memory_space<semaphore_mem>>
        %dma_start3A_34 = arith.constant 9984 : i32
        %dma_start3A_35 = arith.constant 0 : i32
        %dma_start3A_36 = tpu.memref_slice %arg6[%arg0, %dma_start3A_34, %dma_start3A_35] : memref<2x10000x128xf32, #tpu.memory_space<hbm>> -> memref<1x16x128xf32, #tpu.memory_space<hbm>>
        %dma_start3A_37 = tpu.memref_squeeze %dma_start3A_36 : memref<1x16x128xf32, #tpu.memory_space<hbm>> -> memref<16x128xf32, #tpu.memory_space<hbm>>
        %dma_start3A_38 = arith.constant 9984 : i32
        %dma_start3A_39 = arith.constant 0 : i32
        %dma_start3A_40 = tpu.memref_slice %arg7[%dma_start3A_38, %dma_start3A_39] : memref<10112x128xf32, #tpu.memory_space<vmem_shared>> -> memref<16x128xf32, #tpu.memory_space<vmem_shared>>
        tpu.enqueue_dma source(%dma_start3A_40 : memref<16x128xf32, #tpu.memory_space<vmem_shared>>) target(%dma_start3A_37 : memref<16x128xf32, #tpu.memory_space<hbm>>) target_semaphore(%run_scoped3A_33 : memref<!tpu.dma_semaphore, #tpu.memory_space<semaphore_mem>>)
        %dma_wait3A = arith.constant 9984 : i32
        %dma_wait3A_41 = arith.constant 0 : i32
        %dma_wait3A_42 = tpu.memref_slice %arg6[%arg0, %dma_wait3A, %dma_wait3A_41] : memref<2x10000x128xf32, #tpu.memory_space<hbm>> -> memref<1x16x128xf32, #tpu.memory_space<hbm>>
        %dma_wait3A_43 = tpu.memref_squeeze %dma_wait3A_42 : memref<1x16x128xf32, #tpu.memory_space<hbm>> -> memref<16x128xf32, #tpu.memory_space<hbm>>
        %dma_wait3A_44 = arith.constant 9984 : i32
        %dma_wait3A_45 = arith.constant 0 : i32
        %dma_wait3A_46 = tpu.memref_slice %arg7[%dma_wait3A_44, %dma_wait3A_45] : memref<10112x128xf32, #tpu.memory_space<vmem_shared>> -> memref<16x128xf32, #tpu.memory_space<vmem_shared>>
        tpu.wait_dma2 semaphore(%run_scoped3A_33 : memref<!tpu.dma_semaphore, #tpu.memory_space<semaphore_mem>>) src(%dma_wait3A_46 : memref<16x128xf32, #tpu.memory_space<vmem_shared>>) dst(%dma_wait3A_43 : memref<16x128xf32, #tpu.memory_space<hbm>>)
        tpu.yield
      }) : () -> ()
    } else {
    }
    return
  }
}

#map = affine_map<(d0, d1) -> (0, 0)>
#map1 = affine_map<(d0, d1) -> (0, 0, 0, 0, 0)>
#map2 = affine_map<(d0, d1) -> (0, 0, 0, 0)>
#map3 = affine_map<(d0, d1) -> (0, 0, 0)>
module attributes {stable_mosaic.version = 14 : i64} {
  func.func @_hop_body(%arg0: i32, %arg1: i32, %arg2: memref<20000x128xf32, #tpu.memory_space<hbm>>, %arg3: memref<2x16x2x80x64xi32, #tpu.memory_space<hbm>>, %arg4: memref<16x2x80x64xi32, #tpu.memory_space<hbm>>, %arg5: memref<632x128xf32, #tpu.memory_space<hbm>>, %arg6: memref<2x10000x128xf32, #tpu.memory_space<hbm>>, %arg7: memref<10112x128xf32, #tpu.memory_space<vmem_shared>>, %arg8: memref<80x64xi32, #tpu.memory_space<vmem>>, %arg9: memref<80x64xi32, #tpu.memory_space<vmem>>, %arg10: memref<64x128xf32, #tpu.memory_space<vmem>>, %arg11: memref<64x128xf32, #tpu.memory_space<vmem>>, %arg12: memref<!tpu.dma_semaphore, #tpu.memory_space<semaphore_mem>>, %arg13: memref<!tpu.dma_semaphore, #tpu.memory_space<semaphore_mem>>) attributes {dimension_semantics = [#tpu.dimension_semantics<core_parallel>, #tpu.dimension_semantics<subcore_parallel>], iteration_bounds = array<i64: 2, 16>, scalar_prefetch = 0 : i64, scratch_operands = 7 : i64, tpu.core_type = #tpu.core_type<sc_vector_subcore>, window_params = [{transform_indices = #map}, {transform_indices = #map1}, {transform_indices = #map2}, {transform_indices = #map}, {transform_indices = #map3}]} {
    %mul3A = arith.constant 632 : i32
    %mul3A_0 = arith.muli %arg1, %mul3A : i32
    "tpu.region"() ({
      %run_scoped3A_33 = tpu.sem_alloc : memref<!tpu.dma_semaphore, #tpu.memory_space<semaphore_mem>>
      %dma_start3A_34 = arith.constant 0 : i32
      %dma_start3A_35 = tpu.memref_slice %arg7[%mul3A_0, %dma_start3A_34] : memref<10112x128xf32, #tpu.memory_space<vmem_shared>> -> memref<632x128xf32, #tpu.memory_space<vmem_shared>>
      tpu.enqueue_dma source(%arg5 : memref<632x128xf32, #tpu.memory_space<hbm>>) target(%dma_start3A_35 : memref<632x128xf32, #tpu.memory_space<vmem_shared>>) target_semaphore(%run_scoped3A_33 : memref<!tpu.dma_semaphore, #tpu.memory_space<semaphore_mem>>)
      %dma_wait3A = arith.constant 0 : i32
      %dma_wait3A_36 = tpu.memref_slice %arg7[%mul3A_0, %dma_wait3A] : memref<10112x128xf32, #tpu.memory_space<vmem_shared>> -> memref<632x128xf32, #tpu.memory_space<vmem_shared>>
      tpu.wait_dma2 semaphore(%run_scoped3A_33 : memref<!tpu.dma_semaphore, #tpu.memory_space<semaphore_mem>>) src(%arg5 : memref<632x128xf32, #tpu.memory_space<hbm>>) dst(%dma_wait3A_36 : memref<632x128xf32, #tpu.memory_space<vmem_shared>>)
      tpu.yield
    }) : () -> ()
    %barrier3A = arith.constant 0 : index
    tpu.barrier barrier_id(%barrier3A)
    %run_scoped3A = arith.constant 0 : i32
    "tpu.region"() ({
      %run_scoped3A_33 = tpu.sem_alloc : memref<!tpu.dma_semaphore, #tpu.memory_space<semaphore_mem>>
      %dma_start3A_34 = arith.constant 0 : i32
      %dma_start3A_35 = arith.constant 0 : i32
      %dma_start3A_36 = tpu.memref_slice %arg3[%arg0, %arg1, %run_scoped3A, %dma_start3A_34, %dma_start3A_35] : memref<2x16x2x80x64xi32, #tpu.memory_space<hbm>> -> memref<1x1x1x80x64xi32, #tpu.memory_space<hbm>>
      %dma_start3A_37 = tpu.memref_squeeze %dma_start3A_36 : memref<1x1x1x80x64xi32, #tpu.memory_space<hbm>> -> memref<80x64xi32, #tpu.memory_space<hbm>>
      %dma_start3A_38 = arith.constant 0 : i32
      %dma_start3A_39 = arith.constant 0 : i32
      %dma_start3A_40 = tpu.memref_slice %arg3[%arg0, %arg1, %run_scoped3A, %dma_start3A_38, %dma_start3A_39] : memref<2x16x2x80x64xi32, #tpu.memory_space<hbm>> -> memref<1x1x1x80x64xi32, #tpu.memory_space<hbm>>
      %dma_start3A_41 = tpu.memref_squeeze %dma_start3A_40 : memref<1x1x1x80x64xi32, #tpu.memory_space<hbm>> -> memref<80x64xi32, #tpu.memory_space<hbm>>
      tpu.enqueue_dma source(%dma_start3A_41 : memref<80x64xi32, #tpu.memory_space<hbm>>) target(%arg8 : memref<80x64xi32, #tpu.memory_space<vmem>>) target_semaphore(%run_scoped3A_33 : memref<!tpu.dma_semaphore, #tpu.memory_space<semaphore_mem>>)
      %dma_wait3A = arith.constant 0 : i32
      %dma_wait3A_42 = arith.constant 0 : i32
      %dma_wait3A_43 = tpu.memref_slice %arg3[%arg0, %arg1, %run_scoped3A, %dma_wait3A, %dma_wait3A_42] : memref<2x16x2x80x64xi32, #tpu.memory_space<hbm>> -> memref<1x1x1x80x64xi32, #tpu.memory_space<hbm>>
      %dma_wait3A_44 = tpu.memref_squeeze %dma_wait3A_43 : memref<1x1x1x80x64xi32, #tpu.memory_space<hbm>> -> memref<80x64xi32, #tpu.memory_space<hbm>>
      %dma_wait3A_45 = arith.constant 0 : i32
      %dma_wait3A_46 = arith.constant 0 : i32
      %dma_wait3A_47 = tpu.memref_slice %arg3[%arg0, %arg1, %run_scoped3A, %dma_wait3A_45, %dma_wait3A_46] : memref<2x16x2x80x64xi32, #tpu.memory_space<hbm>> -> memref<1x1x1x80x64xi32, #tpu.memory_space<hbm>>
      %dma_wait3A_48 = tpu.memref_squeeze %dma_wait3A_47 : memref<1x1x1x80x64xi32, #tpu.memory_space<hbm>> -> memref<80x64xi32, #tpu.memory_space<hbm>>
      tpu.wait_dma2 semaphore(%run_scoped3A_33 : memref<!tpu.dma_semaphore, #tpu.memory_space<semaphore_mem>>) src(%dma_wait3A_48 : memref<80x64xi32, #tpu.memory_space<hbm>>) dst(%arg8 : memref<80x64xi32, #tpu.memory_space<vmem>>)
      tpu.yield
    }) : () -> ()
    %run_scoped3A_1 = arith.constant 0 : i32
    "tpu.region"() ({
      %run_scoped3A_33 = tpu.sem_alloc : memref<!tpu.dma_semaphore, #tpu.memory_space<semaphore_mem>>
      %dma_start3A_34 = arith.constant 0 : i32
      %dma_start3A_35 = arith.constant 0 : i32
      %dma_start3A_36 = tpu.memref_slice %arg4[%arg1, %run_scoped3A_1, %dma_start3A_34, %dma_start3A_35] : memref<16x2x80x64xi32, #tpu.memory_space<hbm>> -> memref<1x1x80x64xi32, #tpu.memory_space<hbm>>
      %dma_start3A_37 = tpu.memref_squeeze %dma_start3A_36 : memref<1x1x80x64xi32, #tpu.memory_space<hbm>> -> memref<80x64xi32, #tpu.memory_space<hbm>>
      %dma_start3A_38 = arith.constant 0 : i32
      %dma_start3A_39 = arith.constant 0 : i32
      %dma_start3A_40 = tpu.memref_slice %arg4[%arg1, %run_scoped3A_1, %dma_start3A_38, %dma_start3A_39] : memref<16x2x80x64xi32, #tpu.memory_space<hbm>> -> memref<1x1x80x64xi32, #tpu.memory_space<hbm>>
      %dma_start3A_41 = tpu.memref_squeeze %dma_start3A_40 : memref<1x1x80x64xi32, #tpu.memory_space<hbm>> -> memref<80x64xi32, #tpu.memory_space<hbm>>
      tpu.enqueue_dma source(%dma_start3A_41 : memref<80x64xi32, #tpu.memory_space<hbm>>) target(%arg9 : memref<80x64xi32, #tpu.memory_space<vmem>>) target_semaphore(%run_scoped3A_33 : memref<!tpu.dma_semaphore, #tpu.memory_space<semaphore_mem>>)
      %dma_wait3A = arith.constant 0 : i32
      %dma_wait3A_42 = arith.constant 0 : i32
      %dma_wait3A_43 = tpu.memref_slice %arg4[%arg1, %run_scoped3A_1, %dma_wait3A, %dma_wait3A_42] : memref<16x2x80x64xi32, #tpu.memory_space<hbm>> -> memref<1x1x80x64xi32, #tpu.memory_space<hbm>>
      %dma_wait3A_44 = tpu.memref_squeeze %dma_wait3A_43 : memref<1x1x80x64xi32, #tpu.memory_space<hbm>> -> memref<80x64xi32, #tpu.memory_space<hbm>>
      %dma_wait3A_45 = arith.constant 0 : i32
      %dma_wait3A_46 = arith.constant 0 : i32
      %dma_wait3A_47 = tpu.memref_slice %arg4[%arg1, %run_scoped3A_1, %dma_wait3A_45, %dma_wait3A_46] : memref<16x2x80x64xi32, #tpu.memory_space<hbm>> -> memref<1x1x80x64xi32, #tpu.memory_space<hbm>>
      %dma_wait3A_48 = tpu.memref_squeeze %dma_wait3A_47 : memref<1x1x80x64xi32, #tpu.memory_space<hbm>> -> memref<80x64xi32, #tpu.memory_space<hbm>>
      tpu.wait_dma2 semaphore(%run_scoped3A_33 : memref<!tpu.dma_semaphore, #tpu.memory_space<semaphore_mem>>) src(%dma_wait3A_48 : memref<80x64xi32, #tpu.memory_space<hbm>>) dst(%arg9 : memref<80x64xi32, #tpu.memory_space<vmem>>)
      tpu.yield
    }) : () -> ()
    %dma_start3A = arith.constant 0 : i32
    %dma_start3A_2 = arith.constant 0 : i32
    %dma_start3A_3 = tpu.memref_slice %arg8[%dma_start3A, %dma_start3A_2] : memref<80x64xi32, #tpu.memory_space<vmem>> -> memref<1x64xi32, #tpu.memory_space<vmem>>
    %dma_start3A_4 = tpu.memref_squeeze %dma_start3A_3 : memref<1x64xi32, #tpu.memory_space<vmem>> -> memref<64xi32, #tpu.memory_space<vmem>>
    %dma_start3A_5 = arith.constant 0 : i32
    %dma_start3A_6 = arith.constant 0 : i32
    %dma_start3A_7 = tpu.memref_slice %arg2[%dma_start3A_5, %dma_start3A_6] : memref<20000x128xf32, #tpu.memory_space<hbm>> -> memref<20000x128xf32, #tpu.memory_space<hbm>>
    tpu.enqueue_indirect_dma source(%dma_start3A_7 : memref<20000x128xf32, #tpu.memory_space<hbm>>) target(%arg10 : memref<64x128xf32, #tpu.memory_space<vmem>>) offsets(%dma_start3A_4 : memref<64xi32, #tpu.memory_space<vmem>>) semaphore(%arg12 : memref<!tpu.dma_semaphore, #tpu.memory_space<semaphore_mem>>)
    %scan3A = arith.constant 0 : i32
    %scan3A_8 = arith.constant 40 : i32
    %scan3A_9 = arith.addi %scan3A, %scan3A_8 : i32
    %scan3A_10 = arith.constant 1 : i32
    scf.for %scan3A_33 = %scan3A to %scan3A_9 step %scan3A_10  : i32 {
      %mul3A_34 = arith.constant 1 : i32
      %mul3A_35 = arith.muli %scan3A_33, %mul3A_34 : i32
      %add3A = arith.constant 0 : i32
      %add3A_36 = arith.addi %add3A, %mul3A_35 : i32
      %mul3A_37 = arith.constant 2 : i32
      %mul3A_38 = arith.muli %add3A_36, %mul3A_37 : i32
      %add3A_39 = arith.constant 1 : i32
      %add3A_40 = arith.addi %mul3A_38, %add3A_39 : i32
      %dma_start3A_41 = arith.constant 0 : i32
      %dma_start3A_42 = tpu.memref_slice %arg8[%add3A_40, %dma_start3A_41] : memref<80x64xi32, #tpu.memory_space<vmem>> -> memref<1x64xi32, #tpu.memory_space<vmem>>
      %dma_start3A_43 = tpu.memref_squeeze %dma_start3A_42 : memref<1x64xi32, #tpu.memory_space<vmem>> -> memref<64xi32, #tpu.memory_space<vmem>>
      %dma_start3A_44 = arith.constant 0 : i32
      %dma_start3A_45 = arith.constant 0 : i32
      %dma_start3A_46 = tpu.memref_slice %arg2[%dma_start3A_44, %dma_start3A_45] : memref<20000x128xf32, #tpu.memory_space<hbm>> -> memref<20000x128xf32, #tpu.memory_space<hbm>>
      tpu.enqueue_indirect_dma source(%dma_start3A_46 : memref<20000x128xf32, #tpu.memory_space<hbm>>) target(%arg11 : memref<64x128xf32, #tpu.memory_space<vmem>>) offsets(%dma_start3A_43 : memref<64xi32, #tpu.memory_space<vmem>>) semaphore(%arg13 : memref<!tpu.dma_semaphore, #tpu.memory_space<semaphore_mem>>)
      %dma_wait3A = arith.constant 0 : i32
      %dma_wait3A_47 = tpu.memref_slice %arg8[%mul3A_38, %dma_wait3A] : memref<80x64xi32, #tpu.memory_space<vmem>> -> memref<1x64xi32, #tpu.memory_space<vmem>>
      %dma_wait3A_48 = tpu.memref_squeeze %dma_wait3A_47 : memref<1x64xi32, #tpu.memory_space<vmem>> -> memref<64xi32, #tpu.memory_space<vmem>>
      %dma_wait3A_49 = arith.constant 0 : i32
      %dma_wait3A_50 = arith.constant 0 : i32
      %dma_wait3A_51 = tpu.memref_slice %arg2[%dma_wait3A_49, %dma_wait3A_50] : memref<20000x128xf32, #tpu.memory_space<hbm>> -> memref<20000x128xf32, #tpu.memory_space<hbm>>
      tpu.wait_indirect_dma semaphore(%arg12 : memref<!tpu.dma_semaphore, #tpu.memory_space<semaphore_mem>>) src(%dma_wait3A_51 : memref<20000x128xf32, #tpu.memory_space<hbm>>) dst(%arg10 : memref<64x128xf32, #tpu.memory_space<vmem>>)
      "tpu.region"() ({
        %run_scoped3A_66 = tpu.sem_alloc : memref<!tpu.dma_semaphore, #tpu.memory_space<semaphore_mem>>
        %dma_start3A_67 = arith.constant 0 : i32
        %dma_start3A_68 = tpu.memref_slice %arg9[%mul3A_38, %dma_start3A_67] : memref<80x64xi32, #tpu.memory_space<vmem>> -> memref<1x64xi32, #tpu.memory_space<vmem>>
        %dma_start3A_69 = tpu.memref_squeeze %dma_start3A_68 : memref<1x64xi32, #tpu.memory_space<vmem>> -> memref<64xi32, #tpu.memory_space<vmem>>
        %dma_start3A_70 = arith.constant 0 : i32
        %dma_start3A_71 = arith.constant 0 : i32
        %dma_start3A_72 = tpu.memref_slice %arg7[%dma_start3A_70, %dma_start3A_71] : memref<10112x128xf32, #tpu.memory_space<vmem_shared>> -> memref<10112x128xf32, #tpu.memory_space<vmem_shared>>
        tpu.enqueue_indirect_dma source(%arg10 : memref<64x128xf32, #tpu.memory_space<vmem>>) target(%dma_start3A_72 : memref<10112x128xf32, #tpu.memory_space<vmem_shared>>) offsets(%dma_start3A_69 : memref<64xi32, #tpu.memory_space<vmem>>) semaphore(%run_scoped3A_66 : memref<!tpu.dma_semaphore, #tpu.memory_space<semaphore_mem>>) {add = true}
        %dma_wait3A_73 = arith.constant 0 : i32
        %dma_wait3A_74 = tpu.memref_slice %arg9[%mul3A_38, %dma_wait3A_73] : memref<80x64xi32, #tpu.memory_space<vmem>> -> memref<1x64xi32, #tpu.memory_space<vmem>>
        %dma_wait3A_75 = tpu.memref_squeeze %dma_wait3A_74 : memref<1x64xi32, #tpu.memory_space<vmem>> -> memref<64xi32, #tpu.memory_space<vmem>>
        %dma_wait3A_76 = arith.constant 0 : i32
        %dma_wait3A_77 = arith.constant 0 : i32
        %dma_wait3A_78 = tpu.memref_slice %arg7[%dma_wait3A_76, %dma_wait3A_77] : memref<10112x128xf32, #tpu.memory_space<vmem_shared>> -> memref<10112x128xf32, #tpu.memory_space<vmem_shared>>
        tpu.wait_indirect_dma semaphore(%run_scoped3A_66 : memref<!tpu.dma_semaphore, #tpu.memory_space<semaphore_mem>>) src(%arg10 : memref<64x128xf32, #tpu.memory_space<vmem>>) dst(%dma_wait3A_78 : memref<10112x128xf32, #tpu.memory_space<vmem_shared>>)
        tpu.yield
      }) : () -> ()
      %lt3A = arith.constant 39 : i32
      %lt3A_52 = arith.cmpi slt, %add3A_36, %lt3A : i32
      %convert_element_type3A_53 = arith.extui %lt3A_52 : i1 to i32
      %cond3A_54 = arith.constant 0 : i32
      %cond3A_55 = arith.cmpi ne, %convert_element_type3A_53, %cond3A_54 : i32
      scf.if %cond3A_55 {
        %add3A_66 = arith.constant 2 : i32
        %add3A_67 = arith.addi %mul3A_38, %add3A_66 : i32
        %dma_start3A_68 = arith.constant 0 : i32
        %dma_start3A_69 = tpu.memref_slice %arg8[%add3A_67, %dma_start3A_68] : memref<80x64xi32, #tpu.memory_space<vmem>> -> memref<1x64xi32, #tpu.memory_space<vmem>>
        %dma_start3A_70 = tpu.memref_squeeze %dma_start3A_69 : memref<1x64xi32, #tpu.memory_space<vmem>> -> memref<64xi32, #tpu.memory_space<vmem>>
        %dma_start3A_71 = arith.constant 0 : i32
        %dma_start3A_72 = arith.constant 0 : i32
        %dma_start3A_73 = tpu.memref_slice %arg2[%dma_start3A_71, %dma_start3A_72] : memref<20000x128xf32, #tpu.memory_space<hbm>> -> memref<20000x128xf32, #tpu.memory_space<hbm>>
        tpu.enqueue_indirect_dma source(%dma_start3A_73 : memref<20000x128xf32, #tpu.memory_space<hbm>>) target(%arg10 : memref<64x128xf32, #tpu.memory_space<vmem>>) offsets(%dma_start3A_70 : memref<64xi32, #tpu.memory_space<vmem>>) semaphore(%arg12 : memref<!tpu.dma_semaphore, #tpu.memory_space<semaphore_mem>>)
      } else {
      }
      %add3A_56 = arith.constant 1 : i32
      %add3A_57 = arith.addi %mul3A_38, %add3A_56 : i32
      %dma_wait3A_58 = arith.constant 0 : i32
      %dma_wait3A_59 = tpu.memref_slice %arg8[%add3A_57, %dma_wait3A_58] : memref<80x64xi32, #tpu.memory_space<vmem>> -> memref<1x64xi32, #tpu.memory_space<vmem>>
      %dma_wait3A_60 = tpu.memref_squeeze %dma_wait3A_59 : memref<1x64xi32, #tpu.memory_space<vmem>> -> memref<64xi32, #tpu.memory_space<vmem>>
      %dma_wait3A_61 = arith.constant 0 : i32
      %dma_wait3A_62 = arith.constant 0 : i32
      %dma_wait3A_63 = tpu.memref_slice %arg2[%dma_wait3A_61, %dma_wait3A_62] : memref<20000x128xf32, #tpu.memory_space<hbm>> -> memref<20000x128xf32, #tpu.memory_space<hbm>>
      tpu.wait_indirect_dma semaphore(%arg13 : memref<!tpu.dma_semaphore, #tpu.memory_space<semaphore_mem>>) src(%dma_wait3A_63 : memref<20000x128xf32, #tpu.memory_space<hbm>>) dst(%arg11 : memref<64x128xf32, #tpu.memory_space<vmem>>)
      %add3A_64 = arith.constant 1 : i32
      %add3A_65 = arith.addi %mul3A_38, %add3A_64 : i32
      "tpu.region"() ({
        %run_scoped3A_66 = tpu.sem_alloc : memref<!tpu.dma_semaphore, #tpu.memory_space<semaphore_mem>>
        %dma_start3A_67 = arith.constant 0 : i32
        %dma_start3A_68 = tpu.memref_slice %arg9[%add3A_65, %dma_start3A_67] : memref<80x64xi32, #tpu.memory_space<vmem>> -> memref<1x64xi32, #tpu.memory_space<vmem>>
        %dma_start3A_69 = tpu.memref_squeeze %dma_start3A_68 : memref<1x64xi32, #tpu.memory_space<vmem>> -> memref<64xi32, #tpu.memory_space<vmem>>
        %dma_start3A_70 = arith.constant 0 : i32
        %dma_start3A_71 = arith.constant 0 : i32
        %dma_start3A_72 = tpu.memref_slice %arg7[%dma_start3A_70, %dma_start3A_71] : memref<10112x128xf32, #tpu.memory_space<vmem_shared>> -> memref<10112x128xf32, #tpu.memory_space<vmem_shared>>
        tpu.enqueue_indirect_dma source(%arg11 : memref<64x128xf32, #tpu.memory_space<vmem>>) target(%dma_start3A_72 : memref<10112x128xf32, #tpu.memory_space<vmem_shared>>) offsets(%dma_start3A_69 : memref<64xi32, #tpu.memory_space<vmem>>) semaphore(%run_scoped3A_66 : memref<!tpu.dma_semaphore, #tpu.memory_space<semaphore_mem>>) {add = true}
        %dma_wait3A_73 = arith.constant 0 : i32
        %dma_wait3A_74 = tpu.memref_slice %arg9[%add3A_65, %dma_wait3A_73] : memref<80x64xi32, #tpu.memory_space<vmem>> -> memref<1x64xi32, #tpu.memory_space<vmem>>
        %dma_wait3A_75 = tpu.memref_squeeze %dma_wait3A_74 : memref<1x64xi32, #tpu.memory_space<vmem>> -> memref<64xi32, #tpu.memory_space<vmem>>
        %dma_wait3A_76 = arith.constant 0 : i32
        %dma_wait3A_77 = arith.constant 0 : i32
        %dma_wait3A_78 = tpu.memref_slice %arg7[%dma_wait3A_76, %dma_wait3A_77] : memref<10112x128xf32, #tpu.memory_space<vmem_shared>> -> memref<10112x128xf32, #tpu.memory_space<vmem_shared>>
        tpu.wait_indirect_dma semaphore(%run_scoped3A_66 : memref<!tpu.dma_semaphore, #tpu.memory_space<semaphore_mem>>) src(%arg11 : memref<64x128xf32, #tpu.memory_space<vmem>>) dst(%dma_wait3A_78 : memref<10112x128xf32, #tpu.memory_space<vmem_shared>>)
        tpu.yield
      }) : () -> ()
    }
    %scan3A_11 = arith.constant 40 : i32
    %run_scoped3A_12 = arith.constant 1 : i32
    "tpu.region"() ({
      %run_scoped3A_33 = tpu.sem_alloc : memref<!tpu.dma_semaphore, #tpu.memory_space<semaphore_mem>>
      %dma_start3A_34 = arith.constant 0 : i32
      %dma_start3A_35 = arith.constant 0 : i32
      %dma_start3A_36 = tpu.memref_slice %arg3[%arg0, %arg1, %run_scoped3A_12, %dma_start3A_34, %dma_start3A_35] : memref<2x16x2x80x64xi32, #tpu.memory_space<hbm>> -> memref<1x1x1x80x64xi32, #tpu.memory_space<hbm>>
      %dma_start3A_37 = tpu.memref_squeeze %dma_start3A_36 : memref<1x1x1x80x64xi32, #tpu.memory_space<hbm>> -> memref<80x64xi32, #tpu.memory_space<hbm>>
      %dma_start3A_38 = arith.constant 0 : i32
      %dma_start3A_39 = arith.constant 0 : i32
      %dma_start3A_40 = tpu.memref_slice %arg3[%arg0, %arg1, %run_scoped3A_12, %dma_start3A_38, %dma_start3A_39] : memref<2x16x2x80x64xi32, #tpu.memory_space<hbm>> -> memref<1x1x1x80x64xi32, #tpu.memory_space<hbm>>
      %dma_start3A_41 = tpu.memref_squeeze %dma_start3A_40 : memref<1x1x1x80x64xi32, #tpu.memory_space<hbm>> -> memref<80x64xi32, #tpu.memory_space<hbm>>
      tpu.enqueue_dma source(%dma_start3A_41 : memref<80x64xi32, #tpu.memory_space<hbm>>) target(%arg8 : memref<80x64xi32, #tpu.memory_space<vmem>>) target_semaphore(%run_scoped3A_33 : memref<!tpu.dma_semaphore, #tpu.memory_space<semaphore_mem>>)
      %dma_wait3A = arith.constant 0 : i32
      %dma_wait3A_42 = arith.constant 0 : i32
      %dma_wait3A_43 = tpu.memref_slice %arg3[%arg0, %arg1, %run_scoped3A_12, %dma_wait3A, %dma_wait3A_42] : memref<2x16x2x80x64xi32, #tpu.memory_space<hbm>> -> memref<1x1x1x80x64xi32, #tpu.memory_space<hbm>>
      %dma_wait3A_44 = tpu.memref_squeeze %dma_wait3A_43 : memref<1x1x1x80x64xi32, #tpu.memory_space<hbm>> -> memref<80x64xi32, #tpu.memory_space<hbm>>
      %dma_wait3A_45 = arith.constant 0 : i32
      %dma_wait3A_46 = arith.constant 0 : i32
      %dma_wait3A_47 = tpu.memref_slice %arg3[%arg0, %arg1, %run_scoped3A_12, %dma_wait3A_45, %dma_wait3A_46] : memref<2x16x2x80x64xi32, #tpu.memory_space<hbm>> -> memref<1x1x1x80x64xi32, #tpu.memory_space<hbm>>
      %dma_wait3A_48 = tpu.memref_squeeze %dma_wait3A_47 : memref<1x1x1x80x64xi32, #tpu.memory_space<hbm>> -> memref<80x64xi32, #tpu.memory_space<hbm>>
      tpu.wait_dma2 semaphore(%run_scoped3A_33 : memref<!tpu.dma_semaphore, #tpu.memory_space<semaphore_mem>>) src(%dma_wait3A_48 : memref<80x64xi32, #tpu.memory_space<hbm>>) dst(%arg8 : memref<80x64xi32, #tpu.memory_space<vmem>>)
      tpu.yield
    }) : () -> ()
    %run_scoped3A_13 = arith.constant 1 : i32
    "tpu.region"() ({
      %run_scoped3A_33 = tpu.sem_alloc : memref<!tpu.dma_semaphore, #tpu.memory_space<semaphore_mem>>
      %dma_start3A_34 = arith.constant 0 : i32
      %dma_start3A_35 = arith.constant 0 : i32
      %dma_start3A_36 = tpu.memref_slice %arg4[%arg1, %run_scoped3A_13, %dma_start3A_34, %dma_start3A_35] : memref<16x2x80x64xi32, #tpu.memory_space<hbm>> -> memref<1x1x80x64xi32, #tpu.memory_space<hbm>>
      %dma_start3A_37 = tpu.memref_squeeze %dma_start3A_36 : memref<1x1x80x64xi32, #tpu.memory_space<hbm>> -> memref<80x64xi32, #tpu.memory_space<hbm>>
      %dma_start3A_38 = arith.constant 0 : i32
      %dma_start3A_39 = arith.constant 0 : i32
      %dma_start3A_40 = tpu.memref_slice %arg4[%arg1, %run_scoped3A_13, %dma_start3A_38, %dma_start3A_39] : memref<16x2x80x64xi32, #tpu.memory_space<hbm>> -> memref<1x1x80x64xi32, #tpu.memory_space<hbm>>
      %dma_start3A_41 = tpu.memref_squeeze %dma_start3A_40 : memref<1x1x80x64xi32, #tpu.memory_space<hbm>> -> memref<80x64xi32, #tpu.memory_space<hbm>>
      tpu.enqueue_dma source(%dma_start3A_41 : memref<80x64xi32, #tpu.memory_space<hbm>>) target(%arg9 : memref<80x64xi32, #tpu.memory_space<vmem>>) target_semaphore(%run_scoped3A_33 : memref<!tpu.dma_semaphore, #tpu.memory_space<semaphore_mem>>)
      %dma_wait3A = arith.constant 0 : i32
      %dma_wait3A_42 = arith.constant 0 : i32
      %dma_wait3A_43 = tpu.memref_slice %arg4[%arg1, %run_scoped3A_13, %dma_wait3A, %dma_wait3A_42] : memref<16x2x80x64xi32, #tpu.memory_space<hbm>> -> memref<1x1x80x64xi32, #tpu.memory_space<hbm>>
      %dma_wait3A_44 = tpu.memref_squeeze %dma_wait3A_43 : memref<1x1x80x64xi32, #tpu.memory_space<hbm>> -> memref<80x64xi32, #tpu.memory_space<hbm>>
      %dma_wait3A_45 = arith.constant 0 : i32
      %dma_wait3A_46 = arith.constant 0 : i32
      %dma_wait3A_47 = tpu.memref_slice %arg4[%arg1, %run_scoped3A_13, %dma_wait3A_45, %dma_wait3A_46] : memref<16x2x80x64xi32, #tpu.memory_space<hbm>> -> memref<1x1x80x64xi32, #tpu.memory_space<hbm>>
      %dma_wait3A_48 = tpu.memref_squeeze %dma_wait3A_47 : memref<1x1x80x64xi32, #tpu.memory_space<hbm>> -> memref<80x64xi32, #tpu.memory_space<hbm>>
      tpu.wait_dma2 semaphore(%run_scoped3A_33 : memref<!tpu.dma_semaphore, #tpu.memory_space<semaphore_mem>>) src(%dma_wait3A_48 : memref<80x64xi32, #tpu.memory_space<hbm>>) dst(%arg9 : memref<80x64xi32, #tpu.memory_space<vmem>>)
      tpu.yield
    }) : () -> ()
    %dma_start3A_14 = arith.constant 0 : i32
    %dma_start3A_15 = arith.constant 0 : i32
    %dma_start3A_16 = tpu.memref_slice %arg8[%dma_start3A_14, %dma_start3A_15] : memref<80x64xi32, #tpu.memory_space<vmem>> -> memref<1x64xi32, #tpu.memory_space<vmem>>
    %dma_start3A_17 = tpu.memref_squeeze %dma_start3A_16 : memref<1x64xi32, #tpu.memory_space<vmem>> -> memref<64xi32, #tpu.memory_space<vmem>>
    %dma_start3A_18 = arith.constant 0 : i32
    %dma_start3A_19 = arith.constant 0 : i32
    %dma_start3A_20 = tpu.memref_slice %arg2[%dma_start3A_18, %dma_start3A_19] : memref<20000x128xf32, #tpu.memory_space<hbm>> -> memref<20000x128xf32, #tpu.memory_space<hbm>>
    tpu.enqueue_indirect_dma source(%dma_start3A_20 : memref<20000x128xf32, #tpu.memory_space<hbm>>) target(%arg10 : memref<64x128xf32, #tpu.memory_space<vmem>>) offsets(%dma_start3A_17 : memref<64xi32, #tpu.memory_space<vmem>>) semaphore(%arg12 : memref<!tpu.dma_semaphore, #tpu.memory_space<semaphore_mem>>)
    %scan3A_21 = arith.constant 0 : i32
    %scan3A_22 = arith.constant 40 : i32
    %scan3A_23 = arith.addi %scan3A_21, %scan3A_22 : i32
    %scan3A_24 = arith.constant 1 : i32
    scf.for %scan3A_33 = %scan3A_21 to %scan3A_23 step %scan3A_24  : i32 {
      %mul3A_34 = arith.constant 1 : i32
      %mul3A_35 = arith.muli %scan3A_33, %mul3A_34 : i32
      %add3A = arith.constant 0 : i32
      %add3A_36 = arith.addi %add3A, %mul3A_35 : i32
      %mul3A_37 = arith.constant 2 : i32
      %mul3A_38 = arith.muli %add3A_36, %mul3A_37 : i32
      %add3A_39 = arith.constant 1 : i32
      %add3A_40 = arith.addi %mul3A_38, %add3A_39 : i32
      %dma_start3A_41 = arith.constant 0 : i32
      %dma_start3A_42 = tpu.memref_slice %arg8[%add3A_40, %dma_start3A_41] : memref<80x64xi32, #tpu.memory_space<vmem>> -> memref<1x64xi32, #tpu.memory_space<vmem>>
      %dma_start3A_43 = tpu.memref_squeeze %dma_start3A_42 : memref<1x64xi32, #tpu.memory_space<vmem>> -> memref<64xi32, #tpu.memory_space<vmem>>
      %dma_start3A_44 = arith.constant 0 : i32
      %dma_start3A_45 = arith.constant 0 : i32
      %dma_start3A_46 = tpu.memref_slice %arg2[%dma_start3A_44, %dma_start3A_45] : memref<20000x128xf32, #tpu.memory_space<hbm>> -> memref<20000x128xf32, #tpu.memory_space<hbm>>
      tpu.enqueue_indirect_dma source(%dma_start3A_46 : memref<20000x128xf32, #tpu.memory_space<hbm>>) target(%arg11 : memref<64x128xf32, #tpu.memory_space<vmem>>) offsets(%dma_start3A_43 : memref<64xi32, #tpu.memory_space<vmem>>) semaphore(%arg13 : memref<!tpu.dma_semaphore, #tpu.memory_space<semaphore_mem>>)
      %dma_wait3A = arith.constant 0 : i32
      %dma_wait3A_47 = tpu.memref_slice %arg8[%mul3A_38, %dma_wait3A] : memref<80x64xi32, #tpu.memory_space<vmem>> -> memref<1x64xi32, #tpu.memory_space<vmem>>
      %dma_wait3A_48 = tpu.memref_squeeze %dma_wait3A_47 : memref<1x64xi32, #tpu.memory_space<vmem>> -> memref<64xi32, #tpu.memory_space<vmem>>
      %dma_wait3A_49 = arith.constant 0 : i32
      %dma_wait3A_50 = arith.constant 0 : i32
      %dma_wait3A_51 = tpu.memref_slice %arg2[%dma_wait3A_49, %dma_wait3A_50] : memref<20000x128xf32, #tpu.memory_space<hbm>> -> memref<20000x128xf32, #tpu.memory_space<hbm>>
      tpu.wait_indirect_dma semaphore(%arg12 : memref<!tpu.dma_semaphore, #tpu.memory_space<semaphore_mem>>) src(%dma_wait3A_51 : memref<20000x128xf32, #tpu.memory_space<hbm>>) dst(%arg10 : memref<64x128xf32, #tpu.memory_space<vmem>>)
      "tpu.region"() ({
        %run_scoped3A_66 = tpu.sem_alloc : memref<!tpu.dma_semaphore, #tpu.memory_space<semaphore_mem>>
        %dma_start3A_67 = arith.constant 0 : i32
        %dma_start3A_68 = tpu.memref_slice %arg9[%mul3A_38, %dma_start3A_67] : memref<80x64xi32, #tpu.memory_space<vmem>> -> memref<1x64xi32, #tpu.memory_space<vmem>>
        %dma_start3A_69 = tpu.memref_squeeze %dma_start3A_68 : memref<1x64xi32, #tpu.memory_space<vmem>> -> memref<64xi32, #tpu.memory_space<vmem>>
        %dma_start3A_70 = arith.constant 0 : i32
        %dma_start3A_71 = arith.constant 0 : i32
        %dma_start3A_72 = tpu.memref_slice %arg7[%dma_start3A_70, %dma_start3A_71] : memref<10112x128xf32, #tpu.memory_space<vmem_shared>> -> memref<10112x128xf32, #tpu.memory_space<vmem_shared>>
        tpu.enqueue_indirect_dma source(%arg10 : memref<64x128xf32, #tpu.memory_space<vmem>>) target(%dma_start3A_72 : memref<10112x128xf32, #tpu.memory_space<vmem_shared>>) offsets(%dma_start3A_69 : memref<64xi32, #tpu.memory_space<vmem>>) semaphore(%run_scoped3A_66 : memref<!tpu.dma_semaphore, #tpu.memory_space<semaphore_mem>>) {add = true}
        %dma_wait3A_73 = arith.constant 0 : i32
        %dma_wait3A_74 = tpu.memref_slice %arg9[%mul3A_38, %dma_wait3A_73] : memref<80x64xi32, #tpu.memory_space<vmem>> -> memref<1x64xi32, #tpu.memory_space<vmem>>
        %dma_wait3A_75 = tpu.memref_squeeze %dma_wait3A_74 : memref<1x64xi32, #tpu.memory_space<vmem>> -> memref<64xi32, #tpu.memory_space<vmem>>
        %dma_wait3A_76 = arith.constant 0 : i32
        %dma_wait3A_77 = arith.constant 0 : i32
        %dma_wait3A_78 = tpu.memref_slice %arg7[%dma_wait3A_76, %dma_wait3A_77] : memref<10112x128xf32, #tpu.memory_space<vmem_shared>> -> memref<10112x128xf32, #tpu.memory_space<vmem_shared>>
        tpu.wait_indirect_dma semaphore(%run_scoped3A_66 : memref<!tpu.dma_semaphore, #tpu.memory_space<semaphore_mem>>) src(%arg10 : memref<64x128xf32, #tpu.memory_space<vmem>>) dst(%dma_wait3A_78 : memref<10112x128xf32, #tpu.memory_space<vmem_shared>>)
        tpu.yield
      }) : () -> ()
      %lt3A = arith.constant 39 : i32
      %lt3A_52 = arith.cmpi slt, %add3A_36, %lt3A : i32
      %convert_element_type3A_53 = arith.extui %lt3A_52 : i1 to i32
      %cond3A_54 = arith.constant 0 : i32
      %cond3A_55 = arith.cmpi ne, %convert_element_type3A_53, %cond3A_54 : i32
      scf.if %cond3A_55 {
        %add3A_66 = arith.constant 2 : i32
        %add3A_67 = arith.addi %mul3A_38, %add3A_66 : i32
        %dma_start3A_68 = arith.constant 0 : i32
        %dma_start3A_69 = tpu.memref_slice %arg8[%add3A_67, %dma_start3A_68] : memref<80x64xi32, #tpu.memory_space<vmem>> -> memref<1x64xi32, #tpu.memory_space<vmem>>
        %dma_start3A_70 = tpu.memref_squeeze %dma_start3A_69 : memref<1x64xi32, #tpu.memory_space<vmem>> -> memref<64xi32, #tpu.memory_space<vmem>>
        %dma_start3A_71 = arith.constant 0 : i32
        %dma_start3A_72 = arith.constant 0 : i32
        %dma_start3A_73 = tpu.memref_slice %arg2[%dma_start3A_71, %dma_start3A_72] : memref<20000x128xf32, #tpu.memory_space<hbm>> -> memref<20000x128xf32, #tpu.memory_space<hbm>>
        tpu.enqueue_indirect_dma source(%dma_start3A_73 : memref<20000x128xf32, #tpu.memory_space<hbm>>) target(%arg10 : memref<64x128xf32, #tpu.memory_space<vmem>>) offsets(%dma_start3A_70 : memref<64xi32, #tpu.memory_space<vmem>>) semaphore(%arg12 : memref<!tpu.dma_semaphore, #tpu.memory_space<semaphore_mem>>)
      } else {
      }
      %add3A_56 = arith.constant 1 : i32
      %add3A_57 = arith.addi %mul3A_38, %add3A_56 : i32
      %dma_wait3A_58 = arith.constant 0 : i32
      %dma_wait3A_59 = tpu.memref_slice %arg8[%add3A_57, %dma_wait3A_58] : memref<80x64xi32, #tpu.memory_space<vmem>> -> memref<1x64xi32, #tpu.memory_space<vmem>>
      %dma_wait3A_60 = tpu.memref_squeeze %dma_wait3A_59 : memref<1x64xi32, #tpu.memory_space<vmem>> -> memref<64xi32, #tpu.memory_space<vmem>>
      %dma_wait3A_61 = arith.constant 0 : i32
      %dma_wait3A_62 = arith.constant 0 : i32
      %dma_wait3A_63 = tpu.memref_slice %arg2[%dma_wait3A_61, %dma_wait3A_62] : memref<20000x128xf32, #tpu.memory_space<hbm>> -> memref<20000x128xf32, #tpu.memory_space<hbm>>
      tpu.wait_indirect_dma semaphore(%arg13 : memref<!tpu.dma_semaphore, #tpu.memory_space<semaphore_mem>>) src(%dma_wait3A_63 : memref<20000x128xf32, #tpu.memory_space<hbm>>) dst(%arg11 : memref<64x128xf32, #tpu.memory_space<vmem>>)
      %add3A_64 = arith.constant 1 : i32
      %add3A_65 = arith.addi %mul3A_38, %add3A_64 : i32
      "tpu.region"() ({
        %run_scoped3A_66 = tpu.sem_alloc : memref<!tpu.dma_semaphore, #tpu.memory_space<semaphore_mem>>
        %dma_start3A_67 = arith.constant 0 : i32
        %dma_start3A_68 = tpu.memref_slice %arg9[%add3A_65, %dma_start3A_67] : memref<80x64xi32, #tpu.memory_space<vmem>> -> memref<1x64xi32, #tpu.memory_space<vmem>>
        %dma_start3A_69 = tpu.memref_squeeze %dma_start3A_68 : memref<1x64xi32, #tpu.memory_space<vmem>> -> memref<64xi32, #tpu.memory_space<vmem>>
        %dma_start3A_70 = arith.constant 0 : i32
        %dma_start3A_71 = arith.constant 0 : i32
        %dma_start3A_72 = tpu.memref_slice %arg7[%dma_start3A_70, %dma_start3A_71] : memref<10112x128xf32, #tpu.memory_space<vmem_shared>> -> memref<10112x128xf32, #tpu.memory_space<vmem_shared>>
        tpu.enqueue_indirect_dma source(%arg11 : memref<64x128xf32, #tpu.memory_space<vmem>>) target(%dma_start3A_72 : memref<10112x128xf32, #tpu.memory_space<vmem_shared>>) offsets(%dma_start3A_69 : memref<64xi32, #tpu.memory_space<vmem>>) semaphore(%run_scoped3A_66 : memref<!tpu.dma_semaphore, #tpu.memory_space<semaphore_mem>>) {add = true}
        %dma_wait3A_73 = arith.constant 0 : i32
        %dma_wait3A_74 = tpu.memref_slice %arg9[%add3A_65, %dma_wait3A_73] : memref<80x64xi32, #tpu.memory_space<vmem>> -> memref<1x64xi32, #tpu.memory_space<vmem>>
        %dma_wait3A_75 = tpu.memref_squeeze %dma_wait3A_74 : memref<1x64xi32, #tpu.memory_space<vmem>> -> memref<64xi32, #tpu.memory_space<vmem>>
        %dma_wait3A_76 = arith.constant 0 : i32
        %dma_wait3A_77 = arith.constant 0 : i32
        %dma_wait3A_78 = tpu.memref_slice %arg7[%dma_wait3A_76, %dma_wait3A_77] : memref<10112x128xf32, #tpu.memory_space<vmem_shared>> -> memref<10112x128xf32, #tpu.memory_space<vmem_shared>>
        tpu.wait_indirect_dma semaphore(%run_scoped3A_66 : memref<!tpu.dma_semaphore, #tpu.memory_space<semaphore_mem>>) src(%arg11 : memref<64x128xf32, #tpu.memory_space<vmem>>) dst(%dma_wait3A_78 : memref<10112x128xf32, #tpu.memory_space<vmem_shared>>)
        tpu.yield
      }) : () -> ()
    }
    %scan3A_25 = arith.constant 40 : i32
    %barrier3A_26 = arith.constant 0 : index
    tpu.barrier barrier_id(%barrier3A_26)
    %mul3A_27 = arith.constant 624 : i32
    %mul3A_28 = arith.muli %arg1, %mul3A_27 : i32
    %mul3A_29 = arith.constant 624 : i32
    %mul3A_30 = arith.muli %arg1, %mul3A_29 : i32
    "tpu.region"() ({
      %run_scoped3A_33 = tpu.sem_alloc : memref<!tpu.dma_semaphore, #tpu.memory_space<semaphore_mem>>
      %dma_start3A_34 = arith.constant 0 : i32
      %dma_start3A_35 = tpu.memref_slice %arg6[%arg0, %mul3A_30, %dma_start3A_34] : memref<2x10000x128xf32, #tpu.memory_space<hbm>> -> memref<1x624x128xf32, #tpu.memory_space<hbm>>
      %dma_start3A_36 = tpu.memref_squeeze %dma_start3A_35 : memref<1x624x128xf32, #tpu.memory_space<hbm>> -> memref<624x128xf32, #tpu.memory_space<hbm>>
      %dma_start3A_37 = arith.constant 0 : i32
      %dma_start3A_38 = tpu.memref_slice %arg7[%mul3A_28, %dma_start3A_37] : memref<10112x128xf32, #tpu.memory_space<vmem_shared>> -> memref<624x128xf32, #tpu.memory_space<vmem_shared>>
      tpu.enqueue_dma source(%dma_start3A_38 : memref<624x128xf32, #tpu.memory_space<vmem_shared>>) target(%dma_start3A_36 : memref<624x128xf32, #tpu.memory_space<hbm>>) target_semaphore(%run_scoped3A_33 : memref<!tpu.dma_semaphore, #tpu.memory_space<semaphore_mem>>)
      %dma_wait3A = arith.constant 0 : i32
      %dma_wait3A_39 = tpu.memref_slice %arg6[%arg0, %mul3A_30, %dma_wait3A] : memref<2x10000x128xf32, #tpu.memory_space<hbm>> -> memref<1x624x128xf32, #tpu.memory_space<hbm>>
      %dma_wait3A_40 = tpu.memref_squeeze %dma_wait3A_39 : memref<1x624x128xf32, #tpu.memory_space<hbm>> -> memref<624x128xf32, #tpu.memory_space<hbm>>
      %dma_wait3A_41 = arith.constant 0 : i32
      %dma_wait3A_42 = tpu.memref_slice %arg7[%mul3A_28, %dma_wait3A_41] : memref<10112x128xf32, #tpu.memory_space<vmem_shared>> -> memref<624x128xf32, #tpu.memory_space<vmem_shared>>
      tpu.wait_dma2 semaphore(%run_scoped3A_33 : memref<!tpu.dma_semaphore, #tpu.memory_space<semaphore_mem>>) src(%dma_wait3A_42 : memref<624x128xf32, #tpu.memory_space<vmem_shared>>) dst(%dma_wait3A_40 : memref<624x128xf32, #tpu.memory_space<hbm>>)
      tpu.yield
    }) : () -> ()
    %eq3A = arith.constant 0 : i32
    %eq3A_31 = arith.cmpi eq, %arg1, %eq3A : i32
    %convert_element_type3A = arith.extui %eq3A_31 : i1 to i32
    %cond3A = arith.constant 0 : i32
    %cond3A_32 = arith.cmpi ne, %convert_element_type3A, %cond3A : i32
    scf.if %cond3A_32 {
      "tpu.region"() ({
        %run_scoped3A_33 = tpu.sem_alloc : memref<!tpu.dma_semaphore, #tpu.memory_space<semaphore_mem>>
        %dma_start3A_34 = arith.constant 9984 : i32
        %dma_start3A_35 = arith.constant 0 : i32
        %dma_start3A_36 = tpu.memref_slice %arg6[%arg0, %dma_start3A_34, %dma_start3A_35] : memref<2x10000x128xf32, #tpu.memory_space<hbm>> -> memref<1x16x128xf32, #tpu.memory_space<hbm>>
        %dma_start3A_37 = tpu.memref_squeeze %dma_start3A_36 : memref<1x16x128xf32, #tpu.memory_space<hbm>> -> memref<16x128xf32, #tpu.memory_space<hbm>>
        %dma_start3A_38 = arith.constant 9984 : i32
        %dma_start3A_39 = arith.constant 0 : i32
        %dma_start3A_40 = tpu.memref_slice %arg7[%dma_start3A_38, %dma_start3A_39] : memref<10112x128xf32, #tpu.memory_space<vmem_shared>> -> memref<16x128xf32, #tpu.memory_space<vmem_shared>>
        tpu.enqueue_dma source(%dma_start3A_40 : memref<16x128xf32, #tpu.memory_space<vmem_shared>>) target(%dma_start3A_37 : memref<16x128xf32, #tpu.memory_space<hbm>>) target_semaphore(%run_scoped3A_33 : memref<!tpu.dma_semaphore, #tpu.memory_space<semaphore_mem>>)
        %dma_wait3A = arith.constant 9984 : i32
        %dma_wait3A_41 = arith.constant 0 : i32
        %dma_wait3A_42 = tpu.memref_slice %arg6[%arg0, %dma_wait3A, %dma_wait3A_41] : memref<2x10000x128xf32, #tpu.memory_space<hbm>> -> memref<1x16x128xf32, #tpu.memory_space<hbm>>
        %dma_wait3A_43 = tpu.memref_squeeze %dma_wait3A_42 : memref<1x16x128xf32, #tpu.memory_space<hbm>> -> memref<16x128xf32, #tpu.memory_space<hbm>>
        %dma_wait3A_44 = arith.constant 9984 : i32
        %dma_wait3A_45 = arith.constant 0 : i32
        %dma_wait3A_46 = tpu.memref_slice %arg7[%dma_wait3A_44, %dma_wait3A_45] : memref<10112x128xf32, #tpu.memory_space<vmem_shared>> -> memref<16x128xf32, #tpu.memory_space<vmem_shared>>
        tpu.wait_dma2 semaphore(%run_scoped3A_33 : memref<!tpu.dma_semaphore, #tpu.memory_space<semaphore_mem>>) src(%dma_wait3A_46 : memref<16x128xf32, #tpu.memory_space<vmem_shared>>) dst(%dma_wait3A_43 : memref<16x128xf32, #tpu.memory_space<hbm>>)
        tpu.yield
      }) : () -> ()
    } else {
    }
    return
  }
}

#map = affine_map<(d0, d1) -> (0, 0)>
#map1 = affine_map<(d0, d1) -> (0, 0, 0, 0, 0)>
#map2 = affine_map<(d0, d1) -> (0, 0, 0, 0)>
#map3 = affine_map<(d0, d1) -> (0, 0, 0)>
module attributes {stable_mosaic.version = 14 : i64} {
  func.func @_hop_body(%arg0: i32, %arg1: i32, %arg2: memref<20000x128xf32, #tpu.memory_space<hbm>>, %arg3: memref<2x16x2x80x64xi32, #tpu.memory_space<hbm>>, %arg4: memref<16x2x80x64xi32, #tpu.memory_space<hbm>>, %arg5: memref<632x128xf32, #tpu.memory_space<hbm>>, %arg6: memref<2x10000x128xf32, #tpu.memory_space<hbm>>, %arg7: memref<10112x128xf32, #tpu.memory_space<vmem_shared>>, %arg8: memref<80x64xi32, #tpu.memory_space<vmem>>, %arg9: memref<80x64xi32, #tpu.memory_space<vmem>>, %arg10: memref<64x128xf32, #tpu.memory_space<vmem>>, %arg11: memref<64x128xf32, #tpu.memory_space<vmem>>, %arg12: memref<!tpu.dma_semaphore, #tpu.memory_space<semaphore_mem>>, %arg13: memref<!tpu.dma_semaphore, #tpu.memory_space<semaphore_mem>>) attributes {dimension_semantics = [#tpu.dimension_semantics<core_parallel>, #tpu.dimension_semantics<subcore_parallel>], iteration_bounds = array<i64: 2, 16>, scalar_prefetch = 0 : i64, scratch_operands = 7 : i64, tpu.core_type = #tpu.core_type<sc_vector_subcore>, window_params = [{transform_indices = #map}, {transform_indices = #map1}, {transform_indices = #map2}, {transform_indices = #map}, {transform_indices = #map3}]} {
    %mul3A = arith.constant 632 : i32
    %mul3A_0 = arith.muli %arg1, %mul3A : i32
    "tpu.region"() ({
      %run_scoped3A_33 = tpu.sem_alloc : memref<!tpu.dma_semaphore, #tpu.memory_space<semaphore_mem>>
      %dma_start3A_34 = arith.constant 0 : i32
      %dma_start3A_35 = tpu.memref_slice %arg7[%mul3A_0, %dma_start3A_34] : memref<10112x128xf32, #tpu.memory_space<vmem_shared>> -> memref<632x128xf32, #tpu.memory_space<vmem_shared>>
      tpu.enqueue_dma source(%arg5 : memref<632x128xf32, #tpu.memory_space<hbm>>) target(%dma_start3A_35 : memref<632x128xf32, #tpu.memory_space<vmem_shared>>) target_semaphore(%run_scoped3A_33 : memref<!tpu.dma_semaphore, #tpu.memory_space<semaphore_mem>>)
      %dma_wait3A = arith.constant 0 : i32
      %dma_wait3A_36 = tpu.memref_slice %arg7[%mul3A_0, %dma_wait3A] : memref<10112x128xf32, #tpu.memory_space<vmem_shared>> -> memref<632x128xf32, #tpu.memory_space<vmem_shared>>
      tpu.wait_dma2 semaphore(%run_scoped3A_33 : memref<!tpu.dma_semaphore, #tpu.memory_space<semaphore_mem>>) src(%arg5 : memref<632x128xf32, #tpu.memory_space<hbm>>) dst(%dma_wait3A_36 : memref<632x128xf32, #tpu.memory_space<vmem_shared>>)
      tpu.yield
    }) : () -> ()
    %barrier3A = arith.constant 0 : index
    tpu.barrier barrier_id(%barrier3A)
    %run_scoped3A = arith.constant 0 : i32
    "tpu.region"() ({
      %run_scoped3A_33 = tpu.sem_alloc : memref<!tpu.dma_semaphore, #tpu.memory_space<semaphore_mem>>
      %dma_start3A_34 = arith.constant 0 : i32
      %dma_start3A_35 = arith.constant 0 : i32
      %dma_start3A_36 = tpu.memref_slice %arg3[%arg0, %arg1, %run_scoped3A, %dma_start3A_34, %dma_start3A_35] : memref<2x16x2x80x64xi32, #tpu.memory_space<hbm>> -> memref<1x1x1x80x64xi32, #tpu.memory_space<hbm>>
      %dma_start3A_37 = tpu.memref_squeeze %dma_start3A_36 : memref<1x1x1x80x64xi32, #tpu.memory_space<hbm>> -> memref<80x64xi32, #tpu.memory_space<hbm>>
      %dma_start3A_38 = arith.constant 0 : i32
      %dma_start3A_39 = arith.constant 0 : i32
      %dma_start3A_40 = tpu.memref_slice %arg3[%arg0, %arg1, %run_scoped3A, %dma_start3A_38, %dma_start3A_39] : memref<2x16x2x80x64xi32, #tpu.memory_space<hbm>> -> memref<1x1x1x80x64xi32, #tpu.memory_space<hbm>>
      %dma_start3A_41 = tpu.memref_squeeze %dma_start3A_40 : memref<1x1x1x80x64xi32, #tpu.memory_space<hbm>> -> memref<80x64xi32, #tpu.memory_space<hbm>>
      tpu.enqueue_dma source(%dma_start3A_41 : memref<80x64xi32, #tpu.memory_space<hbm>>) target(%arg8 : memref<80x64xi32, #tpu.memory_space<vmem>>) target_semaphore(%run_scoped3A_33 : memref<!tpu.dma_semaphore, #tpu.memory_space<semaphore_mem>>)
      %dma_wait3A = arith.constant 0 : i32
      %dma_wait3A_42 = arith.constant 0 : i32
      %dma_wait3A_43 = tpu.memref_slice %arg3[%arg0, %arg1, %run_scoped3A, %dma_wait3A, %dma_wait3A_42] : memref<2x16x2x80x64xi32, #tpu.memory_space<hbm>> -> memref<1x1x1x80x64xi32, #tpu.memory_space<hbm>>
      %dma_wait3A_44 = tpu.memref_squeeze %dma_wait3A_43 : memref<1x1x1x80x64xi32, #tpu.memory_space<hbm>> -> memref<80x64xi32, #tpu.memory_space<hbm>>
      %dma_wait3A_45 = arith.constant 0 : i32
      %dma_wait3A_46 = arith.constant 0 : i32
      %dma_wait3A_47 = tpu.memref_slice %arg3[%arg0, %arg1, %run_scoped3A, %dma_wait3A_45, %dma_wait3A_46] : memref<2x16x2x80x64xi32, #tpu.memory_space<hbm>> -> memref<1x1x1x80x64xi32, #tpu.memory_space<hbm>>
      %dma_wait3A_48 = tpu.memref_squeeze %dma_wait3A_47 : memref<1x1x1x80x64xi32, #tpu.memory_space<hbm>> -> memref<80x64xi32, #tpu.memory_space<hbm>>
      tpu.wait_dma2 semaphore(%run_scoped3A_33 : memref<!tpu.dma_semaphore, #tpu.memory_space<semaphore_mem>>) src(%dma_wait3A_48 : memref<80x64xi32, #tpu.memory_space<hbm>>) dst(%arg8 : memref<80x64xi32, #tpu.memory_space<vmem>>)
      tpu.yield
    }) : () -> ()
    %run_scoped3A_1 = arith.constant 0 : i32
    "tpu.region"() ({
      %run_scoped3A_33 = tpu.sem_alloc : memref<!tpu.dma_semaphore, #tpu.memory_space<semaphore_mem>>
      %dma_start3A_34 = arith.constant 0 : i32
      %dma_start3A_35 = arith.constant 0 : i32
      %dma_start3A_36 = tpu.memref_slice %arg4[%arg1, %run_scoped3A_1, %dma_start3A_34, %dma_start3A_35] : memref<16x2x80x64xi32, #tpu.memory_space<hbm>> -> memref<1x1x80x64xi32, #tpu.memory_space<hbm>>
      %dma_start3A_37 = tpu.memref_squeeze %dma_start3A_36 : memref<1x1x80x64xi32, #tpu.memory_space<hbm>> -> memref<80x64xi32, #tpu.memory_space<hbm>>
      %dma_start3A_38 = arith.constant 0 : i32
      %dma_start3A_39 = arith.constant 0 : i32
      %dma_start3A_40 = tpu.memref_slice %arg4[%arg1, %run_scoped3A_1, %dma_start3A_38, %dma_start3A_39] : memref<16x2x80x64xi32, #tpu.memory_space<hbm>> -> memref<1x1x80x64xi32, #tpu.memory_space<hbm>>
      %dma_start3A_41 = tpu.memref_squeeze %dma_start3A_40 : memref<1x1x80x64xi32, #tpu.memory_space<hbm>> -> memref<80x64xi32, #tpu.memory_space<hbm>>
      tpu.enqueue_dma source(%dma_start3A_41 : memref<80x64xi32, #tpu.memory_space<hbm>>) target(%arg9 : memref<80x64xi32, #tpu.memory_space<vmem>>) target_semaphore(%run_scoped3A_33 : memref<!tpu.dma_semaphore, #tpu.memory_space<semaphore_mem>>)
      %dma_wait3A = arith.constant 0 : i32
      %dma_wait3A_42 = arith.constant 0 : i32
      %dma_wait3A_43 = tpu.memref_slice %arg4[%arg1, %run_scoped3A_1, %dma_wait3A, %dma_wait3A_42] : memref<16x2x80x64xi32, #tpu.memory_space<hbm>> -> memref<1x1x80x64xi32, #tpu.memory_space<hbm>>
      %dma_wait3A_44 = tpu.memref_squeeze %dma_wait3A_43 : memref<1x1x80x64xi32, #tpu.memory_space<hbm>> -> memref<80x64xi32, #tpu.memory_space<hbm>>
      %dma_wait3A_45 = arith.constant 0 : i32
      %dma_wait3A_46 = arith.constant 0 : i32
      %dma_wait3A_47 = tpu.memref_slice %arg4[%arg1, %run_scoped3A_1, %dma_wait3A_45, %dma_wait3A_46] : memref<16x2x80x64xi32, #tpu.memory_space<hbm>> -> memref<1x1x80x64xi32, #tpu.memory_space<hbm>>
      %dma_wait3A_48 = tpu.memref_squeeze %dma_wait3A_47 : memref<1x1x80x64xi32, #tpu.memory_space<hbm>> -> memref<80x64xi32, #tpu.memory_space<hbm>>
      tpu.wait_dma2 semaphore(%run_scoped3A_33 : memref<!tpu.dma_semaphore, #tpu.memory_space<semaphore_mem>>) src(%dma_wait3A_48 : memref<80x64xi32, #tpu.memory_space<hbm>>) dst(%arg9 : memref<80x64xi32, #tpu.memory_space<vmem>>)
      tpu.yield
    }) : () -> ()
    %dma_start3A = arith.constant 0 : i32
    %dma_start3A_2 = arith.constant 0 : i32
    %dma_start3A_3 = tpu.memref_slice %arg8[%dma_start3A, %dma_start3A_2] : memref<80x64xi32, #tpu.memory_space<vmem>> -> memref<1x64xi32, #tpu.memory_space<vmem>>
    %dma_start3A_4 = tpu.memref_squeeze %dma_start3A_3 : memref<1x64xi32, #tpu.memory_space<vmem>> -> memref<64xi32, #tpu.memory_space<vmem>>
    %dma_start3A_5 = arith.constant 0 : i32
    %dma_start3A_6 = arith.constant 0 : i32
    %dma_start3A_7 = tpu.memref_slice %arg2[%dma_start3A_5, %dma_start3A_6] : memref<20000x128xf32, #tpu.memory_space<hbm>> -> memref<20000x128xf32, #tpu.memory_space<hbm>>
    tpu.enqueue_indirect_dma source(%dma_start3A_7 : memref<20000x128xf32, #tpu.memory_space<hbm>>) target(%arg10 : memref<64x128xf32, #tpu.memory_space<vmem>>) offsets(%dma_start3A_4 : memref<64xi32, #tpu.memory_space<vmem>>) semaphore(%arg12 : memref<!tpu.dma_semaphore, #tpu.memory_space<semaphore_mem>>)
    %scan3A = arith.constant 0 : i32
    %scan3A_8 = arith.constant 40 : i32
    %scan3A_9 = arith.addi %scan3A, %scan3A_8 : i32
    %scan3A_10 = arith.constant 1 : i32
    scf.for %scan3A_33 = %scan3A to %scan3A_9 step %scan3A_10  : i32 {
      %mul3A_34 = arith.constant 1 : i32
      %mul3A_35 = arith.muli %scan3A_33, %mul3A_34 : i32
      %add3A = arith.constant 0 : i32
      %add3A_36 = arith.addi %add3A, %mul3A_35 : i32
      %mul3A_37 = arith.constant 2 : i32
      %mul3A_38 = arith.muli %add3A_36, %mul3A_37 : i32
      %add3A_39 = arith.constant 1 : i32
      %add3A_40 = arith.addi %mul3A_38, %add3A_39 : i32
      %dma_start3A_41 = arith.constant 0 : i32
      %dma_start3A_42 = tpu.memref_slice %arg8[%add3A_40, %dma_start3A_41] : memref<80x64xi32, #tpu.memory_space<vmem>> -> memref<1x64xi32, #tpu.memory_space<vmem>>
      %dma_start3A_43 = tpu.memref_squeeze %dma_start3A_42 : memref<1x64xi32, #tpu.memory_space<vmem>> -> memref<64xi32, #tpu.memory_space<vmem>>
      %dma_start3A_44 = arith.constant 0 : i32
      %dma_start3A_45 = arith.constant 0 : i32
      %dma_start3A_46 = tpu.memref_slice %arg2[%dma_start3A_44, %dma_start3A_45] : memref<20000x128xf32, #tpu.memory_space<hbm>> -> memref<20000x128xf32, #tpu.memory_space<hbm>>
      tpu.enqueue_indirect_dma source(%dma_start3A_46 : memref<20000x128xf32, #tpu.memory_space<hbm>>) target(%arg11 : memref<64x128xf32, #tpu.memory_space<vmem>>) offsets(%dma_start3A_43 : memref<64xi32, #tpu.memory_space<vmem>>) semaphore(%arg13 : memref<!tpu.dma_semaphore, #tpu.memory_space<semaphore_mem>>)
      %dma_wait3A = arith.constant 0 : i32
      %dma_wait3A_47 = tpu.memref_slice %arg8[%mul3A_38, %dma_wait3A] : memref<80x64xi32, #tpu.memory_space<vmem>> -> memref<1x64xi32, #tpu.memory_space<vmem>>
      %dma_wait3A_48 = tpu.memref_squeeze %dma_wait3A_47 : memref<1x64xi32, #tpu.memory_space<vmem>> -> memref<64xi32, #tpu.memory_space<vmem>>
      %dma_wait3A_49 = arith.constant 0 : i32
      %dma_wait3A_50 = arith.constant 0 : i32
      %dma_wait3A_51 = tpu.memref_slice %arg2[%dma_wait3A_49, %dma_wait3A_50] : memref<20000x128xf32, #tpu.memory_space<hbm>> -> memref<20000x128xf32, #tpu.memory_space<hbm>>
      tpu.wait_indirect_dma semaphore(%arg12 : memref<!tpu.dma_semaphore, #tpu.memory_space<semaphore_mem>>) src(%dma_wait3A_51 : memref<20000x128xf32, #tpu.memory_space<hbm>>) dst(%arg10 : memref<64x128xf32, #tpu.memory_space<vmem>>)
      "tpu.region"() ({
        %run_scoped3A_66 = tpu.sem_alloc : memref<!tpu.dma_semaphore, #tpu.memory_space<semaphore_mem>>
        %dma_start3A_67 = arith.constant 0 : i32
        %dma_start3A_68 = tpu.memref_slice %arg9[%mul3A_38, %dma_start3A_67] : memref<80x64xi32, #tpu.memory_space<vmem>> -> memref<1x64xi32, #tpu.memory_space<vmem>>
        %dma_start3A_69 = tpu.memref_squeeze %dma_start3A_68 : memref<1x64xi32, #tpu.memory_space<vmem>> -> memref<64xi32, #tpu.memory_space<vmem>>
        %dma_start3A_70 = arith.constant 0 : i32
        %dma_start3A_71 = arith.constant 0 : i32
        %dma_start3A_72 = tpu.memref_slice %arg7[%dma_start3A_70, %dma_start3A_71] : memref<10112x128xf32, #tpu.memory_space<vmem_shared>> -> memref<10112x128xf32, #tpu.memory_space<vmem_shared>>
        tpu.enqueue_indirect_dma source(%arg10 : memref<64x128xf32, #tpu.memory_space<vmem>>) target(%dma_start3A_72 : memref<10112x128xf32, #tpu.memory_space<vmem_shared>>) offsets(%dma_start3A_69 : memref<64xi32, #tpu.memory_space<vmem>>) semaphore(%run_scoped3A_66 : memref<!tpu.dma_semaphore, #tpu.memory_space<semaphore_mem>>) {add = true}
        %dma_wait3A_73 = arith.constant 0 : i32
        %dma_wait3A_74 = tpu.memref_slice %arg9[%mul3A_38, %dma_wait3A_73] : memref<80x64xi32, #tpu.memory_space<vmem>> -> memref<1x64xi32, #tpu.memory_space<vmem>>
        %dma_wait3A_75 = tpu.memref_squeeze %dma_wait3A_74 : memref<1x64xi32, #tpu.memory_space<vmem>> -> memref<64xi32, #tpu.memory_space<vmem>>
        %dma_wait3A_76 = arith.constant 0 : i32
        %dma_wait3A_77 = arith.constant 0 : i32
        %dma_wait3A_78 = tpu.memref_slice %arg7[%dma_wait3A_76, %dma_wait3A_77] : memref<10112x128xf32, #tpu.memory_space<vmem_shared>> -> memref<10112x128xf32, #tpu.memory_space<vmem_shared>>
        tpu.wait_indirect_dma semaphore(%run_scoped3A_66 : memref<!tpu.dma_semaphore, #tpu.memory_space<semaphore_mem>>) src(%arg10 : memref<64x128xf32, #tpu.memory_space<vmem>>) dst(%dma_wait3A_78 : memref<10112x128xf32, #tpu.memory_space<vmem_shared>>)
        tpu.yield
      }) : () -> ()
      %lt3A = arith.constant 39 : i32
      %lt3A_52 = arith.cmpi slt, %add3A_36, %lt3A : i32
      %convert_element_type3A_53 = arith.extui %lt3A_52 : i1 to i32
      %cond3A_54 = arith.constant 0 : i32
      %cond3A_55 = arith.cmpi ne, %convert_element_type3A_53, %cond3A_54 : i32
      scf.if %cond3A_55 {
        %add3A_66 = arith.constant 2 : i32
        %add3A_67 = arith.addi %mul3A_38, %add3A_66 : i32
        %dma_start3A_68 = arith.constant 0 : i32
        %dma_start3A_69 = tpu.memref_slice %arg8[%add3A_67, %dma_start3A_68] : memref<80x64xi32, #tpu.memory_space<vmem>> -> memref<1x64xi32, #tpu.memory_space<vmem>>
        %dma_start3A_70 = tpu.memref_squeeze %dma_start3A_69 : memref<1x64xi32, #tpu.memory_space<vmem>> -> memref<64xi32, #tpu.memory_space<vmem>>
        %dma_start3A_71 = arith.constant 0 : i32
        %dma_start3A_72 = arith.constant 0 : i32
        %dma_start3A_73 = tpu.memref_slice %arg2[%dma_start3A_71, %dma_start3A_72] : memref<20000x128xf32, #tpu.memory_space<hbm>> -> memref<20000x128xf32, #tpu.memory_space<hbm>>
        tpu.enqueue_indirect_dma source(%dma_start3A_73 : memref<20000x128xf32, #tpu.memory_space<hbm>>) target(%arg10 : memref<64x128xf32, #tpu.memory_space<vmem>>) offsets(%dma_start3A_70 : memref<64xi32, #tpu.memory_space<vmem>>) semaphore(%arg12 : memref<!tpu.dma_semaphore, #tpu.memory_space<semaphore_mem>>)
      } else {
      }
      %add3A_56 = arith.constant 1 : i32
      %add3A_57 = arith.addi %mul3A_38, %add3A_56 : i32
      %dma_wait3A_58 = arith.constant 0 : i32
      %dma_wait3A_59 = tpu.memref_slice %arg8[%add3A_57, %dma_wait3A_58] : memref<80x64xi32, #tpu.memory_space<vmem>> -> memref<1x64xi32, #tpu.memory_space<vmem>>
      %dma_wait3A_60 = tpu.memref_squeeze %dma_wait3A_59 : memref<1x64xi32, #tpu.memory_space<vmem>> -> memref<64xi32, #tpu.memory_space<vmem>>
      %dma_wait3A_61 = arith.constant 0 : i32
      %dma_wait3A_62 = arith.constant 0 : i32
      %dma_wait3A_63 = tpu.memref_slice %arg2[%dma_wait3A_61, %dma_wait3A_62] : memref<20000x128xf32, #tpu.memory_space<hbm>> -> memref<20000x128xf32, #tpu.memory_space<hbm>>
      tpu.wait_indirect_dma semaphore(%arg13 : memref<!tpu.dma_semaphore, #tpu.memory_space<semaphore_mem>>) src(%dma_wait3A_63 : memref<20000x128xf32, #tpu.memory_space<hbm>>) dst(%arg11 : memref<64x128xf32, #tpu.memory_space<vmem>>)
      %add3A_64 = arith.constant 1 : i32
      %add3A_65 = arith.addi %mul3A_38, %add3A_64 : i32
      "tpu.region"() ({
        %run_scoped3A_66 = tpu.sem_alloc : memref<!tpu.dma_semaphore, #tpu.memory_space<semaphore_mem>>
        %dma_start3A_67 = arith.constant 0 : i32
        %dma_start3A_68 = tpu.memref_slice %arg9[%add3A_65, %dma_start3A_67] : memref<80x64xi32, #tpu.memory_space<vmem>> -> memref<1x64xi32, #tpu.memory_space<vmem>>
        %dma_start3A_69 = tpu.memref_squeeze %dma_start3A_68 : memref<1x64xi32, #tpu.memory_space<vmem>> -> memref<64xi32, #tpu.memory_space<vmem>>
        %dma_start3A_70 = arith.constant 0 : i32
        %dma_start3A_71 = arith.constant 0 : i32
        %dma_start3A_72 = tpu.memref_slice %arg7[%dma_start3A_70, %dma_start3A_71] : memref<10112x128xf32, #tpu.memory_space<vmem_shared>> -> memref<10112x128xf32, #tpu.memory_space<vmem_shared>>
        tpu.enqueue_indirect_dma source(%arg11 : memref<64x128xf32, #tpu.memory_space<vmem>>) target(%dma_start3A_72 : memref<10112x128xf32, #tpu.memory_space<vmem_shared>>) offsets(%dma_start3A_69 : memref<64xi32, #tpu.memory_space<vmem>>) semaphore(%run_scoped3A_66 : memref<!tpu.dma_semaphore, #tpu.memory_space<semaphore_mem>>) {add = true}
        %dma_wait3A_73 = arith.constant 0 : i32
        %dma_wait3A_74 = tpu.memref_slice %arg9[%add3A_65, %dma_wait3A_73] : memref<80x64xi32, #tpu.memory_space<vmem>> -> memref<1x64xi32, #tpu.memory_space<vmem>>
        %dma_wait3A_75 = tpu.memref_squeeze %dma_wait3A_74 : memref<1x64xi32, #tpu.memory_space<vmem>> -> memref<64xi32, #tpu.memory_space<vmem>>
        %dma_wait3A_76 = arith.constant 0 : i32
        %dma_wait3A_77 = arith.constant 0 : i32
        %dma_wait3A_78 = tpu.memref_slice %arg7[%dma_wait3A_76, %dma_wait3A_77] : memref<10112x128xf32, #tpu.memory_space<vmem_shared>> -> memref<10112x128xf32, #tpu.memory_space<vmem_shared>>
        tpu.wait_indirect_dma semaphore(%run_scoped3A_66 : memref<!tpu.dma_semaphore, #tpu.memory_space<semaphore_mem>>) src(%arg11 : memref<64x128xf32, #tpu.memory_space<vmem>>) dst(%dma_wait3A_78 : memref<10112x128xf32, #tpu.memory_space<vmem_shared>>)
        tpu.yield
      }) : () -> ()
    }
    %scan3A_11 = arith.constant 40 : i32
    %run_scoped3A_12 = arith.constant 1 : i32
    "tpu.region"() ({
      %run_scoped3A_33 = tpu.sem_alloc : memref<!tpu.dma_semaphore, #tpu.memory_space<semaphore_mem>>
      %dma_start3A_34 = arith.constant 0 : i32
      %dma_start3A_35 = arith.constant 0 : i32
      %dma_start3A_36 = tpu.memref_slice %arg3[%arg0, %arg1, %run_scoped3A_12, %dma_start3A_34, %dma_start3A_35] : memref<2x16x2x80x64xi32, #tpu.memory_space<hbm>> -> memref<1x1x1x80x64xi32, #tpu.memory_space<hbm>>
      %dma_start3A_37 = tpu.memref_squeeze %dma_start3A_36 : memref<1x1x1x80x64xi32, #tpu.memory_space<hbm>> -> memref<80x64xi32, #tpu.memory_space<hbm>>
      %dma_start3A_38 = arith.constant 0 : i32
      %dma_start3A_39 = arith.constant 0 : i32
      %dma_start3A_40 = tpu.memref_slice %arg3[%arg0, %arg1, %run_scoped3A_12, %dma_start3A_38, %dma_start3A_39] : memref<2x16x2x80x64xi32, #tpu.memory_space<hbm>> -> memref<1x1x1x80x64xi32, #tpu.memory_space<hbm>>
      %dma_start3A_41 = tpu.memref_squeeze %dma_start3A_40 : memref<1x1x1x80x64xi32, #tpu.memory_space<hbm>> -> memref<80x64xi32, #tpu.memory_space<hbm>>
      tpu.enqueue_dma source(%dma_start3A_41 : memref<80x64xi32, #tpu.memory_space<hbm>>) target(%arg8 : memref<80x64xi32, #tpu.memory_space<vmem>>) target_semaphore(%run_scoped3A_33 : memref<!tpu.dma_semaphore, #tpu.memory_space<semaphore_mem>>)
      %dma_wait3A = arith.constant 0 : i32
      %dma_wait3A_42 = arith.constant 0 : i32
      %dma_wait3A_43 = tpu.memref_slice %arg3[%arg0, %arg1, %run_scoped3A_12, %dma_wait3A, %dma_wait3A_42] : memref<2x16x2x80x64xi32, #tpu.memory_space<hbm>> -> memref<1x1x1x80x64xi32, #tpu.memory_space<hbm>>
      %dma_wait3A_44 = tpu.memref_squeeze %dma_wait3A_43 : memref<1x1x1x80x64xi32, #tpu.memory_space<hbm>> -> memref<80x64xi32, #tpu.memory_space<hbm>>
      %dma_wait3A_45 = arith.constant 0 : i32
      %dma_wait3A_46 = arith.constant 0 : i32
      %dma_wait3A_47 = tpu.memref_slice %arg3[%arg0, %arg1, %run_scoped3A_12, %dma_wait3A_45, %dma_wait3A_46] : memref<2x16x2x80x64xi32, #tpu.memory_space<hbm>> -> memref<1x1x1x80x64xi32, #tpu.memory_space<hbm>>
      %dma_wait3A_48 = tpu.memref_squeeze %dma_wait3A_47 : memref<1x1x1x80x64xi32, #tpu.memory_space<hbm>> -> memref<80x64xi32, #tpu.memory_space<hbm>>
      tpu.wait_dma2 semaphore(%run_scoped3A_33 : memref<!tpu.dma_semaphore, #tpu.memory_space<semaphore_mem>>) src(%dma_wait3A_48 : memref<80x64xi32, #tpu.memory_space<hbm>>) dst(%arg8 : memref<80x64xi32, #tpu.memory_space<vmem>>)
      tpu.yield
    }) : () -> ()
    %run_scoped3A_13 = arith.constant 1 : i32
    "tpu.region"() ({
      %run_scoped3A_33 = tpu.sem_alloc : memref<!tpu.dma_semaphore, #tpu.memory_space<semaphore_mem>>
      %dma_start3A_34 = arith.constant 0 : i32
      %dma_start3A_35 = arith.constant 0 : i32
      %dma_start3A_36 = tpu.memref_slice %arg4[%arg1, %run_scoped3A_13, %dma_start3A_34, %dma_start3A_35] : memref<16x2x80x64xi32, #tpu.memory_space<hbm>> -> memref<1x1x80x64xi32, #tpu.memory_space<hbm>>
      %dma_start3A_37 = tpu.memref_squeeze %dma_start3A_36 : memref<1x1x80x64xi32, #tpu.memory_space<hbm>> -> memref<80x64xi32, #tpu.memory_space<hbm>>
      %dma_start3A_38 = arith.constant 0 : i32
      %dma_start3A_39 = arith.constant 0 : i32
      %dma_start3A_40 = tpu.memref_slice %arg4[%arg1, %run_scoped3A_13, %dma_start3A_38, %dma_start3A_39] : memref<16x2x80x64xi32, #tpu.memory_space<hbm>> -> memref<1x1x80x64xi32, #tpu.memory_space<hbm>>
      %dma_start3A_41 = tpu.memref_squeeze %dma_start3A_40 : memref<1x1x80x64xi32, #tpu.memory_space<hbm>> -> memref<80x64xi32, #tpu.memory_space<hbm>>
      tpu.enqueue_dma source(%dma_start3A_41 : memref<80x64xi32, #tpu.memory_space<hbm>>) target(%arg9 : memref<80x64xi32, #tpu.memory_space<vmem>>) target_semaphore(%run_scoped3A_33 : memref<!tpu.dma_semaphore, #tpu.memory_space<semaphore_mem>>)
      %dma_wait3A = arith.constant 0 : i32
      %dma_wait3A_42 = arith.constant 0 : i32
      %dma_wait3A_43 = tpu.memref_slice %arg4[%arg1, %run_scoped3A_13, %dma_wait3A, %dma_wait3A_42] : memref<16x2x80x64xi32, #tpu.memory_space<hbm>> -> memref<1x1x80x64xi32, #tpu.memory_space<hbm>>
      %dma_wait3A_44 = tpu.memref_squeeze %dma_wait3A_43 : memref<1x1x80x64xi32, #tpu.memory_space<hbm>> -> memref<80x64xi32, #tpu.memory_space<hbm>>
      %dma_wait3A_45 = arith.constant 0 : i32
      %dma_wait3A_46 = arith.constant 0 : i32
      %dma_wait3A_47 = tpu.memref_slice %arg4[%arg1, %run_scoped3A_13, %dma_wait3A_45, %dma_wait3A_46] : memref<16x2x80x64xi32, #tpu.memory_space<hbm>> -> memref<1x1x80x64xi32, #tpu.memory_space<hbm>>
      %dma_wait3A_48 = tpu.memref_squeeze %dma_wait3A_47 : memref<1x1x80x64xi32, #tpu.memory_space<hbm>> -> memref<80x64xi32, #tpu.memory_space<hbm>>
      tpu.wait_dma2 semaphore(%run_scoped3A_33 : memref<!tpu.dma_semaphore, #tpu.memory_space<semaphore_mem>>) src(%dma_wait3A_48 : memref<80x64xi32, #tpu.memory_space<hbm>>) dst(%arg9 : memref<80x64xi32, #tpu.memory_space<vmem>>)
      tpu.yield
    }) : () -> ()
    %dma_start3A_14 = arith.constant 0 : i32
    %dma_start3A_15 = arith.constant 0 : i32
    %dma_start3A_16 = tpu.memref_slice %arg8[%dma_start3A_14, %dma_start3A_15] : memref<80x64xi32, #tpu.memory_space<vmem>> -> memref<1x64xi32, #tpu.memory_space<vmem>>
    %dma_start3A_17 = tpu.memref_squeeze %dma_start3A_16 : memref<1x64xi32, #tpu.memory_space<vmem>> -> memref<64xi32, #tpu.memory_space<vmem>>
    %dma_start3A_18 = arith.constant 0 : i32
    %dma_start3A_19 = arith.constant 0 : i32
    %dma_start3A_20 = tpu.memref_slice %arg2[%dma_start3A_18, %dma_start3A_19] : memref<20000x128xf32, #tpu.memory_space<hbm>> -> memref<20000x128xf32, #tpu.memory_space<hbm>>
    tpu.enqueue_indirect_dma source(%dma_start3A_20 : memref<20000x128xf32, #tpu.memory_space<hbm>>) target(%arg10 : memref<64x128xf32, #tpu.memory_space<vmem>>) offsets(%dma_start3A_17 : memref<64xi32, #tpu.memory_space<vmem>>) semaphore(%arg12 : memref<!tpu.dma_semaphore, #tpu.memory_space<semaphore_mem>>)
    %scan3A_21 = arith.constant 0 : i32
    %scan3A_22 = arith.constant 40 : i32
    %scan3A_23 = arith.addi %scan3A_21, %scan3A_22 : i32
    %scan3A_24 = arith.constant 1 : i32
    scf.for %scan3A_33 = %scan3A_21 to %scan3A_23 step %scan3A_24  : i32 {
      %mul3A_34 = arith.constant 1 : i32
      %mul3A_35 = arith.muli %scan3A_33, %mul3A_34 : i32
      %add3A = arith.constant 0 : i32
      %add3A_36 = arith.addi %add3A, %mul3A_35 : i32
      %mul3A_37 = arith.constant 2 : i32
      %mul3A_38 = arith.muli %add3A_36, %mul3A_37 : i32
      %add3A_39 = arith.constant 1 : i32
      %add3A_40 = arith.addi %mul3A_38, %add3A_39 : i32
      %dma_start3A_41 = arith.constant 0 : i32
      %dma_start3A_42 = tpu.memref_slice %arg8[%add3A_40, %dma_start3A_41] : memref<80x64xi32, #tpu.memory_space<vmem>> -> memref<1x64xi32, #tpu.memory_space<vmem>>
      %dma_start3A_43 = tpu.memref_squeeze %dma_start3A_42 : memref<1x64xi32, #tpu.memory_space<vmem>> -> memref<64xi32, #tpu.memory_space<vmem>>
      %dma_start3A_44 = arith.constant 0 : i32
      %dma_start3A_45 = arith.constant 0 : i32
      %dma_start3A_46 = tpu.memref_slice %arg2[%dma_start3A_44, %dma_start3A_45] : memref<20000x128xf32, #tpu.memory_space<hbm>> -> memref<20000x128xf32, #tpu.memory_space<hbm>>
      tpu.enqueue_indirect_dma source(%dma_start3A_46 : memref<20000x128xf32, #tpu.memory_space<hbm>>) target(%arg11 : memref<64x128xf32, #tpu.memory_space<vmem>>) offsets(%dma_start3A_43 : memref<64xi32, #tpu.memory_space<vmem>>) semaphore(%arg13 : memref<!tpu.dma_semaphore, #tpu.memory_space<semaphore_mem>>)
      %dma_wait3A = arith.constant 0 : i32
      %dma_wait3A_47 = tpu.memref_slice %arg8[%mul3A_38, %dma_wait3A] : memref<80x64xi32, #tpu.memory_space<vmem>> -> memref<1x64xi32, #tpu.memory_space<vmem>>
      %dma_wait3A_48 = tpu.memref_squeeze %dma_wait3A_47 : memref<1x64xi32, #tpu.memory_space<vmem>> -> memref<64xi32, #tpu.memory_space<vmem>>
      %dma_wait3A_49 = arith.constant 0 : i32
      %dma_wait3A_50 = arith.constant 0 : i32
      %dma_wait3A_51 = tpu.memref_slice %arg2[%dma_wait3A_49, %dma_wait3A_50] : memref<20000x128xf32, #tpu.memory_space<hbm>> -> memref<20000x128xf32, #tpu.memory_space<hbm>>
      tpu.wait_indirect_dma semaphore(%arg12 : memref<!tpu.dma_semaphore, #tpu.memory_space<semaphore_mem>>) src(%dma_wait3A_51 : memref<20000x128xf32, #tpu.memory_space<hbm>>) dst(%arg10 : memref<64x128xf32, #tpu.memory_space<vmem>>)
      "tpu.region"() ({
        %run_scoped3A_66 = tpu.sem_alloc : memref<!tpu.dma_semaphore, #tpu.memory_space<semaphore_mem>>
        %dma_start3A_67 = arith.constant 0 : i32
        %dma_start3A_68 = tpu.memref_slice %arg9[%mul3A_38, %dma_start3A_67] : memref<80x64xi32, #tpu.memory_space<vmem>> -> memref<1x64xi32, #tpu.memory_space<vmem>>
        %dma_start3A_69 = tpu.memref_squeeze %dma_start3A_68 : memref<1x64xi32, #tpu.memory_space<vmem>> -> memref<64xi32, #tpu.memory_space<vmem>>
        %dma_start3A_70 = arith.constant 0 : i32
        %dma_start3A_71 = arith.constant 0 : i32
        %dma_start3A_72 = tpu.memref_slice %arg7[%dma_start3A_70, %dma_start3A_71] : memref<10112x128xf32, #tpu.memory_space<vmem_shared>> -> memref<10112x128xf32, #tpu.memory_space<vmem_shared>>
        tpu.enqueue_indirect_dma source(%arg10 : memref<64x128xf32, #tpu.memory_space<vmem>>) target(%dma_start3A_72 : memref<10112x128xf32, #tpu.memory_space<vmem_shared>>) offsets(%dma_start3A_69 : memref<64xi32, #tpu.memory_space<vmem>>) semaphore(%run_scoped3A_66 : memref<!tpu.dma_semaphore, #tpu.memory_space<semaphore_mem>>) {add = true}
        %dma_wait3A_73 = arith.constant 0 : i32
        %dma_wait3A_74 = tpu.memref_slice %arg9[%mul3A_38, %dma_wait3A_73] : memref<80x64xi32, #tpu.memory_space<vmem>> -> memref<1x64xi32, #tpu.memory_space<vmem>>
        %dma_wait3A_75 = tpu.memref_squeeze %dma_wait3A_74 : memref<1x64xi32, #tpu.memory_space<vmem>> -> memref<64xi32, #tpu.memory_space<vmem>>
        %dma_wait3A_76 = arith.constant 0 : i32
        %dma_wait3A_77 = arith.constant 0 : i32
        %dma_wait3A_78 = tpu.memref_slice %arg7[%dma_wait3A_76, %dma_wait3A_77] : memref<10112x128xf32, #tpu.memory_space<vmem_shared>> -> memref<10112x128xf32, #tpu.memory_space<vmem_shared>>
        tpu.wait_indirect_dma semaphore(%run_scoped3A_66 : memref<!tpu.dma_semaphore, #tpu.memory_space<semaphore_mem>>) src(%arg10 : memref<64x128xf32, #tpu.memory_space<vmem>>) dst(%dma_wait3A_78 : memref<10112x128xf32, #tpu.memory_space<vmem_shared>>)
        tpu.yield
      }) : () -> ()
      %lt3A = arith.constant 39 : i32
      %lt3A_52 = arith.cmpi slt, %add3A_36, %lt3A : i32
      %convert_element_type3A_53 = arith.extui %lt3A_52 : i1 to i32
      %cond3A_54 = arith.constant 0 : i32
      %cond3A_55 = arith.cmpi ne, %convert_element_type3A_53, %cond3A_54 : i32
      scf.if %cond3A_55 {
        %add3A_66 = arith.constant 2 : i32
        %add3A_67 = arith.addi %mul3A_38, %add3A_66 : i32
        %dma_start3A_68 = arith.constant 0 : i32
        %dma_start3A_69 = tpu.memref_slice %arg8[%add3A_67, %dma_start3A_68] : memref<80x64xi32, #tpu.memory_space<vmem>> -> memref<1x64xi32, #tpu.memory_space<vmem>>
        %dma_start3A_70 = tpu.memref_squeeze %dma_start3A_69 : memref<1x64xi32, #tpu.memory_space<vmem>> -> memref<64xi32, #tpu.memory_space<vmem>>
        %dma_start3A_71 = arith.constant 0 : i32
        %dma_start3A_72 = arith.constant 0 : i32
        %dma_start3A_73 = tpu.memref_slice %arg2[%dma_start3A_71, %dma_start3A_72] : memref<20000x128xf32, #tpu.memory_space<hbm>> -> memref<20000x128xf32, #tpu.memory_space<hbm>>
        tpu.enqueue_indirect_dma source(%dma_start3A_73 : memref<20000x128xf32, #tpu.memory_space<hbm>>) target(%arg10 : memref<64x128xf32, #tpu.memory_space<vmem>>) offsets(%dma_start3A_70 : memref<64xi32, #tpu.memory_space<vmem>>) semaphore(%arg12 : memref<!tpu.dma_semaphore, #tpu.memory_space<semaphore_mem>>)
      } else {
      }
      %add3A_56 = arith.constant 1 : i32
      %add3A_57 = arith.addi %mul3A_38, %add3A_56 : i32
      %dma_wait3A_58 = arith.constant 0 : i32
      %dma_wait3A_59 = tpu.memref_slice %arg8[%add3A_57, %dma_wait3A_58] : memref<80x64xi32, #tpu.memory_space<vmem>> -> memref<1x64xi32, #tpu.memory_space<vmem>>
      %dma_wait3A_60 = tpu.memref_squeeze %dma_wait3A_59 : memref<1x64xi32, #tpu.memory_space<vmem>> -> memref<64xi32, #tpu.memory_space<vmem>>
      %dma_wait3A_61 = arith.constant 0 : i32
      %dma_wait3A_62 = arith.constant 0 : i32
      %dma_wait3A_63 = tpu.memref_slice %arg2[%dma_wait3A_61, %dma_wait3A_62] : memref<20000x128xf32, #tpu.memory_space<hbm>> -> memref<20000x128xf32, #tpu.memory_space<hbm>>
      tpu.wait_indirect_dma semaphore(%arg13 : memref<!tpu.dma_semaphore, #tpu.memory_space<semaphore_mem>>) src(%dma_wait3A_63 : memref<20000x128xf32, #tpu.memory_space<hbm>>) dst(%arg11 : memref<64x128xf32, #tpu.memory_space<vmem>>)
      %add3A_64 = arith.constant 1 : i32
      %add3A_65 = arith.addi %mul3A_38, %add3A_64 : i32
      "tpu.region"() ({
        %run_scoped3A_66 = tpu.sem_alloc : memref<!tpu.dma_semaphore, #tpu.memory_space<semaphore_mem>>
        %dma_start3A_67 = arith.constant 0 : i32
        %dma_start3A_68 = tpu.memref_slice %arg9[%add3A_65, %dma_start3A_67] : memref<80x64xi32, #tpu.memory_space<vmem>> -> memref<1x64xi32, #tpu.memory_space<vmem>>
        %dma_start3A_69 = tpu.memref_squeeze %dma_start3A_68 : memref<1x64xi32, #tpu.memory_space<vmem>> -> memref<64xi32, #tpu.memory_space<vmem>>
        %dma_start3A_70 = arith.constant 0 : i32
        %dma_start3A_71 = arith.constant 0 : i32
        %dma_start3A_72 = tpu.memref_slice %arg7[%dma_start3A_70, %dma_start3A_71] : memref<10112x128xf32, #tpu.memory_space<vmem_shared>> -> memref<10112x128xf32, #tpu.memory_space<vmem_shared>>
        tpu.enqueue_indirect_dma source(%arg11 : memref<64x128xf32, #tpu.memory_space<vmem>>) target(%dma_start3A_72 : memref<10112x128xf32, #tpu.memory_space<vmem_shared>>) offsets(%dma_start3A_69 : memref<64xi32, #tpu.memory_space<vmem>>) semaphore(%run_scoped3A_66 : memref<!tpu.dma_semaphore, #tpu.memory_space<semaphore_mem>>) {add = true}
        %dma_wait3A_73 = arith.constant 0 : i32
        %dma_wait3A_74 = tpu.memref_slice %arg9[%add3A_65, %dma_wait3A_73] : memref<80x64xi32, #tpu.memory_space<vmem>> -> memref<1x64xi32, #tpu.memory_space<vmem>>
        %dma_wait3A_75 = tpu.memref_squeeze %dma_wait3A_74 : memref<1x64xi32, #tpu.memory_space<vmem>> -> memref<64xi32, #tpu.memory_space<vmem>>
        %dma_wait3A_76 = arith.constant 0 : i32
        %dma_wait3A_77 = arith.constant 0 : i32
        %dma_wait3A_78 = tpu.memref_slice %arg7[%dma_wait3A_76, %dma_wait3A_77] : memref<10112x128xf32, #tpu.memory_space<vmem_shared>> -> memref<10112x128xf32, #tpu.memory_space<vmem_shared>>
        tpu.wait_indirect_dma semaphore(%run_scoped3A_66 : memref<!tpu.dma_semaphore, #tpu.memory_space<semaphore_mem>>) src(%arg11 : memref<64x128xf32, #tpu.memory_space<vmem>>) dst(%dma_wait3A_78 : memref<10112x128xf32, #tpu.memory_space<vmem_shared>>)
        tpu.yield
      }) : () -> ()
    }
    %scan3A_25 = arith.constant 40 : i32
    %barrier3A_26 = arith.constant 0 : index
    tpu.barrier barrier_id(%barrier3A_26)
    %mul3A_27 = arith.constant 624 : i32
    %mul3A_28 = arith.muli %arg1, %mul3A_27 : i32
    %mul3A_29 = arith.constant 624 : i32
    %mul3A_30 = arith.muli %arg1, %mul3A_29 : i32
    "tpu.region"() ({
      %run_scoped3A_33 = tpu.sem_alloc : memref<!tpu.dma_semaphore, #tpu.memory_space<semaphore_mem>>
      %dma_start3A_34 = arith.constant 0 : i32
      %dma_start3A_35 = tpu.memref_slice %arg6[%arg0, %mul3A_30, %dma_start3A_34] : memref<2x10000x128xf32, #tpu.memory_space<hbm>> -> memref<1x624x128xf32, #tpu.memory_space<hbm>>
      %dma_start3A_36 = tpu.memref_squeeze %dma_start3A_35 : memref<1x624x128xf32, #tpu.memory_space<hbm>> -> memref<624x128xf32, #tpu.memory_space<hbm>>
      %dma_start3A_37 = arith.constant 0 : i32
      %dma_start3A_38 = tpu.memref_slice %arg7[%mul3A_28, %dma_start3A_37] : memref<10112x128xf32, #tpu.memory_space<vmem_shared>> -> memref<624x128xf32, #tpu.memory_space<vmem_shared>>
      tpu.enqueue_dma source(%dma_start3A_38 : memref<624x128xf32, #tpu.memory_space<vmem_shared>>) target(%dma_start3A_36 : memref<624x128xf32, #tpu.memory_space<hbm>>) target_semaphore(%run_scoped3A_33 : memref<!tpu.dma_semaphore, #tpu.memory_space<semaphore_mem>>)
      %dma_wait3A = arith.constant 0 : i32
      %dma_wait3A_39 = tpu.memref_slice %arg6[%arg0, %mul3A_30, %dma_wait3A] : memref<2x10000x128xf32, #tpu.memory_space<hbm>> -> memref<1x624x128xf32, #tpu.memory_space<hbm>>
      %dma_wait3A_40 = tpu.memref_squeeze %dma_wait3A_39 : memref<1x624x128xf32, #tpu.memory_space<hbm>> -> memref<624x128xf32, #tpu.memory_space<hbm>>
      %dma_wait3A_41 = arith.constant 0 : i32
      %dma_wait3A_42 = tpu.memref_slice %arg7[%mul3A_28, %dma_wait3A_41] : memref<10112x128xf32, #tpu.memory_space<vmem_shared>> -> memref<624x128xf32, #tpu.memory_space<vmem_shared>>
      tpu.wait_dma2 semaphore(%run_scoped3A_33 : memref<!tpu.dma_semaphore, #tpu.memory_space<semaphore_mem>>) src(%dma_wait3A_42 : memref<624x128xf32, #tpu.memory_space<vmem_shared>>) dst(%dma_wait3A_40 : memref<624x128xf32, #tpu.memory_space<hbm>>)
      tpu.yield
    }) : () -> ()
    %eq3A = arith.constant 0 : i32
    %eq3A_31 = arith.cmpi eq, %arg1, %eq3A : i32
    %convert_element_type3A = arith.extui %eq3A_31 : i1 to i32
    %cond3A = arith.constant 0 : i32
    %cond3A_32 = arith.cmpi ne, %convert_element_type3A, %cond3A : i32
    scf.if %cond3A_32 {
      "tpu.region"() ({
        %run_scoped3A_33 = tpu.sem_alloc : memref<!tpu.dma_semaphore, #tpu.memory_space<semaphore_mem>>
        %dma_start3A_34 = arith.constant 9984 : i32
        %dma_start3A_35 = arith.constant 0 : i32
        %dma_start3A_36 = tpu.memref_slice %arg6[%arg0, %dma_start3A_34, %dma_start3A_35] : memref<2x10000x128xf32, #tpu.memory_space<hbm>> -> memref<1x16x128xf32, #tpu.memory_space<hbm>>
        %dma_start3A_37 = tpu.memref_squeeze %dma_start3A_36 : memref<1x16x128xf32, #tpu.memory_space<hbm>> -> memref<16x128xf32, #tpu.memory_space<hbm>>
        %dma_start3A_38 = arith.constant 9984 : i32
        %dma_start3A_39 = arith.constant 0 : i32
        %dma_start3A_40 = tpu.memref_slice %arg7[%dma_start3A_38, %dma_start3A_39] : memref<10112x128xf32, #tpu.memory_space<vmem_shared>> -> memref<16x128xf32, #tpu.memory_space<vmem_shared>>
        tpu.enqueue_dma source(%dma_start3A_40 : memref<16x128xf32, #tpu.memory_space<vmem_shared>>) target(%dma_start3A_37 : memref<16x128xf32, #tpu.memory_space<hbm>>) target_semaphore(%run_scoped3A_33 : memref<!tpu.dma_semaphore, #tpu.memory_space<semaphore_mem>>)
        %dma_wait3A = arith.constant 9984 : i32
        %dma_wait3A_41 = arith.constant 0 : i32
        %dma_wait3A_42 = tpu.memref_slice %arg6[%arg0, %dma_wait3A, %dma_wait3A_41] : memref<2x10000x128xf32, #tpu.memory_space<hbm>> -> memref<1x16x128xf32, #tpu.memory_space<hbm>>
        %dma_wait3A_43 = tpu.memref_squeeze %dma_wait3A_42 : memref<1x16x128xf32, #tpu.memory_space<hbm>> -> memref<16x128xf32, #tpu.memory_space<hbm>>
        %dma_wait3A_44 = arith.constant 9984 : i32
        %dma_wait3A_45 = arith.constant 0 : i32
        %dma_wait3A_46 = tpu.memref_slice %arg7[%dma_wait3A_44, %dma_wait3A_45] : memref<10112x128xf32, #tpu.memory_space<vmem_shared>> -> memref<16x128xf32, #tpu.memory_space<vmem_shared>>
        tpu.wait_dma2 semaphore(%run_scoped3A_33 : memref<!tpu.dma_semaphore, #tpu.memory_space<semaphore_mem>>) src(%dma_wait3A_46 : memref<16x128xf32, #tpu.memory_space<vmem_shared>>) dst(%dma_wait3A_43 : memref<16x128xf32, #tpu.memory_space<hbm>>)
        tpu.yield
      }) : () -> ()
    } else {
    }
    return
  }
}

module attributes {stable_mosaic.version = 14 : i64} {
  func.func @_prep_body(%arg0: i32, %arg1: memref<2x400x128xf32, #tpu.memory_space<vmem>>, %arg2: memref<400x256xf32, #tpu.memory_space<vmem>>, %arg3: memref<2x400x128xf32, #tpu.memory_space<vmem>>, %arg4: memref<400x8xf32, #tpu.memory_space<vmem>>, %arg5: memref<400x8xf32, #tpu.memory_space<vmem>>) attributes {dimension_semantics = [#tpu.dimension_semantics<arbitrary>], iteration_bounds = array<i64: 25>, scalar_prefetch = 0 : i64, scratch_operands = 0 : i64, tpu.core_type = #tpu.core_type<tc>, window_params = [{transform_indices = @transform_0, window_bounds = array<i64: 2, 400, 128>}, {transform_indices = @transform_1, window_bounds = array<i64: 400, 256>}, {transform_indices = @transform_2, window_bounds = array<i64: 2, 400, 128>}, {transform_indices = @transform_3, window_bounds = array<i64: 400, 8>}, {transform_indices = @transform_4, window_bounds = array<i64: 400, 8>}]} {
    %get3A = arith.constant 0 : index
    %get3A_0 = arith.constant 0 : index
    %get3A_1 = arith.constant 0 : index
    %get3A_2 = vector.load %arg1[%get3A, %get3A_0, %get3A_1] : memref<2x400x128xf32, #tpu.memory_space<vmem>>, vector<1x400x1xf32>
    %get3A_3 = vector.shape_cast %get3A_2 : vector<1x400x1xf32> to vector<400x1xf32>
    %get3A_4 = arith.constant 1 : index
    %get3A_5 = arith.constant 0 : index
    %get3A_6 = arith.constant 0 : index
    %get3A_7 = vector.load %arg1[%get3A_4, %get3A_5, %get3A_6] : memref<2x400x128xf32, #tpu.memory_space<vmem>>, vector<1x400x1xf32>
    %get3A_8 = vector.shape_cast %get3A_7 : vector<1x400x1xf32> to vector<400x1xf32>
    %add3A = arith.addf %get3A_3, %get3A_8 : vector<400x1xf32>
    %add3A_9 = arith.constant 1.000000e+00 : f32
    %add3A_10 = vector.broadcast %add3A_9 : f32 to vector<400x1xf32>
    %add3A_11 = arith.addf %add3A, %add3A_10 : vector<400x1xf32>
    %rsqrt3A = math.rsqrt %add3A_11 : vector<400x1xf32>
    %div3A = arith.constant 1.000000e+00 : f32
    %div3A_12 = vector.broadcast %div3A : f32 to vector<400x1xf32>
    %div3A_13 = arith.divf %div3A_12, %add3A_11 : vector<400x1xf32>
    %broadcast_in_dim3A = vector.shape_cast %div3A_13 : vector<400x1xf32> to vector<400x1xf32>
    %broadcast_in_dim3A_14 = vector.broadcast %broadcast_in_dim3A : vector<400x1xf32> to vector<400x8xf32>
    %swap3A = arith.constant 0 : index
    %swap3A_15 = arith.constant 0 : index
    %swap3A_16 = vector.load %arg4[%swap3A, %swap3A_15] : memref<400x8xf32, #tpu.memory_space<vmem>>, vector<400x8xf32>
    tpu.vector_store %arg4[%swap3A, %swap3A_15], %broadcast_in_dim3A_14 {strides = array<i32>} : memref<400x8xf32, #tpu.memory_space<vmem>>, vector<400x8xf32>,
    %sqrt3A = math.sqrt %add3A_11 : vector<400x1xf32>
    %broadcast_in_dim3A_17 = vector.shape_cast %sqrt3A : vector<400x1xf32> to vector<400x1xf32>
    %broadcast_in_dim3A_18 = vector.broadcast %broadcast_in_dim3A_17 : vector<400x1xf32> to vector<400x8xf32>
    %swap3A_19 = arith.constant 0 : index
    %swap3A_20 = arith.constant 0 : index
    %swap3A_21 = vector.load %arg5[%swap3A_19, %swap3A_20] : memref<400x8xf32, #tpu.memory_space<vmem>>, vector<400x8xf32>
    tpu.vector_store %arg5[%swap3A_19, %swap3A_20], %broadcast_in_dim3A_18 {strides = array<i32>} : memref<400x8xf32, #tpu.memory_space<vmem>>, vector<400x8xf32>,
    %get3A_22 = arith.constant 0 : index
    %get3A_23 = arith.constant 0 : index
    %get3A_24 = vector.load %arg2[%get3A_22, %get3A_23] : memref<400x256xf32, #tpu.memory_space<vmem>>, vector<400x256xf32>
    %slice3A = vector.extract_strided_slice %get3A_24 {offsets = [0, 0], sizes = [400, 128], strides = [1, 1]} : vector<400x256xf32> to vector<400x128xf32>
    %mul3A = vector.broadcast %rsqrt3A : vector<400x1xf32> to vector<400x128xf32>
    %mul3A_25 = arith.mulf %slice3A, %mul3A : vector<400x128xf32>
    %swap3A_26 = arith.constant 0 : index
    %swap3A_27 = arith.constant 0 : index
    %swap3A_28 = arith.constant 0 : index
    %swap3A_29 = vector.load %arg3[%swap3A_26, %swap3A_27, %swap3A_28] : memref<2x400x128xf32, #tpu.memory_space<vmem>>, vector<1x400x128xf32>
    %swap3A_30 = vector.shape_cast %swap3A_29 : vector<1x400x128xf32> to vector<400x128xf32>
    %swap3A_31 = vector.shape_cast %mul3A_25 : vector<400x128xf32> to vector<1x400x128xf32>
    tpu.vector_store %arg3[%swap3A_26, %swap3A_27, %swap3A_28], %swap3A_31 {strides = array<i32>} : memref<2x400x128xf32, #tpu.memory_space<vmem>>, vector<1x400x128xf32>,
    %slice3A_32 = vector.extract_strided_slice %get3A_24 {offsets = [0, 128], sizes = [400, 128], strides = [1, 1]} : vector<400x256xf32> to vector<400x128xf32>
    %mul3A_33 = vector.broadcast %rsqrt3A : vector<400x1xf32> to vector<400x128xf32>
    %mul3A_34 = arith.mulf %slice3A_32, %mul3A_33 : vector<400x128xf32>
    %swap3A_35 = arith.constant 1 : index
    %swap3A_36 = arith.constant 0 : index
    %swap3A_37 = arith.constant 0 : index
    %swap3A_38 = vector.load %arg3[%swap3A_35, %swap3A_36, %swap3A_37] : memref<2x400x128xf32, #tpu.memory_space<vmem>>, vector<1x400x128xf32>
    %swap3A_39 = vector.shape_cast %swap3A_38 : vector<1x400x128xf32> to vector<400x128xf32>
    %swap3A_40 = vector.shape_cast %mul3A_34 : vector<400x128xf32> to vector<1x400x128xf32>
    tpu.vector_store %arg3[%swap3A_35, %swap3A_36, %swap3A_37], %swap3A_40 {strides = array<i32>} : memref<2x400x128xf32, #tpu.memory_space<vmem>>, vector<1x400x128xf32>,
    return
  }
  func.func @transform_0(%arg0: i32) -> (i32, i32, i32) {
    %c0_i32 = arith.constant 0 : i32
    %c0_i32_0 = arith.constant 0 : i32
    %c0_i32_1 = arith.constant 0 : i32
    return %c0_i32, %arg0, %c0_i32_0 : i32, i32, i32
  }
  func.func @transform_1(%arg0: i32) -> (i32, i32) {
    %c0_i32 = arith.constant 0 : i32
    %c0_i32_0 = arith.constant 0 : i32
    return %arg0, %c0_i32 : i32, i32
  }
  func.func @transform_2(%arg0: i32) -> (i32, i32, i32) {
    %c0_i32 = arith.constant 0 : i32
    %c0_i32_0 = arith.constant 0 : i32
    %c0_i32_1 = arith.constant 0 : i32
    return %c0_i32, %arg0, %c0_i32_0 : i32, i32, i32
  }
  func.func @transform_3(%arg0: i32) -> (i32, i32) {
    %c0_i32 = arith.constant 0 : i32
    %c0_i32_0 = arith.constant 0 : i32
    return %arg0, %c0_i32 : i32, i32
  }
  func.func @transform_4(%arg0: i32) -> (i32, i32) {
    %c0_i32 = arith.constant 0 : i32
    %c0_i32_0 = arith.constant 0 : i32
    return %arg0, %c0_i32 : i32, i32
  }
}

module attributes {stable_mosaic.version = 14 : i64} {
  func.func @_glue_body(%arg0: i32, %arg1: memref<2x400x128xf32, #tpu.memory_space<vmem>>, %arg2: memref<2x400x128xf32, #tpu.memory_space<vmem>>, %arg3: memref<400x8xf32, #tpu.memory_space<vmem>>, %arg4: memref<2x400x128xf32, #tpu.memory_space<vmem>>) attributes {dimension_semantics = [#tpu.dimension_semantics<arbitrary>], iteration_bounds = array<i64: 25>, scalar_prefetch = 0 : i64, scratch_operands = 0 : i64, tpu.core_type = #tpu.core_type<tc>, window_params = [{transform_indices = @transform_0, window_bounds = array<i64: 2, 400, 128>}, {transform_indices = @transform_1, window_bounds = array<i64: 2, 400, 128>}, {transform_indices = @transform_2, window_bounds = array<i64: 400, 8>}, {transform_indices = @transform_3, window_bounds = array<i64: 2, 400, 128>}]} {
    %get3A = arith.constant 0 : index
    %get3A_0 = arith.constant 0 : index
    %get3A_1 = vector.load %arg3[%get3A, %get3A_0] : memref<400x8xf32, #tpu.memory_space<vmem>>, vector<400x1xf32>
    %broadcast_in_dim3A = vector.shape_cast %get3A_1 : vector<400x1xf32> to vector<1x400x1xf32>
    %get3A_2 = arith.constant 0 : index
    %get3A_3 = arith.constant 0 : index
    %get3A_4 = arith.constant 0 : index
    %get3A_5 = vector.load %arg1[%get3A_2, %get3A_3, %get3A_4] : memref<2x400x128xf32, #tpu.memory_space<vmem>>, vector<2x400x128xf32>
    %get3A_6 = arith.constant 0 : index
    %get3A_7 = arith.constant 0 : index
    %get3A_8 = arith.constant 0 : index
    %get3A_9 = vector.load %arg2[%get3A_6, %get3A_7, %get3A_8] : memref<2x400x128xf32, #tpu.memory_space<vmem>>, vector<2x400x128xf32>
    %add3A = arith.addf %get3A_5, %get3A_9 : vector<2x400x128xf32>
    %mul3A = vector.broadcast %broadcast_in_dim3A : vector<1x400x1xf32> to vector<2x400x128xf32>
    %mul3A_10 = arith.mulf %mul3A, %add3A : vector<2x400x128xf32>
    %swap3A = arith.constant 0 : index
    %swap3A_11 = arith.constant 0 : index
    %swap3A_12 = arith.constant 0 : index
    %swap3A_13 = vector.load %arg4[%swap3A, %swap3A_11, %swap3A_12] : memref<2x400x128xf32, #tpu.memory_space<vmem>>, vector<2x400x128xf32>
    tpu.vector_store %arg4[%swap3A, %swap3A_11, %swap3A_12], %mul3A_10 {strides = array<i32>} : memref<2x400x128xf32, #tpu.memory_space<vmem>>, vector<2x400x128xf32>,
    return
  }
  func.func @transform_0(%arg0: i32) -> (i32, i32, i32) {
    %c0_i32 = arith.constant 0 : i32
    %c0_i32_0 = arith.constant 0 : i32
    %c0_i32_1 = arith.constant 0 : i32
    return %c0_i32, %arg0, %c0_i32_0 : i32, i32, i32
  }
  func.func @transform_1(%arg0: i32) -> (i32, i32, i32) {
    %c0_i32 = arith.constant 0 : i32
    %c0_i32_0 = arith.constant 0 : i32
    %c0_i32_1 = arith.constant 0 : i32
    return %c0_i32, %arg0, %c0_i32_0 : i32, i32, i32
  }
  func.func @transform_2(%arg0: i32) -> (i32, i32) {
    %c0_i32 = arith.constant 0 : i32
    %c0_i32_0 = arith.constant 0 : i32
    return %arg0, %c0_i32 : i32, i32
  }
  func.func @transform_3(%arg0: i32) -> (i32, i32, i32) {
    %c0_i32 = arith.constant 0 : i32
    %c0_i32_0 = arith.constant 0 : i32
    %c0_i32_1 = arith.constant 0 : i32
    return %c0_i32, %arg0, %c0_i32_0 : i32, i32, i32
  }
}

module attributes {stable_mosaic.version = 14 : i64} {
  func.func @_dense_body(%arg0: i32, %arg1: memref<2x400x128xf32, #tpu.memory_space<vmem>>, %arg2: memref<2x400x128xf32, #tpu.memory_space<vmem>>, %arg3: memref<2x400x128xf32, #tpu.memory_space<vmem>>, %arg4: memref<2x400x128xf32, #tpu.memory_space<vmem>>, %arg5: memref<400x8xf32, #tpu.memory_space<vmem>>, %arg6: memref<7x256x256xf32, #tpu.memory_space<vmem>>, %arg7: memref<7x1x256xf32, #tpu.memory_space<vmem>>, %arg8: memref<256x256xf32, #tpu.memory_space<vmem>>, %arg9: memref<256x256xf32, #tpu.memory_space<vmem>>, %arg10: memref<256x256xf32, #tpu.memory_space<vmem>>, %arg11: memref<256x256xf32, #tpu.memory_space<vmem>>, %arg12: memref<2x256x256xf32, #tpu.memory_space<vmem>>, %arg13: memref<1x256xf32, #tpu.memory_space<vmem>>, %arg14: memref<400x256xf32, #tpu.memory_space<vmem>>) attributes {dimension_semantics = [#tpu.dimension_semantics<arbitrary>], iteration_bounds = array<i64: 25>, scalar_prefetch = 0 : i64, scratch_operands = 0 : i64, tpu.core_type = #tpu.core_type<tc>, window_params = [{transform_indices = @transform_0, window_bounds = array<i64: 2, 400, 128>}, {transform_indices = @transform_1, window_bounds = array<i64: 2, 400, 128>}, {transform_indices = @transform_2, window_bounds = array<i64: 2, 400, 128>}, {transform_indices = @transform_3, window_bounds = array<i64: 2, 400, 128>}, {transform_indices = @transform_4, window_bounds = array<i64: 400, 8>}, {pipeline_mode = #tpu.pipeline_mode<synchronous>, transform_indices = @transform_5, window_bounds = array<i64: 7, 256, 256>}, {pipeline_mode = #tpu.pipeline_mode<synchronous>, transform_indices = @transform_6, window_bounds = array<i64: 7, 1, 256>}, {pipeline_mode = #tpu.pipeline_mode<synchronous>, transform_indices = @transform_7, window_bounds = array<i64: 256, 256>}, {pipeline_mode = #tpu.pipeline_mode<synchronous>, transform_indices = @transform_8, window_bounds = array<i64: 256, 256>}, {pipeline_mode = #tpu.pipeline_mode<synchronous>, transform_indices = @transform_9, window_bounds = array<i64: 256, 256>}, {pipeline_mode = #tpu.pipeline_mode<synchronous>, transform_indices = @transform_10, window_bounds = array<i64: 256, 256>}, {pipeline_mode = #tpu.pipeline_mode<synchronous>, transform_indices = @transform_11, window_bounds = array<i64: 2, 256, 256>}, {pipeline_mode = #tpu.pipeline_mode<synchronous>, transform_indices = @transform_12, window_bounds = array<i64: 1, 256>}, {transform_indices = @transform_13, window_bounds = array<i64: 400, 256>}]} {
    %get3A = arith.constant 0 : index
    %get3A_0 = arith.constant 0 : index
    %get3A_1 = vector.load %arg5[%get3A, %get3A_0] : memref<400x8xf32, #tpu.memory_space<vmem>>, vector<400x1xf32>
    %get3A_2 = arith.constant 0 : index
    %get3A_3 = arith.constant 0 : index
    %get3A_4 = arith.constant 0 : index
    %get3A_5 = vector.load %arg1[%get3A_2, %get3A_3, %get3A_4] : memref<2x400x128xf32, #tpu.memory_space<vmem>>, vector<1x400x128xf32>
    %get3A_6 = vector.shape_cast %get3A_5 : vector<1x400x128xf32> to vector<400x128xf32>
    %get3A_7 = arith.constant 1 : index
    %get3A_8 = arith.constant 0 : index
    %get3A_9 = arith.constant 0 : index
    %get3A_10 = vector.load %arg1[%get3A_7, %get3A_8, %get3A_9] : memref<2x400x128xf32, #tpu.memory_space<vmem>>, vector<1x400x128xf32>
    %get3A_11 = vector.shape_cast %get3A_10 : vector<1x400x128xf32> to vector<400x128xf32>
    %concatenate3A = tpu.concatenate %get3A_6, %get3A_11 in 1 : vector<400x128xf32>, vector<400x128xf32> -> vector<400x256xf32>
    %mul3A = vector.broadcast %get3A_1 : vector<400x1xf32> to vector<400x256xf32>
    %mul3A_12 = arith.mulf %concatenate3A, %mul3A : vector<400x256xf32>
    %get3A_13 = arith.constant 0 : index
    %get3A_14 = arith.constant 0 : index
    %get3A_15 = arith.constant 0 : index
    %get3A_16 = vector.load %arg2[%get3A_13, %get3A_14, %get3A_15] : memref<2x400x128xf32, #tpu.memory_space<vmem>>, vector<1x400x128xf32>
    %get3A_17 = vector.shape_cast %get3A_16 : vector<1x400x128xf32> to vector<400x128xf32>
    %get3A_18 = arith.constant 1 : index
    %get3A_19 = arith.constant 0 : index
    %get3A_20 = arith.constant 0 : index
    %get3A_21 = vector.load %arg2[%get3A_18, %get3A_19, %get3A_20] : memref<2x400x128xf32, #tpu.memory_space<vmem>>, vector<1x400x128xf32>
    %get3A_22 = vector.shape_cast %get3A_21 : vector<1x400x128xf32> to vector<400x128xf32>
    %concatenate3A_23 = tpu.concatenate %get3A_17, %get3A_22 in 1 : vector<400x128xf32>, vector<400x128xf32> -> vector<400x256xf32>
    %mul3A_24 = vector.broadcast %get3A_1 : vector<400x1xf32> to vector<400x256xf32>
    %mul3A_25 = arith.mulf %concatenate3A_23, %mul3A_24 : vector<400x256xf32>
    %get3A_26 = arith.constant 0 : index
    %get3A_27 = arith.constant 0 : index
    %get3A_28 = arith.constant 0 : index
    %get3A_29 = vector.load %arg3[%get3A_26, %get3A_27, %get3A_28] : memref<2x400x128xf32, #tpu.memory_space<vmem>>, vector<1x400x128xf32>
    %get3A_30 = vector.shape_cast %get3A_29 : vector<1x400x128xf32> to vector<400x128xf32>
    %get3A_31 = arith.constant 1 : index
    %get3A_32 = arith.constant 0 : index
    %get3A_33 = arith.constant 0 : index
    %get3A_34 = vector.load %arg3[%get3A_31, %get3A_32, %get3A_33] : memref<2x400x128xf32, #tpu.memory_space<vmem>>, vector<1x400x128xf32>
    %get3A_35 = vector.shape_cast %get3A_34 : vector<1x400x128xf32> to vector<400x128xf32>
    %concatenate3A_36 = tpu.concatenate %get3A_30, %get3A_35 in 1 : vector<400x128xf32>, vector<400x128xf32> -> vector<400x256xf32>
    %mul3A_37 = vector.broadcast %get3A_1 : vector<400x1xf32> to vector<400x256xf32>
    %mul3A_38 = arith.mulf %concatenate3A_36, %mul3A_37 : vector<400x256xf32>
    %get3A_39 = arith.constant 0 : index
    %get3A_40 = arith.constant 0 : index
    %get3A_41 = arith.constant 0 : index
    %get3A_42 = vector.load %arg4[%get3A_39, %get3A_40, %get3A_41] : memref<2x400x128xf32, #tpu.memory_space<vmem>>, vector<1x400x128xf32>
    %get3A_43 = vector.shape_cast %get3A_42 : vector<1x400x128xf32> to vector<400x128xf32>
    %get3A_44 = arith.constant 1 : index
    %get3A_45 = arith.constant 0 : index
    %get3A_46 = arith.constant 0 : index
    %get3A_47 = vector.load %arg4[%get3A_44, %get3A_45, %get3A_46] : memref<2x400x128xf32, #tpu.memory_space<vmem>>, vector<1x400x128xf32>
    %get3A_48 = vector.shape_cast %get3A_47 : vector<1x400x128xf32> to vector<400x128xf32>
    %concatenate3A_49 = tpu.concatenate %get3A_43, %get3A_48 in 1 : vector<400x128xf32>, vector<400x128xf32> -> vector<400x256xf32>
    %mul3A_50 = vector.broadcast %get3A_1 : vector<400x1xf32> to vector<400x256xf32>
    %mul3A_51 = arith.mulf %concatenate3A_49, %mul3A_50 : vector<400x256xf32>
    %sub3A = arith.subf %mul3A_12, %mul3A_25 : vector<400x256xf32>
    %sub3A_52 = arith.subf %mul3A_25, %mul3A_38 : vector<400x256xf32>
    %sub3A_53 = arith.subf %mul3A_38, %mul3A_51 : vector<400x256xf32>
    %get3A_54 = arith.constant 0 : index
    %get3A_55 = arith.constant 0 : index
    %get3A_56 = arith.constant 0 : index
    %get3A_57 = vector.load %arg6[%get3A_54, %get3A_55, %get3A_56] : memref<7x256x256xf32, #tpu.memory_space<vmem>>, vector<1x256x256xf32>
    %get3A_58 = vector.shape_cast %get3A_57 : vector<1x256x256xf32> to vector<256x256xf32>
    %dot_general3A = arith.constant dense<0.000000e+00> : vector<400x256xf32>
    %dot_general3A_59 = tpu.matmul %mul3A_12, %get3A_58, %dot_general3A {dimension_numbers = #tpu.dot_dimension_numbers<[1], [0], [0], [1], [0, 0, 1, 1], [], []>, transpose_lhs_hint = false} : vector<400x256xf32>, vector<256x256xf32>, vector<400x256xf32> -> vector<400x256xf32>
    %get3A_60 = arith.constant 0 : index
    %get3A_61 = arith.constant 0 : index
    %get3A_62 = arith.constant 0 : index
    %get3A_63 = vector.load %arg7[%get3A_60, %get3A_61, %get3A_62] : memref<7x1x256xf32, #tpu.memory_space<vmem>>, vector<1x1x256xf32>
    %get3A_64 = vector.shape_cast %get3A_63 : vector<1x1x256xf32> to vector<1x256xf32>
    %add3A = vector.broadcast %get3A_64 : vector<1x256xf32> to vector<400x256xf32>
    %add3A_65 = arith.addf %dot_general3A_59, %add3A : vector<400x256xf32>
    %gt3A = arith.constant 0.000000e+00 : f32
    %gt3A_66 = vector.broadcast %gt3A : f32 to vector<400x256xf32>
    %gt3A_67 = arith.cmpf ogt, %add3A_65, %gt3A_66 : vector<400x256xf32>
    %min3A = arith.constant 0.000000e+00 : f32
    %min3A_68 = vector.broadcast %min3A : f32 to vector<400x256xf32>
    %min3A_69 = arith.minimumf %add3A_65, %min3A_68 : vector<400x256xf32>
    %exp3A = math.exp %min3A_69 : vector<400x256xf32>
    %sub3A_70 = arith.constant 1.000000e+00 : f32
    %sub3A_71 = vector.broadcast %sub3A_70 : f32 to vector<400x256xf32>
    %sub3A_72 = arith.subf %exp3A, %sub3A_71 : vector<400x256xf32>
    %select_n3A = arith.select %gt3A_67, %add3A_65, %sub3A_72 : vector<400x256xi1>, vector<400x256xf32>
    %get3A_73 = arith.constant 1 : index
    %get3A_74 = arith.constant 0 : index
    %get3A_75 = arith.constant 0 : index
    %get3A_76 = vector.load %arg6[%get3A_73, %get3A_74, %get3A_75] : memref<7x256x256xf32, #tpu.memory_space<vmem>>, vector<1x256x256xf32>
    %get3A_77 = vector.shape_cast %get3A_76 : vector<1x256x256xf32> to vector<256x256xf32>
    %dot_general3A_78 = arith.constant dense<0.000000e+00> : vector<400x256xf32>
    %dot_general3A_79 = tpu.matmul %mul3A_25, %get3A_77, %dot_general3A_78 {dimension_numbers = #tpu.dot_dimension_numbers<[1], [0], [0], [1], [0, 0, 1, 1], [], []>, transpose_lhs_hint = false} : vector<400x256xf32>, vector<256x256xf32>, vector<400x256xf32> -> vector<400x256xf32>
    %get3A_80 = arith.constant 1 : index
    %get3A_81 = arith.constant 0 : index
    %get3A_82 = arith.constant 0 : index
    %get3A_83 = vector.load %arg7[%get3A_80, %get3A_81, %get3A_82] : memref<7x1x256xf32, #tpu.memory_space<vmem>>, vector<1x1x256xf32>
    %get3A_84 = vector.shape_cast %get3A_83 : vector<1x1x256xf32> to vector<1x256xf32>
    %add3A_85 = vector.broadcast %get3A_84 : vector<1x256xf32> to vector<400x256xf32>
    %add3A_86 = arith.addf %dot_general3A_79, %add3A_85 : vector<400x256xf32>
    %gt3A_87 = arith.constant 0.000000e+00 : f32
    %gt3A_88 = vector.broadcast %gt3A_87 : f32 to vector<400x256xf32>
    %gt3A_89 = arith.cmpf ogt, %add3A_86, %gt3A_88 : vector<400x256xf32>
    %min3A_90 = arith.constant 0.000000e+00 : f32
    %min3A_91 = vector.broadcast %min3A_90 : f32 to vector<400x256xf32>
    %min3A_92 = arith.minimumf %add3A_86, %min3A_91 : vector<400x256xf32>
    %exp3A_93 = math.exp %min3A_92 : vector<400x256xf32>
    %sub3A_94 = arith.constant 1.000000e+00 : f32
    %sub3A_95 = vector.broadcast %sub3A_94 : f32 to vector<400x256xf32>
    %sub3A_96 = arith.subf %exp3A_93, %sub3A_95 : vector<400x256xf32>
    %select_n3A_97 = arith.select %gt3A_89, %add3A_86, %sub3A_96 : vector<400x256xi1>, vector<400x256xf32>
    %get3A_98 = arith.constant 2 : index
    %get3A_99 = arith.constant 0 : index
    %get3A_100 = arith.constant 0 : index
    %get3A_101 = vector.load %arg6[%get3A_98, %get3A_99, %get3A_100] : memref<7x256x256xf32, #tpu.memory_space<vmem>>, vector<1x256x256xf32>
    %get3A_102 = vector.shape_cast %get3A_101 : vector<1x256x256xf32> to vector<256x256xf32>
    %dot_general3A_103 = arith.constant dense<0.000000e+00> : vector<400x256xf32>
    %dot_general3A_104 = tpu.matmul %mul3A_38, %get3A_102, %dot_general3A_103 {dimension_numbers = #tpu.dot_dimension_numbers<[1], [0], [0], [1], [0, 0, 1, 1], [], []>, transpose_lhs_hint = false} : vector<400x256xf32>, vector<256x256xf32>, vector<400x256xf32> -> vector<400x256xf32>
    %get3A_105 = arith.constant 2 : index
    %get3A_106 = arith.constant 0 : index
    %get3A_107 = arith.constant 0 : index
    %get3A_108 = vector.load %arg7[%get3A_105, %get3A_106, %get3A_107] : memref<7x1x256xf32, #tpu.memory_space<vmem>>, vector<1x1x256xf32>
    %get3A_109 = vector.shape_cast %get3A_108 : vector<1x1x256xf32> to vector<1x256xf32>
    %add3A_110 = vector.broadcast %get3A_109 : vector<1x256xf32> to vector<400x256xf32>
    %add3A_111 = arith.addf %dot_general3A_104, %add3A_110 : vector<400x256xf32>
    %gt3A_112 = arith.constant 0.000000e+00 : f32
    %gt3A_113 = vector.broadcast %gt3A_112 : f32 to vector<400x256xf32>
    %gt3A_114 = arith.cmpf ogt, %add3A_111, %gt3A_113 : vector<400x256xf32>
    %min3A_115 = arith.constant 0.000000e+00 : f32
    %min3A_116 = vector.broadcast %min3A_115 : f32 to vector<400x256xf32>
    %min3A_117 = arith.minimumf %add3A_111, %min3A_116 : vector<400x256xf32>
    %exp3A_118 = math.exp %min3A_117 : vector<400x256xf32>
    %sub3A_119 = arith.constant 1.000000e+00 : f32
    %sub3A_120 = vector.broadcast %sub3A_119 : f32 to vector<400x256xf32>
    %sub3A_121 = arith.subf %exp3A_118, %sub3A_120 : vector<400x256xf32>
    %select_n3A_122 = arith.select %gt3A_114, %add3A_111, %sub3A_121 : vector<400x256xi1>, vector<400x256xf32>
    %get3A_123 = arith.constant 3 : index
    %get3A_124 = arith.constant 0 : index
    %get3A_125 = arith.constant 0 : index
    %get3A_126 = vector.load %arg6[%get3A_123, %get3A_124, %get3A_125] : memref<7x256x256xf32, #tpu.memory_space<vmem>>, vector<1x256x256xf32>
    %get3A_127 = vector.shape_cast %get3A_126 : vector<1x256x256xf32> to vector<256x256xf32>
    %dot_general3A_128 = arith.constant dense<0.000000e+00> : vector<400x256xf32>
    %dot_general3A_129 = tpu.matmul %mul3A_51, %get3A_127, %dot_general3A_128 {dimension_numbers = #tpu.dot_dimension_numbers<[1], [0], [0], [1], [0, 0, 1, 1], [], []>, transpose_lhs_hint = false} : vector<400x256xf32>, vector<256x256xf32>, vector<400x256xf32> -> vector<400x256xf32>
    %get3A_130 = arith.constant 3 : index
    %get3A_131 = arith.constant 0 : index
    %get3A_132 = arith.constant 0 : index
    %get3A_133 = vector.load %arg7[%get3A_130, %get3A_131, %get3A_132] : memref<7x1x256xf32, #tpu.memory_space<vmem>>, vector<1x1x256xf32>
    %get3A_134 = vector.shape_cast %get3A_133 : vector<1x1x256xf32> to vector<1x256xf32>
    %add3A_135 = vector.broadcast %get3A_134 : vector<1x256xf32> to vector<400x256xf32>
    %add3A_136 = arith.addf %dot_general3A_129, %add3A_135 : vector<400x256xf32>
    %gt3A_137 = arith.constant 0.000000e+00 : f32
    %gt3A_138 = vector.broadcast %gt3A_137 : f32 to vector<400x256xf32>
    %gt3A_139 = arith.cmpf ogt, %add3A_136, %gt3A_138 : vector<400x256xf32>
    %min3A_140 = arith.constant 0.000000e+00 : f32
    %min3A_141 = vector.broadcast %min3A_140 : f32 to vector<400x256xf32>
    %min3A_142 = arith.minimumf %add3A_136, %min3A_141 : vector<400x256xf32>
    %exp3A_143 = math.exp %min3A_142 : vector<400x256xf32>
    %sub3A_144 = arith.constant 1.000000e+00 : f32
    %sub3A_145 = vector.broadcast %sub3A_144 : f32 to vector<400x256xf32>
    %sub3A_146 = arith.subf %exp3A_143, %sub3A_145 : vector<400x256xf32>
    %select_n3A_147 = arith.select %gt3A_139, %add3A_136, %sub3A_146 : vector<400x256xi1>, vector<400x256xf32>
    %get3A_148 = arith.constant 4 : index
    %get3A_149 = arith.constant 0 : index
    %get3A_150 = arith.constant 0 : index
    %get3A_151 = vector.load %arg6[%get3A_148, %get3A_149, %get3A_150] : memref<7x256x256xf32, #tpu.memory_space<vmem>>, vector<1x256x256xf32>
    %get3A_152 = vector.shape_cast %get3A_151 : vector<1x256x256xf32> to vector<256x256xf32>
    %dot_general3A_153 = arith.constant dense<0.000000e+00> : vector<400x256xf32>
    %dot_general3A_154 = tpu.matmul %sub3A, %get3A_152, %dot_general3A_153 {dimension_numbers = #tpu.dot_dimension_numbers<[1], [0], [0], [1], [0, 0, 1, 1], [], []>, transpose_lhs_hint = false} : vector<400x256xf32>, vector<256x256xf32>, vector<400x256xf32> -> vector<400x256xf32>
    %get3A_155 = arith.constant 4 : index
    %get3A_156 = arith.constant 0 : index
    %get3A_157 = arith.constant 0 : index
    %get3A_158 = vector.load %arg7[%get3A_155, %get3A_156, %get3A_157] : memref<7x1x256xf32, #tpu.memory_space<vmem>>, vector<1x1x256xf32>
    %get3A_159 = vector.shape_cast %get3A_158 : vector<1x1x256xf32> to vector<1x256xf32>
    %add3A_160 = vector.broadcast %get3A_159 : vector<1x256xf32> to vector<400x256xf32>
    %add3A_161 = arith.addf %dot_general3A_154, %add3A_160 : vector<400x256xf32>
    %gt3A_162 = arith.constant 0.000000e+00 : f32
    %gt3A_163 = vector.broadcast %gt3A_162 : f32 to vector<400x256xf32>
    %gt3A_164 = arith.cmpf ogt, %add3A_161, %gt3A_163 : vector<400x256xf32>
    %min3A_165 = arith.constant 0.000000e+00 : f32
    %min3A_166 = vector.broadcast %min3A_165 : f32 to vector<400x256xf32>
    %min3A_167 = arith.minimumf %add3A_161, %min3A_166 : vector<400x256xf32>
    %exp3A_168 = math.exp %min3A_167 : vector<400x256xf32>
    %sub3A_169 = arith.constant 1.000000e+00 : f32
    %sub3A_170 = vector.broadcast %sub3A_169 : f32 to vector<400x256xf32>
    %sub3A_171 = arith.subf %exp3A_168, %sub3A_170 : vector<400x256xf32>
    %select_n3A_172 = arith.select %gt3A_164, %add3A_161, %sub3A_171 : vector<400x256xi1>, vector<400x256xf32>
    %get3A_173 = arith.constant 5 : index
    %get3A_174 = arith.constant 0 : index
    %get3A_175 = arith.constant 0 : index
    %get3A_176 = vector.load %arg6[%get3A_173, %get3A_174, %get3A_175] : memref<7x256x256xf32, #tpu.memory_space<vmem>>, vector<1x256x256xf32>
    %get3A_177 = vector.shape_cast %get3A_176 : vector<1x256x256xf32> to vector<256x256xf32>
    %dot_general3A_178 = arith.constant dense<0.000000e+00> : vector<400x256xf32>
    %dot_general3A_179 = tpu.matmul %sub3A_52, %get3A_177, %dot_general3A_178 {dimension_numbers = #tpu.dot_dimension_numbers<[1], [0], [0], [1], [0, 0, 1, 1], [], []>, transpose_lhs_hint = false} : vector<400x256xf32>, vector<256x256xf32>, vector<400x256xf32> -> vector<400x256xf32>
    %get3A_180 = arith.constant 5 : index
    %get3A_181 = arith.constant 0 : index
    %get3A_182 = arith.constant 0 : index
    %get3A_183 = vector.load %arg7[%get3A_180, %get3A_181, %get3A_182] : memref<7x1x256xf32, #tpu.memory_space<vmem>>, vector<1x1x256xf32>
    %get3A_184 = vector.shape_cast %get3A_183 : vector<1x1x256xf32> to vector<1x256xf32>
    %add3A_185 = vector.broadcast %get3A_184 : vector<1x256xf32> to vector<400x256xf32>
    %add3A_186 = arith.addf %dot_general3A_179, %add3A_185 : vector<400x256xf32>
    %gt3A_187 = arith.constant 0.000000e+00 : f32
    %gt3A_188 = vector.broadcast %gt3A_187 : f32 to vector<400x256xf32>
    %gt3A_189 = arith.cmpf ogt, %add3A_186, %gt3A_188 : vector<400x256xf32>
    %min3A_190 = arith.constant 0.000000e+00 : f32
    %min3A_191 = vector.broadcast %min3A_190 : f32 to vector<400x256xf32>
    %min3A_192 = arith.minimumf %add3A_186, %min3A_191 : vector<400x256xf32>
    %exp3A_193 = math.exp %min3A_192 : vector<400x256xf32>
    %sub3A_194 = arith.constant 1.000000e+00 : f32
    %sub3A_195 = vector.broadcast %sub3A_194 : f32 to vector<400x256xf32>
    %sub3A_196 = arith.subf %exp3A_193, %sub3A_195 : vector<400x256xf32>
    %select_n3A_197 = arith.select %gt3A_189, %add3A_186, %sub3A_196 : vector<400x256xi1>, vector<400x256xf32>
    %get3A_198 = arith.constant 6 : index
    %get3A_199 = arith.constant 0 : index
    %get3A_200 = arith.constant 0 : index
    %get3A_201 = vector.load %arg6[%get3A_198, %get3A_199, %get3A_200] : memref<7x256x256xf32, #tpu.memory_space<vmem>>, vector<1x256x256xf32>
    %get3A_202 = vector.shape_cast %get3A_201 : vector<1x256x256xf32> to vector<256x256xf32>
    %dot_general3A_203 = arith.constant dense<0.000000e+00> : vector<400x256xf32>
    %dot_general3A_204 = tpu.matmul %sub3A_53, %get3A_202, %dot_general3A_203 {dimension_numbers = #tpu.dot_dimension_numbers<[1], [0], [0], [1], [0, 0, 1, 1], [], []>, transpose_lhs_hint = false} : vector<400x256xf32>, vector<256x256xf32>, vector<400x256xf32> -> vector<400x256xf32>
    %get3A_205 = arith.constant 6 : index
    %get3A_206 = arith.constant 0 : index
    %get3A_207 = arith.constant 0 : index
    %get3A_208 = vector.load %arg7[%get3A_205, %get3A_206, %get3A_207] : memref<7x1x256xf32, #tpu.memory_space<vmem>>, vector<1x1x256xf32>
    %get3A_209 = vector.shape_cast %get3A_208 : vector<1x1x256xf32> to vector<1x256xf32>
    %add3A_210 = vector.broadcast %get3A_209 : vector<1x256xf32> to vector<400x256xf32>
    %add3A_211 = arith.addf %dot_general3A_204, %add3A_210 : vector<400x256xf32>
    %gt3A_212 = arith.constant 0.000000e+00 : f32
    %gt3A_213 = vector.broadcast %gt3A_212 : f32 to vector<400x256xf32>
    %gt3A_214 = arith.cmpf ogt, %add3A_211, %gt3A_213 : vector<400x256xf32>
    %min3A_215 = arith.constant 0.000000e+00 : f32
    %min3A_216 = vector.broadcast %min3A_215 : f32 to vector<400x256xf32>
    %min3A_217 = arith.minimumf %add3A_211, %min3A_216 : vector<400x256xf32>
    %exp3A_218 = math.exp %min3A_217 : vector<400x256xf32>
    %sub3A_219 = arith.constant 1.000000e+00 : f32
    %sub3A_220 = vector.broadcast %sub3A_219 : f32 to vector<400x256xf32>
    %sub3A_221 = arith.subf %exp3A_218, %sub3A_220 : vector<400x256xf32>
    %select_n3A_222 = arith.select %gt3A_214, %add3A_211, %sub3A_221 : vector<400x256xi1>, vector<400x256xf32>
    %get3A_223 = arith.constant 0 : index
    %get3A_224 = arith.constant 0 : index
    %get3A_225 = vector.load %arg8[%get3A_223, %get3A_224] : memref<256x256xf32, #tpu.memory_space<vmem>>, vector<256x256xf32>
    %dot_general3A_226 = arith.constant dense<0.000000e+00> : vector<400x256xf32>
    %dot_general3A_227 = tpu.matmul %select_n3A, %get3A_225, %dot_general3A_226 {dimension_numbers = #tpu.dot_dimension_numbers<[1], [0], [0], [1], [0, 0, 1, 1], [], []>, transpose_lhs_hint = false} : vector<400x256xf32>, vector<256x256xf32>, vector<400x256xf32> -> vector<400x256xf32>
    %get3A_228 = arith.constant 0 : index
    %get3A_229 = arith.constant 0 : index
    %get3A_230 = vector.load %arg10[%get3A_228, %get3A_229] : memref<256x256xf32, #tpu.memory_space<vmem>>, vector<256x256xf32>
    %dot_general3A_231 = arith.constant dense<0.000000e+00> : vector<400x256xf32>
    %dot_general3A_232 = tpu.matmul %select_n3A_97, %get3A_230, %dot_general3A_231 {dimension_numbers = #tpu.dot_dimension_numbers<[1], [0], [0], [1], [0, 0, 1, 1], [], []>, transpose_lhs_hint = false} : vector<400x256xf32>, vector<256x256xf32>, vector<400x256xf32> -> vector<400x256xf32>
    %add3A_233 = arith.addf %dot_general3A_232, %dot_general3A_227 : vector<400x256xf32>
    %get3A_234 = arith.constant 0 : index
    %get3A_235 = arith.constant 0 : index
    %get3A_236 = vector.load %arg10[%get3A_234, %get3A_235] : memref<256x256xf32, #tpu.memory_space<vmem>>, vector<256x256xf32>
    %dot_general3A_237 = arith.constant dense<0.000000e+00> : vector<400x256xf32>
    %dot_general3A_238 = tpu.matmul %select_n3A_122, %get3A_236, %dot_general3A_237 {dimension_numbers = #tpu.dot_dimension_numbers<[1], [0], [0], [1], [0, 0, 1, 1], [], []>, transpose_lhs_hint = false} : vector<400x256xf32>, vector<256x256xf32>, vector<400x256xf32> -> vector<400x256xf32>
    %add3A_239 = arith.addf %dot_general3A_238, %dot_general3A_227 : vector<400x256xf32>
    %get3A_240 = arith.constant 0 : index
    %get3A_241 = arith.constant 0 : index
    %get3A_242 = vector.load %arg10[%get3A_240, %get3A_241] : memref<256x256xf32, #tpu.memory_space<vmem>>, vector<256x256xf32>
    %dot_general3A_243 = arith.constant dense<0.000000e+00> : vector<400x256xf32>
    %dot_general3A_244 = tpu.matmul %select_n3A_147, %get3A_242, %dot_general3A_243 {dimension_numbers = #tpu.dot_dimension_numbers<[1], [0], [0], [1], [0, 0, 1, 1], [], []>, transpose_lhs_hint = false} : vector<400x256xf32>, vector<256x256xf32>, vector<400x256xf32> -> vector<400x256xf32>
    %add3A_245 = arith.addf %dot_general3A_244, %dot_general3A_227 : vector<400x256xf32>
    %max3A = arith.maximumf %add3A_233, %add3A_239 : vector<400x256xf32>
    %max3A_246 = arith.maximumf %max3A, %add3A_245 : vector<400x256xf32>
    %sub3A_247 = arith.subf %add3A_233, %max3A_246 : vector<400x256xf32>
    %exp3A_248 = math.exp %sub3A_247 : vector<400x256xf32>
    %sub3A_249 = arith.subf %add3A_239, %max3A_246 : vector<400x256xf32>
    %exp3A_250 = math.exp %sub3A_249 : vector<400x256xf32>
    %sub3A_251 = arith.subf %add3A_245, %max3A_246 : vector<400x256xf32>
    %exp3A_252 = math.exp %sub3A_251 : vector<400x256xf32>
    %add3A_253 = arith.addf %exp3A_248, %exp3A_250 : vector<400x256xf32>
    %add3A_254 = arith.addf %add3A_253, %exp3A_252 : vector<400x256xf32>
    %mul3A_255 = arith.mulf %exp3A_248, %select_n3A_97 : vector<400x256xf32>
    %mul3A_256 = arith.mulf %exp3A_250, %select_n3A_122 : vector<400x256xf32>
    %add3A_257 = arith.addf %mul3A_255, %mul3A_256 : vector<400x256xf32>
    %mul3A_258 = arith.mulf %exp3A_252, %select_n3A_147 : vector<400x256xf32>
    %add3A_259 = arith.addf %add3A_257, %mul3A_258 : vector<400x256xf32>
    %div3A = arith.divf %add3A_259, %add3A_254 : vector<400x256xf32>
    %get3A_260 = arith.constant 0 : index
    %get3A_261 = arith.constant 0 : index
    %get3A_262 = vector.load %arg9[%get3A_260, %get3A_261] : memref<256x256xf32, #tpu.memory_space<vmem>>, vector<256x256xf32>
    %dot_general3A_263 = arith.constant dense<0.000000e+00> : vector<400x256xf32>
    %dot_general3A_264 = tpu.matmul %select_n3A_172, %get3A_262, %dot_general3A_263 {dimension_numbers = #tpu.dot_dimension_numbers<[1], [0], [0], [1], [0, 0, 1, 1], [], []>, transpose_lhs_hint = false} : vector<400x256xf32>, vector<256x256xf32>, vector<400x256xf32> -> vector<400x256xf32>
    %get3A_265 = arith.constant 0 : index
    %get3A_266 = arith.constant 0 : index
    %get3A_267 = vector.load %arg11[%get3A_265, %get3A_266] : memref<256x256xf32, #tpu.memory_space<vmem>>, vector<256x256xf32>
    %dot_general3A_268 = arith.constant dense<0.000000e+00> : vector<400x256xf32>
    %dot_general3A_269 = tpu.matmul %select_n3A_172, %get3A_267, %dot_general3A_268 {dimension_numbers = #tpu.dot_dimension_numbers<[1], [0], [0], [1], [0, 0, 1, 1], [], []>, transpose_lhs_hint = false} : vector<400x256xf32>, vector<256x256xf32>, vector<400x256xf32> -> vector<400x256xf32>
    %add3A_270 = arith.addf %dot_general3A_269, %dot_general3A_264 : vector<400x256xf32>
    %get3A_271 = arith.constant 0 : index
    %get3A_272 = arith.constant 0 : index
    %get3A_273 = vector.load %arg11[%get3A_271, %get3A_272] : memref<256x256xf32, #tpu.memory_space<vmem>>, vector<256x256xf32>
    %dot_general3A_274 = arith.constant dense<0.000000e+00> : vector<400x256xf32>
    %dot_general3A_275 = tpu.matmul %select_n3A_197, %get3A_273, %dot_general3A_274 {dimension_numbers = #tpu.dot_dimension_numbers<[1], [0], [0], [1], [0, 0, 1, 1], [], []>, transpose_lhs_hint = false} : vector<400x256xf32>, vector<256x256xf32>, vector<400x256xf32> -> vector<400x256xf32>
    %add3A_276 = arith.addf %dot_general3A_275, %dot_general3A_264 : vector<400x256xf32>
    %get3A_277 = arith.constant 0 : index
    %get3A_278 = arith.constant 0 : index
    %get3A_279 = vector.load %arg11[%get3A_277, %get3A_278] : memref<256x256xf32, #tpu.memory_space<vmem>>, vector<256x256xf32>
    %dot_general3A_280 = arith.constant dense<0.000000e+00> : vector<400x256xf32>
    %dot_general3A_281 = tpu.matmul %select_n3A_222, %get3A_279, %dot_general3A_280 {dimension_numbers = #tpu.dot_dimension_numbers<[1], [0], [0], [1], [0, 0, 1, 1], [], []>, transpose_lhs_hint = false} : vector<400x256xf32>, vector<256x256xf32>, vector<400x256xf32> -> vector<400x256xf32>
    %add3A_282 = arith.addf %dot_general3A_281, %dot_general3A_264 : vector<400x256xf32>
    %max3A_283 = arith.maximumf %add3A_270, %add3A_276 : vector<400x256xf32>
    %max3A_284 = arith.maximumf %max3A_283, %add3A_282 : vector<400x256xf32>
    %sub3A_285 = arith.subf %add3A_270, %max3A_284 : vector<400x256xf32>
    %exp3A_286 = math.exp %sub3A_285 : vector<400x256xf32>
    %sub3A_287 = arith.subf %add3A_276, %max3A_284 : vector<400x256xf32>
    %exp3A_288 = math.exp %sub3A_287 : vector<400x256xf32>
    %sub3A_289 = arith.subf %add3A_282, %max3A_284 : vector<400x256xf32>
    %exp3A_290 = math.exp %sub3A_289 : vector<400x256xf32>
    %add3A_291 = arith.addf %exp3A_286, %exp3A_288 : vector<400x256xf32>
    %add3A_292 = arith.addf %add3A_291, %exp3A_290 : vector<400x256xf32>
    %mul3A_293 = arith.mulf %exp3A_286, %select_n3A_172 : vector<400x256xf32>
    %mul3A_294 = arith.mulf %exp3A_288, %select_n3A_197 : vector<400x256xf32>
    %add3A_295 = arith.addf %mul3A_293, %mul3A_294 : vector<400x256xf32>
    %mul3A_296 = arith.mulf %exp3A_290, %select_n3A_222 : vector<400x256xf32>
    %add3A_297 = arith.addf %add3A_295, %mul3A_296 : vector<400x256xf32>
    %div3A_298 = arith.divf %add3A_297, %add3A_292 : vector<400x256xf32>
    %get3A_299 = arith.constant 0 : index
    %get3A_300 = arith.constant 0 : index
    %get3A_301 = arith.constant 0 : index
    %get3A_302 = vector.load %arg12[%get3A_299, %get3A_300, %get3A_301] : memref<2x256x256xf32, #tpu.memory_space<vmem>>, vector<1x256x256xf32>
    %get3A_303 = vector.shape_cast %get3A_302 : vector<1x256x256xf32> to vector<256x256xf32>
    %dot_general3A_304 = arith.constant dense<0.000000e+00> : vector<400x256xf32>
    %dot_general3A_305 = tpu.matmul %div3A, %get3A_303, %dot_general3A_304 {dimension_numbers = #tpu.dot_dimension_numbers<[1], [0], [0], [1], [0, 0, 1, 1], [], []>, transpose_lhs_hint = false} : vector<400x256xf32>, vector<256x256xf32>, vector<400x256xf32> -> vector<400x256xf32>
    %get3A_306 = arith.constant 1 : index
    %get3A_307 = arith.constant 0 : index
    %get3A_308 = arith.constant 0 : index
    %get3A_309 = vector.load %arg12[%get3A_306, %get3A_307, %get3A_308] : memref<2x256x256xf32, #tpu.memory_space<vmem>>, vector<1x256x256xf32>
    %get3A_310 = vector.shape_cast %get3A_309 : vector<1x256x256xf32> to vector<256x256xf32>
    %dot_general3A_311 = arith.constant dense<0.000000e+00> : vector<400x256xf32>
    %dot_general3A_312 = tpu.matmul %div3A_298, %get3A_310, %dot_general3A_311 {dimension_numbers = #tpu.dot_dimension_numbers<[1], [0], [0], [1], [0, 0, 1, 1], [], []>, transpose_lhs_hint = false} : vector<400x256xf32>, vector<256x256xf32>, vector<400x256xf32> -> vector<400x256xf32>
    %add3A_313 = arith.addf %dot_general3A_305, %dot_general3A_312 : vector<400x256xf32>
    %get3A_314 = arith.constant 0 : index
    %get3A_315 = arith.constant 0 : index
    %get3A_316 = vector.load %arg13[%get3A_314, %get3A_315] : memref<1x256xf32, #tpu.memory_space<vmem>>, vector<1x256xf32>
    %add3A_317 = vector.broadcast %get3A_316 : vector<1x256xf32> to vector<400x256xf32>
    %add3A_318 = arith.addf %add3A_313, %add3A_317 : vector<400x256xf32>
    %swap3A = arith.constant 0 : index
    %swap3A_319 = arith.constant 0 : index
    %swap3A_320 = vector.load %arg14[%swap3A, %swap3A_319] : memref<400x256xf32, #tpu.memory_space<vmem>>, vector<400x256xf32>
    tpu.vector_store %arg14[%swap3A, %swap3A_319], %add3A_318 {strides = array<i32>} : memref<400x256xf32, #tpu.memory_space<vmem>>, vector<400x256xf32>,
    return
  }
  func.func @transform_0(%arg0: i32) -> (i32, i32, i32) {
    %c0_i32 = arith.constant 0 : i32
    %c0_i32_0 = arith.constant 0 : i32
    %c0_i32_1 = arith.constant 0 : i32
    return %c0_i32, %arg0, %c0_i32_0 : i32, i32, i32
  }
  func.func @transform_1(%arg0: i32) -> (i32, i32, i32) {
    %c0_i32 = arith.constant 0 : i32
    %c0_i32_0 = arith.constant 0 : i32
    %c0_i32_1 = arith.constant 0 : i32
    return %c0_i32, %arg0, %c0_i32_0 : i32, i32, i32
  }
  func.func @transform_2(%arg0: i32) -> (i32, i32, i32) {
    %c0_i32 = arith.constant 0 : i32
    %c0_i32_0 = arith.constant 0 : i32
    %c0_i32_1 = arith.constant 0 : i32
    return %c0_i32, %arg0, %c0_i32_0 : i32, i32, i32
  }
  func.func @transform_3(%arg0: i32) -> (i32, i32, i32) {
    %c0_i32 = arith.constant 0 : i32
    %c0_i32_0 = arith.constant 0 : i32
    %c0_i32_1 = arith.constant 0 : i32
    return %c0_i32, %arg0, %c0_i32_0 : i32, i32, i32
  }
  func.func @transform_4(%arg0: i32) -> (i32, i32) {
    %c0_i32 = arith.constant 0 : i32
    %c0_i32_0 = arith.constant 0 : i32
    return %arg0, %c0_i32 : i32, i32
  }
  func.func @transform_5(%arg0: i32) -> (i32, i32, i32) {
    %c0_i32 = arith.constant 0 : i32
    %c0_i32_0 = arith.constant 0 : i32
    %c0_i32_1 = arith.constant 0 : i32
    %c0_i32_2 = arith.constant 0 : i32
    return %c0_i32, %c0_i32_0, %c0_i32_1 : i32, i32, i32
  }
  func.func @transform_6(%arg0: i32) -> (i32, i32, i32) {
    %c0_i32 = arith.constant 0 : i32
    %c0_i32_0 = arith.constant 0 : i32
    %c0_i32_1 = arith.constant 0 : i32
    %c0_i32_2 = arith.constant 0 : i32
    return %c0_i32, %c0_i32_0, %c0_i32_1 : i32, i32, i32
  }
  func.func @transform_7(%arg0: i32) -> (i32, i32) {
    %c0_i32 = arith.constant 0 : i32
    %c0_i32_0 = arith.constant 0 : i32
    %c0_i32_1 = arith.constant 0 : i32
    return %c0_i32, %c0_i32_0 : i32, i32
  }
  func.func @transform_8(%arg0: i32) -> (i32, i32) {
    %c0_i32 = arith.constant 0 : i32
    %c0_i32_0 = arith.constant 0 : i32
    %c0_i32_1 = arith.constant 0 : i32
    return %c0_i32, %c0_i32_0 : i32, i32
  }
  func.func @transform_9(%arg0: i32) -> (i32, i32) {
    %c0_i32 = arith.constant 0 : i32
    %c0_i32_0 = arith.constant 0 : i32
    %c0_i32_1 = arith.constant 0 : i32
    return %c0_i32, %c0_i32_0 : i32, i32
  }
  func.func @transform_10(%arg0: i32) -> (i32, i32) {
    %c0_i32 = arith.constant 0 : i32
    %c0_i32_0 = arith.constant 0 : i32
    %c0_i32_1 = arith.constant 0 : i32
    return %c0_i32, %c0_i32_0 : i32, i32
  }
  func.func @transform_11(%arg0: i32) -> (i32, i32, i32) {
    %c0_i32 = arith.constant 0 : i32
    %c0_i32_0 = arith.constant 0 : i32
    %c0_i32_1 = arith.constant 0 : i32
    %c0_i32_2 = arith.constant 0 : i32
    return %c0_i32, %c0_i32_0, %c0_i32_1 : i32, i32, i32
  }
  func.func @transform_12(%arg0: i32) -> (i32, i32) {
    %c0_i32 = arith.constant 0 : i32
    %c0_i32_0 = arith.constant 0 : i32
    %c0_i32_1 = arith.constant 0 : i32
    return %c0_i32, %c0_i32_0 : i32, i32
  }
  func.func @transform_13(%arg0: i32) -> (i32, i32) {
    %c0_i32 = arith.constant 0 : i32
    %c0_i32_0 = arith.constant 0 : i32
    return %arg0, %c0_i32 : i32, i32
  }
}

</mosaic_0001>

<sc_bundles>
// kernel: kernel.13.cloned.1.call-start
scs
__scs_entry_jumppad:
0x0: {  	(pc) =	sbr.rel $0x88, $3  }
0x1: {  	(tag) =	ssettag $0x0;
	lr =	simm.s32 $0x1  }
0x2: {  	[smem:$0x3F97] =	sst lr;
	_ =	strace $0xD0000000  }
0x3: {  	_ = 	snop  }
0x4: {  	_ = 	snop  }
0x5: {  	_ = 	snop  }
0x6: {  	_ = 	snop  }
0x7: {  	_ = 	snop  }
__scs_overlays_trampoline_lowered:
0x8: {  	[smem:$0x3FA6] =	sst s0  }
0x9: {  	[smem:$0x3FA7] =	sst s1  }
0xa: {  	[smem:$0x3FA8] =	sst s2  }
0xb: {  	[smem:$0x3FA9] =	sst s3  }
0xc: {  	[smem:$0x3FAA] =	sst s4  }
0xd: {  	[smem:$0x3FAB] =	sst s5  }
0xe: {  	[smem:$0x3FAC] =	sst s6  }
0xf: {  	[smem:$0x3FAD] =	sst s7  }
0x10: {  	[smem:$0x3FAE] =	sst s8  }
0x11: {  	[smem:$0x3FAF] =	sst s9;
	s0 =	simm.s32 @!p0 $0x0  }
0x12: {  	s1 =	sld [smem:$0x3F95];
	s0 =	simm.s32 @p0 $0x1  }
0x13: {  	[smem:$0x3FB0] =	sst s0;
	s0 =	simm.s32 @!p1 $0x0  }
0x14: {  	s2 =	sld [smem:$0x3F94];
	s0 =	simm.s32 @p1 $0x1  }
0x15: {  	[smem:$0x3FB1] =	sst s0;
	s0 =	simm.s32 @!p2 $0x0  }
0x16: {  	s3 =	sld [smem:$0x3FDB];
	s0 =	simm.s32 @p2 $0x1  }
0x17: {  	s4 =	simm.s32 $0x1BF5;
	[smem:$0x3FB3] =	sst s0  }
0x18: {  	s0 =	sld [smem:$0x3F96];
	_ =	swait.ge [sflag:s4], $0x0  }
0x19: {  	s7 =	sld [smem:$0x3F97]  }
0x1a: {  	s8 =	sadd.s32 $0xFFFFE003, lr  }
0x1b: {  	s9 =	sadd.s32 $0xFFFFFEF7, lr;
	s5 =	simm.s32 $0xFFFFFFFF;
	p2 =	slt.u32 s8, $0xFFFFF086  }
0x1c: {  	p1 =	slt.u32 s9, $0xF7A;
	s5 =	simm.s32 @!p2 $0x0  }
0x1d: {  	s5 =	simm.s32 @p1 $0x1;
	p0 =	seq.s32 s7, s2  }
0x1e: {  	s7 =	smul.u32 @!p0 $0xF7A, s2;
	p2 =	seq.s32 @!p0 s5, $0x0  }
0x1f: {  	s9 =	smul.u32 $0xF7A, s1;
	s8 =	simm.s32 @!p0 $0x1BF5;
	p2 =	por !p2, p0  }
0x20: {  	[sflag:s8] =	ssyncset.s32 @!p0 $0xFFFFF086;
	s6 =	sadd.s32 @!p0 s3, s7;
	s7 =	simm.s32 @!p0 $0x108  }
0x21: {  	s3 =	sadd.s32 s3, s9;
	s6 =	sadd.s32 @!p0 $0x88, s6;
	s7 =	simm.s32 @p2 $0x1082  }
0x22: {  	[simem:s7], [sflag:s8] =	dma.local @!p0 [hbm:s6], $0xF7A  }
0x23: {  	s9 =	sor.u32 $0xD0000000, s2;
	s6 =	simm.s32 $0x108;
	_ =	swait.ge @!p0 [sflag:s8], $0x0  }
0x24: {  	s3 =	sadd.s32 $0x88, s3;
	s6 =	simm.s32 @!p1 $0x1082;
	[sflag:s4] =	ssyncset.s32 $0xFFFFF086  }
0x25: {  	[simem:s6], [sflag:s4] =	dma.local [hbm:s3], $0xF7A  }
0x26: {  	[smem:$0x3F97] =	sst s1;
	(tag) =	ssettag s2;
	_ =	strace s9  }
0x27: {  	s1 =	sld [smem:$0x3FA7]  }
0x28: {  	s2 =	sld [smem:$0x3FA8]  }
0x29: {  	s4 =	sld [smem:$0x3FAA]  }
0x2a: {  	p0 =	seq.s32 s5, $0x0;
	s5 =	sld [smem:$0x3FAB]  }
0x2b: {  	s6 =	sld [smem:$0x3FAC]  }
0x2c: {  	s7 =	sld [smem:$0x3FAD]  }
0x2d: {  	s3 =	simm.s32 $0x108;
	s8 =	sld [smem:$0x3FAE]  }
0x2e: {  	s3 =	simm.s32 @!p0 $0x1082;
	s9 =	sld [smem:$0x3FAF]  }
0x2f: {  	lr =	sadd.s32 s0, s3;
	s0 =	sld [smem:$0x3FA6]  }
0x30: {  	s3 =	sld [smem:$0x3FA9]  }
0x31: {  	[smem:$0x3FB2] =	sst s10  }
0x32: {  	s10 =	sld [smem:$0x3FB0];
	_ =	sdelay $0x3  }
0x33: {  	p0 =	seq.s32 s10, $0x1;
	s10 =	sld [smem:$0x3FB2];
	_ =	sdelay $0x3  }
0x34: {  	[smem:$0x3FB2] =	sst s10  }
0x35: {  	s10 =	sld [smem:$0x3FB1];
	_ =	sdelay $0x3  }
0x36: {  	p1 =	seq.s32 s10, $0x1;
	s10 =	sld [smem:$0x3FB2];
	_ =	sdelay $0x3  }
0x37: {  	[smem:$0x3FB2] =	sst s10  }
0x38: {  	s10 =	sld [smem:$0x3FB3]  }
0x39: {  	_ = 	snop;
	(pc) =	sbr.ind lr, $3  }
0x3a: {  	_ = 	snop  }
0x3b: {  	_ = 	snop  }
0x3c: {  	p2 =	seq.s32 s10, $0x1;
	s10 =	sld [smem:$0x3FB2]  }
0x3d: {  	_ =	shalt  }
0x3e: {  	_ =	shalt  }
0x3f: {  	_ =	shalt  }
0x40: {  	_ =	shalt  }
0x41: {  	_ =	shalt  }
0x42: {  	_ =	shalt  }
0x43: {  	_ =	shalt  }
0x44: {  	_ =	shalt  }
0x45: {  	_ =	shalt  }
0x46: {  	_ =	shalt  }
0x47: {  	_ =	shalt  }
0x48: {  	_ =	shalt  }
0x49: {  	_ =	shalt  }
0x4a: {  	_ =	shalt  }
0x4b: {  	_ =	shalt  }
0x4c: {  	_ =	shalt  }
0x4d: {  	_ =	shalt  }
0x4e: {  	_ =	shalt  }
0x4f: {  	_ =	shalt  }
0x50: {  	_ =	shalt  }
0x51: {  	_ =	shalt  }
0x52: {  	_ =	shalt  }
0x53: {  	_ =	shalt  }
0x54: {  	_ =	shalt  }
0x55: {  	_ =	shalt  }
0x56: {  	_ =	shalt  }
0x57: {  	_ =	shalt  }
0x58: {  	_ =	shalt  }
0x59: {  	_ =	shalt  }
0x5a: {  	_ =	shalt  }
0x5b: {  	_ =	shalt  }
0x5c: {  	_ =	shalt  }
0x5d: {  	_ =	shalt  }
0x5e: {  	_ =	shalt  }
0x5f: {  	_ =	shalt  }
0x60: {  	_ =	shalt  }
0x61: {  	_ =	shalt  }
0x62: {  	_ =	shalt  }
0x63: {  	_ =	shalt  }
0x64: {  	_ =	shalt  }
0x65: {  	_ =	shalt  }
0x66: {  	_ =	shalt  }
0x67: {  	_ =	shalt  }
0x68: {  	_ =	shalt  }
0x69: {  	_ =	shalt  }
0x6a: {  	_ =	shalt  }
0x6b: {  	_ =	shalt  }
0x6c: {  	_ =	shalt  }
0x6d: {  	_ =	shalt  }
0x6e: {  	_ =	shalt  }
0x6f: {  	_ =	shalt  }
0x70: {  	_ =	shalt  }
0x71: {  	_ =	shalt  }
0x72: {  	_ =	shalt  }
0x73: {  	_ =	shalt  }
0x74: {  	_ =	shalt  }
0x75: {  	_ =	shalt  }
0x76: {  	_ =	shalt  }
0x77: {  	_ =	shalt  }
0x78: {  	_ =	shalt  }
0x79: {  	_ =	shalt  }
0x7a: {  	_ =	shalt  }
0x7b: {  	_ =	shalt  }
0x7c: {  	_ =	shalt  }
0x7d: {  	_ =	shalt  }
0x7e: {  	_ =	shalt  }
0x7f: {  	_ =	shalt  }
0x80: {  	_ =	shalt  }
0x81: {  	_ =	shalt  }
0x82: {  	_ =	shalt  }
0x83: {  	_ =	shalt  }
0x84: {  	_ =	shalt  }
0x85: {  	_ =	shalt  }
0x86: {  	_ =	shalt  }
0x87: {  	_ =	shalt  }
.Lfunc_end0:
.L_simem_size_0:
called_computation_lowered:
.L_overlay_start_0:
0x88: {  	s2 =	sld [smem:$0x3FD9]  }
0x89: {  	s3 =	sld [smem:$0x3FFE];
	_ =	sdelay $0x1  }
0x8a: {  	s1 =	srdreg.scid  }
0x8b: {  	s0 =	sand.u32 $0x1, s1  }
0x8c: {  	s17 =	sshll.u32 s0, $0xA;
	s2 =	sadd.s32 s3, s2  }
0x8d: {  	s2 =	sadd.s32 s2, s17  }
0x8e: {  	[smem:$0x3FBE] =	sst s2  }
0x8f: {  	_ = 	snop  }
0x90: {  	s2 =	sld [smem:$0x3FD0];
	(tm) =	ssettm $0x1  }
0x91: {  	s18 =	sld [smem:$0x3FFB];
	_ =	sdelay $0x3  }
0x92: {  	_ =	strace s18  }
0x93: {  	s3 =	sld [smem:$0x3FFC];
	_ =	sdelay $0x3  }
0x94: {  	_ =	strace s3  }
0x95: {  	s3 =	sld [smem:$0x3FFD];
	_ =	sdelay $0x3  }
0x96: {  	_ =	strace s3  }
0x97: {  	_ =	strace $0x8FFFFFFF  }
0x98: {  	s19 =	sld [smem:$0x3FDB];
	_ =	sdelay $0x1  }
0x99: {  	s4 =	simm.s32 $_scs_section_size  }
0x9a: {  	s5 =	simm.s32 $_size__tile_overlayer_lowered;
	s6 =	simm.s32 $_tile_overlayer_lowered  }
0x9b: {  	s22 =	simm.s32 $0x1BFF;
	s21 =	sshll.u32 s6, $0x1;
	s3 =	sadd.s32 s4, s19  }
0x9c: {  	s7 =	simm.s32 $0x0;
	s20 =	sshll.u32 s5, $0x1;
	s5 =	sadd.s32 s21, s3  }
0x9d: {  	[timem:s7], [sflag:s22] =	dma.local [hbm:s5], s20  }
0x9e: {  	_ =	swait.ge [sflag:s22], s20  }
0x9f: {  	s4 =	ssub.s32 $0x0, s20;
	[sflag:s22] =	ssyncset.done $0x0  }
0xa0: {  	[sflag:s22] =	ssyncadd.s32 s4;
	_ =	sdelay $0x1  }
0xa1: {  	s23 =	simm.s32 $0x1B8B  }
0xa2: {  	_ =	swait.ge [sflag:s23], $0x1  }
0xa3: {  	[sflag:s23] =	ssyncset.done $0x0  }
0xa4: {  	s25 =	simm.s32 $0x1B8E;
	s24 =	sld [smem:$0x3FFE];
	[sflag:s23] =	ssyncadd.s32 $0xFFFFFFFF  }
0xa5: {  	s26 =	simm.s32 $execute0_lowered;
	[smem:$0x3FD2] =	sst s25  }
0xa6: {  	s5 =	sshll.u32 s26, $0x1;
	_ =	strace $0x80000046;
	[dreg:$0x1] =	wrdreg $0xFFFFFFFF  }
0xa7: {  	s28 =	simm.s32 $_size_execute0_lowered;
	s3 =	sadd.s32 s3, s5;
	[dreg:$0x0] =	wrdreg $0x0  }
0xa8: {  	s5 =	sshll.u32 s28, $0x1;
	[dreg:$0x2] =	wrdreg s3  }
0xa9: {  	[dreg:$0x3] =	wrdreg s5  }
0xaa: {  	[dreg:$0x4] =	wrdreg $0xC0  }
0xab: {  	_ =	task [dreg:s7], $0x5FFFF  }
0xac: {  	[dreg:$0x1] =	wrdreg $0xFFFFFFFF  }
0xad: {  	[dreg:$0x0] =	wrdreg $0x60  }
0xae: {  	[dreg:$0x2] =	wrdreg s24  }
0xaf: {  	[dreg:$0x3] =	wrdreg s2  }
0xb0: {  	[dreg:$0x4] =	wrdreg $0x0  }
0xb1: {  	[dreg:$0x5] =	wrdreg $0x9  }
0xb2: {  	_ =	task.clear_ibuf [dreg:s7], $0x6FFFF;
	_ =	strace $0x90000046  }
0xb3: {  	s29 =	simm.s32 $0x9;
	_ =	strace $0x80000048  }
0xb4: {  	_ =	swait.ge [sflag:s29], $0x1  }
0xb5: {  	[sflag:s29] =	ssyncadd.s32 $0xFFFFFFFF  }
0xb6: {  	_ =	strace $0x90000048  }
0xb7: {  	_ =	sfence  }
0xb8: {  	s30 =	sld [smem:$0x0];
	_ =	sdelay $0x2  }
0xb9: {  	s31 =	sshll.u32 s1, $0xD;
	s1 =	sshrl.u32 s1, $0x2  }
0xba: {  	s3 =	sand.u32 $0x4000, s31;
	s1 =	sadd.s32 s1, s30  }
0xbb: {  	s0 =	sor.u32 s3, s0;
	s1 =	sshll.u32 s1, $0x11  }
0xbc: {  	s0 =	sor.u32 s1, s0  }
0xbd: {  	s0 =	sadd.s32 $0x8F2B, s0  }
0xbe: {  	[sflag:s0] =	ssyncadd.remote.s32 $0x1  }
0xbf: {  	_ =	sfence.sel $0xFFFF  }
0xc0: {  	[dreg:$0x0] =	wrdreg $0xFFFFFFFF;
	(pc) =	sbr.abs _section_cstart, $3  }
0xc1: {  	[dreg:$0x1] =	wrdreg $0xFFFFFFFF  }
0xc2: {  	_ =	task.clear_ibuf [dreg:s7], $0x2FFFF;
	_ =	strace $0x9FFFFFFF  }
0xc3: {  	(tm) =	ssettm $0x7FFFFFFF  }
tec
execute0_lowered:
.L_overlay_start_1:
0x0: {  	(tag) =	ssettag $0x1  }
0x1: {  	s4 =	rddreg [dreg:$0x0]  }
0x2: {  	s0 =	srdreg.scid;
	s8 =	rddreg [dreg:$0x1]  }
0x3: {  	s15 =	stileid.u32;
	s1 =	rddreg [dreg:$0x2];
	s2 =	simm.s32 $0x0  }
0x4: {  	s13 =	simm.s32 $0x13C00;
	s14 =	simm.s32 $0x40;
	s3 =	smul.u32 $0x5000, s15  }
0x5: {  	s5 =	sand.u32 $0x1, s0;
	s0 =	rddreg [dreg:$0x3];
	s9 =	smul.u32 $0x4F000, s15  }
0x6: {  	[smem:$0x7FF] =	sst s2;
	s29 =	smul.u32 $0x13800, s15;
	s30 =	sshll.u32 s15, $0x6  }
0x7: {  	s31 =	smul.u32 $0x4E000, s15;
	s17 =	sadd.s32 $0x138000, s1;
	p0 =	sne.s32 s15, $0x0  }
0x8: {  	s6 =	smul.u32 $0x2800, s5;
	_ =	strace $0x80000047;
	s7 =	ssub.s32 $0x2, s5  }
0x9: {  	s11 =	smul.u32 $0x138800, s5;
	s5 =	sor.u32 $0x1C01, s30;
	s10 =	sshrl.u32 s7, $0x1  }
0xa: {  	s28 =	sshrl.u32 s9, $0x2;
	s9 =	sshrl.u32 s31, $0x2;
	s3 =	sadd.s32 s6, s3  }
0xb: {  	s10 =	ssub.s32 s7, s10;
	s12 =	sadd.s32 s28, s1;
	s7 =	sadd.s32 s29, s11  }
0xc: {  	s11 =	sshrl.u32 s11, $0x3;
	s16 =	sadd.s32 s9, s1;
	s3 =	sshrl.u32 s3, $0x3  }
0xd: {  	s7 =	sshrl.u32 s7, $0x3;
	s9 =	smax.u32 s10, $0x1;
	s10 =	sshrl.u32 s12, $0x3  }
0xe: {  	s12 =	simm.s32 $0x16400;
	s15 =	sshrl.u32 s16, $0x3;
	s16 =	sshrl.u32 @!p0 s17, $0x3  }
0xf: {  	s17 =	simm.s32 $0x0;
	s26 =	sadd.s32 s3, s4;
	s3 =	sadd.s32 $0xDA00, s4  }
0x10: {  	s4 =	sadd.s32 $0xDE00, s4;
	s7 =	sadd.s32 s8, s7;
	s8 =	sadd.s32 s8, s11  }
0x11: {  	s11 =	simm.s32 $0x1;
	s6 =	sadd.s32 $0x3A00, s26;
	s8 =	sadd.s32 $0x27000, s8  }
.LBB2_1:
0x12: {  	[spmem:s10], [sflag:s5] =	dma.local [hbm:s4], $0x2780  }
0x13: {  	_ =	swait.ge [sflag:s11], $0x2780  }
0x14: {  	[sflag:s11] =	ssyncset.done $0x0  }
0x15: {  	[sflag:s11] =	ssyncadd.s32 $0xFFFFD880  }
0x16: {  	[bflag:$0x0] =	sbarrier.arrive $0xFFFF  }
0x17: {  	[tilespmem:s12], [sflag:$0x1] =	stream.linear.gather [hbm4b:s3+s2], $0x2000, $0x38;
	[tilespmem:$0x18400] =	vst v63  }
0x18: {  	_ =	swait.ge [sflag:s11], $0x2000  }
0x19: {  	[sflag:s11] =	ssyncset.done $0x0  }
0x1a: {  	[sflag:s11] =	ssyncadd.s32 $0xFFFFE000  }
0x1b: {  	[tilespmem:s13], [sflag:$0x1] =	stream.linear.gather [hbm4b:s6+s2], $0x2800, $0x38;
	[tilespmem:$0x18400] =	vst v63  }
0x1c: {  	_ =	swait.ge [sflag:s11], $0x2800  }
0x1d: {  	[sflag:s11] =	ssyncset.done $0x0  }
0x1e: {  	s18 =	simm.s32 $0x13C00;
	[sflag:s11] =	ssyncadd.s32 $0xFFFFD800  }
0x1f: {  	[spmem:s1] =	stream.indirect.scatter.add.f32 [tilespmem:s12], [sflag:$0x1], $0x80, s18, s14, $0xb8;
	[tilespmem:$0x18400] =	vst v63  }
0x20: {  	s18 =	simm.s32 $0x200;
	_ =	swait.ge [sflag:s11], $0x2000  }
.LBB2_2:
0x21: {  	s19 =	sshra.s32 s18, $0x2;
	[sflag:s11] =	ssyncset.done $0x0;
	p1 =	sne.s32 s18, $0x9E00  }
.Ltmp0:
0x22: {  	s19 =	sadd.s32 $0x13C00, s19;
	[sflag:s11] =	ssyncadd.s32 $0xFFFFE000;
	(pc) =	sbr.rel @p1 .LBB2_2-.Ltmp0, $3  }
0x23: {  	[spmem:s1] =	stream.indirect.scatter.add.f32 [tilespmem:s12], [sflag:$0x1], $0x80, s19, s14, $0xb8;
	[tilespmem:$0x18400] =	vst v63  }
0x24: {  	s18 =	sadd.s32 $0x200, s18;
	_ =	sdelay $0x1  }
0x25: {  	_ =	swait.ge [sflag:s11], $0x2000  }
0x26: {  	[sflag:s11] =	ssyncset.done $0x0  }
0x27: {  	[sflag:s11] =	ssyncadd.s32 $0xFFFFE000  }
0x28: {  	[bflag:$0x0] =	sbarrier.arrive $0xFFFF  }
0x29: {  	[hbm:s7], [sflag:s5] =	dma.local [spmem:s15], $0x2700  }
0x2a: {  	s17 =	sadd.s32 $0x1, s17;
	_ =	swait.ge [sflag:s11], $0x2700  }
0x2b: {  	p1 =	sne.s32 s17, s9;
	[sflag:s11] =	ssyncset.done $0x0  }
.Ltmp1:
0x2c: {  	s18 =	simm.s32 @!p0 $0x1;
	[sflag:s11] =	ssyncadd.s32 $0xFFFFD900;
	(pc) =	sbr.rel @p1 .LBB2_1-.Ltmp1, $4  }
0x2d: {  	[hbm:s8], [sflag:s5] =	dma.local @!p0 [spmem:s16], $0x100  }
0x2e: {  	_ =	swait.ge @!p0 [sflag:s18], $0x100  }
0x2f: {  	[sflag:s18] =	ssyncset.done @!p0 $0x0  }
0x30: {  	[sflag:s18] =	ssyncadd.s32 @!p0 $0xFFFFFF00  }
0x31: {  	_ =	sfence.sel $0x180000  }
0x32: {  	[bflag:$0x0] =	sbarrier.arrive $0xFFFF  }
0x33: {  	_ =	strace $0x90000047  }
0x34: {  	s0 =	sadd.s32 @!p0 $0x100000, s0;
	[bflag:$0x2] =	sbarrier.arrive $0xFFFF  }
0x35: {  	[sflag:s0] =	ssyncadd.tile.s32 @!p0 $0x1;
	_ =	shalt  }
.Lfunc_end2:
_tile_overlayer_lowered:
.L_overlay_start_2:
0x36: {  	(tag) =	ssettag $0x2  }
0x37: {  	s0 =	rddreg [dreg:$0x0];
	s2 =	stileid.u32  }
0x38: {  	s1 =	rddreg [dreg:$0x1];
	p0 =	sne.s32 s2, $0x0  }
0x39: {  	s3 =	rddreg [dreg:$0x2];
	[bflag:$0x3] =	sbarrier.arrive $0xFFFF;
	s2 =	simm.s32 @!p0 $0x1C01  }
0x3a: {  	[timem:s3], [sflag:s2] =	dma.local @!p0 [hbm:s0], s1  }
0x3b: {  	s0 =	simm.s32 @!p0 $0x1  }
0x3c: {  	_ =	swait.ge @!p0 [sflag:s0], s1  }
0x3d: {  	s1 =	ssub.s32 @!p0 $0x0, s1;
	[sflag:s0] =	ssyncset.done @!p0 $0x0  }
0x3e: {  	[sflag:s0] =	ssyncadd.s32 @!p0 s1  }
0x3f: {  	[bflag:$0x3] =	sbarrier.arrive $0xFFFF  }
0x40: {  	_ =	shalt  }

// kernel: kernel.16.cloned.1.call-start
scs
__scs_entry_jumppad:
0x0: {  	(pc) =	sbr.rel $0x88, $3  }
0x1: {  	(tag) =	ssettag $0x0;
	lr =	simm.s32 $0x1  }
0x2: {  	[smem:$0x3F97] =	sst lr;
	_ =	strace $0xD0000000  }
0x3: {  	_ = 	snop  }
0x4: {  	_ = 	snop  }
0x5: {  	_ = 	snop  }
0x6: {  	_ = 	snop  }
0x7: {  	_ = 	snop  }
__scs_overlays_trampoline_lowered:
0x8: {  	[smem:$0x3FA6] =	sst s0  }
0x9: {  	[smem:$0x3FA7] =	sst s1  }
0xa: {  	[smem:$0x3FA8] =	sst s2  }
0xb: {  	[smem:$0x3FA9] =	sst s3  }
0xc: {  	[smem:$0x3FAA] =	sst s4  }
0xd: {  	[smem:$0x3FAB] =	sst s5  }
0xe: {  	[smem:$0x3FAC] =	sst s6  }
0xf: {  	[smem:$0x3FAD] =	sst s7  }
0x10: {  	[smem:$0x3FAE] =	sst s8  }
0x11: {  	[smem:$0x3FAF] =	sst s9;
	s0 =	simm.s32 @!p0 $0x0  }
0x12: {  	s1 =	sld [smem:$0x3F95];
	s0 =	simm.s32 @p0 $0x1  }
0x13: {  	[smem:$0x3FB0] =	sst s0;
	s0 =	simm.s32 @!p1 $0x0  }
0x14: {  	s2 =	sld [smem:$0x3F94];
	s0 =	simm.s32 @p1 $0x1  }
0x15: {  	[smem:$0x3FB1] =	sst s0;
	s0 =	simm.s32 @!p2 $0x0  }
0x16: {  	s3 =	sld [smem:$0x3FDB];
	s0 =	simm.s32 @p2 $0x1  }
0x17: {  	s4 =	simm.s32 $0x1BF5;
	[smem:$0x3FB3] =	sst s0  }
0x18: {  	s0 =	sld [smem:$0x3F96];
	_ =	swait.ge [sflag:s4], $0x0  }
0x19: {  	s7 =	sld [smem:$0x3F97]  }
0x1a: {  	s8 =	sadd.s32 $0xFFFFE003, lr  }
0x1b: {  	s9 =	sadd.s32 $0xFFFFFEF7, lr;
	s5 =	simm.s32 $0xFFFFFFFF;
	p2 =	slt.u32 s8, $0xFFFFF086  }
0x1c: {  	p1 =	slt.u32 s9, $0xF7A;
	s5 =	simm.s32 @!p2 $0x0  }
0x1d: {  	s5 =	simm.s32 @p1 $0x1;
	p0 =	seq.s32 s7, s2  }
0x1e: {  	s7 =	smul.u32 @!p0 $0xF7A, s2;
	p2 =	seq.s32 @!p0 s5, $0x0  }
0x1f: {  	s9 =	smul.u32 $0xF7A, s1;
	s8 =	simm.s32 @!p0 $0x1BF5;
	p2 =	por !p2, p0  }
0x20: {  	[sflag:s8] =	ssyncset.s32 @!p0 $0xFFFFF086;
	s6 =	sadd.s32 @!p0 s3, s7;
	s7 =	simm.s32 @!p0 $0x108  }
0x21: {  	s3 =	sadd.s32 s3, s9;
	s6 =	sadd.s32 @!p0 $0x88, s6;
	s7 =	simm.s32 @p2 $0x1082  }
0x22: {  	[simem:s7], [sflag:s8] =	dma.local @!p0 [hbm:s6], $0xF7A  }
0x23: {  	s9 =	sor.u32 $0xD0000000, s2;
	s6 =	simm.s32 $0x108;
	_ =	swait.ge @!p0 [sflag:s8], $0x0  }
0x24: {  	s3 =	sadd.s32 $0x88, s3;
	s6 =	simm.s32 @!p1 $0x1082;
	[sflag:s4] =	ssyncset.s32 $0xFFFFF086  }
0x25: {  	[simem:s6], [sflag:s4] =	dma.local [hbm:s3], $0xF7A  }
0x26: {  	[smem:$0x3F97] =	sst s1;
	(tag) =	ssettag s2;
	_ =	strace s9  }
0x27: {  	s1 =	sld [smem:$0x3FA7]  }
0x28: {  	s2 =	sld [smem:$0x3FA8]  }
0x29: {  	s4 =	sld [smem:$0x3FAA]  }
0x2a: {  	p0 =	seq.s32 s5, $0x0;
	s5 =	sld [smem:$0x3FAB]  }
0x2b: {  	s6 =	sld [smem:$0x3FAC]  }
0x2c: {  	s7 =	sld [smem:$0x3FAD]  }
0x2d: {  	s3 =	simm.s32 $0x108;
	s8 =	sld [smem:$0x3FAE]  }
0x2e: {  	s3 =	simm.s32 @!p0 $0x1082;
	s9 =	sld [smem:$0x3FAF]  }
0x2f: {  	lr =	sadd.s32 s0, s3;
	s0 =	sld [smem:$0x3FA6]  }
0x30: {  	s3 =	sld [smem:$0x3FA9]  }
0x31: {  	[smem:$0x3FB2] =	sst s10  }
0x32: {  	s10 =	sld [smem:$0x3FB0];
	_ =	sdelay $0x3  }
0x33: {  	p0 =	seq.s32 s10, $0x1;
	s10 =	sld [smem:$0x3FB2];
	_ =	sdelay $0x3  }
0x34: {  	[smem:$0x3FB2] =	sst s10  }
0x35: {  	s10 =	sld [smem:$0x3FB1];
	_ =	sdelay $0x3  }
0x36: {  	p1 =	seq.s32 s10, $0x1;
	s10 =	sld [smem:$0x3FB2];
	_ =	sdelay $0x3  }
0x37: {  	[smem:$0x3FB2] =	sst s10  }
0x38: {  	s10 =	sld [smem:$0x3FB3]  }
0x39: {  	_ = 	snop;
	(pc) =	sbr.ind lr, $3  }
0x3a: {  	_ = 	snop  }
0x3b: {  	_ = 	snop  }
0x3c: {  	p2 =	seq.s32 s10, $0x1;
	s10 =	sld [smem:$0x3FB2]  }
0x3d: {  	_ =	shalt  }
0x3e: {  	_ =	shalt  }
0x3f: {  	_ =	shalt  }
0x40: {  	_ =	shalt  }
0x41: {  	_ =	shalt  }
0x42: {  	_ =	shalt  }
0x43: {  	_ =	shalt  }
0x44: {  	_ =	shalt  }
0x45: {  	_ =	shalt  }
0x46: {  	_ =	shalt  }
0x47: {  	_ =	shalt  }
0x48: {  	_ =	shalt  }
0x49: {  	_ =	shalt  }
0x4a: {  	_ =	shalt  }
0x4b: {  	_ =	shalt  }
0x4c: {  	_ =	shalt  }
0x4d: {  	_ =	shalt  }
0x4e: {  	_ =	shalt  }
0x4f: {  	_ =	shalt  }
0x50: {  	_ =	shalt  }
0x51: {  	_ =	shalt  }
0x52: {  	_ =	shalt  }
0x53: {  	_ =	shalt  }
0x54: {  	_ =	shalt  }
0x55: {  	_ =	shalt  }
0x56: {  	_ =	shalt  }
0x57: {  	_ =	shalt  }
0x58: {  	_ =	shalt  }
0x59: {  	_ =	shalt  }
0x5a: {  	_ =	shalt  }
0x5b: {  	_ =	shalt  }
0x5c: {  	_ =	shalt  }
0x5d: {  	_ =	shalt  }
0x5e: {  	_ =	shalt  }
0x5f: {  	_ =	shalt  }
0x60: {  	_ =	shalt  }
0x61: {  	_ =	shalt  }
0x62: {  	_ =	shalt  }
0x63: {  	_ =	shalt  }
0x64: {  	_ =	shalt  }
0x65: {  	_ =	shalt  }
0x66: {  	_ =	shalt  }
0x67: {  	_ =	shalt  }
0x68: {  	_ =	shalt  }
0x69: {  	_ =	shalt  }
0x6a: {  	_ =	shalt  }
0x6b: {  	_ =	shalt  }
0x6c: {  	_ =	shalt  }
0x6d: {  	_ =	shalt  }
0x6e: {  	_ =	shalt  }
0x6f: {  	_ =	shalt  }
0x70: {  	_ =	shalt  }
0x71: {  	_ =	shalt  }
0x72: {  	_ =	shalt  }
0x73: {  	_ =	shalt  }
0x74: {  	_ =	shalt  }
0x75: {  	_ =	shalt  }
0x76: {  	_ =	shalt  }
0x77: {  	_ =	shalt  }
0x78: {  	_ =	shalt  }
0x79: {  	_ =	shalt  }
0x7a: {  	_ =	shalt  }
0x7b: {  	_ =	shalt  }
0x7c: {  	_ =	shalt  }
0x7d: {  	_ =	shalt  }
0x7e: {  	_ =	shalt  }
0x7f: {  	_ =	shalt  }
0x80: {  	_ =	shalt  }
0x81: {  	_ =	shalt  }
0x82: {  	_ =	shalt  }
0x83: {  	_ =	shalt  }
0x84: {  	_ =	shalt  }
0x85: {  	_ =	shalt  }
0x86: {  	_ =	shalt  }
0x87: {  	_ =	shalt  }
.Lfunc_end0:
.L_simem_size_0:
called_computation.1_lowered:
.L_overlay_start_0:
0x88: {  	s2 =	sld [smem:$0x3FD9]  }
0x89: {  	s3 =	sld [smem:$0x3FFE];
	_ =	sdelay $0x1  }
0x8a: {  	s1 =	srdreg.scid  }
0x8b: {  	s0 =	sand.u32 $0x1, s1  }
0x8c: {  	s17 =	sshll.u32 s0, $0xA;
	s2 =	sadd.s32 s3, s2  }
0x8d: {  	s2 =	sadd.s32 s2, s17  }
0x8e: {  	[smem:$0x3FBE] =	sst s2  }
0x8f: {  	_ = 	snop  }
0x90: {  	s2 =	sld [smem:$0x3FD0];
	(tm) =	ssettm $0x1  }
0x91: {  	s18 =	sld [smem:$0x3FFB];
	_ =	sdelay $0x3  }
0x92: {  	_ =	strace s18  }
0x93: {  	s3 =	sld [smem:$0x3FFC];
	_ =	sdelay $0x3  }
0x94: {  	_ =	strace s3  }
0x95: {  	s3 =	sld [smem:$0x3FFD];
	_ =	sdelay $0x3  }
0x96: {  	_ =	strace s3  }
0x97: {  	_ =	strace $0x8FFFFFFF  }
0x98: {  	s19 =	sld [smem:$0x3FDB];
	_ =	sdelay $0x1  }
0x99: {  	s4 =	simm.s32 $_scs_section_size  }
0x9a: {  	s5 =	simm.s32 $_size__tile_overlayer_lowered;
	s6 =	simm.s32 $_tile_overlayer_lowered  }
0x9b: {  	s22 =	simm.s32 $0x1BFF;
	s21 =	sshll.u32 s6, $0x1;
	s3 =	sadd.s32 s4, s19  }
0x9c: {  	s7 =	simm.s32 $0x0;
	s20 =	sshll.u32 s5, $0x1;
	s5 =	sadd.s32 s21, s3  }
0x9d: {  	[timem:s7], [sflag:s22] =	dma.local [hbm:s5], s20  }
0x9e: {  	_ =	swait.ge [sflag:s22], s20  }
0x9f: {  	s4 =	ssub.s32 $0x0, s20;
	[sflag:s22] =	ssyncset.done $0x0  }
0xa0: {  	[sflag:s22] =	ssyncadd.s32 s4;
	_ =	sdelay $0x1  }
0xa1: {  	s23 =	simm.s32 $0x1B8B  }
0xa2: {  	_ =	swait.ge [sflag:s23], $0x1  }
0xa3: {  	[sflag:s23] =	ssyncset.done $0x0  }
0xa4: {  	s25 =	simm.s32 $0x1B8E;
	s24 =	sld [smem:$0x3FFE];
	[sflag:s23] =	ssyncadd.s32 $0xFFFFFFFF  }
0xa5: {  	s26 =	simm.s32 $execute0_lowered;
	[smem:$0x3FD2] =	sst s25  }
0xa6: {  	s5 =	sshll.u32 s26, $0x1;
	_ =	strace $0x80000049;
	[dreg:$0x1] =	wrdreg $0xFFFFFFFF  }
0xa7: {  	s28 =	simm.s32 $_size_execute0_lowered;
	s3 =	sadd.s32 s3, s5;
	[dreg:$0x0] =	wrdreg $0x0  }
0xa8: {  	s5 =	sshll.u32 s28, $0x1;
	[dreg:$0x2] =	wrdreg s3  }
0xa9: {  	[dreg:$0x3] =	wrdreg s5  }
0xaa: {  	[dreg:$0x4] =	wrdreg $0xC0  }
0xab: {  	_ =	task [dreg:s7], $0x5FFFF  }
0xac: {  	[dreg:$0x1] =	wrdreg $0xFFFFFFFF  }
0xad: {  	[dreg:$0x0] =	wrdreg $0x60  }
0xae: {  	[dreg:$0x2] =	wrdreg s2  }
0xaf: {  	[dreg:$0x3] =	wrdreg s24  }
0xb0: {  	[dreg:$0x4] =	wrdreg $0x0  }
0xb1: {  	[dreg:$0x5] =	wrdreg $0x9  }
0xb2: {  	_ =	task.clear_ibuf [dreg:s7], $0x6FFFF;
	_ =	strace $0x90000049  }
0xb3: {  	s29 =	simm.s32 $0x9;
	_ =	strace $0x8000004B  }
0xb4: {  	_ =	swait.ge [sflag:s29], $0x1  }
0xb5: {  	[sflag:s29] =	ssyncadd.s32 $0xFFFFFFFF  }
0xb6: {  	_ =	strace $0x9000004B  }
0xb7: {  	_ =	sfence  }
0xb8: {  	s30 =	sld [smem:$0x0];
	_ =	sdelay $0x2  }
0xb9: {  	s31 =	sshll.u32 s1, $0xD;
	s1 =	sshrl.u32 s1, $0x2  }
0xba: {  	s3 =	sand.u32 $0x4000, s31;
	s1 =	sadd.s32 s1, s30  }
0xbb: {  	s0 =	sor.u32 s3, s0;
	s1 =	sshll.u32 s1, $0x11  }
0xbc: {  	s0 =	sor.u32 s1, s0  }
0xbd: {  	s0 =	sadd.s32 $0x8F2B, s0  }
0xbe: {  	[sflag:s0] =	ssyncadd.remote.s32 $0x1  }
0xbf: {  	_ =	sfence.sel $0xFFFF  }
0xc0: {  	[dreg:$0x0] =	wrdreg $0xFFFFFFFF;
	(pc) =	sbr.abs _section_cstart, $3  }
0xc1: {  	[dreg:$0x1] =	wrdreg $0xFFFFFFFF  }
0xc2: {  	_ =	task.clear_ibuf [dreg:s7], $0x2FFFF;
	_ =	strace $0x9FFFFFFF  }
0xc3: {  	(tm) =	ssettm $0x7FFFFFFF  }
tec
execute0_lowered:
.L_overlay_start_1:
0x0: {  	(tag) =	ssettag $0x1  }
0x1: {  	s0 =	rddreg [dreg:$0x0]  }
0x2: {  	s1 =	srdreg.scid;
	s6 =	rddreg [dreg:$0x1]  }
0x3: {  	s23 =	stileid.u32;
	s2 =	rddreg [dreg:$0x2]  }
0x4: {  	s21 =	simm.s32 $0x0;
	s17 =	simm.s32 $0x40;
	s18 =	simm.s32 $0x18C00  }
0x5: {  	s19 =	simm.s32 $0x1AC00;
	s20 =	simm.s32 $0x1;
	s7 =	smul.u32 $0x5000, s23  }
0x6: {  	s28 =	simm.s32 $0x0;
	s5 =	sand.u32 $0x1, s1;
	s9 =	smul.u32 $0x4F000, s23  }
0x7: {  	[smem:$0x7FF] =	sst s21;
	s12 =	sadd.s32 $0x72A00, s6;
	s15 =	smul.u32 $0x13800, s23  }
0x8: {  	s26 =	sshll.u32 s23, $0x6;
	s16 =	smul.u32 $0x4E000, s23;
	s21 =	simm.s32 $0x2  }
0x9: {  	p0 =	sne.s32 s23, $0x0;
	s23 =	simm.s32 $0x18B00;
	s4 =	smul.u32 $0x50000, s5  }
0xa: {  	_ =	strace $0x8000004A;
	s24 =	ssub.s32 $0x2, s5;
	s29 =	smul.u32 $0x138800, s5  }
0xb: {  	s5 =	sor.u32 $0x1C03, s26;
	s26 =	simm.s32 $0x18B80;
	s22 =	sshrl.u32 s7, $0x3  }
0xc: {  	s11 =	sshrl.u32 s24, $0x1;
	s25 =	sshrl.u32 s9, $0x2;
	s31 =	sshrl.u32 s16, $0x2  }
0xd: {  	s16 =	simm.s32 $0x16400;
	s4 =	sadd.s32 s7, s4;
	s10 =	sadd.s32 s22, s6  }
0xe: {  	s13 =	ssub.s32 s24, s11;
	s14 =	sadd.s32 s25, s2;
	s30 =	sadd.s32 s15, s29  }
0xf: {  	s11 =	sshrl.u32 s29, $0x3;
	s24 =	sadd.s32 s31, s2;
	s25 =	sadd.s32 $0x138000, s2  }
0x10: {  	s15 =	simm.s32 $0x13C00;
	s22 =	simm.s32 $0x16380;
	s4 =	sshrl.u32 s4, $0x3  }
0x11: {  	s7 =	sadd.s32 $0x3A00, s10;
	s9 =	sadd.s32 $0x3F00, s10;
	s10 =	sshrl.u32 s30, $0x3  }
0x12: {  	s11 =	sadd.s32 s12, s11;
	s24 =	sshrl.u32 s24, $0x3;
	s25 =	sshrl.u32 @!p0 s25, $0x3  }
0x13: {  	s8 =	sadd.s32 s4, s6;
	s4 =	sadd.s32 $0xDE00, s6;
	s10 =	sadd.s32 s12, s10  }
0x14: {  	s11 =	sadd.s32 $0x27000, s11;
	s12 =	smax.u32 s13, $0x1;
	s13 =	sshrl.u32 s14, $0x3  }
0x15: {  	s14 =	simm.s32 $0x3;
	s6 =	sadd.s32 $0x10600, s8;
	s8 =	sadd.s32 $0x10B00, s8  }
.LBB2_1:
0x16: {  	[spmem:s13], [sflag:s5] =	dma.local [hbm:s4], $0x2780  }
0x17: {  	_ =	swait.ge [sflag:s14], $0x2780  }
0x18: {  	[sflag:s14] =	ssyncset.done $0x0  }
0x19: {  	[sflag:s14] =	ssyncadd.s32 $0xFFFFD880  }
0x1a: {  	s1 =	simm.s32 $0x0;
	[bflag:$0x0] =	sbarrier.arrive $0xFFFF  }
0x1b: {  	[tilespmem:s15], [sflag:$0x3] =	stream.linear.gather [hbm4b:s6+s1], $0x2800, $0x38;
	[tilespmem:$0x1CC00] =	vst v63  }
0x1c: {  	_ =	swait.ge [sflag:s14], $0x2800  }
0x1d: {  	[sflag:s14] =	ssyncset.done $0x0  }
0x1e: {  	[sflag:s14] =	ssyncadd.s32 $0xFFFFD800  }
0x1f: {  	[tilespmem:s16], [sflag:$0x3] =	stream.linear.gather [hbm4b:s7+s1], $0x2800, $0x38;
	[tilespmem:$0x1CC00] =	vst v63  }
0x20: {  	_ =	swait.ge [sflag:s14], $0x2800  }
0x21: {  	[sflag:s14] =	ssyncset.done $0x0  }
0x22: {  	[sflag:s14] =	ssyncadd.s32 $0xFFFFD800  }
0x23: {  	[tilespmem:s18], [sflag:$0x1] =	stream.indirect.gather [hbm4b:s0+s17], $0x80, s15, s17, $0xb8;
	[tilespmem:$0x1CC00] =	vst v63  }
0x24: {  	s29 =	simm.s32 $0x13C80  }
0x25: {  	[tilespmem:s19], [sflag:$0x2] =	stream.indirect.gather [hbm4b:s0+s17], $0x80, s29, s17, $0xb8;
	[tilespmem:$0x1CC00] =	vst v63  }
0x26: {  	_ =	swait.ge [sflag:s20], $0x2000  }
0x27: {  	[sflag:s20] =	ssyncset.done $0x0  }
0x28: {  	s29 =	simm.s32 $0x16400;
	[sflag:s20] =	ssyncadd.s32 $0xFFFFE000  }
0x29: {  	[spmem:s2] =	stream.indirect.scatter.add.f32 [tilespmem:s18], [sflag:$0x3], $0x80, s29, s17, $0xb8;
	[tilespmem:$0x1CC00] =	vst v63  }
0x2a: {  	_ =	swait.ge [sflag:s14], $0x2000  }
0x2b: {  	[sflag:s14] =	ssyncset.done $0x0  }
0x2c: {  	s29 =	simm.s32 $0x13D00;
	[sflag:s14] =	ssyncadd.s32 $0xFFFFE000  }
0x2d: {  	[tilespmem:s18], [sflag:$0x1] =	stream.indirect.gather [hbm4b:s0+s17], $0x80, s29, s17, $0xb8;
	[tilespmem:$0x1CC00] =	vst v63  }
0x2e: {  	_ =	swait.ge [sflag:s21], $0x2000  }
0x2f: {  	[sflag:s21] =	ssyncset.done $0x0  }
0x30: {  	s29 =	simm.s32 $0x16480;
	[sflag:s21] =	ssyncadd.s32 $0xFFFFE000  }
0x31: {  	[spmem:s2] =	stream.indirect.scatter.add.f32 [tilespmem:s19], [sflag:$0x3], $0x80, s29, s17, $0xb8;
	[tilespmem:$0x1CC00] =	vst v63  }
0x32: {  	_ =	swait.ge [sflag:s14], $0x2000  }
0x33: {  	s30 =	simm.s32 $0x800;
	s29 =	simm.s32 $0x100;
	[sflag:s14] =	ssyncset.done $0x0  }
.LBB2_2:
0x34: {  	s31 =	sadd.s32 $0x13C80, s29  }
0x35: {  	[sflag:s14] =	ssyncadd.s32 $0xFFFFE000;
	s1 =	smov.u32 s30;
	s3 =	sadd.s32 $0x400, s30  }
0x36: {  	[tilespmem:s19], [sflag:$0x2] =	stream.indirect.gather [hbm4b:s0+s17], $0x80, s31, s17, $0xb8;
	[tilespmem:$0x1CC00] =	vst v63  }
0x37: {  	p1 =	sne.s32 s30, $0x9800;
	_ =	swait.ge [sflag:s20], $0x2000  }
0x38: {  	[sflag:s20] =	ssyncset.done $0x0  }
0x39: {  	s30 =	sadd.s32 $0x16400, s29;
	[sflag:s20] =	ssyncadd.s32 $0xFFFFE000  }
0x3a: {  	[spmem:s2] =	stream.indirect.scatter.add.f32 [tilespmem:s18], [sflag:$0x3], $0x80, s30, s17, $0xb8;
	[tilespmem:$0x1CC00] =	vst v63  }
0x3b: {  	_ =	swait.ge [sflag:s14], $0x2000  }
0x3c: {  	[sflag:s14] =	ssyncset.done $0x0  }
0x3d: {  	s30 =	sadd.s32 $0x13D00, s29;
	[sflag:s14] =	ssyncadd.s32 $0xFFFFE000  }
0x3e: {  	[tilespmem:s18], [sflag:$0x1] =	stream.indirect.gather [hbm4b:s0+s17], $0x80, s30, s17, $0xb8;
	[tilespmem:$0x1CC00] =	vst v63  }
0x3f: {  	_ =	swait.ge [sflag:s21], $0x2000  }
.Ltmp0:
0x40: {  	[sflag:s21] =	ssyncset.done $0x0;
	(pc) =	sbr.rel @p1 .LBB2_2-.Ltmp0, $4  }
0x41: {  	s29 =	sadd.s32 $0x16480, s29;
	[sflag:s21] =	ssyncadd.s32 $0xFFFFE000  }
0x42: {  	[spmem:s2] =	stream.indirect.scatter.add.f32 [tilespmem:s19], [sflag:$0x3], $0x80, s29, s17, $0xb8;
	[tilespmem:$0x1CC00] =	vst v63  }
0x43: {  	_ =	swait.ge [sflag:s14], $0x2000  }
0x44: {  	s30 =	smov.u32 s3;
	s29 =	sshra.s32 s1, $0x2;
	[sflag:s14] =	ssyncset.done $0x0  }
0x45: {  	s1 =	sadd.s32 $0x13C80, s29;
	[sflag:s14] =	ssyncadd.s32 $0xFFFFE000  }
0x46: {  	[tilespmem:s19], [sflag:$0x2] =	stream.indirect.gather [hbm4b:s0+s17], $0x80, s1, s17, $0xb8;
	[tilespmem:$0x1CC00] =	vst v63  }
0x47: {  	_ =	swait.ge [sflag:s20], $0x2000  }
0x48: {  	[sflag:s20] =	ssyncset.done $0x0  }
0x49: {  	s3 =	sadd.s32 $0x16400, s29;
	[sflag:s20] =	ssyncadd.s32 $0xFFFFE000  }
0x4a: {  	[spmem:s2] =	stream.indirect.scatter.add.f32 [tilespmem:s18], [sflag:$0x3], $0x80, s3, s17, $0xb8;
	[tilespmem:$0x1CC00] =	vst v63  }
0x4b: {  	_ =	swait.ge [sflag:s14], $0x2000  }
0x4c: {  	[sflag:s14] =	ssyncset.done $0x0  }
0x4d: {  	s31 =	sadd.s32 $0x13D00, s29;
	[sflag:s14] =	ssyncadd.s32 $0xFFFFE000  }
0x4e: {  	[tilespmem:s18], [sflag:$0x1] =	stream.indirect.gather [hbm4b:s0+s17], $0x80, s31, s17, $0xb8;
	[tilespmem:$0x1CC00] =	vst v63  }
0x4f: {  	_ =	swait.ge [sflag:s21], $0x2000  }
0x50: {  	[sflag:s21] =	ssyncset.done $0x0  }
0x51: {  	s3 =	sadd.s32 $0x16480, s29;
	[sflag:s21] =	ssyncadd.s32 $0xFFFFE000  }
0x52: {  	[spmem:s2] =	stream.indirect.scatter.add.f32 [tilespmem:s19], [sflag:$0x3], $0x80, s3, s17, $0xb8;
	[tilespmem:$0x1CC00] =	vst v63  }
0x53: {  	_ =	swait.ge [sflag:s14], $0x2000  }
0x54: {  	[sflag:s14] =	ssyncset.done $0x0  }
0x55: {  	[sflag:s14] =	ssyncadd.s32 $0xFFFFE000  }
0x56: {  	[tilespmem:s19], [sflag:$0x2] =	stream.indirect.gather [hbm4b:s0+s17], $0x80, s22, s17, $0xb8;
	[tilespmem:$0x1CC00] =	vst v63  }
0x57: {  	_ =	swait.ge [sflag:s20], $0x2000  }
0x58: {  	[sflag:s20] =	ssyncset.done $0x0  }
0x59: {  	[sflag:s20] =	ssyncadd.s32 $0xFFFFE000  }
0x5a: {  	[spmem:s2] =	stream.indirect.scatter.add.f32 [tilespmem:s18], [sflag:$0x3], $0x80, s23, s17, $0xb8;
	[tilespmem:$0x1CC00] =	vst v63  }
0x5b: {  	_ =	swait.ge [sflag:s14], $0x2000  }
0x5c: {  	[sflag:s14] =	ssyncset.done $0x0  }
0x5d: {  	[sflag:s14] =	ssyncadd.s32 $0xFFFFE000  }
0x5e: {  	_ =	swait.ge [sflag:s21], $0x2000  }
0x5f: {  	[sflag:s21] =	ssyncset.done $0x0  }
0x60: {  	[sflag:s21] =	ssyncadd.s32 $0xFFFFE000  }
0x61: {  	[spmem:s2] =	stream.indirect.scatter.add.f32 [tilespmem:s19], [sflag:$0x3], $0x80, s26, s17, $0xb8;
	[tilespmem:$0x1CC00] =	vst v63  }
0x62: {  	_ =	swait.ge [sflag:s14], $0x2000  }
0x63: {  	[sflag:s14] =	ssyncset.done $0x0  }
0x64: {  	s31 =	simm.s32 $0x0;
	[sflag:s14] =	ssyncadd.s32 $0xFFFFE000  }
0x65: {  	[tilespmem:s15], [sflag:$0x3] =	stream.linear.gather [hbm4b:s8+s31], $0x2800, $0x38;
	[tilespmem:$0x1CC00] =	vst v63  }
0x66: {  	_ =	swait.ge [sflag:s14], $0x2800  }
0x67: {  	[sflag:s14] =	ssyncset.done $0x0  }
0x68: {  	[sflag:s14] =	ssyncadd.s32 $0xFFFFD800  }
0x69: {  	[tilespmem:s16], [sflag:$0x3] =	stream.linear.gather [hbm4b:s9+s31], $0x2800, $0x38;
	[tilespmem:$0x1CC00] =	vst v63  }
0x6a: {  	_ =	swait.ge [sflag:s14], $0x2800  }
0x6b: {  	[sflag:s14] =	ssyncset.done $0x0  }
0x6c: {  	[sflag:s14] =	ssyncadd.s32 $0xFFFFD800  }
0x6d: {  	[tilespmem:s18], [sflag:$0x1] =	stream.indirect.gather [hbm4b:s0+s17], $0x80, s15, s17, $0xb8;
	[tilespmem:$0x1CC00] =	vst v63  }
0x6e: {  	s3 =	simm.s32 $0x13C80  }
0x6f: {  	[tilespmem:s19], [sflag:$0x2] =	stream.indirect.gather [hbm4b:s0+s17], $0x80, s3, s17, $0xb8;
	[tilespmem:$0x1CC00] =	vst v63  }
0x70: {  	_ =	swait.ge [sflag:s20], $0x2000  }
0x71: {  	[sflag:s20] =	ssyncset.done $0x0  }
0x72: {  	s31 =	simm.s32 $0x16400;
	[sflag:s20] =	ssyncadd.s32 $0xFFFFE000  }
0x73: {  	[spmem:s2] =	stream.indirect.scatter.add.f32 [tilespmem:s18], [sflag:$0x3], $0x80, s31, s17, $0xb8;
	[tilespmem:$0x1CC00] =	vst v63  }
0x74: {  	_ =	swait.ge [sflag:s14], $0x2000  }
0x75: {  	[sflag:s14] =	ssyncset.done $0x0  }
0x76: {  	s3 =	simm.s32 $0x13D00;
	[sflag:s14] =	ssyncadd.s32 $0xFFFFE000  }
0x77: {  	[tilespmem:s18], [sflag:$0x1] =	stream.indirect.gather [hbm4b:s0+s17], $0x80, s3, s17, $0xb8;
	[tilespmem:$0x1CC00] =	vst v63  }
0x78: {  	_ =	swait.ge [sflag:s21], $0x2000  }
0x79: {  	[sflag:s21] =	ssyncset.done $0x0  }
0x7a: {  	s31 =	simm.s32 $0x16480;
	[sflag:s21] =	ssyncadd.s32 $0xFFFFE000  }
0x7b: {  	[spmem:s2] =	stream.indirect.scatter.add.f32 [tilespmem:s19], [sflag:$0x3], $0x80, s31, s17, $0xb8;
	[tilespmem:$0x1CC00] =	vst v63  }
0x7c: {  	_ =	swait.ge [sflag:s14], $0x2000  }
0x7d: {  	s30 =	simm.s32 $0x800;
	s29 =	simm.s32 $0x100;
	[sflag:s14] =	ssyncset.done $0x0  }
.LBB2_4:
0x7e: {  	s1 =	sadd.s32 $0x13C80, s29  }
0x7f: {  	[sflag:s14] =	ssyncadd.s32 $0xFFFFE000;
	s3 =	smov.u32 s30;
	s31 =	sadd.s32 $0x400, s30  }
0x80: {  	[tilespmem:s19], [sflag:$0x2] =	stream.indirect.gather [hbm4b:s0+s17], $0x80, s1, s17, $0xb8;
	[tilespmem:$0x1CC00] =	vst v63  }
0x81: {  	p1 =	sne.s32 s30, $0x9800;
	_ =	swait.ge [sflag:s20], $0x2000  }
0x82: {  	[sflag:s20] =	ssyncset.done $0x0  }
0x83: {  	s1 =	sadd.s32 $0x16400, s29;
	[sflag:s20] =	ssyncadd.s32 $0xFFFFE000  }
0x84: {  	[spmem:s2] =	stream.indirect.scatter.add.f32 [tilespmem:s18], [sflag:$0x3], $0x80, s1, s17, $0xb8;
	[tilespmem:$0x1CC00] =	vst v63  }
0x85: {  	_ =	swait.ge [sflag:s14], $0x2000  }
0x86: {  	[sflag:s14] =	ssyncset.done $0x0  }
0x87: {  	s1 =	sadd.s32 $0x13D00, s29;
	[sflag:s14] =	ssyncadd.s32 $0xFFFFE000  }
0x88: {  	[tilespmem:s18], [sflag:$0x1] =	stream.indirect.gather [hbm4b:s0+s17], $0x80, s1, s17, $0xb8;
	[tilespmem:$0x1CC00] =	vst v63  }
0x89: {  	_ =	swait.ge [sflag:s21], $0x2000  }
.Ltmp1:
0x8a: {  	[sflag:s21] =	ssyncset.done $0x0;
	(pc) =	sbr.rel @p1 .LBB2_4-.Ltmp1, $4  }
0x8b: {  	s1 =	sadd.s32 $0x16480, s29;
	[sflag:s21] =	ssyncadd.s32 $0xFFFFE000  }
0x8c: {  	[spmem:s2] =	stream.indirect.scatter.add.f32 [tilespmem:s19], [sflag:$0x3], $0x80, s1, s17, $0xb8;
	[tilespmem:$0x1CC00] =	vst v63  }
0x8d: {  	_ =	swait.ge [sflag:s14], $0x2000  }
0x8e: {  	s30 =	smov.u32 s31;
	s29 =	sshra.s32 s3, $0x2;
	[sflag:s14] =	ssyncset.done $0x0  }
0x8f: {  	s1 =	sadd.s32 $0x13C80, s29;
	[sflag:s14] =	ssyncadd.s32 $0xFFFFE000  }
0x90: {  	[tilespmem:s19], [sflag:$0x2] =	stream.indirect.gather [hbm4b:s0+s17], $0x80, s1, s17, $0xb8;
	[tilespmem:$0x1CC00] =	vst v63  }
0x91: {  	_ =	swait.ge [sflag:s20], $0x2000  }
0x92: {  	[sflag:s20] =	ssyncset.done $0x0  }
0x93: {  	s3 =	sadd.s32 $0x16400, s29;
	[sflag:s20] =	ssyncadd.s32 $0xFFFFE000  }
0x94: {  	[spmem:s2] =	stream.indirect.scatter.add.f32 [tilespmem:s18], [sflag:$0x3], $0x80, s3, s17, $0xb8;
	[tilespmem:$0x1CC00] =	vst v63  }
0x95: {  	_ =	swait.ge [sflag:s14], $0x2000  }
0x96: {  	[sflag:s14] =	ssyncset.done $0x0  }
0x97: {  	s30 =	sadd.s32 $0x13D00, s29;
	[sflag:s14] =	ssyncadd.s32 $0xFFFFE000  }
0x98: {  	[tilespmem:s18], [sflag:$0x1] =	stream.indirect.gather [hbm4b:s0+s17], $0x80, s30, s17, $0xb8;
	[tilespmem:$0x1CC00] =	vst v63  }
0x99: {  	_ =	swait.ge [sflag:s21], $0x2000  }
0x9a: {  	[sflag:s21] =	ssyncset.done $0x0  }
0x9b: {  	s31 =	sadd.s32 $0x16480, s29;
	[sflag:s21] =	ssyncadd.s32 $0xFFFFE000  }
0x9c: {  	[spmem:s2] =	stream.indirect.scatter.add.f32 [tilespmem:s19], [sflag:$0x3], $0x80, s31, s17, $0xb8;
	[tilespmem:$0x1CC00] =	vst v63  }
0x9d: {  	_ =	swait.ge [sflag:s14], $0x2000  }
0x9e: {  	[sflag:s14] =	ssyncset.done $0x0  }
0x9f: {  	[sflag:s14] =	ssyncadd.s32 $0xFFFFE000  }
0xa0: {  	[tilespmem:s19], [sflag:$0x2] =	stream.indirect.gather [hbm4b:s0+s17], $0x80, s22, s17, $0xb8;
	[tilespmem:$0x1CC00] =	vst v63  }
0xa1: {  	_ =	swait.ge [sflag:s20], $0x2000  }
0xa2: {  	[sflag:s20] =	ssyncset.done $0x0  }
0xa3: {  	[sflag:s20] =	ssyncadd.s32 $0xFFFFE000  }
0xa4: {  	[spmem:s2] =	stream.indirect.scatter.add.f32 [tilespmem:s18], [sflag:$0x3], $0x80, s23, s17, $0xb8;
	[tilespmem:$0x1CC00] =	vst v63  }
0xa5: {  	_ =	swait.ge [sflag:s14], $0x2000  }
0xa6: {  	[sflag:s14] =	ssyncset.done $0x0  }
0xa7: {  	[sflag:s14] =	ssyncadd.s32 $0xFFFFE000  }
0xa8: {  	_ =	swait.ge [sflag:s21], $0x2000  }
0xa9: {  	[sflag:s21] =	ssyncset.done $0x0  }
0xaa: {  	[sflag:s21] =	ssyncadd.s32 $0xFFFFE000  }
0xab: {  	[spmem:s2] =	stream.indirect.scatter.add.f32 [tilespmem:s19], [sflag:$0x3], $0x80, s26, s17, $0xb8;
	[tilespmem:$0x1CC00] =	vst v63  }
0xac: {  	_ =	swait.ge [sflag:s14], $0x2000  }
0xad: {  	[sflag:s14] =	ssyncset.done $0x0  }
0xae: {  	[sflag:s14] =	ssyncadd.s32 $0xFFFFE000  }
0xaf: {  	[bflag:$0x0] =	sbarrier.arrive $0xFFFF  }
0xb0: {  	[hbm:s10], [sflag:s5] =	dma.local [spmem:s24], $0x2700  }
0xb1: {  	s28 =	sadd.s32 $0x1, s28;
	_ =	swait.ge [sflag:s14], $0x2700  }
0xb2: {  	p1 =	sne.s32 s28, s12;
	[sflag:s14] =	ssyncset.done $0x0  }
.Ltmp2:
0xb3: {  	s1 =	simm.s32 @!p0 $0x3;
	[sflag:s14] =	ssyncadd.s32 $0xFFFFD900;
	(pc) =	sbr.rel @p1 .LBB2_1-.Ltmp2, $4  }
0xb4: {  	[hbm:s11], [sflag:s5] =	dma.local @!p0 [spmem:s25], $0x100  }
0xb5: {  	_ =	swait.ge @!p0 [sflag:s1], $0x100  }
0xb6: {  	[sflag:s1] =	ssyncset.done @!p0 $0x0  }
0xb7: {  	[sflag:s1] =	ssyncadd.s32 @!p0 $0xFFFFFF00  }
0xb8: {  	_ =	sfence.sel $0x180000  }
0xb9: {  	[bflag:$0x0] =	sbarrier.arrive $0xFFFF  }
0xba: {  	_ =	strace $0x9000004A  }
0xbb: {  	[bflag:$0x2] =	sbarrier.arrive $0xFFFF  }
0xbc: {  	s0 =	rddreg [dreg:$0x3]  }
0xbd: {  	s0 =	sadd.s32 @!p0 $0x100000, s0  }
0xbe: {  	[sflag:s0] =	ssyncadd.tile.s32 @!p0 $0x1;
	_ =	shalt  }
.Lfunc_end2:
_tile_overlayer_lowered:
.L_overlay_start_2:
0xbf: {  	(tag) =	ssettag $0x2  }
0xc0: {  	s0 =	rddreg [dreg:$0x0];
	s2 =	stileid.u32  }
0xc1: {  	s1 =	rddreg [dreg:$0x1];
	p0 =	sne.s32 s2, $0x0  }
0xc2: {  	s3 =	rddreg [dreg:$0x2];
	[bflag:$0x3] =	sbarrier.arrive $0xFFFF;
	s2 =	simm.s32 @!p0 $0x1C03  }
0xc3: {  	[timem:s3], [sflag:s2] =	dma.local @!p0 [hbm:s0], s1  }
0xc4: {  	s0 =	simm.s32 @!p0 $0x3  }
0xc5: {  	_ =	swait.ge @!p0 [sflag:s0], s1  }
0xc6: {  	s1 =	ssub.s32 @!p0 $0x0, s1;
	[sflag:s0] =	ssyncset.done @!p0 $0x0  }
0xc7: {  	[sflag:s0] =	ssyncadd.s32 @!p0 s1  }
0xc8: {  	[bflag:$0x3] =	sbarrier.arrive $0xFFFF  }
0xc9: {  	_ =	shalt  }

// kernel: kernel.19.cloned.1.call-start
scs
__scs_entry_jumppad:
0x0: {  	(pc) =	sbr.rel $0x88, $3  }
0x1: {  	(tag) =	ssettag $0x0;
	lr =	simm.s32 $0x1  }
0x2: {  	[smem:$0x3F97] =	sst lr;
	_ =	strace $0xD0000000  }
0x3: {  	_ = 	snop  }
0x4: {  	_ = 	snop  }
0x5: {  	_ = 	snop  }
0x6: {  	_ = 	snop  }
0x7: {  	_ = 	snop  }
__scs_overlays_trampoline_lowered:
0x8: {  	[smem:$0x3FA6] =	sst s0  }
0x9: {  	[smem:$0x3FA7] =	sst s1  }
0xa: {  	[smem:$0x3FA8] =	sst s2  }
0xb: {  	[smem:$0x3FA9] =	sst s3  }
0xc: {  	[smem:$0x3FAA] =	sst s4  }
0xd: {  	[smem:$0x3FAB] =	sst s5  }
0xe: {  	[smem:$0x3FAC] =	sst s6  }
0xf: {  	[smem:$0x3FAD] =	sst s7  }
0x10: {  	[smem:$0x3FAE] =	sst s8  }
0x11: {  	[smem:$0x3FAF] =	sst s9;
	s0 =	simm.s32 @!p0 $0x0  }
0x12: {  	s1 =	sld [smem:$0x3F95];
	s0 =	simm.s32 @p0 $0x1  }
0x13: {  	[smem:$0x3FB0] =	sst s0;
	s0 =	simm.s32 @!p1 $0x0  }
0x14: {  	s2 =	sld [smem:$0x3F94];
	s0 =	simm.s32 @p1 $0x1  }
0x15: {  	[smem:$0x3FB1] =	sst s0;
	s0 =	simm.s32 @!p2 $0x0  }
0x16: {  	s3 =	sld [smem:$0x3FDB];
	s0 =	simm.s32 @p2 $0x1  }
0x17: {  	s4 =	simm.s32 $0x1BF5;
	[smem:$0x3FB3] =	sst s0  }
0x18: {  	s0 =	sld [smem:$0x3F96];
	_ =	swait.ge [sflag:s4], $0x0  }
0x19: {  	s7 =	sld [smem:$0x3F97]  }
0x1a: {  	s8 =	sadd.s32 $0xFFFFE003, lr  }
0x1b: {  	s9 =	sadd.s32 $0xFFFFFEF7, lr;
	s5 =	simm.s32 $0xFFFFFFFF;
	p2 =	slt.u32 s8, $0xFFFFF086  }
0x1c: {  	p1 =	slt.u32 s9, $0xF7A;
	s5 =	simm.s32 @!p2 $0x0  }
0x1d: {  	s5 =	simm.s32 @p1 $0x1;
	p0 =	seq.s32 s7, s2  }
0x1e: {  	s7 =	smul.u32 @!p0 $0xF7A, s2;
	p2 =	seq.s32 @!p0 s5, $0x0  }
0x1f: {  	s9 =	smul.u32 $0xF7A, s1;
	s8 =	simm.s32 @!p0 $0x1BF5;
	p2 =	por !p2, p0  }
0x20: {  	[sflag:s8] =	ssyncset.s32 @!p0 $0xFFFFF086;
	s6 =	sadd.s32 @!p0 s3, s7;
	s7 =	simm.s32 @!p0 $0x108  }
0x21: {  	s3 =	sadd.s32 s3, s9;
	s6 =	sadd.s32 @!p0 $0x88, s6;
	s7 =	simm.s32 @p2 $0x1082  }
0x22: {  	[simem:s7], [sflag:s8] =	dma.local @!p0 [hbm:s6], $0xF7A  }
0x23: {  	s9 =	sor.u32 $0xD0000000, s2;
	s6 =	simm.s32 $0x108;
	_ =	swait.ge @!p0 [sflag:s8], $0x0  }
0x24: {  	s3 =	sadd.s32 $0x88, s3;
	s6 =	simm.s32 @!p1 $0x1082;
	[sflag:s4] =	ssyncset.s32 $0xFFFFF086  }
0x25: {  	[simem:s6], [sflag:s4] =	dma.local [hbm:s3], $0xF7A  }
0x26: {  	[smem:$0x3F97] =	sst s1;
	(tag) =	ssettag s2;
	_ =	strace s9  }
0x27: {  	s1 =	sld [smem:$0x3FA7]  }
0x28: {  	s2 =	sld [smem:$0x3FA8]  }
0x29: {  	s4 =	sld [smem:$0x3FAA]  }
0x2a: {  	p0 =	seq.s32 s5, $0x0;
	s5 =	sld [smem:$0x3FAB]  }
0x2b: {  	s6 =	sld [smem:$0x3FAC]  }
0x2c: {  	s7 =	sld [smem:$0x3FAD]  }
0x2d: {  	s3 =	simm.s32 $0x108;
	s8 =	sld [smem:$0x3FAE]  }
0x2e: {  	s3 =	simm.s32 @!p0 $0x1082;
	s9 =	sld [smem:$0x3FAF]  }
0x2f: {  	lr =	sadd.s32 s0, s3;
	s0 =	sld [smem:$0x3FA6]  }
0x30: {  	s3 =	sld [smem:$0x3FA9]  }
0x31: {  	[smem:$0x3FB2] =	sst s10  }
0x32: {  	s10 =	sld [smem:$0x3FB0];
	_ =	sdelay $0x3  }
0x33: {  	p0 =	seq.s32 s10, $0x1;
	s10 =	sld [smem:$0x3FB2];
	_ =	sdelay $0x3  }
0x34: {  	[smem:$0x3FB2] =	sst s10  }
0x35: {  	s10 =	sld [smem:$0x3FB1];
	_ =	sdelay $0x3  }
0x36: {  	p1 =	seq.s32 s10, $0x1;
	s10 =	sld [smem:$0x3FB2];
	_ =	sdelay $0x3  }
0x37: {  	[smem:$0x3FB2] =	sst s10  }
0x38: {  	s10 =	sld [smem:$0x3FB3]  }
0x39: {  	_ = 	snop;
	(pc) =	sbr.ind lr, $3  }
0x3a: {  	_ = 	snop  }
0x3b: {  	_ = 	snop  }
0x3c: {  	p2 =	seq.s32 s10, $0x1;
	s10 =	sld [smem:$0x3FB2]  }
0x3d: {  	_ =	shalt  }
0x3e: {  	_ =	shalt  }
0x3f: {  	_ =	shalt  }
0x40: {  	_ =	shalt  }
0x41: {  	_ =	shalt  }
0x42: {  	_ =	shalt  }
0x43: {  	_ =	shalt  }
0x44: {  	_ =	shalt  }
0x45: {  	_ =	shalt  }
0x46: {  	_ =	shalt  }
0x47: {  	_ =	shalt  }
0x48: {  	_ =	shalt  }
0x49: {  	_ =	shalt  }
0x4a: {  	_ =	shalt  }
0x4b: {  	_ =	shalt  }
0x4c: {  	_ =	shalt  }
0x4d: {  	_ =	shalt  }
0x4e: {  	_ =	shalt  }
0x4f: {  	_ =	shalt  }
0x50: {  	_ =	shalt  }
0x51: {  	_ =	shalt  }
0x52: {  	_ =	shalt  }
0x53: {  	_ =	shalt  }
0x54: {  	_ =	shalt  }
0x55: {  	_ =	shalt  }
0x56: {  	_ =	shalt  }
0x57: {  	_ =	shalt  }
0x58: {  	_ =	shalt  }
0x59: {  	_ =	shalt  }
0x5a: {  	_ =	shalt  }
0x5b: {  	_ =	shalt  }
0x5c: {  	_ =	shalt  }
0x5d: {  	_ =	shalt  }
0x5e: {  	_ =	shalt  }
0x5f: {  	_ =	shalt  }
0x60: {  	_ =	shalt  }
0x61: {  	_ =	shalt  }
0x62: {  	_ =	shalt  }
0x63: {  	_ =	shalt  }
0x64: {  	_ =	shalt  }
0x65: {  	_ =	shalt  }
0x66: {  	_ =	shalt  }
0x67: {  	_ =	shalt  }
0x68: {  	_ =	shalt  }
0x69: {  	_ =	shalt  }
0x6a: {  	_ =	shalt  }
0x6b: {  	_ =	shalt  }
0x6c: {  	_ =	shalt  }
0x6d: {  	_ =	shalt  }
0x6e: {  	_ =	shalt  }
0x6f: {  	_ =	shalt  }
0x70: {  	_ =	shalt  }
0x71: {  	_ =	shalt  }
0x72: {  	_ =	shalt  }
0x73: {  	_ =	shalt  }
0x74: {  	_ =	shalt  }
0x75: {  	_ =	shalt  }
0x76: {  	_ =	shalt  }
0x77: {  	_ =	shalt  }
0x78: {  	_ =	shalt  }
0x79: {  	_ =	shalt  }
0x7a: {  	_ =	shalt  }
0x7b: {  	_ =	shalt  }
0x7c: {  	_ =	shalt  }
0x7d: {  	_ =	shalt  }
0x7e: {  	_ =	shalt  }
0x7f: {  	_ =	shalt  }
0x80: {  	_ =	shalt  }
0x81: {  	_ =	shalt  }
0x82: {  	_ =	shalt  }
0x83: {  	_ =	shalt  }
0x84: {  	_ =	shalt  }
0x85: {  	_ =	shalt  }
0x86: {  	_ =	shalt  }
0x87: {  	_ =	shalt  }
.Lfunc_end0:
.L_simem_size_0:
called_computation.2_lowered:
.L_overlay_start_0:
0x88: {  	s2 =	sld [smem:$0x3FD9]  }
0x89: {  	s3 =	sld [smem:$0x3FFE];
	_ =	sdelay $0x1  }
0x8a: {  	s1 =	srdreg.scid  }
0x8b: {  	s0 =	sand.u32 $0x1, s1  }
0x8c: {  	s16 =	sshll.u32 s0, $0xA;
	s2 =	sadd.s32 s3, s2  }
0x8d: {  	s2 =	sadd.s32 s2, s16  }
0x8e: {  	[smem:$0x3FBE] =	sst s2  }
0x8f: {  	_ = 	snop  }
0x90: {  	(tm) =	ssettm $0x1  }
0x91: {  	s17 =	sld [smem:$0x3FFB];
	_ =	sdelay $0x3  }
0x92: {  	_ =	strace s17  }
0x93: {  	s2 =	sld [smem:$0x3FFC];
	_ =	sdelay $0x3  }
0x94: {  	_ =	strace s2  }
0x95: {  	s2 =	sld [smem:$0x3FFD];
	_ =	sdelay $0x3  }
0x96: {  	_ =	strace s2  }
0x97: {  	_ =	strace $0x8FFFFFFF  }
0x98: {  	s18 =	sld [smem:$0x3FDB];
	_ =	sdelay $0x1  }
0x99: {  	s19 =	simm.s32 $_scs_section_size  }
0x9a: {  	s4 =	simm.s32 $_size__tile_overlayer_lowered;
	s5 =	simm.s32 $_tile_overlayer_lowered  }
0x9b: {  	s22 =	simm.s32 $0x1BFF;
	s21 =	sshll.u32 s5, $0x1;
	s2 =	sadd.s32 s19, s18  }
0x9c: {  	s6 =	simm.s32 $0x0;
	s20 =	sshll.u32 s4, $0x1;
	s4 =	sadd.s32 s21, s2  }
0x9d: {  	[timem:s6], [sflag:s22] =	dma.local [hbm:s4], s20  }
0x9e: {  	_ =	swait.ge [sflag:s22], s20  }
0x9f: {  	s3 =	ssub.s32 $0x0, s20;
	[sflag:s22] =	ssyncset.done $0x0  }
0xa0: {  	[sflag:s22] =	ssyncadd.s32 s3;
	_ =	sdelay $0x1  }
0xa1: {  	s23 =	simm.s32 $0x1B8B  }
0xa2: {  	_ =	swait.ge [sflag:s23], $0x1  }
0xa3: {  	[sflag:s23] =	ssyncset.done $0x0  }
0xa4: {  	s25 =	simm.s32 $0x1B8E;
	s24 =	sld [smem:$0x3FFE];
	[sflag:s23] =	ssyncadd.s32 $0xFFFFFFFF  }
0xa5: {  	s26 =	simm.s32 $execute0_lowered;
	[smem:$0x3FD2] =	sst s25  }
0xa6: {  	s4 =	sshll.u32 s26, $0x1;
	_ =	strace $0x8000004C;
	[dreg:$0x1] =	wrdreg $0xFFFFFFFF  }
0xa7: {  	s28 =	simm.s32 $_size_execute0_lowered;
	s2 =	sadd.s32 s2, s4;
	[dreg:$0x0] =	wrdreg $0x0  }
0xa8: {  	s4 =	sshll.u32 s28, $0x1;
	[dreg:$0x2] =	wrdreg s2  }
0xa9: {  	[dreg:$0x3] =	wrdreg s4  }
0xaa: {  	[dreg:$0x4] =	wrdreg $0xC0  }
0xab: {  	_ =	task [dreg:s6], $0x5FFFF  }
0xac: {  	[dreg:$0x1] =	wrdreg $0xFFFFFFFF  }
0xad: {  	[dreg:$0x0] =	wrdreg $0x60  }
0xae: {  	[dreg:$0x2] =	wrdreg s24  }
0xaf: {  	[dreg:$0x3] =	wrdreg $0x0  }
0xb0: {  	[dreg:$0x4] =	wrdreg $0x9  }
0xb1: {  	_ =	task.clear_ibuf [dreg:s6], $0x5FFFF;
	_ =	strace $0x9000004C  }
0xb2: {  	s29 =	simm.s32 $0x9;
	_ =	strace $0x8000004E  }
0xb3: {  	_ =	swait.ge [sflag:s29], $0x1  }
0xb4: {  	[sflag:s29] =	ssyncadd.s32 $0xFFFFFFFF  }
0xb5: {  	_ =	strace $0x9000004E  }
0xb6: {  	_ =	sfence  }
0xb7: {  	s30 =	sld [smem:$0x0];
	_ =	sdelay $0x2  }
0xb8: {  	s31 =	sshll.u32 s1, $0xD;
	s1 =	sshrl.u32 s1, $0x2  }
0xb9: {  	s3 =	sand.u32 $0x4000, s31;
	s1 =	sadd.s32 s1, s30  }
0xba: {  	s0 =	sor.u32 s3, s0;
	s1 =	sshll.u32 s1, $0x11  }
0xbb: {  	s0 =	sor.u32 s1, s0  }
0xbc: {  	s0 =	sadd.s32 $0x8F2B, s0  }
0xbd: {  	[sflag:s0] =	ssyncadd.remote.s32 $0x1  }
0xbe: {  	_ =	sfence.sel $0xFFFF  }
0xbf: {  	[dreg:$0x0] =	wrdreg $0xFFFFFFFF;
	(pc) =	sbr.abs _section_cstart, $3  }
0xc0: {  	[dreg:$0x1] =	wrdreg $0xFFFFFFFF  }
0xc1: {  	_ =	task.clear_ibuf [dreg:s6], $0x2FFFF;
	_ =	strace $0x9FFFFFFF  }
0xc2: {  	(tm) =	ssettm $0x7FFFFFFF  }
0xc3: {  	_ =	shalt  }
tec
execute0_lowered:
.L_overlay_start_1:
0x0: {  	(tag) =	ssettag $0x1  }
0x1: {  	s0 =	srdreg.scid;
	s6 =	rddreg [dreg:$0x0]  }
0x2: {  	s23 =	stileid.u32;
	s1 =	rddreg [dreg:$0x1];
	s22 =	simm.s32 $0x0  }
0x3: {  	s17 =	simm.s32 $0x40;
	s18 =	simm.s32 $0x18C00;
	s19 =	simm.s32 $0x1AC00  }
0x4: {  	s20 =	simm.s32 $0x1;
	s21 =	simm.s32 $0x2;
	s4 =	smul.u32 $0x5000, s23  }
0x5: {  	s28 =	simm.s32 $0x0;
	s5 =	sand.u32 $0x1, s0;
	s9 =	smul.u32 $0x4F000, s23  }
0x6: {  	[smem:$0x7FF] =	sst s22;
	s12 =	sadd.s32 $0xC0C00, s6;
	s15 =	smul.u32 $0x13800, s23  }
0x7: {  	s26 =	sshll.u32 s23, $0x6;
	s16 =	smul.u32 $0x4E000, s23;
	s22 =	simm.s32 $0x16380  }
0x8: {  	p0 =	sne.s32 s23, $0x0;
	s23 =	simm.s32 $0x18B00;
	s3 =	smul.u32 $0x50000, s5  }
0x9: {  	_ =	strace $0x8000004D;
	s24 =	ssub.s32 $0x2, s5;
	s29 =	smul.u32 $0x138800, s5  }
0xa: {  	s5 =	sor.u32 $0x1C03, s26;
	s26 =	simm.s32 $0x18B80;
	s11 =	sshrl.u32 s24, $0x1  }
0xb: {  	s25 =	sshrl.u32 s9, $0x2;
	s31 =	sshrl.u32 s16, $0x2;
	s16 =	simm.s32 $0x16400  }
0xc: {  	s3 =	sadd.s32 s4, s3;
	s4 =	sshrl.u32 s4, $0x3;
	s13 =	ssub.s32 s24, s11  }
0xd: {  	s14 =	sadd.s32 s25, s1;
	s30 =	sadd.s32 s15, s29;
	s11 =	sshrl.u32 s29, $0x3  }
0xe: {  	s24 =	sadd.s32 s31, s1;
	s25 =	sadd.s32 $0x138000, s1;
	s15 =	simm.s32 $0x13C00  }
0xf: {  	s7 =	sshrl.u32 s3, $0x3;
	s3 =	sadd.s32 $0x72A00, s6;
	s10 =	sadd.s32 s4, s6  }
0x10: {  	s4 =	sadd.s32 $0xDE00, s6;
	s11 =	sadd.s32 s12, s11;
	s24 =	sshrl.u32 s24, $0x3  }
0x11: {  	s25 =	sshrl.u32 @!p0 s25, $0x3;
	s8 =	sadd.s32 s7, s6;
	s7 =	sadd.s32 $0x3A00, s10  }
0x12: {  	s9 =	sadd.s32 $0x3F00, s10;
	s10 =	sshrl.u32 s30, $0x3;
	s11 =	sadd.s32 $0x27000, s11  }
0x13: {  	s6 =	sadd.s32 $0x10600, s8;
	s8 =	sadd.s32 $0x10B00, s8;
	s10 =	sadd.s32 s12, s10  }
0x14: {  	s12 =	smax.u32 s13, $0x1;
	s13 =	sshrl.u32 s14, $0x3;
	s14 =	simm.s32 $0x3  }
.LBB2_1:
0x15: {  	[spmem:s13], [sflag:s5] =	dma.local [hbm:s4], $0x2780  }
0x16: {  	_ =	swait.ge [sflag:s14], $0x2780  }
0x17: {  	[sflag:s14] =	ssyncset.done $0x0  }
0x18: {  	[sflag:s14] =	ssyncadd.s32 $0xFFFFD880  }
0x19: {  	s0 =	simm.s32 $0x0;
	[bflag:$0x0] =	sbarrier.arrive $0xFFFF  }
0x1a: {  	[tilespmem:s15], [sflag:$0x3] =	stream.linear.gather [hbm4b:s6+s0], $0x2800, $0x38;
	[tilespmem:$0x1CC00] =	vst v63  }
0x1b: {  	_ =	swait.ge [sflag:s14], $0x2800  }
0x1c: {  	[sflag:s14] =	ssyncset.done $0x0  }
0x1d: {  	[sflag:s14] =	ssyncadd.s32 $0xFFFFD800  }
0x1e: {  	[tilespmem:s16], [sflag:$0x3] =	stream.linear.gather [hbm4b:s7+s0], $0x2800, $0x38;
	[tilespmem:$0x1CC00] =	vst v63  }
0x1f: {  	_ =	swait.ge [sflag:s14], $0x2800  }
0x20: {  	[sflag:s14] =	ssyncset.done $0x0  }
0x21: {  	[sflag:s14] =	ssyncadd.s32 $0xFFFFD800  }
0x22: {  	[tilespmem:s18], [sflag:$0x1] =	stream.indirect.gather [hbm4b:s3+s17], $0x80, s15, s17, $0xb8;
	[tilespmem:$0x1CC00] =	vst v63  }
0x23: {  	s29 =	simm.s32 $0x13C80  }
0x24: {  	[tilespmem:s19], [sflag:$0x2] =	stream.indirect.gather [hbm4b:s3+s17], $0x80, s29, s17, $0xb8;
	[tilespmem:$0x1CC00] =	vst v63  }
0x25: {  	_ =	swait.ge [sflag:s20], $0x2000  }
0x26: {  	[sflag:s20] =	ssyncset.done $0x0  }
0x27: {  	s29 =	simm.s32 $0x16400;
	[sflag:s20] =	ssyncadd.s32 $0xFFFFE000  }
0x28: {  	[spmem:s1] =	stream.indirect.scatter.add.f32 [tilespmem:s18], [sflag:$0x3], $0x80, s29, s17, $0xb8;
	[tilespmem:$0x1CC00] =	vst v63  }
0x29: {  	_ =	swait.ge [sflag:s14], $0x2000  }
0x2a: {  	[sflag:s14] =	ssyncset.done $0x0  }
0x2b: {  	s29 =	simm.s32 $0x13D00;
	[sflag:s14] =	ssyncadd.s32 $0xFFFFE000  }
0x2c: {  	[tilespmem:s18], [sflag:$0x1] =	stream.indirect.gather [hbm4b:s3+s17], $0x80, s29, s17, $0xb8;
	[tilespmem:$0x1CC00] =	vst v63  }
0x2d: {  	_ =	swait.ge [sflag:s21], $0x2000  }
0x2e: {  	[sflag:s21] =	ssyncset.done $0x0  }
0x2f: {  	s29 =	simm.s32 $0x16480;
	[sflag:s21] =	ssyncadd.s32 $0xFFFFE000  }
0x30: {  	[spmem:s1] =	stream.indirect.scatter.add.f32 [tilespmem:s19], [sflag:$0x3], $0x80, s29, s17, $0xb8;
	[tilespmem:$0x1CC00] =	vst v63  }
0x31: {  	_ =	swait.ge [sflag:s14], $0x2000  }
0x32: {  	s30 =	simm.s32 $0x800;
	s29 =	simm.s32 $0x100;
	[sflag:s14] =	ssyncset.done $0x0  }
.LBB2_2:
0x33: {  	s31 =	sadd.s32 $0x13C80, s29  }
0x34: {  	[sflag:s14] =	ssyncadd.s32 $0xFFFFE000;
	s0 =	smov.u32 s30;
	s2 =	sadd.s32 $0x400, s30  }
0x35: {  	[tilespmem:s19], [sflag:$0x2] =	stream.indirect.gather [hbm4b:s3+s17], $0x80, s31, s17, $0xb8;
	[tilespmem:$0x1CC00] =	vst v63  }
0x36: {  	p1 =	sne.s32 s30, $0x9800;
	_ =	swait.ge [sflag:s20], $0x2000  }
0x37: {  	[sflag:s20] =	ssyncset.done $0x0  }
0x38: {  	s30 =	sadd.s32 $0x16400, s29;
	[sflag:s20] =	ssyncadd.s32 $0xFFFFE000  }
0x39: {  	[spmem:s1] =	stream.indirect.scatter.add.f32 [tilespmem:s18], [sflag:$0x3], $0x80, s30, s17, $0xb8;
	[tilespmem:$0x1CC00] =	vst v63  }
0x3a: {  	_ =	swait.ge [sflag:s14], $0x2000  }
0x3b: {  	[sflag:s14] =	ssyncset.done $0x0  }
0x3c: {  	s30 =	sadd.s32 $0x13D00, s29;
	[sflag:s14] =	ssyncadd.s32 $0xFFFFE000  }
0x3d: {  	[tilespmem:s18], [sflag:$0x1] =	stream.indirect.gather [hbm4b:s3+s17], $0x80, s30, s17, $0xb8;
	[tilespmem:$0x1CC00] =	vst v63  }
0x3e: {  	_ =	swait.ge [sflag:s21], $0x2000  }
.Ltmp0:
0x3f: {  	[sflag:s21] =	ssyncset.done $0x0;
	(pc) =	sbr.rel @p1 .LBB2_2-.Ltmp0, $4  }
0x40: {  	s29 =	sadd.s32 $0x16480, s29;
	[sflag:s21] =	ssyncadd.s32 $0xFFFFE000  }
0x41: {  	[spmem:s1] =	stream.indirect.scatter.add.f32 [tilespmem:s19], [sflag:$0x3], $0x80, s29, s17, $0xb8;
	[tilespmem:$0x1CC00] =	vst v63  }
0x42: {  	_ =	swait.ge [sflag:s14], $0x2000  }
0x43: {  	s30 =	smov.u32 s2;
	s29 =	sshra.s32 s0, $0x2;
	[sflag:s14] =	ssyncset.done $0x0  }
0x44: {  	s0 =	sadd.s32 $0x13C80, s29;
	[sflag:s14] =	ssyncadd.s32 $0xFFFFE000  }
0x45: {  	[tilespmem:s19], [sflag:$0x2] =	stream.indirect.gather [hbm4b:s3+s17], $0x80, s0, s17, $0xb8;
	[tilespmem:$0x1CC00] =	vst v63  }
0x46: {  	_ =	swait.ge [sflag:s20], $0x2000  }
0x47: {  	[sflag:s20] =	ssyncset.done $0x0  }
0x48: {  	s2 =	sadd.s32 $0x16400, s29;
	[sflag:s20] =	ssyncadd.s32 $0xFFFFE000  }
0x49: {  	[spmem:s1] =	stream.indirect.scatter.add.f32 [tilespmem:s18], [sflag:$0x3], $0x80, s2, s17, $0xb8;
	[tilespmem:$0x1CC00] =	vst v63  }
0x4a: {  	_ =	swait.ge [sflag:s14], $0x2000  }
0x4b: {  	[sflag:s14] =	ssyncset.done $0x0  }
0x4c: {  	s31 =	sadd.s32 $0x13D00, s29;
	[sflag:s14] =	ssyncadd.s32 $0xFFFFE000  }
0x4d: {  	[tilespmem:s18], [sflag:$0x1] =	stream.indirect.gather [hbm4b:s3+s17], $0x80, s31, s17, $0xb8;
	[tilespmem:$0x1CC00] =	vst v63  }
0x4e: {  	_ =	swait.ge [sflag:s21], $0x2000  }
0x4f: {  	[sflag:s21] =	ssyncset.done $0x0  }
0x50: {  	s2 =	sadd.s32 $0x16480, s29;
	[sflag:s21] =	ssyncadd.s32 $0xFFFFE000  }
0x51: {  	[spmem:s1] =	stream.indirect.scatter.add.f32 [tilespmem:s19], [sflag:$0x3], $0x80, s2, s17, $0xb8;
	[tilespmem:$0x1CC00] =	vst v63  }
0x52: {  	_ =	swait.ge [sflag:s14], $0x2000  }
0x53: {  	[sflag:s14] =	ssyncset.done $0x0  }
0x54: {  	[sflag:s14] =	ssyncadd.s32 $0xFFFFE000  }
0x55: {  	[tilespmem:s19], [sflag:$0x2] =	stream.indirect.gather [hbm4b:s3+s17], $0x80, s22, s17, $0xb8;
	[tilespmem:$0x1CC00] =	vst v63  }
0x56: {  	_ =	swait.ge [sflag:s20], $0x2000  }
0x57: {  	[sflag:s20] =	ssyncset.done $0x0  }
0x58: {  	[sflag:s20] =	ssyncadd.s32 $0xFFFFE000  }
0x59: {  	[spmem:s1] =	stream.indirect.scatter.add.f32 [tilespmem:s18], [sflag:$0x3], $0x80, s23, s17, $0xb8;
	[tilespmem:$0x1CC00] =	vst v63  }
0x5a: {  	_ =	swait.ge [sflag:s14], $0x2000  }
0x5b: {  	[sflag:s14] =	ssyncset.done $0x0  }
0x5c: {  	[sflag:s14] =	ssyncadd.s32 $0xFFFFE000  }
0x5d: {  	_ =	swait.ge [sflag:s21], $0x2000  }
0x5e: {  	[sflag:s21] =	ssyncset.done $0x0  }
0x5f: {  	[sflag:s21] =	ssyncadd.s32 $0xFFFFE000  }
0x60: {  	[spmem:s1] =	stream.indirect.scatter.add.f32 [tilespmem:s19], [sflag:$0x3], $0x80, s26, s17, $0xb8;
	[tilespmem:$0x1CC00] =	vst v63  }
0x61: {  	_ =	swait.ge [sflag:s14], $0x2000  }
0x62: {  	[sflag:s14] =	ssyncset.done $0x0  }
0x63: {  	s31 =	simm.s32 $0x0;
	[sflag:s14] =	ssyncadd.s32 $0xFFFFE000  }
0x64: {  	[tilespmem:s15], [sflag:$0x3] =	stream.linear.gather [hbm4b:s8+s31], $0x2800, $0x38;
	[tilespmem:$0x1CC00] =	vst v63  }
0x65: {  	_ =	swait.ge [sflag:s14], $0x2800  }
0x66: {  	[sflag:s14] =	ssyncset.done $0x0  }
0x67: {  	[sflag:s14] =	ssyncadd.s32 $0xFFFFD800  }
0x68: {  	[tilespmem:s16], [sflag:$0x3] =	stream.linear.gather [hbm4b:s9+s31], $0x2800, $0x38;
	[tilespmem:$0x1CC00] =	vst v63  }
0x69: {  	_ =	swait.ge [sflag:s14], $0x2800  }
0x6a: {  	[sflag:s14] =	ssyncset.done $0x0  }
0x6b: {  	[sflag:s14] =	ssyncadd.s32 $0xFFFFD800  }
0x6c: {  	[tilespmem:s18], [sflag:$0x1] =	stream.indirect.gather [hbm4b:s3+s17], $0x80, s15, s17, $0xb8;
	[tilespmem:$0x1CC00] =	vst v63  }
0x6d: {  	s2 =	simm.s32 $0x13C80  }
0x6e: {  	[tilespmem:s19], [sflag:$0x2] =	stream.indirect.gather [hbm4b:s3+s17], $0x80, s2, s17, $0xb8;
	[tilespmem:$0x1CC00] =	vst v63  }
0x6f: {  	_ =	swait.ge [sflag:s20], $0x2000  }
0x70: {  	[sflag:s20] =	ssyncset.done $0x0  }
0x71: {  	s31 =	simm.s32 $0x16400;
	[sflag:s20] =	ssyncadd.s32 $0xFFFFE000  }
0x72: {  	[spmem:s1] =	stream.indirect.scatter.add.f32 [tilespmem:s18], [sflag:$0x3], $0x80, s31, s17, $0xb8;
	[tilespmem:$0x1CC00] =	vst v63  }
0x73: {  	_ =	swait.ge [sflag:s14], $0x2000  }
0x74: {  	[sflag:s14] =	ssyncset.done $0x0  }
0x75: {  	s2 =	simm.s32 $0x13D00;
	[sflag:s14] =	ssyncadd.s32 $0xFFFFE000  }
0x76: {  	[tilespmem:s18], [sflag:$0x1] =	stream.indirect.gather [hbm4b:s3+s17], $0x80, s2, s17, $0xb8;
	[tilespmem:$0x1CC00] =	vst v63  }
0x77: {  	_ =	swait.ge [sflag:s21], $0x2000  }
0x78: {  	[sflag:s21] =	ssyncset.done $0x0  }
0x79: {  	s31 =	simm.s32 $0x16480;
	[sflag:s21] =	ssyncadd.s32 $0xFFFFE000  }
0x7a: {  	[spmem:s1] =	stream.indirect.scatter.add.f32 [tilespmem:s19], [sflag:$0x3], $0x80, s31, s17, $0xb8;
	[tilespmem:$0x1CC00] =	vst v63  }
0x7b: {  	_ =	swait.ge [sflag:s14], $0x2000  }
0x7c: {  	s30 =	simm.s32 $0x800;
	s29 =	simm.s32 $0x100;
	[sflag:s14] =	ssyncset.done $0x0  }
.LBB2_4:
0x7d: {  	s0 =	sadd.s32 $0x13C80, s29  }
0x7e: {  	[sflag:s14] =	ssyncadd.s32 $0xFFFFE000;
	s2 =	smov.u32 s30;
	s31 =	sadd.s32 $0x400, s30  }
0x7f: {  	[tilespmem:s19], [sflag:$0x2] =	stream.indirect.gather [hbm4b:s3+s17], $0x80, s0, s17, $0xb8;
	[tilespmem:$0x1CC00] =	vst v63  }
0x80: {  	p1 =	sne.s32 s30, $0x9800;
	_ =	swait.ge [sflag:s20], $0x2000  }
0x81: {  	[sflag:s20] =	ssyncset.done $0x0  }
0x82: {  	s0 =	sadd.s32 $0x16400, s29;
	[sflag:s20] =	ssyncadd.s32 $0xFFFFE000  }
0x83: {  	[spmem:s1] =	stream.indirect.scatter.add.f32 [tilespmem:s18], [sflag:$0x3], $0x80, s0, s17, $0xb8;
	[tilespmem:$0x1CC00] =	vst v63  }
0x84: {  	_ =	swait.ge [sflag:s14], $0x2000  }
0x85: {  	[sflag:s14] =	ssyncset.done $0x0  }
0x86: {  	s0 =	sadd.s32 $0x13D00, s29;
	[sflag:s14] =	ssyncadd.s32 $0xFFFFE000  }
0x87: {  	[tilespmem:s18], [sflag:$0x1] =	stream.indirect.gather [hbm4b:s3+s17], $0x80, s0, s17, $0xb8;
	[tilespmem:$0x1CC00] =	vst v63  }
0x88: {  	_ =	swait.ge [sflag:s21], $0x2000  }
.Ltmp1:
0x89: {  	[sflag:s21] =	ssyncset.done $0x0;
	(pc) =	sbr.rel @p1 .LBB2_4-.Ltmp1, $4  }
0x8a: {  	s0 =	sadd.s32 $0x16480, s29;
	[sflag:s21] =	ssyncadd.s32 $0xFFFFE000  }
0x8b: {  	[spmem:s1] =	stream.indirect.scatter.add.f32 [tilespmem:s19], [sflag:$0x3], $0x80, s0, s17, $0xb8;
	[tilespmem:$0x1CC00] =	vst v63  }
0x8c: {  	_ =	swait.ge [sflag:s14], $0x2000  }
0x8d: {  	s30 =	smov.u32 s31;
	s29 =	sshra.s32 s2, $0x2;
	[sflag:s14] =	ssyncset.done $0x0  }
0x8e: {  	s0 =	sadd.s32 $0x13C80, s29;
	[sflag:s14] =	ssyncadd.s32 $0xFFFFE000  }
0x8f: {  	[tilespmem:s19], [sflag:$0x2] =	stream.indirect.gather [hbm4b:s3+s17], $0x80, s0, s17, $0xb8;
	[tilespmem:$0x1CC00] =	vst v63  }
0x90: {  	_ =	swait.ge [sflag:s20], $0x2000  }
0x91: {  	[sflag:s20] =	ssyncset.done $0x0  }
0x92: {  	s2 =	sadd.s32 $0x16400, s29;
	[sflag:s20] =	ssyncadd.s32 $0xFFFFE000  }
0x93: {  	[spmem:s1] =	stream.indirect.scatter.add.f32 [tilespmem:s18], [sflag:$0x3], $0x80, s2, s17, $0xb8;
	[tilespmem:$0x1CC00] =	vst v63  }
0x94: {  	_ =	swait.ge [sflag:s14], $0x2000  }
0x95: {  	[sflag:s14] =	ssyncset.done $0x0  }
0x96: {  	s30 =	sadd.s32 $0x13D00, s29;
	[sflag:s14] =	ssyncadd.s32 $0xFFFFE000  }
0x97: {  	[tilespmem:s18], [sflag:$0x1] =	stream.indirect.gather [hbm4b:s3+s17], $0x80, s30, s17, $0xb8;
	[tilespmem:$0x1CC00] =	vst v63  }
0x98: {  	_ =	swait.ge [sflag:s21], $0x2000  }
0x99: {  	[sflag:s21] =	ssyncset.done $0x0  }
0x9a: {  	s31 =	sadd.s32 $0x16480, s29;
	[sflag:s21] =	ssyncadd.s32 $0xFFFFE000  }
0x9b: {  	[spmem:s1] =	stream.indirect.scatter.add.f32 [tilespmem:s19], [sflag:$0x3], $0x80, s31, s17, $0xb8;
	[tilespmem:$0x1CC00] =	vst v63  }
0x9c: {  	_ =	swait.ge [sflag:s14], $0x2000  }
0x9d: {  	[sflag:s14] =	ssyncset.done $0x0  }
0x9e: {  	[sflag:s14] =	ssyncadd.s32 $0xFFFFE000  }
0x9f: {  	[tilespmem:s19], [sflag:$0x2] =	stream.indirect.gather [hbm4b:s3+s17], $0x80, s22, s17, $0xb8;
	[tilespmem:$0x1CC00] =	vst v63  }
0xa0: {  	_ =	swait.ge [sflag:s20], $0x2000  }
0xa1: {  	[sflag:s20] =	ssyncset.done $0x0  }
0xa2: {  	[sflag:s20] =	ssyncadd.s32 $0xFFFFE000  }
0xa3: {  	[spmem:s1] =	stream.indirect.scatter.add.f32 [tilespmem:s18], [sflag:$0x3], $0x80, s23, s17, $0xb8;
	[tilespmem:$0x1CC00] =	vst v63  }
0xa4: {  	_ =	swait.ge [sflag:s14], $0x2000  }
0xa5: {  	[sflag:s14] =	ssyncset.done $0x0  }
0xa6: {  	[sflag:s14] =	ssyncadd.s32 $0xFFFFE000  }
0xa7: {  	_ =	swait.ge [sflag:s21], $0x2000  }
0xa8: {  	[sflag:s21] =	ssyncset.done $0x0  }
0xa9: {  	[sflag:s21] =	ssyncadd.s32 $0xFFFFE000  }
0xaa: {  	[spmem:s1] =	stream.indirect.scatter.add.f32 [tilespmem:s19], [sflag:$0x3], $0x80, s26, s17, $0xb8;
	[tilespmem:$0x1CC00] =	vst v63  }
0xab: {  	_ =	swait.ge [sflag:s14], $0x2000  }
0xac: {  	[sflag:s14] =	ssyncset.done $0x0  }
0xad: {  	[sflag:s14] =	ssyncadd.s32 $0xFFFFE000  }
0xae: {  	[bflag:$0x0] =	sbarrier.arrive $0xFFFF  }
0xaf: {  	[hbm:s10], [sflag:s5] =	dma.local [spmem:s24], $0x2700  }
0xb0: {  	s28 =	sadd.s32 $0x1, s28;
	_ =	swait.ge [sflag:s14], $0x2700  }
0xb1: {  	p1 =	sne.s32 s28, s12;
	[sflag:s14] =	ssyncset.done $0x0  }
.Ltmp2:
0xb2: {  	s0 =	simm.s32 @!p0 $0x3;
	[sflag:s14] =	ssyncadd.s32 $0xFFFFD900;
	(pc) =	sbr.rel @p1 .LBB2_1-.Ltmp2, $4  }
0xb3: {  	[hbm:s11], [sflag:s5] =	dma.local @!p0 [spmem:s25], $0x100  }
0xb4: {  	_ =	swait.ge @!p0 [sflag:s0], $0x100  }
0xb5: {  	[sflag:s0] =	ssyncset.done @!p0 $0x0  }
0xb6: {  	[sflag:s0] =	ssyncadd.s32 @!p0 $0xFFFFFF00  }
0xb7: {  	_ =	sfence.sel $0x180000  }
0xb8: {  	[bflag:$0x0] =	sbarrier.arrive $0xFFFF  }
0xb9: {  	_ =	strace $0x9000004D  }
0xba: {  	[bflag:$0x2] =	sbarrier.arrive $0xFFFF  }
0xbb: {  	s0 =	rddreg [dreg:$0x2]  }
0xbc: {  	s0 =	sadd.s32 @!p0 $0x100000, s0  }
0xbd: {  	[sflag:s0] =	ssyncadd.tile.s32 @!p0 $0x1;
	_ =	shalt  }
.Lfunc_end2:
_tile_overlayer_lowered:
.L_overlay_start_2:
0xbe: {  	(tag) =	ssettag $0x2  }
0xbf: {  	s0 =	rddreg [dreg:$0x0];
	s2 =	stileid.u32  }
0xc0: {  	s1 =	rddreg [dreg:$0x1];
	p0 =	sne.s32 s2, $0x0  }
0xc1: {  	s3 =	rddreg [dreg:$0x2];
	[bflag:$0x3] =	sbarrier.arrive $0xFFFF;
	s2 =	simm.s32 @!p0 $0x1C03  }
0xc2: {  	[timem:s3], [sflag:s2] =	dma.local @!p0 [hbm:s0], s1  }
0xc3: {  	s0 =	simm.s32 @!p0 $0x3  }
0xc4: {  	_ =	swait.ge @!p0 [sflag:s0], s1  }
0xc5: {  	s1 =	ssub.s32 @!p0 $0x0, s1;
	[sflag:s0] =	ssyncset.done @!p0 $0x0  }
0xc6: {  	[sflag:s0] =	ssyncadd.s32 @!p0 s1  }
0xc7: {  	[bflag:$0x3] =	sbarrier.arrive $0xFFFF  }
0xc8: {  	_ =	shalt  }

// kernel: kernel.22.cloned.1.call-start
scs
__scs_entry_jumppad:
0x0: {  	(pc) =	sbr.rel $0x88, $3  }
0x1: {  	(tag) =	ssettag $0x0;
	lr =	simm.s32 $0x1  }
0x2: {  	[smem:$0x3F97] =	sst lr;
	_ =	strace $0xD0000000  }
0x3: {  	_ = 	snop  }
0x4: {  	_ = 	snop  }
0x5: {  	_ = 	snop  }
0x6: {  	_ = 	snop  }
0x7: {  	_ = 	snop  }
__scs_overlays_trampoline_lowered:
0x8: {  	[smem:$0x3FA6] =	sst s0  }
0x9: {  	[smem:$0x3FA7] =	sst s1  }
0xa: {  	[smem:$0x3FA8] =	sst s2  }
0xb: {  	[smem:$0x3FA9] =	sst s3  }
0xc: {  	[smem:$0x3FAA] =	sst s4  }
0xd: {  	[smem:$0x3FAB] =	sst s5  }
0xe: {  	[smem:$0x3FAC] =	sst s6  }
0xf: {  	[smem:$0x3FAD] =	sst s7  }
0x10: {  	[smem:$0x3FAE] =	sst s8  }
0x11: {  	[smem:$0x3FAF] =	sst s9;
	s0 =	simm.s32 @!p0 $0x0  }
0x12: {  	s1 =	sld [smem:$0x3F95];
	s0 =	simm.s32 @p0 $0x1  }
0x13: {  	[smem:$0x3FB0] =	sst s0;
	s0 =	simm.s32 @!p1 $0x0  }
0x14: {  	s2 =	sld [smem:$0x3F94];
	s0 =	simm.s32 @p1 $0x1  }
0x15: {  	[smem:$0x3FB1] =	sst s0;
	s0 =	simm.s32 @!p2 $0x0  }
0x16: {  	s3 =	sld [smem:$0x3FDB];
	s0 =	simm.s32 @p2 $0x1  }
0x17: {  	s4 =	simm.s32 $0x1BF5;
	[smem:$0x3FB3] =	sst s0  }
0x18: {  	s0 =	sld [smem:$0x3F96];
	_ =	swait.ge [sflag:s4], $0x0  }
0x19: {  	s7 =	sld [smem:$0x3F97]  }
0x1a: {  	s8 =	sadd.s32 $0xFFFFE003, lr  }
0x1b: {  	s9 =	sadd.s32 $0xFFFFFEF7, lr;
	s5 =	simm.s32 $0xFFFFFFFF;
	p2 =	slt.u32 s8, $0xFFFFF086  }
0x1c: {  	p1 =	slt.u32 s9, $0xF7A;
	s5 =	simm.s32 @!p2 $0x0  }
0x1d: {  	s5 =	simm.s32 @p1 $0x1;
	p0 =	seq.s32 s7, s2  }
0x1e: {  	s7 =	smul.u32 @!p0 $0xF7A, s2;
	p2 =	seq.s32 @!p0 s5, $0x0  }
0x1f: {  	s9 =	smul.u32 $0xF7A, s1;
	s8 =	simm.s32 @!p0 $0x1BF5;
	p2 =	por !p2, p0  }
0x20: {  	[sflag:s8] =	ssyncset.s32 @!p0 $0xFFFFF086;
	s6 =	sadd.s32 @!p0 s3, s7;
	s7 =	simm.s32 @!p0 $0x108  }
0x21: {  	s3 =	sadd.s32 s3, s9;
	s6 =	sadd.s32 @!p0 $0x88, s6;
	s7 =	simm.s32 @p2 $0x1082  }
0x22: {  	[simem:s7], [sflag:s8] =	dma.local @!p0 [hbm:s6], $0xF7A  }
0x23: {  	s9 =	sor.u32 $0xD0000000, s2;
	s6 =	simm.s32 $0x108;
	_ =	swait.ge @!p0 [sflag:s8], $0x0  }
0x24: {  	s3 =	sadd.s32 $0x88, s3;
	s6 =	simm.s32 @!p1 $0x1082;
	[sflag:s4] =	ssyncset.s32 $0xFFFFF086  }
0x25: {  	[simem:s6], [sflag:s4] =	dma.local [hbm:s3], $0xF7A  }
0x26: {  	[smem:$0x3F97] =	sst s1;
	(tag) =	ssettag s2;
	_ =	strace s9  }
0x27: {  	s1 =	sld [smem:$0x3FA7]  }
0x28: {  	s2 =	sld [smem:$0x3FA8]  }
0x29: {  	s4 =	sld [smem:$0x3FAA]  }
0x2a: {  	p0 =	seq.s32 s5, $0x0;
	s5 =	sld [smem:$0x3FAB]  }
0x2b: {  	s6 =	sld [smem:$0x3FAC]  }
0x2c: {  	s7 =	sld [smem:$0x3FAD]  }
0x2d: {  	s3 =	simm.s32 $0x108;
	s8 =	sld [smem:$0x3FAE]  }
0x2e: {  	s3 =	simm.s32 @!p0 $0x1082;
	s9 =	sld [smem:$0x3FAF]  }
0x2f: {  	lr =	sadd.s32 s0, s3;
	s0 =	sld [smem:$0x3FA6]  }
0x30: {  	s3 =	sld [smem:$0x3FA9]  }
0x31: {  	[smem:$0x3FB2] =	sst s10  }
0x32: {  	s10 =	sld [smem:$0x3FB0];
	_ =	sdelay $0x3  }
0x33: {  	p0 =	seq.s32 s10, $0x1;
	s10 =	sld [smem:$0x3FB2];
	_ =	sdelay $0x3  }
0x34: {  	[smem:$0x3FB2] =	sst s10  }
0x35: {  	s10 =	sld [smem:$0x3FB1];
	_ =	sdelay $0x3  }
0x36: {  	p1 =	seq.s32 s10, $0x1;
	s10 =	sld [smem:$0x3FB2];
	_ =	sdelay $0x3  }
0x37: {  	[smem:$0x3FB2] =	sst s10  }
0x38: {  	s10 =	sld [smem:$0x3FB3]  }
0x39: {  	_ = 	snop;
	(pc) =	sbr.ind lr, $3  }
0x3a: {  	_ = 	snop  }
0x3b: {  	_ = 	snop  }
0x3c: {  	p2 =	seq.s32 s10, $0x1;
	s10 =	sld [smem:$0x3FB2]  }
0x3d: {  	_ =	shalt  }
0x3e: {  	_ =	shalt  }
0x3f: {  	_ =	shalt  }
0x40: {  	_ =	shalt  }
0x41: {  	_ =	shalt  }
0x42: {  	_ =	shalt  }
0x43: {  	_ =	shalt  }
0x44: {  	_ =	shalt  }
0x45: {  	_ =	shalt  }
0x46: {  	_ =	shalt  }
0x47: {  	_ =	shalt  }
0x48: {  	_ =	shalt  }
0x49: {  	_ =	shalt  }
0x4a: {  	_ =	shalt  }
0x4b: {  	_ =	shalt  }
0x4c: {  	_ =	shalt  }
0x4d: {  	_ =	shalt  }
0x4e: {  	_ =	shalt  }
0x4f: {  	_ =	shalt  }
0x50: {  	_ =	shalt  }
0x51: {  	_ =	shalt  }
0x52: {  	_ =	shalt  }
0x53: {  	_ =	shalt  }
0x54: {  	_ =	shalt  }
0x55: {  	_ =	shalt  }
0x56: {  	_ =	shalt  }
0x57: {  	_ =	shalt  }
0x58: {  	_ =	shalt  }
0x59: {  	_ =	shalt  }
0x5a: {  	_ =	shalt  }
0x5b: {  	_ =	shalt  }
0x5c: {  	_ =	shalt  }
0x5d: {  	_ =	shalt  }
0x5e: {  	_ =	shalt  }
0x5f: {  	_ =	shalt  }
0x60: {  	_ =	shalt  }
0x61: {  	_ =	shalt  }
0x62: {  	_ =	shalt  }
0x63: {  	_ =	shalt  }
0x64: {  	_ =	shalt  }
0x65: {  	_ =	shalt  }
0x66: {  	_ =	shalt  }
0x67: {  	_ =	shalt  }
0x68: {  	_ =	shalt  }
0x69: {  	_ =	shalt  }
0x6a: {  	_ =	shalt  }
0x6b: {  	_ =	shalt  }
0x6c: {  	_ =	shalt  }
0x6d: {  	_ =	shalt  }
0x6e: {  	_ =	shalt  }
0x6f: {  	_ =	shalt  }
0x70: {  	_ =	shalt  }
0x71: {  	_ =	shalt  }
0x72: {  	_ =	shalt  }
0x73: {  	_ =	shalt  }
0x74: {  	_ =	shalt  }
0x75: {  	_ =	shalt  }
0x76: {  	_ =	shalt  }
0x77: {  	_ =	shalt  }
0x78: {  	_ =	shalt  }
0x79: {  	_ =	shalt  }
0x7a: {  	_ =	shalt  }
0x7b: {  	_ =	shalt  }
0x7c: {  	_ =	shalt  }
0x7d: {  	_ =	shalt  }
0x7e: {  	_ =	shalt  }
0x7f: {  	_ =	shalt  }
0x80: {  	_ =	shalt  }
0x81: {  	_ =	shalt  }
0x82: {  	_ =	shalt  }
0x83: {  	_ =	shalt  }
0x84: {  	_ =	shalt  }
0x85: {  	_ =	shalt  }
0x86: {  	_ =	shalt  }
0x87: {  	_ =	shalt  }
.Lfunc_end0:
.L_simem_size_0:
called_computation.3_lowered:
.L_overlay_start_0:
0x88: {  	s2 =	sld [smem:$0x3FD9]  }
0x89: {  	s3 =	sld [smem:$0x3FFE];
	_ =	sdelay $0x1  }
0x8a: {  	s1 =	srdreg.scid  }
0x8b: {  	s0 =	sand.u32 $0x1, s1  }
0x8c: {  	s16 =	sshll.u32 s0, $0xA;
	s2 =	sadd.s32 s3, s2  }
0x8d: {  	s2 =	sadd.s32 s2, s16  }
0x8e: {  	[smem:$0x3FBE] =	sst s2  }
0x8f: {  	_ = 	snop  }
0x90: {  	(tm) =	ssettm $0x1  }
0x91: {  	s17 =	sld [smem:$0x3FFB];
	_ =	sdelay $0x3  }
0x92: {  	_ =	strace s17  }
0x93: {  	s2 =	sld [smem:$0x3FFC];
	_ =	sdelay $0x3  }
0x94: {  	_ =	strace s2  }
0x95: {  	s2 =	sld [smem:$0x3FFD];
	_ =	sdelay $0x3  }
0x96: {  	_ =	strace s2  }
0x97: {  	_ =	strace $0x8FFFFFFF  }
0x98: {  	s18 =	sld [smem:$0x3FDB];
	_ =	sdelay $0x1  }
0x99: {  	s19 =	simm.s32 $_scs_section_size  }
0x9a: {  	s4 =	simm.s32 $_size__tile_overlayer_lowered;
	s5 =	simm.s32 $_tile_overlayer_lowered  }
0x9b: {  	s22 =	simm.s32 $0x1BFF;
	s21 =	sshll.u32 s5, $0x1;
	s2 =	sadd.s32 s19, s18  }
0x9c: {  	s6 =	simm.s32 $0x0;
	s20 =	sshll.u32 s4, $0x1;
	s4 =	sadd.s32 s21, s2  }
0x9d: {  	[timem:s6], [sflag:s22] =	dma.local [hbm:s4], s20  }
0x9e: {  	_ =	swait.ge [sflag:s22], s20  }
0x9f: {  	s3 =	ssub.s32 $0x0, s20;
	[sflag:s22] =	ssyncset.done $0x0  }
0xa0: {  	[sflag:s22] =	ssyncadd.s32 s3;
	_ =	sdelay $0x1  }
0xa1: {  	s23 =	simm.s32 $0x1B8B  }
0xa2: {  	_ =	swait.ge [sflag:s23], $0x1  }
0xa3: {  	[sflag:s23] =	ssyncset.done $0x0  }
0xa4: {  	s25 =	simm.s32 $0x1B8E;
	s24 =	sld [smem:$0x3FFE];
	[sflag:s23] =	ssyncadd.s32 $0xFFFFFFFF  }
0xa5: {  	s26 =	simm.s32 $execute0_lowered;
	[smem:$0x3FD2] =	sst s25  }
0xa6: {  	s4 =	sshll.u32 s26, $0x1;
	_ =	strace $0x8000004F;
	[dreg:$0x1] =	wrdreg $0xFFFFFFFF  }
0xa7: {  	s28 =	simm.s32 $_size_execute0_lowered;
	s2 =	sadd.s32 s2, s4;
	[dreg:$0x0] =	wrdreg $0x0  }
0xa8: {  	s4 =	sshll.u32 s28, $0x1;
	[dreg:$0x2] =	wrdreg s2  }
0xa9: {  	[dreg:$0x3] =	wrdreg s4  }
0xaa: {  	[dreg:$0x4] =	wrdreg $0xC0  }
0xab: {  	_ =	task [dreg:s6], $0x5FFFF  }
0xac: {  	[dreg:$0x1] =	wrdreg $0xFFFFFFFF  }
0xad: {  	[dreg:$0x0] =	wrdreg $0x60  }
0xae: {  	[dreg:$0x2] =	wrdreg s24  }
0xaf: {  	[dreg:$0x3] =	wrdreg $0x0  }
0xb0: {  	[dreg:$0x4] =	wrdreg $0x9  }
0xb1: {  	_ =	task.clear_ibuf [dreg:s6], $0x5FFFF;
	_ =	strace $0x9000004F  }
0xb2: {  	s29 =	simm.s32 $0x9;
	_ =	strace $0x80000051  }
0xb3: {  	_ =	swait.ge [sflag:s29], $0x1  }
0xb4: {  	[sflag:s29] =	ssyncadd.s32 $0xFFFFFFFF  }
0xb5: {  	_ =	strace $0x90000051  }
0xb6: {  	_ =	sfence  }
0xb7: {  	s30 =	sld [smem:$0x0];
	_ =	sdelay $0x2  }
0xb8: {  	s31 =	sshll.u32 s1, $0xD;
	s1 =	sshrl.u32 s1, $0x2  }
0xb9: {  	s3 =	sand.u32 $0x4000, s31;
	s1 =	sadd.s32 s1, s30  }
0xba: {  	s0 =	sor.u32 s3, s0;
	s1 =	sshll.u32 s1, $0x11  }
0xbb: {  	s0 =	sor.u32 s1, s0  }
0xbc: {  	s0 =	sadd.s32 $0x8F2B, s0  }
0xbd: {  	[sflag:s0] =	ssyncadd.remote.s32 $0x1  }
0xbe: {  	_ =	sfence.sel $0xFFFF  }
0xbf: {  	[dreg:$0x0] =	wrdreg $0xFFFFFFFF;
	(pc) =	sbr.abs _section_cstart, $3  }
0xc0: {  	[dreg:$0x1] =	wrdreg $0xFFFFFFFF  }
0xc1: {  	_ =	task.clear_ibuf [dreg:s6], $0x2FFFF;
	_ =	strace $0x9FFFFFFF  }
0xc2: {  	(tm) =	ssettm $0x7FFFFFFF  }
0xc3: {  	_ =	shalt  }
tec
execute0_lowered:
.L_overlay_start_1:
0x0: {  	(tag) =	ssettag $0x1  }
0x1: {  	s0 =	srdreg.scid;
	s6 =	rddreg [dreg:$0x0]  }
0x2: {  	s23 =	stileid.u32;
	s1 =	rddreg [dreg:$0x1];
	s22 =	simm.s32 $0x0  }
0x3: {  	s17 =	simm.s32 $0x40;
	s18 =	simm.s32 $0x18C00;
	s19 =	simm.s32 $0x1AC00  }
0x4: {  	s20 =	simm.s32 $0x1;
	s21 =	simm.s32 $0x2;
	s4 =	smul.u32 $0x5000, s23  }
0x5: {  	s28 =	simm.s32 $0x0;
	s5 =	sand.u32 $0x1, s0;
	s9 =	smul.u32 $0x4F000, s23  }
0x6: {  	[smem:$0x7FF] =	sst s22;
	s12 =	sadd.s32 $0x10EE00, s6;
	s15 =	smul.u32 $0x13800, s23  }
0x7: {  	s26 =	sshll.u32 s23, $0x6;
	s16 =	smul.u32 $0x4E000, s23;
	s22 =	simm.s32 $0x16380  }
0x8: {  	p0 =	sne.s32 s23, $0x0;
	s23 =	simm.s32 $0x18B00;
	s3 =	smul.u32 $0x50000, s5  }
0x9: {  	_ =	strace $0x80000050;
	s24 =	ssub.s32 $0x2, s5;
	s29 =	smul.u32 $0x138800, s5  }
0xa: {  	s5 =	sor.u32 $0x1C03, s26;
	s26 =	simm.s32 $0x18B80;
	s11 =	sshrl.u32 s24, $0x1  }
0xb: {  	s25 =	sshrl.u32 s9, $0x2;
	s31 =	sshrl.u32 s16, $0x2;
	s16 =	simm.s32 $0x16400  }
0xc: {  	s3 =	sadd.s32 s4, s3;
	s4 =	sshrl.u32 s4, $0x3;
	s13 =	ssub.s32 s24, s11  }
0xd: {  	s14 =	sadd.s32 s25, s1;
	s30 =	sadd.s32 s15, s29;
	s11 =	sshrl.u32 s29, $0x3  }
0xe: {  	s24 =	sadd.s32 s31, s1;
	s25 =	sadd.s32 $0x138000, s1;
	s15 =	simm.s32 $0x13C00  }
0xf: {  	s7 =	sshrl.u32 s3, $0x3;
	s3 =	sadd.s32 $0xC0C00, s6;
	s10 =	sadd.s32 s4, s6  }
0x10: {  	s4 =	sadd.s32 $0xDE00, s6;
	s11 =	sadd.s32 s12, s11;
	s24 =	sshrl.u32 s24, $0x3  }
0x11: {  	s25 =	sshrl.u32 @!p0 s25, $0x3;
	s8 =	sadd.s32 s7, s6;
	s7 =	sadd.s32 $0x3A00, s10  }
0x12: {  	s9 =	sadd.s32 $0x3F00, s10;
	s10 =	sshrl.u32 s30, $0x3;
	s11 =	sadd.s32 $0x27000, s11  }
0x13: {  	s6 =	sadd.s32 $0x10600, s8;
	s8 =	sadd.s32 $0x10B00, s8;
	s10 =	sadd.s32 s12, s10  }
0x14: {  	s12 =	smax.u32 s13, $0x1;
	s13 =	sshrl.u32 s14, $0x3;
	s14 =	simm.s32 $0x3  }
.LBB2_1:
0x15: {  	[spmem:s13], [sflag:s5] =	dma.local [hbm:s4], $0x2780  }
0x16: {  	_ =	swait.ge [sflag:s14], $0x2780  }
0x17: {  	[sflag:s14] =	ssyncset.done $0x0  }
0x18: {  	[sflag:s14] =	ssyncadd.s32 $0xFFFFD880  }
0x19: {  	s0 =	simm.s32 $0x0;
	[bflag:$0x0] =	sbarrier.arrive $0xFFFF  }
0x1a: {  	[tilespmem:s15], [sflag:$0x3] =	stream.linear.gather [hbm4b:s6+s0], $0x2800, $0x38;
	[tilespmem:$0x1CC00] =	vst v63  }
0x1b: {  	_ =	swait.ge [sflag:s14], $0x2800  }
0x1c: {  	[sflag:s14] =	ssyncset.done $0x0  }
0x1d: {  	[sflag:s14] =	ssyncadd.s32 $0xFFFFD800  }
0x1e: {  	[tilespmem:s16], [sflag:$0x3] =	stream.linear.gather [hbm4b:s7+s0], $0x2800, $0x38;
	[tilespmem:$0x1CC00] =	vst v63  }
0x1f: {  	_ =	swait.ge [sflag:s14], $0x2800  }
0x20: {  	[sflag:s14] =	ssyncset.done $0x0  }
0x21: {  	[sflag:s14] =	ssyncadd.s32 $0xFFFFD800  }
0x22: {  	[tilespmem:s18], [sflag:$0x1] =	stream.indirect.gather [hbm4b:s3+s17], $0x80, s15, s17, $0xb8;
	[tilespmem:$0x1CC00] =	vst v63  }
0x23: {  	s29 =	simm.s32 $0x13C80  }
0x24: {  	[tilespmem:s19], [sflag:$0x2] =	stream.indirect.gather [hbm4b:s3+s17], $0x80, s29, s17, $0xb8;
	[tilespmem:$0x1CC00] =	vst v63  }
0x25: {  	_ =	swait.ge [sflag:s20], $0x2000  }
0x26: {  	[sflag:s20] =	ssyncset.done $0x0  }
0x27: {  	s29 =	simm.s32 $0x16400;
	[sflag:s20] =	ssyncadd.s32 $0xFFFFE000  }
0x28: {  	[spmem:s1] =	stream.indirect.scatter.add.f32 [tilespmem:s18], [sflag:$0x3], $0x80, s29, s17, $0xb8;
	[tilespmem:$0x1CC00] =	vst v63  }
0x29: {  	_ =	swait.ge [sflag:s14], $0x2000  }
0x2a: {  	[sflag:s14] =	ssyncset.done $0x0  }
0x2b: {  	s29 =	simm.s32 $0x13D00;
	[sflag:s14] =	ssyncadd.s32 $0xFFFFE000  }
0x2c: {  	[tilespmem:s18], [sflag:$0x1] =	stream.indirect.gather [hbm4b:s3+s17], $0x80, s29, s17, $0xb8;
	[tilespmem:$0x1CC00] =	vst v63  }
0x2d: {  	_ =	swait.ge [sflag:s21], $0x2000  }
0x2e: {  	[sflag:s21] =	ssyncset.done $0x0  }
0x2f: {  	s29 =	simm.s32 $0x16480;
	[sflag:s21] =	ssyncadd.s32 $0xFFFFE000  }
0x30: {  	[spmem:s1] =	stream.indirect.scatter.add.f32 [tilespmem:s19], [sflag:$0x3], $0x80, s29, s17, $0xb8;
	[tilespmem:$0x1CC00] =	vst v63  }
0x31: {  	_ =	swait.ge [sflag:s14], $0x2000  }
0x32: {  	s30 =	simm.s32 $0x800;
	s29 =	simm.s32 $0x100;
	[sflag:s14] =	ssyncset.done $0x0  }
.LBB2_2:
0x33: {  	s31 =	sadd.s32 $0x13C80, s29  }
0x34: {  	[sflag:s14] =	ssyncadd.s32 $0xFFFFE000;
	s0 =	smov.u32 s30;
	s2 =	sadd.s32 $0x400, s30  }
0x35: {  	[tilespmem:s19], [sflag:$0x2] =	stream.indirect.gather [hbm4b:s3+s17], $0x80, s31, s17, $0xb8;
	[tilespmem:$0x1CC00] =	vst v63  }
0x36: {  	p1 =	sne.s32 s30, $0x9800;
	_ =	swait.ge [sflag:s20], $0x2000  }
0x37: {  	[sflag:s20] =	ssyncset.done $0x0  }
0x38: {  	s30 =	sadd.s32 $0x16400, s29;
	[sflag:s20] =	ssyncadd.s32 $0xFFFFE000  }
0x39: {  	[spmem:s1] =	stream.indirect.scatter.add.f32 [tilespmem:s18], [sflag:$0x3], $0x80, s30, s17, $0xb8;
	[tilespmem:$0x1CC00] =	vst v63  }
0x3a: {  	_ =	swait.ge [sflag:s14], $0x2000  }
0x3b: {  	[sflag:s14] =	ssyncset.done $0x0  }
0x3c: {  	s30 =	sadd.s32 $0x13D00, s29;
	[sflag:s14] =	ssyncadd.s32 $0xFFFFE000  }
0x3d: {  	[tilespmem:s18], [sflag:$0x1] =	stream.indirect.gather [hbm4b:s3+s17], $0x80, s30, s17, $0xb8;
	[tilespmem:$0x1CC00] =	vst v63  }
0x3e: {  	_ =	swait.ge [sflag:s21], $0x2000  }
.Ltmp0:
0x3f: {  	[sflag:s21] =	ssyncset.done $0x0;
	(pc) =	sbr.rel @p1 .LBB2_2-.Ltmp0, $4  }
0x40: {  	s29 =	sadd.s32 $0x16480, s29;
	[sflag:s21] =	ssyncadd.s32 $0xFFFFE000  }
0x41: {  	[spmem:s1] =	stream.indirect.scatter.add.f32 [tilespmem:s19], [sflag:$0x3], $0x80, s29, s17, $0xb8;
	[tilespmem:$0x1CC00] =	vst v63  }
0x42: {  	_ =	swait.ge [sflag:s14], $0x2000  }
0x43: {  	s30 =	smov.u32 s2;
	s29 =	sshra.s32 s0, $0x2;
	[sflag:s14] =	ssyncset.done $0x0  }
0x44: {  	s0 =	sadd.s32 $0x13C80, s29;
	[sflag:s14] =	ssyncadd.s32 $0xFFFFE000  }
0x45: {  	[tilespmem:s19], [sflag:$0x2] =	stream.indirect.gather [hbm4b:s3+s17], $0x80, s0, s17, $0xb8;
	[tilespmem:$0x1CC00] =	vst v63  }
0x46: {  	_ =	swait.ge [sflag:s20], $0x2000  }
0x47: {  	[sflag:s20] =	ssyncset.done $0x0  }
0x48: {  	s2 =	sadd.s32 $0x16400, s29;
	[sflag:s20] =	ssyncadd.s32 $0xFFFFE000  }
0x49: {  	[spmem:s1] =	stream.indirect.scatter.add.f32 [tilespmem:s18], [sflag:$0x3], $0x80, s2, s17, $0xb8;
	[tilespmem:$0x1CC00] =	vst v63  }
0x4a: {  	_ =	swait.ge [sflag:s14], $0x2000  }
0x4b: {  	[sflag:s14] =	ssyncset.done $0x0  }
0x4c: {  	s31 =	sadd.s32 $0x13D00, s29;
	[sflag:s14] =	ssyncadd.s32 $0xFFFFE000  }
0x4d: {  	[tilespmem:s18], [sflag:$0x1] =	stream.indirect.gather [hbm4b:s3+s17], $0x80, s31, s17, $0xb8;
	[tilespmem:$0x1CC00] =	vst v63  }
0x4e: {  	_ =	swait.ge [sflag:s21], $0x2000  }
0x4f: {  	[sflag:s21] =	ssyncset.done $0x0  }
0x50: {  	s2 =	sadd.s32 $0x16480, s29;
	[sflag:s21] =	ssyncadd.s32 $0xFFFFE000  }
0x51: {  	[spmem:s1] =	stream.indirect.scatter.add.f32 [tilespmem:s19], [sflag:$0x3], $0x80, s2, s17, $0xb8;
	[tilespmem:$0x1CC00] =	vst v63  }
0x52: {  	_ =	swait.ge [sflag:s14], $0x2000  }
0x53: {  	[sflag:s14] =	ssyncset.done $0x0  }
0x54: {  	[sflag:s14] =	ssyncadd.s32 $0xFFFFE000  }
0x55: {  	[tilespmem:s19], [sflag:$0x2] =	stream.indirect.gather [hbm4b:s3+s17], $0x80, s22, s17, $0xb8;
	[tilespmem:$0x1CC00] =	vst v63  }
0x56: {  	_ =	swait.ge [sflag:s20], $0x2000  }
0x57: {  	[sflag:s20] =	ssyncset.done $0x0  }
0x58: {  	[sflag:s20] =	ssyncadd.s32 $0xFFFFE000  }
0x59: {  	[spmem:s1] =	stream.indirect.scatter.add.f32 [tilespmem:s18], [sflag:$0x3], $0x80, s23, s17, $0xb8;
	[tilespmem:$0x1CC00] =	vst v63  }
0x5a: {  	_ =	swait.ge [sflag:s14], $0x2000  }
0x5b: {  	[sflag:s14] =	ssyncset.done $0x0  }
0x5c: {  	[sflag:s14] =	ssyncadd.s32 $0xFFFFE000  }
0x5d: {  	_ =	swait.ge [sflag:s21], $0x2000  }
0x5e: {  	[sflag:s21] =	ssyncset.done $0x0  }
0x5f: {  	[sflag:s21] =	ssyncadd.s32 $0xFFFFE000  }
0x60: {  	[spmem:s1] =	stream.indirect.scatter.add.f32 [tilespmem:s19], [sflag:$0x3], $0x80, s26, s17, $0xb8;
	[tilespmem:$0x1CC00] =	vst v63  }
0x61: {  	_ =	swait.ge [sflag:s14], $0x2000  }
0x62: {  	[sflag:s14] =	ssyncset.done $0x0  }
0x63: {  	s31 =	simm.s32 $0x0;
	[sflag:s14] =	ssyncadd.s32 $0xFFFFE000  }
0x64: {  	[tilespmem:s15], [sflag:$0x3] =	stream.linear.gather [hbm4b:s8+s31], $0x2800, $0x38;
	[tilespmem:$0x1CC00] =	vst v63  }
0x65: {  	_ =	swait.ge [sflag:s14], $0x2800  }
0x66: {  	[sflag:s14] =	ssyncset.done $0x0  }
0x67: {  	[sflag:s14] =	ssyncadd.s32 $0xFFFFD800  }
0x68: {  	[tilespmem:s16], [sflag:$0x3] =	stream.linear.gather [hbm4b:s9+s31], $0x2800, $0x38;
	[tilespmem:$0x1CC00] =	vst v63  }
0x69: {  	_ =	swait.ge [sflag:s14], $0x2800  }
0x6a: {  	[sflag:s14] =	ssyncset.done $0x0  }
0x6b: {  	[sflag:s14] =	ssyncadd.s32 $0xFFFFD800  }
0x6c: {  	[tilespmem:s18], [sflag:$0x1] =	stream.indirect.gather [hbm4b:s3+s17], $0x80, s15, s17, $0xb8;
	[tilespmem:$0x1CC00] =	vst v63  }
0x6d: {  	s2 =	simm.s32 $0x13C80  }
0x6e: {  	[tilespmem:s19], [sflag:$0x2] =	stream.indirect.gather [hbm4b:s3+s17], $0x80, s2, s17, $0xb8;
	[tilespmem:$0x1CC00] =	vst v63  }
0x6f: {  	_ =	swait.ge [sflag:s20], $0x2000  }
0x70: {  	[sflag:s20] =	ssyncset.done $0x0  }
0x71: {  	s31 =	simm.s32 $0x16400;
	[sflag:s20] =	ssyncadd.s32 $0xFFFFE000  }
0x72: {  	[spmem:s1] =	stream.indirect.scatter.add.f32 [tilespmem:s18], [sflag:$0x3], $0x80, s31, s17, $0xb8;
	[tilespmem:$0x1CC00] =	vst v63  }
0x73: {  	_ =	swait.ge [sflag:s14], $0x2000  }
0x74: {  	[sflag:s14] =	ssyncset.done $0x0  }
0x75: {  	s2 =	simm.s32 $0x13D00;
	[sflag:s14] =	ssyncadd.s32 $0xFFFFE000  }
0x76: {  	[tilespmem:s18], [sflag:$0x1] =	stream.indirect.gather [hbm4b:s3+s17], $0x80, s2, s17, $0xb8;
	[tilespmem:$0x1CC00] =	vst v63  }
0x77: {  	_ =	swait.ge [sflag:s21], $0x2000  }
0x78: {  	[sflag:s21] =	ssyncset.done $0x0  }
0x79: {  	s31 =	simm.s32 $0x16480;
	[sflag:s21] =	ssyncadd.s32 $0xFFFFE000  }
0x7a: {  	[spmem:s1] =	stream.indirect.scatter.add.f32 [tilespmem:s19], [sflag:$0x3], $0x80, s31, s17, $0xb8;
	[tilespmem:$0x1CC00] =	vst v63  }
0x7b: {  	_ =	swait.ge [sflag:s14], $0x2000  }
0x7c: {  	s30 =	simm.s32 $0x800;
	s29 =	simm.s32 $0x100;
	[sflag:s14] =	ssyncset.done $0x0  }
.LBB2_4:
0x7d: {  	s0 =	sadd.s32 $0x13C80, s29  }
0x7e: {  	[sflag:s14] =	ssyncadd.s32 $0xFFFFE000;
	s2 =	smov.u32 s30;
	s31 =	sadd.s32 $0x400, s30  }
0x7f: {  	[tilespmem:s19], [sflag:$0x2] =	stream.indirect.gather [hbm4b:s3+s17], $0x80, s0, s17, $0xb8;
	[tilespmem:$0x1CC00] =	vst v63  }
0x80: {  	p1 =	sne.s32 s30, $0x9800;
	_ =	swait.ge [sflag:s20], $0x2000  }
0x81: {  	[sflag:s20] =	ssyncset.done $0x0  }
0x82: {  	s0 =	sadd.s32 $0x16400, s29;
	[sflag:s20] =	ssyncadd.s32 $0xFFFFE000  }
0x83: {  	[spmem:s1] =	stream.indirect.scatter.add.f32 [tilespmem:s18], [sflag:$0x3], $0x80, s0, s17, $0xb8;
	[tilespmem:$0x1CC00] =	vst v63  }
0x84: {  	_ =	swait.ge [sflag:s14], $0x2000  }
0x85: {  	[sflag:s14] =	ssyncset.done $0x0  }
0x86: {  	s0 =	sadd.s32 $0x13D00, s29;
	[sflag:s14] =	ssyncadd.s32 $0xFFFFE000  }
0x87: {  	[tilespmem:s18], [sflag:$0x1] =	stream.indirect.gather [hbm4b:s3+s17], $0x80, s0, s17, $0xb8;
	[tilespmem:$0x1CC00] =	vst v63  }
0x88: {  	_ =	swait.ge [sflag:s21], $0x2000  }
.Ltmp1:
0x89: {  	[sflag:s21] =	ssyncset.done $0x0;
	(pc) =	sbr.rel @p1 .LBB2_4-.Ltmp1, $4  }
0x8a: {  	s0 =	sadd.s32 $0x16480, s29;
	[sflag:s21] =	ssyncadd.s32 $0xFFFFE000  }
0x8b: {  	[spmem:s1] =	stream.indirect.scatter.add.f32 [tilespmem:s19], [sflag:$0x3], $0x80, s0, s17, $0xb8;
	[tilespmem:$0x1CC00] =	vst v63  }
0x8c: {  	_ =	swait.ge [sflag:s14], $0x2000  }
0x8d: {  	s30 =	smov.u32 s31;
	s29 =	sshra.s32 s2, $0x2;
	[sflag:s14] =	ssyncset.done $0x0  }
0x8e: {  	s0 =	sadd.s32 $0x13C80, s29;
	[sflag:s14] =	ssyncadd.s32 $0xFFFFE000  }
0x8f: {  	[tilespmem:s19], [sflag:$0x2] =	stream.indirect.gather [hbm4b:s3+s17], $0x80, s0, s17, $0xb8;
	[tilespmem:$0x1CC00] =	vst v63  }
0x90: {  	_ =	swait.ge [sflag:s20], $0x2000  }
0x91: {  	[sflag:s20] =	ssyncset.done $0x0  }
0x92: {  	s2 =	sadd.s32 $0x16400, s29;
	[sflag:s20] =	ssyncadd.s32 $0xFFFFE000  }
0x93: {  	[spmem:s1] =	stream.indirect.scatter.add.f32 [tilespmem:s18], [sflag:$0x3], $0x80, s2, s17, $0xb8;
	[tilespmem:$0x1CC00] =	vst v63  }
0x94: {  	_ =	swait.ge [sflag:s14], $0x2000  }
0x95: {  	[sflag:s14] =	ssyncset.done $0x0  }
0x96: {  	s30 =	sadd.s32 $0x13D00, s29;
	[sflag:s14] =	ssyncadd.s32 $0xFFFFE000  }
0x97: {  	[tilespmem:s18], [sflag:$0x1] =	stream.indirect.gather [hbm4b:s3+s17], $0x80, s30, s17, $0xb8;
	[tilespmem:$0x1CC00] =	vst v63  }
0x98: {  	_ =	swait.ge [sflag:s21], $0x2000  }
0x99: {  	[sflag:s21] =	ssyncset.done $0x0  }
0x9a: {  	s31 =	sadd.s32 $0x16480, s29;
	[sflag:s21] =	ssyncadd.s32 $0xFFFFE000  }
0x9b: {  	[spmem:s1] =	stream.indirect.scatter.add.f32 [tilespmem:s19], [sflag:$0x3], $0x80, s31, s17, $0xb8;
	[tilespmem:$0x1CC00] =	vst v63  }
0x9c: {  	_ =	swait.ge [sflag:s14], $0x2000  }
0x9d: {  	[sflag:s14] =	ssyncset.done $0x0  }
0x9e: {  	[sflag:s14] =	ssyncadd.s32 $0xFFFFE000  }
0x9f: {  	[tilespmem:s19], [sflag:$0x2] =	stream.indirect.gather [hbm4b:s3+s17], $0x80, s22, s17, $0xb8;
	[tilespmem:$0x1CC00] =	vst v63  }
0xa0: {  	_ =	swait.ge [sflag:s20], $0x2000  }
0xa1: {  	[sflag:s20] =	ssyncset.done $0x0  }
0xa2: {  	[sflag:s20] =	ssyncadd.s32 $0xFFFFE000  }
0xa3: {  	[spmem:s1] =	stream.indirect.scatter.add.f32 [tilespmem:s18], [sflag:$0x3], $0x80, s23, s17, $0xb8;
	[tilespmem:$0x1CC00] =	vst v63  }
0xa4: {  	_ =	swait.ge [sflag:s14], $0x2000  }
0xa5: {  	[sflag:s14] =	ssyncset.done $0x0  }
0xa6: {  	[sflag:s14] =	ssyncadd.s32 $0xFFFFE000  }
0xa7: {  	_ =	swait.ge [sflag:s21], $0x2000  }
0xa8: {  	[sflag:s21] =	ssyncset.done $0x0  }
0xa9: {  	[sflag:s21] =	ssyncadd.s32 $0xFFFFE000  }
0xaa: {  	[spmem:s1] =	stream.indirect.scatter.add.f32 [tilespmem:s19], [sflag:$0x3], $0x80, s26, s17, $0xb8;
	[tilespmem:$0x1CC00] =	vst v63  }
0xab: {  	_ =	swait.ge [sflag:s14], $0x2000  }
0xac: {  	[sflag:s14] =	ssyncset.done $0x0  }
0xad: {  	[sflag:s14] =	ssyncadd.s32 $0xFFFFE000  }
0xae: {  	[bflag:$0x0] =	sbarrier.arrive $0xFFFF  }
0xaf: {  	[hbm:s10], [sflag:s5] =	dma.local [spmem:s24], $0x2700  }
0xb0: {  	s28 =	sadd.s32 $0x1, s28;
	_ =	swait.ge [sflag:s14], $0x2700  }
0xb1: {  	p1 =	sne.s32 s28, s12;
	[sflag:s14] =	ssyncset.done $0x0  }
.Ltmp2:
0xb2: {  	s0 =	simm.s32 @!p0 $0x3;
	[sflag:s14] =	ssyncadd.s32 $0xFFFFD900;
	(pc) =	sbr.rel @p1 .LBB2_1-.Ltmp2, $4  }
0xb3: {  	[hbm:s11], [sflag:s5] =	dma.local @!p0 [spmem:s25], $0x100  }
0xb4: {  	_ =	swait.ge @!p0 [sflag:s0], $0x100  }
0xb5: {  	[sflag:s0] =	ssyncset.done @!p0 $0x0  }
0xb6: {  	[sflag:s0] =	ssyncadd.s32 @!p0 $0xFFFFFF00  }
0xb7: {  	_ =	sfence.sel $0x180000  }
0xb8: {  	[bflag:$0x0] =	sbarrier.arrive $0xFFFF  }
0xb9: {  	_ =	strace $0x90000050  }
0xba: {  	[bflag:$0x2] =	sbarrier.arrive $0xFFFF  }
0xbb: {  	s0 =	rddreg [dreg:$0x2]  }
0xbc: {  	s0 =	sadd.s32 @!p0 $0x100000, s0  }
0xbd: {  	[sflag:s0] =	ssyncadd.tile.s32 @!p0 $0x1;
	_ =	shalt  }
.Lfunc_end2:
_tile_overlayer_lowered:
.L_overlay_start_2:
0xbe: {  	(tag) =	ssettag $0x2  }
0xbf: {  	s0 =	rddreg [dreg:$0x0];
	s2 =	stileid.u32  }
0xc0: {  	s1 =	rddreg [dreg:$0x1];
	p0 =	sne.s32 s2, $0x0  }
0xc1: {  	s3 =	rddreg [dreg:$0x2];
	[bflag:$0x3] =	sbarrier.arrive $0xFFFF;
	s2 =	simm.s32 @!p0 $0x1C03  }
0xc2: {  	[timem:s3], [sflag:s2] =	dma.local @!p0 [hbm:s0], s1  }
0xc3: {  	s0 =	simm.s32 @!p0 $0x3  }
0xc4: {  	_ =	swait.ge @!p0 [sflag:s0], s1  }
0xc5: {  	s1 =	ssub.s32 @!p0 $0x0, s1;
	[sflag:s0] =	ssyncset.done @!p0 $0x0  }
0xc6: {  	[sflag:s0] =	ssyncadd.s32 @!p0 s1  }
0xc7: {  	[bflag:$0x3] =	sbarrier.arrive $0xFFFF  }
0xc8: {  	_ =	shalt  }

// kernel: kernel.25.cloned.1.call-start
scs
__scs_entry_jumppad:
0x0: {  	(pc) =	sbr.rel $0x88, $3  }
0x1: {  	(tag) =	ssettag $0x0;
	lr =	simm.s32 $0x1  }
0x2: {  	[smem:$0x3F97] =	sst lr;
	_ =	strace $0xD0000000  }
0x3: {  	_ = 	snop  }
0x4: {  	_ = 	snop  }
0x5: {  	_ = 	snop  }
0x6: {  	_ = 	snop  }
0x7: {  	_ = 	snop  }
__scs_overlays_trampoline_lowered:
0x8: {  	[smem:$0x3FA6] =	sst s0  }
0x9: {  	[smem:$0x3FA7] =	sst s1  }
0xa: {  	[smem:$0x3FA8] =	sst s2  }
0xb: {  	[smem:$0x3FA9] =	sst s3  }
0xc: {  	[smem:$0x3FAA] =	sst s4  }
0xd: {  	[smem:$0x3FAB] =	sst s5  }
0xe: {  	[smem:$0x3FAC] =	sst s6  }
0xf: {  	[smem:$0x3FAD] =	sst s7  }
0x10: {  	[smem:$0x3FAE] =	sst s8  }
0x11: {  	[smem:$0x3FAF] =	sst s9;
	s0 =	simm.s32 @!p0 $0x0  }
0x12: {  	s1 =	sld [smem:$0x3F95];
	s0 =	simm.s32 @p0 $0x1  }
0x13: {  	[smem:$0x3FB0] =	sst s0;
	s0 =	simm.s32 @!p1 $0x0  }
0x14: {  	s2 =	sld [smem:$0x3F94];
	s0 =	simm.s32 @p1 $0x1  }
0x15: {  	[smem:$0x3FB1] =	sst s0;
	s0 =	simm.s32 @!p2 $0x0  }
0x16: {  	s3 =	sld [smem:$0x3FDB];
	s0 =	simm.s32 @p2 $0x1  }
0x17: {  	s4 =	simm.s32 $0x1BF5;
	[smem:$0x3FB3] =	sst s0  }
0x18: {  	s0 =	sld [smem:$0x3F96];
	_ =	swait.ge [sflag:s4], $0x0  }
0x19: {  	s7 =	sld [smem:$0x3F97]  }
0x1a: {  	s8 =	sadd.s32 $0xFFFFE003, lr  }
0x1b: {  	s9 =	sadd.s32 $0xFFFFFEF7, lr;
	s5 =	simm.s32 $0xFFFFFFFF;
	p2 =	slt.u32 s8, $0xFFFFF086  }
0x1c: {  	p1 =	slt.u32 s9, $0xF7A;
	s5 =	simm.s32 @!p2 $0x0  }
0x1d: {  	s5 =	simm.s32 @p1 $0x1;
	p0 =	seq.s32 s7, s2  }
0x1e: {  	s7 =	smul.u32 @!p0 $0xF7A, s2;
	p2 =	seq.s32 @!p0 s5, $0x0  }
0x1f: {  	s9 =	smul.u32 $0xF7A, s1;
	s8 =	simm.s32 @!p0 $0x1BF5;
	p2 =	por !p2, p0  }
0x20: {  	[sflag:s8] =	ssyncset.s32 @!p0 $0xFFFFF086;
	s6 =	sadd.s32 @!p0 s3, s7;
	s7 =	simm.s32 @!p0 $0x108  }
0x21: {  	s3 =	sadd.s32 s3, s9;
	s6 =	sadd.s32 @!p0 $0x88, s6;
	s7 =	simm.s32 @p2 $0x1082  }
0x22: {  	[simem:s7], [sflag:s8] =	dma.local @!p0 [hbm:s6], $0xF7A  }
0x23: {  	s9 =	sor.u32 $0xD0000000, s2;
	s6 =	simm.s32 $0x108;
	_ =	swait.ge @!p0 [sflag:s8], $0x0  }
0x24: {  	s3 =	sadd.s32 $0x88, s3;
	s6 =	simm.s32 @!p1 $0x1082;
	[sflag:s4] =	ssyncset.s32 $0xFFFFF086  }
0x25: {  	[simem:s6], [sflag:s4] =	dma.local [hbm:s3], $0xF7A  }
0x26: {  	[smem:$0x3F97] =	sst s1;
	(tag) =	ssettag s2;
	_ =	strace s9  }
0x27: {  	s1 =	sld [smem:$0x3FA7]  }
0x28: {  	s2 =	sld [smem:$0x3FA8]  }
0x29: {  	s4 =	sld [smem:$0x3FAA]  }
0x2a: {  	p0 =	seq.s32 s5, $0x0;
	s5 =	sld [smem:$0x3FAB]  }
0x2b: {  	s6 =	sld [smem:$0x3FAC]  }
0x2c: {  	s7 =	sld [smem:$0x3FAD]  }
0x2d: {  	s3 =	simm.s32 $0x108;
	s8 =	sld [smem:$0x3FAE]  }
0x2e: {  	s3 =	simm.s32 @!p0 $0x1082;
	s9 =	sld [smem:$0x3FAF]  }
0x2f: {  	lr =	sadd.s32 s0, s3;
	s0 =	sld [smem:$0x3FA6]  }
0x30: {  	s3 =	sld [smem:$0x3FA9]  }
0x31: {  	[smem:$0x3FB2] =	sst s10  }
0x32: {  	s10 =	sld [smem:$0x3FB0];
	_ =	sdelay $0x3  }
0x33: {  	p0 =	seq.s32 s10, $0x1;
	s10 =	sld [smem:$0x3FB2];
	_ =	sdelay $0x3  }
0x34: {  	[smem:$0x3FB2] =	sst s10  }
0x35: {  	s10 =	sld [smem:$0x3FB1];
	_ =	sdelay $0x3  }
0x36: {  	p1 =	seq.s32 s10, $0x1;
	s10 =	sld [smem:$0x3FB2];
	_ =	sdelay $0x3  }
0x37: {  	[smem:$0x3FB2] =	sst s10  }
0x38: {  	s10 =	sld [smem:$0x3FB3]  }
0x39: {  	_ = 	snop;
	(pc) =	sbr.ind lr, $3  }
0x3a: {  	_ = 	snop  }
0x3b: {  	_ = 	snop  }
0x3c: {  	p2 =	seq.s32 s10, $0x1;
	s10 =	sld [smem:$0x3FB2]  }
0x3d: {  	_ =	shalt  }
0x3e: {  	_ =	shalt  }
0x3f: {  	_ =	shalt  }
0x40: {  	_ =	shalt  }
0x41: {  	_ =	shalt  }
0x42: {  	_ =	shalt  }
0x43: {  	_ =	shalt  }
0x44: {  	_ =	shalt  }
0x45: {  	_ =	shalt  }
0x46: {  	_ =	shalt  }
0x47: {  	_ =	shalt  }
0x48: {  	_ =	shalt  }
0x49: {  	_ =	shalt  }
0x4a: {  	_ =	shalt  }
0x4b: {  	_ =	shalt  }
0x4c: {  	_ =	shalt  }
0x4d: {  	_ =	shalt  }
0x4e: {  	_ =	shalt  }
0x4f: {  	_ =	shalt  }
0x50: {  	_ =	shalt  }
0x51: {  	_ =	shalt  }
0x52: {  	_ =	shalt  }
0x53: {  	_ =	shalt  }
0x54: {  	_ =	shalt  }
0x55: {  	_ =	shalt  }
0x56: {  	_ =	shalt  }
0x57: {  	_ =	shalt  }
0x58: {  	_ =	shalt  }
0x59: {  	_ =	shalt  }
0x5a: {  	_ =	shalt  }
0x5b: {  	_ =	shalt  }
0x5c: {  	_ =	shalt  }
0x5d: {  	_ =	shalt  }
0x5e: {  	_ =	shalt  }
0x5f: {  	_ =	shalt  }
0x60: {  	_ =	shalt  }
0x61: {  	_ =	shalt  }
0x62: {  	_ =	shalt  }
0x63: {  	_ =	shalt  }
0x64: {  	_ =	shalt  }
0x65: {  	_ =	shalt  }
0x66: {  	_ =	shalt  }
0x67: {  	_ =	shalt  }
0x68: {  	_ =	shalt  }
0x69: {  	_ =	shalt  }
0x6a: {  	_ =	shalt  }
0x6b: {  	_ =	shalt  }
0x6c: {  	_ =	shalt  }
0x6d: {  	_ =	shalt  }
0x6e: {  	_ =	shalt  }
0x6f: {  	_ =	shalt  }
0x70: {  	_ =	shalt  }
0x71: {  	_ =	shalt  }
0x72: {  	_ =	shalt  }
0x73: {  	_ =	shalt  }
0x74: {  	_ =	shalt  }
0x75: {  	_ =	shalt  }
0x76: {  	_ =	shalt  }
0x77: {  	_ =	shalt  }
0x78: {  	_ =	shalt  }
0x79: {  	_ =	shalt  }
0x7a: {  	_ =	shalt  }
0x7b: {  	_ =	shalt  }
0x7c: {  	_ =	shalt  }
0x7d: {  	_ =	shalt  }
0x7e: {  	_ =	shalt  }
0x7f: {  	_ =	shalt  }
0x80: {  	_ =	shalt  }
0x81: {  	_ =	shalt  }
0x82: {  	_ =	shalt  }
0x83: {  	_ =	shalt  }
0x84: {  	_ =	shalt  }
0x85: {  	_ =	shalt  }
0x86: {  	_ =	shalt  }
0x87: {  	_ =	shalt  }
.Lfunc_end0:
.L_simem_size_0:
called_computation.4_lowered:
.L_overlay_start_0:
0x88: {  	s2 =	sld [smem:$0x3FD9]  }
0x89: {  	s3 =	sld [smem:$0x3FFE];
	_ =	sdelay $0x1  }
0x8a: {  	s1 =	srdreg.scid  }
0x8b: {  	s0 =	sand.u32 $0x1, s1  }
0x8c: {  	s16 =	sshll.u32 s0, $0xA;
	s2 =	sadd.s32 s3, s2  }
0x8d: {  	s2 =	sadd.s32 s2, s16  }
0x8e: {  	[smem:$0x3FBE] =	sst s2  }
0x8f: {  	_ = 	snop  }
0x90: {  	(tm) =	ssettm $0x1  }
0x91: {  	s17 =	sld [smem:$0x3FFB];
	_ =	sdelay $0x3  }
0x92: {  	_ =	strace s17  }
0x93: {  	s2 =	sld [smem:$0x3FFC];
	_ =	sdelay $0x3  }
0x94: {  	_ =	strace s2  }
0x95: {  	s2 =	sld [smem:$0x3FFD];
	_ =	sdelay $0x3  }
0x96: {  	_ =	strace s2  }
0x97: {  	_ =	strace $0x8FFFFFFF  }
0x98: {  	s18 =	sld [smem:$0x3FDB];
	_ =	sdelay $0x1  }
0x99: {  	s19 =	simm.s32 $_scs_section_size  }
0x9a: {  	s4 =	simm.s32 $_size__tile_overlayer_lowered;
	s5 =	simm.s32 $_tile_overlayer_lowered  }
0x9b: {  	s22 =	simm.s32 $0x1BFF;
	s21 =	sshll.u32 s5, $0x1;
	s2 =	sadd.s32 s19, s18  }
0x9c: {  	s6 =	simm.s32 $0x0;
	s20 =	sshll.u32 s4, $0x1;
	s4 =	sadd.s32 s21, s2  }
0x9d: {  	[timem:s6], [sflag:s22] =	dma.local [hbm:s4], s20  }
0x9e: {  	_ =	swait.ge [sflag:s22], s20  }
0x9f: {  	s3 =	ssub.s32 $0x0, s20;
	[sflag:s22] =	ssyncset.done $0x0  }
0xa0: {  	[sflag:s22] =	ssyncadd.s32 s3;
	_ =	sdelay $0x1  }
0xa1: {  	s23 =	simm.s32 $0x1B8B  }
0xa2: {  	_ =	swait.ge [sflag:s23], $0x1  }
0xa3: {  	[sflag:s23] =	ssyncset.done $0x0  }
0xa4: {  	s25 =	simm.s32 $0x1B8E;
	s24 =	sld [smem:$0x3FFE];
	[sflag:s23] =	ssyncadd.s32 $0xFFFFFFFF  }
0xa5: {  	s26 =	simm.s32 $execute0_lowered;
	[smem:$0x3FD2] =	sst s25  }
0xa6: {  	s4 =	sshll.u32 s26, $0x1;
	_ =	strace $0x80000052;
	[dreg:$0x1] =	wrdreg $0xFFFFFFFF  }
0xa7: {  	s28 =	simm.s32 $_size_execute0_lowered;
	s2 =	sadd.s32 s2, s4;
	[dreg:$0x0] =	wrdreg $0x0  }
0xa8: {  	s4 =	sshll.u32 s28, $0x1;
	[dreg:$0x2] =	wrdreg s2  }
0xa9: {  	[dreg:$0x3] =	wrdreg s4  }
0xaa: {  	[dreg:$0x4] =	wrdreg $0xC0  }
0xab: {  	_ =	task [dreg:s6], $0x5FFFF  }
0xac: {  	[dreg:$0x1] =	wrdreg $0xFFFFFFFF  }
0xad: {  	[dreg:$0x0] =	wrdreg $0x60  }
0xae: {  	[dreg:$0x2] =	wrdreg s24  }
0xaf: {  	[dreg:$0x3] =	wrdreg $0x0  }
0xb0: {  	[dreg:$0x4] =	wrdreg $0x9  }
0xb1: {  	_ =	task.clear_ibuf [dreg:s6], $0x5FFFF;
	_ =	strace $0x90000052  }
0xb2: {  	s29 =	simm.s32 $0x9;
	_ =	strace $0x80000054  }
0xb3: {  	_ =	swait.ge [sflag:s29], $0x1  }
0xb4: {  	[sflag:s29] =	ssyncadd.s32 $0xFFFFFFFF  }
0xb5: {  	_ =	strace $0x90000054  }
0xb6: {  	_ =	sfence  }
0xb7: {  	s30 =	sld [smem:$0x0];
	_ =	sdelay $0x2  }
0xb8: {  	s31 =	sshll.u32 s1, $0xD;
	s1 =	sshrl.u32 s1, $0x2  }
0xb9: {  	s3 =	sand.u32 $0x4000, s31;
	s1 =	sadd.s32 s1, s30  }
0xba: {  	s0 =	sor.u32 s3, s0;
	s1 =	sshll.u32 s1, $0x11  }
0xbb: {  	s0 =	sor.u32 s1, s0  }
0xbc: {  	s0 =	sadd.s32 $0x8F2B, s0  }
0xbd: {  	[sflag:s0] =	ssyncadd.remote.s32 $0x1  }
0xbe: {  	_ =	sfence.sel $0xFFFF  }
0xbf: {  	[dreg:$0x0] =	wrdreg $0xFFFFFFFF;
	(pc) =	sbr.abs _section_cstart, $3  }
0xc0: {  	[dreg:$0x1] =	wrdreg $0xFFFFFFFF  }
0xc1: {  	_ =	task.clear_ibuf [dreg:s6], $0x2FFFF;
	_ =	strace $0x9FFFFFFF  }
0xc2: {  	(tm) =	ssettm $0x7FFFFFFF  }
0xc3: {  	_ =	shalt  }
tec
execute0_lowered:
.L_overlay_start_1:
0x0: {  	(tag) =	ssettag $0x1  }
0x1: {  	s0 =	srdreg.scid;
	s6 =	rddreg [dreg:$0x0]  }
0x2: {  	s23 =	stileid.u32;
	s1 =	rddreg [dreg:$0x1];
	s22 =	simm.s32 $0x0  }
0x3: {  	s17 =	simm.s32 $0x40;
	s18 =	simm.s32 $0x18C00;
	s19 =	simm.s32 $0x1AC00  }
0x4: {  	s20 =	simm.s32 $0x1;
	s21 =	simm.s32 $0x2;
	s4 =	smul.u32 $0x5000, s23  }
0x5: {  	s28 =	simm.s32 $0x0;
	s5 =	sand.u32 $0x1, s0;
	s9 =	smul.u32 $0x4F000, s23  }
0x6: {  	[smem:$0x7FF] =	sst s22;
	s12 =	sadd.s32 $0x15D000, s6;
	s15 =	smul.u32 $0x13800, s23  }
0x7: {  	s26 =	sshll.u32 s23, $0x6;
	s16 =	smul.u32 $0x4E000, s23;
	s22 =	simm.s32 $0x16380  }
0x8: {  	p0 =	sne.s32 s23, $0x0;
	s23 =	simm.s32 $0x18B00;
	s3 =	smul.u32 $0x50000, s5  }
0x9: {  	_ =	strace $0x80000053;
	s24 =	ssub.s32 $0x2, s5;
	s29 =	smul.u32 $0x138800, s5  }
0xa: {  	s5 =	sor.u32 $0x1C03, s26;
	s26 =	simm.s32 $0x18B80;
	s11 =	sshrl.u32 s24, $0x1  }
0xb: {  	s25 =	sshrl.u32 s9, $0x2;
	s31 =	sshrl.u32 s16, $0x2;
	s16 =	simm.s32 $0x16400  }
0xc: {  	s3 =	sadd.s32 s4, s3;
	s4 =	sshrl.u32 s4, $0x3;
	s13 =	ssub.s32 s24, s11  }
0xd: {  	s14 =	sadd.s32 s25, s1;
	s30 =	sadd.s32 s15, s29;
	s11 =	sshrl.u32 s29, $0x3  }
0xe: {  	s24 =	sadd.s32 s31, s1;
	s25 =	sadd.s32 $0x138000, s1;
	s15 =	simm.s32 $0x13C00  }
0xf: {  	s7 =	sshrl.u32 s3, $0x3;
	s3 =	sadd.s32 $0x10EE00, s6;
	s10 =	sadd.s32 s4, s6  }
0x10: {  	s4 =	sadd.s32 $0xDE00, s6;
	s11 =	sadd.s32 s12, s11;
	s24 =	sshrl.u32 s24, $0x3  }
0x11: {  	s25 =	sshrl.u32 @!p0 s25, $0x3;
	s8 =	sadd.s32 s7, s6;
	s7 =	sadd.s32 $0x3A00, s10  }
0x12: {  	s9 =	sadd.s32 $0x3F00, s10;
	s10 =	sshrl.u32 s30, $0x3;
	s11 =	sadd.s32 $0x27000, s11  }
0x13: {  	s6 =	sadd.s32 $0x10600, s8;
	s8 =	sadd.s32 $0x10B00, s8;
	s10 =	sadd.s32 s12, s10  }
0x14: {  	s12 =	smax.u32 s13, $0x1;
	s13 =	sshrl.u32 s14, $0x3;
	s14 =	simm.s32 $0x3  }
.LBB2_1:
0x15: {  	[spmem:s13], [sflag:s5] =	dma.local [hbm:s4], $0x2780  }
0x16: {  	_ =	swait.ge [sflag:s14], $0x2780  }
0x17: {  	[sflag:s14] =	ssyncset.done $0x0  }
0x18: {  	[sflag:s14] =	ssyncadd.s32 $0xFFFFD880  }
0x19: {  	s0 =	simm.s32 $0x0;
	[bflag:$0x0] =	sbarrier.arrive $0xFFFF  }
0x1a: {  	[tilespmem:s15], [sflag:$0x3] =	stream.linear.gather [hbm4b:s6+s0], $0x2800, $0x38;
	[tilespmem:$0x1CC00] =	vst v63  }
0x1b: {  	_ =	swait.ge [sflag:s14], $0x2800  }
0x1c: {  	[sflag:s14] =	ssyncset.done $0x0  }
0x1d: {  	[sflag:s14] =	ssyncadd.s32 $0xFFFFD800  }
0x1e: {  	[tilespmem:s16], [sflag:$0x3] =	stream.linear.gather [hbm4b:s7+s0], $0x2800, $0x38;
	[tilespmem:$0x1CC00] =	vst v63  }
0x1f: {  	_ =	swait.ge [sflag:s14], $0x2800  }
0x20: {  	[sflag:s14] =	ssyncset.done $0x0  }
0x21: {  	[sflag:s14] =	ssyncadd.s32 $0xFFFFD800  }
0x22: {  	[tilespmem:s18], [sflag:$0x1] =	stream.indirect.gather [hbm4b:s3+s17], $0x80, s15, s17, $0xb8;
	[tilespmem:$0x1CC00] =	vst v63  }
0x23: {  	s29 =	simm.s32 $0x13C80  }
0x24: {  	[tilespmem:s19], [sflag:$0x2] =	stream.indirect.gather [hbm4b:s3+s17], $0x80, s29, s17, $0xb8;
	[tilespmem:$0x1CC00] =	vst v63  }
0x25: {  	_ =	swait.ge [sflag:s20], $0x2000  }
0x26: {  	[sflag:s20] =	ssyncset.done $0x0  }
0x27: {  	s29 =	simm.s32 $0x16400;
	[sflag:s20] =	ssyncadd.s32 $0xFFFFE000  }
0x28: {  	[spmem:s1] =	stream.indirect.scatter.add.f32 [tilespmem:s18], [sflag:$0x3], $0x80, s29, s17, $0xb8;
	[tilespmem:$0x1CC00] =	vst v63  }
0x29: {  	_ =	swait.ge [sflag:s14], $0x2000  }
0x2a: {  	[sflag:s14] =	ssyncset.done $0x0  }
0x2b: {  	s29 =	simm.s32 $0x13D00;
	[sflag:s14] =	ssyncadd.s32 $0xFFFFE000  }
0x2c: {  	[tilespmem:s18], [sflag:$0x1] =	stream.indirect.gather [hbm4b:s3+s17], $0x80, s29, s17, $0xb8;
	[tilespmem:$0x1CC00] =	vst v63  }
0x2d: {  	_ =	swait.ge [sflag:s21], $0x2000  }
0x2e: {  	[sflag:s21] =	ssyncset.done $0x0  }
0x2f: {  	s29 =	simm.s32 $0x16480;
	[sflag:s21] =	ssyncadd.s32 $0xFFFFE000  }
0x30: {  	[spmem:s1] =	stream.indirect.scatter.add.f32 [tilespmem:s19], [sflag:$0x3], $0x80, s29, s17, $0xb8;
	[tilespmem:$0x1CC00] =	vst v63  }
0x31: {  	_ =	swait.ge [sflag:s14], $0x2000  }
0x32: {  	s30 =	simm.s32 $0x800;
	s29 =	simm.s32 $0x100;
	[sflag:s14] =	ssyncset.done $0x0  }
.LBB2_2:
0x33: {  	s31 =	sadd.s32 $0x13C80, s29  }
0x34: {  	[sflag:s14] =	ssyncadd.s32 $0xFFFFE000;
	s0 =	smov.u32 s30;
	s2 =	sadd.s32 $0x400, s30  }
0x35: {  	[tilespmem:s19], [sflag:$0x2] =	stream.indirect.gather [hbm4b:s3+s17], $0x80, s31, s17, $0xb8;
	[tilespmem:$0x1CC00] =	vst v63  }
0x36: {  	p1 =	sne.s32 s30, $0x9800;
	_ =	swait.ge [sflag:s20], $0x2000  }
0x37: {  	[sflag:s20] =	ssyncset.done $0x0  }
0x38: {  	s30 =	sadd.s32 $0x16400, s29;
	[sflag:s20] =	ssyncadd.s32 $0xFFFFE000  }
0x39: {  	[spmem:s1] =	stream.indirect.scatter.add.f32 [tilespmem:s18], [sflag:$0x3], $0x80, s30, s17, $0xb8;
	[tilespmem:$0x1CC00] =	vst v63  }
0x3a: {  	_ =	swait.ge [sflag:s14], $0x2000  }
0x3b: {  	[sflag:s14] =	ssyncset.done $0x0  }
0x3c: {  	s30 =	sadd.s32 $0x13D00, s29;
	[sflag:s14] =	ssyncadd.s32 $0xFFFFE000  }
0x3d: {  	[tilespmem:s18], [sflag:$0x1] =	stream.indirect.gather [hbm4b:s3+s17], $0x80, s30, s17, $0xb8;
	[tilespmem:$0x1CC00] =	vst v63  }
0x3e: {  	_ =	swait.ge [sflag:s21], $0x2000  }
.Ltmp0:
0x3f: {  	[sflag:s21] =	ssyncset.done $0x0;
	(pc) =	sbr.rel @p1 .LBB2_2-.Ltmp0, $4  }
0x40: {  	s29 =	sadd.s32 $0x16480, s29;
	[sflag:s21] =	ssyncadd.s32 $0xFFFFE000  }
0x41: {  	[spmem:s1] =	stream.indirect.scatter.add.f32 [tilespmem:s19], [sflag:$0x3], $0x80, s29, s17, $0xb8;
	[tilespmem:$0x1CC00] =	vst v63  }
0x42: {  	_ =	swait.ge [sflag:s14], $0x2000  }
0x43: {  	s30 =	smov.u32 s2;
	s29 =	sshra.s32 s0, $0x2;
	[sflag:s14] =	ssyncset.done $0x0  }
0x44: {  	s0 =	sadd.s32 $0x13C80, s29;
	[sflag:s14] =	ssyncadd.s32 $0xFFFFE000  }
0x45: {  	[tilespmem:s19], [sflag:$0x2] =	stream.indirect.gather [hbm4b:s3+s17], $0x80, s0, s17, $0xb8;
	[tilespmem:$0x1CC00] =	vst v63  }
0x46: {  	_ =	swait.ge [sflag:s20], $0x2000  }
0x47: {  	[sflag:s20] =	ssyncset.done $0x0  }
0x48: {  	s2 =	sadd.s32 $0x16400, s29;
	[sflag:s20] =	ssyncadd.s32 $0xFFFFE000  }
0x49: {  	[spmem:s1] =	stream.indirect.scatter.add.f32 [tilespmem:s18], [sflag:$0x3], $0x80, s2, s17, $0xb8;
	[tilespmem:$0x1CC00] =	vst v63  }
0x4a: {  	_ =	swait.ge [sflag:s14], $0x2000  }
0x4b: {  	[sflag:s14] =	ssyncset.done $0x0  }
0x4c: {  	s31 =	sadd.s32 $0x13D00, s29;
	[sflag:s14] =	ssyncadd.s32 $0xFFFFE000  }
0x4d: {  	[tilespmem:s18], [sflag:$0x1] =	stream.indirect.gather [hbm4b:s3+s17], $0x80, s31, s17, $0xb8;
	[tilespmem:$0x1CC00] =	vst v63  }
0x4e: {  	_ =	swait.ge [sflag:s21], $0x2000  }
0x4f: {  	[sflag:s21] =	ssyncset.done $0x0  }
0x50: {  	s2 =	sadd.s32 $0x16480, s29;
	[sflag:s21] =	ssyncadd.s32 $0xFFFFE000  }
0x51: {  	[spmem:s1] =	stream.indirect.scatter.add.f32 [tilespmem:s19], [sflag:$0x3], $0x80, s2, s17, $0xb8;
	[tilespmem:$0x1CC00] =	vst v63  }
0x52: {  	_ =	swait.ge [sflag:s14], $0x2000  }
0x53: {  	[sflag:s14] =	ssyncset.done $0x0  }
0x54: {  	[sflag:s14] =	ssyncadd.s32 $0xFFFFE000  }
0x55: {  	[tilespmem:s19], [sflag:$0x2] =	stream.indirect.gather [hbm4b:s3+s17], $0x80, s22, s17, $0xb8;
	[tilespmem:$0x1CC00] =	vst v63  }
0x56: {  	_ =	swait.ge [sflag:s20], $0x2000  }
0x57: {  	[sflag:s20] =	ssyncset.done $0x0  }
0x58: {  	[sflag:s20] =	ssyncadd.s32 $0xFFFFE000  }
0x59: {  	[spmem:s1] =	stream.indirect.scatter.add.f32 [tilespmem:s18], [sflag:$0x3], $0x80, s23, s17, $0xb8;
	[tilespmem:$0x1CC00] =	vst v63  }
0x5a: {  	_ =	swait.ge [sflag:s14], $0x2000  }
0x5b: {  	[sflag:s14] =	ssyncset.done $0x0  }
0x5c: {  	[sflag:s14] =	ssyncadd.s32 $0xFFFFE000  }
0x5d: {  	_ =	swait.ge [sflag:s21], $0x2000  }
0x5e: {  	[sflag:s21] =	ssyncset.done $0x0  }
0x5f: {  	[sflag:s21] =	ssyncadd.s32 $0xFFFFE000  }
0x60: {  	[spmem:s1] =	stream.indirect.scatter.add.f32 [tilespmem:s19], [sflag:$0x3], $0x80, s26, s17, $0xb8;
	[tilespmem:$0x1CC00] =	vst v63  }
0x61: {  	_ =	swait.ge [sflag:s14], $0x2000  }
0x62: {  	[sflag:s14] =	ssyncset.done $0x0  }
0x63: {  	s31 =	simm.s32 $0x0;
	[sflag:s14] =	ssyncadd.s32 $0xFFFFE000  }
0x64: {  	[tilespmem:s15], [sflag:$0x3] =	stream.linear.gather [hbm4b:s8+s31], $0x2800, $0x38;
	[tilespmem:$0x1CC00] =	vst v63  }
0x65: {  	_ =	swait.ge [sflag:s14], $0x2800  }
0x66: {  	[sflag:s14] =	ssyncset.done $0x0  }
0x67: {  	[sflag:s14] =	ssyncadd.s32 $0xFFFFD800  }
0x68: {  	[tilespmem:s16], [sflag:$0x3] =	stream.linear.gather [hbm4b:s9+s31], $0x2800, $0x38;
	[tilespmem:$0x1CC00] =	vst v63  }
0x69: {  	_ =	swait.ge [sflag:s14], $0x2800  }
0x6a: {  	[sflag:s14] =	ssyncset.done $0x0  }
0x6b: {  	[sflag:s14] =	ssyncadd.s32 $0xFFFFD800  }
0x6c: {  	[tilespmem:s18], [sflag:$0x1] =	stream.indirect.gather [hbm4b:s3+s17], $0x80, s15, s17, $0xb8;
	[tilespmem:$0x1CC00] =	vst v63  }
0x6d: {  	s2 =	simm.s32 $0x13C80  }
0x6e: {  	[tilespmem:s19], [sflag:$0x2] =	stream.indirect.gather [hbm4b:s3+s17], $0x80, s2, s17, $0xb8;
	[tilespmem:$0x1CC00] =	vst v63  }
0x6f: {  	_ =	swait.ge [sflag:s20], $0x2000  }
0x70: {  	[sflag:s20] =	ssyncset.done $0x0  }
0x71: {  	s31 =	simm.s32 $0x16400;
	[sflag:s20] =	ssyncadd.s32 $0xFFFFE000  }
0x72: {  	[spmem:s1] =	stream.indirect.scatter.add.f32 [tilespmem:s18], [sflag:$0x3], $0x80, s31, s17, $0xb8;
	[tilespmem:$0x1CC00] =	vst v63  }
0x73: {  	_ =	swait.ge [sflag:s14], $0x2000  }
0x74: {  	[sflag:s14] =	ssyncset.done $0x0  }
0x75: {  	s2 =	simm.s32 $0x13D00;
	[sflag:s14] =	ssyncadd.s32 $0xFFFFE000  }
0x76: {  	[tilespmem:s18], [sflag:$0x1] =	stream.indirect.gather [hbm4b:s3+s17], $0x80, s2, s17, $0xb8;
	[tilespmem:$0x1CC00] =	vst v63  }
0x77: {  	_ =	swait.ge [sflag:s21], $0x2000  }
0x78: {  	[sflag:s21] =	ssyncset.done $0x0  }
0x79: {  	s31 =	simm.s32 $0x16480;
	[sflag:s21] =	ssyncadd.s32 $0xFFFFE000  }
0x7a: {  	[spmem:s1] =	stream.indirect.scatter.add.f32 [tilespmem:s19], [sflag:$0x3], $0x80, s31, s17, $0xb8;
	[tilespmem:$0x1CC00] =	vst v63  }
0x7b: {  	_ =	swait.ge [sflag:s14], $0x2000  }
0x7c: {  	s30 =	simm.s32 $0x800;
	s29 =	simm.s32 $0x100;
	[sflag:s14] =	ssyncset.done $0x0  }
.LBB2_4:
0x7d: {  	s0 =	sadd.s32 $0x13C80, s29  }
0x7e: {  	[sflag:s14] =	ssyncadd.s32 $0xFFFFE000;
	s2 =	smov.u32 s30;
	s31 =	sadd.s32 $0x400, s30  }
0x7f: {  	[tilespmem:s19], [sflag:$0x2] =	stream.indirect.gather [hbm4b:s3+s17], $0x80, s0, s17, $0xb8;
	[tilespmem:$0x1CC00] =	vst v63  }
0x80: {  	p1 =	sne.s32 s30, $0x9800;
	_ =	swait.ge [sflag:s20], $0x2000  }
0x81: {  	[sflag:s20] =	ssyncset.done $0x0  }
0x82: {  	s0 =	sadd.s32 $0x16400, s29;
	[sflag:s20] =	ssyncadd.s32 $0xFFFFE000  }
0x83: {  	[spmem:s1] =	stream.indirect.scatter.add.f32 [tilespmem:s18], [sflag:$0x3], $0x80, s0, s17, $0xb8;
	[tilespmem:$0x1CC00] =	vst v63  }
0x84: {  	_ =	swait.ge [sflag:s14], $0x2000  }
0x85: {  	[sflag:s14] =	ssyncset.done $0x0  }
0x86: {  	s0 =	sadd.s32 $0x13D00, s29;
	[sflag:s14] =	ssyncadd.s32 $0xFFFFE000  }
0x87: {  	[tilespmem:s18], [sflag:$0x1] =	stream.indirect.gather [hbm4b:s3+s17], $0x80, s0, s17, $0xb8;
	[tilespmem:$0x1CC00] =	vst v63  }
0x88: {  	_ =	swait.ge [sflag:s21], $0x2000  }
.Ltmp1:
0x89: {  	[sflag:s21] =	ssyncset.done $0x0;
	(pc) =	sbr.rel @p1 .LBB2_4-.Ltmp1, $4  }
0x8a: {  	s0 =	sadd.s32 $0x16480, s29;
	[sflag:s21] =	ssyncadd.s32 $0xFFFFE000  }
0x8b: {  	[spmem:s1] =	stream.indirect.scatter.add.f32 [tilespmem:s19], [sflag:$0x3], $0x80, s0, s17, $0xb8;
	[tilespmem:$0x1CC00] =	vst v63  }
0x8c: {  	_ =	swait.ge [sflag:s14], $0x2000  }
0x8d: {  	s30 =	smov.u32 s31;
	s29 =	sshra.s32 s2, $0x2;
	[sflag:s14] =	ssyncset.done $0x0  }
0x8e: {  	s0 =	sadd.s32 $0x13C80, s29;
	[sflag:s14] =	ssyncadd.s32 $0xFFFFE000  }
0x8f: {  	[tilespmem:s19], [sflag:$0x2] =	stream.indirect.gather [hbm4b:s3+s17], $0x80, s0, s17, $0xb8;
	[tilespmem:$0x1CC00] =	vst v63  }
0x90: {  	_ =	swait.ge [sflag:s20], $0x2000  }
0x91: {  	[sflag:s20] =	ssyncset.done $0x0  }
0x92: {  	s2 =	sadd.s32 $0x16400, s29;
	[sflag:s20] =	ssyncadd.s32 $0xFFFFE000  }
0x93: {  	[spmem:s1] =	stream.indirect.scatter.add.f32 [tilespmem:s18], [sflag:$0x3], $0x80, s2, s17, $0xb8;
	[tilespmem:$0x1CC00] =	vst v63  }
0x94: {  	_ =	swait.ge [sflag:s14], $0x2000  }
0x95: {  	[sflag:s14] =	ssyncset.done $0x0  }
0x96: {  	s30 =	sadd.s32 $0x13D00, s29;
	[sflag:s14] =	ssyncadd.s32 $0xFFFFE000  }
0x97: {  	[tilespmem:s18], [sflag:$0x1] =	stream.indirect.gather [hbm4b:s3+s17], $0x80, s30, s17, $0xb8;
	[tilespmem:$0x1CC00] =	vst v63  }
0x98: {  	_ =	swait.ge [sflag:s21], $0x2000  }
0x99: {  	[sflag:s21] =	ssyncset.done $0x0  }
0x9a: {  	s31 =	sadd.s32 $0x16480, s29;
	[sflag:s21] =	ssyncadd.s32 $0xFFFFE000  }
0x9b: {  	[spmem:s1] =	stream.indirect.scatter.add.f32 [tilespmem:s19], [sflag:$0x3], $0x80, s31, s17, $0xb8;
	[tilespmem:$0x1CC00] =	vst v63  }
0x9c: {  	_ =	swait.ge [sflag:s14], $0x2000  }
0x9d: {  	[sflag:s14] =	ssyncset.done $0x0  }
0x9e: {  	[sflag:s14] =	ssyncadd.s32 $0xFFFFE000  }
0x9f: {  	[tilespmem:s19], [sflag:$0x2] =	stream.indirect.gather [hbm4b:s3+s17], $0x80, s22, s17, $0xb8;
	[tilespmem:$0x1CC00] =	vst v63  }
0xa0: {  	_ =	swait.ge [sflag:s20], $0x2000  }
0xa1: {  	[sflag:s20] =	ssyncset.done $0x0  }
0xa2: {  	[sflag:s20] =	ssyncadd.s32 $0xFFFFE000  }
0xa3: {  	[spmem:s1] =	stream.indirect.scatter.add.f32 [tilespmem:s18], [sflag:$0x3], $0x80, s23, s17, $0xb8;
	[tilespmem:$0x1CC00] =	vst v63  }
0xa4: {  	_ =	swait.ge [sflag:s14], $0x2000  }
0xa5: {  	[sflag:s14] =	ssyncset.done $0x0  }
0xa6: {  	[sflag:s14] =	ssyncadd.s32 $0xFFFFE000  }
0xa7: {  	_ =	swait.ge [sflag:s21], $0x2000  }
0xa8: {  	[sflag:s21] =	ssyncset.done $0x0  }
0xa9: {  	[sflag:s21] =	ssyncadd.s32 $0xFFFFE000  }
0xaa: {  	[spmem:s1] =	stream.indirect.scatter.add.f32 [tilespmem:s19], [sflag:$0x3], $0x80, s26, s17, $0xb8;
	[tilespmem:$0x1CC00] =	vst v63  }
0xab: {  	_ =	swait.ge [sflag:s14], $0x2000  }
0xac: {  	[sflag:s14] =	ssyncset.done $0x0  }
0xad: {  	[sflag:s14] =	ssyncadd.s32 $0xFFFFE000  }
0xae: {  	[bflag:$0x0] =	sbarrier.arrive $0xFFFF  }
0xaf: {  	[hbm:s10], [sflag:s5] =	dma.local [spmem:s24], $0x2700  }
0xb0: {  	s28 =	sadd.s32 $0x1, s28;
	_ =	swait.ge [sflag:s14], $0x2700  }
0xb1: {  	p1 =	sne.s32 s28, s12;
	[sflag:s14] =	ssyncset.done $0x0  }
.Ltmp2:
0xb2: {  	s0 =	simm.s32 @!p0 $0x3;
	[sflag:s14] =	ssyncadd.s32 $0xFFFFD900;
	(pc) =	sbr.rel @p1 .LBB2_1-.Ltmp2, $4  }
0xb3: {  	[hbm:s11], [sflag:s5] =	dma.local @!p0 [spmem:s25], $0x100  }
0xb4: {  	_ =	swait.ge @!p0 [sflag:s0], $0x100  }
0xb5: {  	[sflag:s0] =	ssyncset.done @!p0 $0x0  }
0xb6: {  	[sflag:s0] =	ssyncadd.s32 @!p0 $0xFFFFFF00  }
0xb7: {  	_ =	sfence.sel $0x180000  }
0xb8: {  	[bflag:$0x0] =	sbarrier.arrive $0xFFFF  }
0xb9: {  	_ =	strace $0x90000053  }
0xba: {  	[bflag:$0x2] =	sbarrier.arrive $0xFFFF  }
0xbb: {  	s0 =	rddreg [dreg:$0x2]  }
0xbc: {  	s0 =	sadd.s32 @!p0 $0x100000, s0  }
0xbd: {  	[sflag:s0] =	ssyncadd.tile.s32 @!p0 $0x1;
	_ =	shalt  }
.Lfunc_end2:
_tile_overlayer_lowered:
.L_overlay_start_2:
0xbe: {  	(tag) =	ssettag $0x2  }
0xbf: {  	s0 =	rddreg [dreg:$0x0];
	s2 =	stileid.u32  }
0xc0: {  	s1 =	rddreg [dreg:$0x1];
	p0 =	sne.s32 s2, $0x0  }
0xc1: {  	s3 =	rddreg [dreg:$0x2];
	[bflag:$0x3] =	sbarrier.arrive $0xFFFF;
	s2 =	simm.s32 @!p0 $0x1C03  }
0xc2: {  	[timem:s3], [sflag:s2] =	dma.local @!p0 [hbm:s0], s1  }
0xc3: {  	s0 =	simm.s32 @!p0 $0x3  }
0xc4: {  	_ =	swait.ge @!p0 [sflag:s0], s1  }
0xc5: {  	s1 =	ssub.s32 @!p0 $0x0, s1;
	[sflag:s0] =	ssyncset.done @!p0 $0x0  }
0xc6: {  	[sflag:s0] =	ssyncadd.s32 @!p0 s1  }
0xc7: {  	[bflag:$0x3] =	sbarrier.arrive $0xFFFF  }
0xc8: {  	_ =	shalt  }

</sc_bundles>
